<compile_context>
chip_gen: v7x
topology: tpu7x:2x2x1
jax: 0.10.2.dev20260603
libtpu: 0.0.44.dev20260713+nightly
codegen_flags: <defaults>
</compile_context>

<pallas_src>
import functools

import jax
import jax.numpy as jnp
from jax import lax
from jax.experimental import pallas as pl
from jax.experimental.pallas import tpu as pltpu
from jax.experimental.pallas import tpu_sc as plsc

TABLE_SIZE = 1000000
MOD = TABLE_SIZE - 1
TRI_DIM = 64
PAD_DIM = 128
MODEL_DIM = 1024
B, S = 4, 8192
N = B * S

NC, NS, LANES = 2, 16, 16
NW = NC * NS
CHUNK = N // NW
GATHER = 128
NGATHER = CHUNK // GATHER
ROUND = 512
LEAD = 16


def _hash16(t0, t1, t2):
    r = (t0 * jnp.int32(36313)) ^ (t1 * jnp.int32(27191)) ^ (t2 * jnp.int32(51637))
    rf = r.astype(jnp.float32) + jnp.where(
        r < 0, jnp.float32(4294967296.0), jnp.float32(0.0))
    q = (rf * jnp.float32(1.0 / MOD)).astype(jnp.int32)
    rem = r - q * jnp.int32(MOD)
    rem = jnp.where(rem < 0, rem + jnp.int32(MOD), rem)
    rem = jnp.where(rem >= jnp.int32(MOD), rem - jnp.int32(MOD), rem)
    return rem


def _gather_body(tok_hbm, emb2_hbm, rows_hbm, tok_v, idx_v, rows_v, sem):
    wid = lax.axis_index("s") * NC + lax.axis_index("c")
    base = wid * CHUNK
    s0 = base & (S - 1)
    lead = pl.multiple_of(
        base - jnp.where(s0 > 0, jnp.int32(LEAD), jnp.int32(0)), LEAD)
    base = pl.multiple_of(base, CHUNK)
    pltpu.sync_copy(tok_hbm.at[pl.ds(lead, LEAD)], tok_v.at[pl.ds(0, LEAD)])
    pltpu.sync_copy(tok_hbm.at[pl.ds(base, CHUNK)], tok_v.at[pl.ds(LEAD, CHUNK)])

    n_fill = jnp.where(s0 == 0, jnp.int32(2), jnp.int32(0))
    lane = lax.iota(jnp.int32, LANES)
    for g in range(NGATHER):
        for i in range(GATHER // LANES):
            j = g * GATHER + i * LANES
            t0 = tok_v[pl.ds(LEAD + j, LANES)]
            t1 = tok_v[pl.ds(LEAD - 1 + j, LANES)]
            t2 = tok_v[pl.ds(LEAD - 2 + j, LANES)]
            idx = _hash16(t0, t1, t2)
            if j == 0:
                idx = jnp.where(lane < n_fill, jnp.int32(MOD), idx)
            idx_v[g, pl.ds(i * LANES, LANES)] = idx
    for r in range(CHUNK // ROUND):
        copies = [
            pltpu.make_async_copy(
                emb2_hbm.at[idx_v.at[jnp.int32(r * (ROUND // GATHER) + g)]],
                rows_v.at[pl.ds(g * GATHER, GATHER)], sem)
            for g in range(ROUND // GATHER)
        ]
        for c in copies:
            c.start()
        for c in copies:
            c.wait()
        pltpu.sync_copy(rows_v, rows_hbm.at[pl.ds(base + r * ROUND, ROUND)])


_sc_gather = functools.partial(
    pl.kernel,
    out_type=jax.ShapeDtypeStruct((N, PAD_DIM), jnp.float32),
    mesh=plsc.VectorSubcoreMesh(core_axis_name="c", subcore_axis_name="s"),
    scratch_types=[
        pltpu.VMEM((LEAD + CHUNK,), jnp.int32),
        pltpu.VMEM((NGATHER, GATHER), jnp.int32),
        pltpu.VMEM((ROUND, PAD_DIM), jnp.float32),
        pltpu.SemaphoreType.DMA,
    ],
)(_gather_body)


def _mm_body(h2_ref, w_ref, o_ref):
    h = h2_ref[...][:, :TRI_DIM]
    o_ref[...] = lax.dot_general(
        h, w_ref[...], (((1,), (1,)), ((), ())),
        preferred_element_type=jnp.float32)


ROWS_BLK = 2048


def _project(rows2, w_scaled):
    return pl.pallas_call(
        _mm_body,
        grid=(N // ROWS_BLK,),
        in_specs=[
            pl.BlockSpec((ROWS_BLK, PAD_DIM), lambda i: (i, jnp.int32(0))),
            pl.BlockSpec((MODEL_DIM, TRI_DIM),
                         lambda i: (jnp.int32(0), jnp.int32(0))),
        ],
        out_specs=pl.BlockSpec((ROWS_BLK, MODEL_DIM),
                               lambda i: (i, jnp.int32(0))),
        out_shape=jax.ShapeDtypeStruct((N, MODEL_DIM), jnp.float32),
    )(rows2, w_scaled)


def kernel(token_ids, embed, proj_w, scale):
    out_dtype = jnp.result_type(embed.dtype, proj_w.dtype, scale.dtype)
    tok = token_ids.reshape(-1).astype(jnp.int32)
    w_scaled = (proj_w * scale).astype(jnp.float32)
    emb_pad = jnp.pad(embed, ((0, 0), (0, PAD_DIM - TRI_DIM)))
    rows2 = _sc_gather(tok, emb_pad)
    out = _project(rows2, w_scaled)
    return out.reshape(B, S, MODEL_DIM).astype(out_dtype)

# --- scband reference (transcript-rebuilt; emitter-appended) ---
"""Pipeline reference for scband-trigram-hash-36575941493346 (READ-ONLY COPY).

The authoritative reference and input builder live on the scoring server;
editing this copy changes nothing except your own understanding.
"""

import jax, jax.numpy as jnp
import numpy as np
jax.config.update("jax_enable_x64", True)

TABLE_SIZE = 1000000
TRI_DIM = 64
MODEL_DIM = 1024
B, S = 4, 8192


def setup_inputs(seed: int = 0) -> dict:
    key = jax.random.key(seed)
    k1, k2, k3 = jax.random.split(key, 3)
    token_ids = jax.random.randint(k1, (B, S), 0, 50257, dtype=jnp.int64)
    embed = jax.random.normal(k2, (TABLE_SIZE, TRI_DIM), dtype=jnp.float32)
    proj_w = jax.random.normal(k3, (MODEL_DIM, TRI_DIM), dtype=jnp.float32) * (1.0 / np.sqrt(TRI_DIM))
    scale = jnp.asarray(0.1, dtype=jnp.float32)
    return {"token_ids": token_ids, "embed": embed, "proj_w": proj_w, "scale": scale}


def reference(token_ids, embed, proj_w, scale):
    # Faithful translation of TrigramHash.forward
    t = token_ids.astype(jnp.int64)
    mod = TABLE_SIZE - 1
    out = jnp.full_like(t, mod)
    hashed = jnp.abs((36313 * t[..., 2:]) ^ (27191 * t[..., 1:-1]) ^ (51637 * t[..., :-2])) % mod
    out = out.at[..., 2:].set(hashed)
    # embedding lookup (gather)
    h = jnp.take(embed, out, axis=0)
    # CastedLinear projection (tri_dim != model_dim so proj is present), bias=False
    h = h @ proj_w.T
    return h * scale

if __name__ == "__main__":
    import jax
    _d = setup_inputs()
    print(jax.jit(kernel)(*tuple(_d.values())))

</pallas_src>

<mosaic_0001>
#map = affine_map<(d0, d1) -> (0)>
#map1 = affine_map<(d0, d1) -> (0, 0)>
module attributes {stable_mosaic.version = 14 : i64} {
  func.func @_gather_body(%arg0: i32, %arg1: i32, %arg2: memref<32768xi32, #tpu.memory_space<hbm>>, %arg3: memref<1000000x128xf32, #tpu.memory_space<hbm>>, %arg4: memref<32768x128xf32, #tpu.memory_space<hbm>>, %arg5: memref<1040xi32, #tpu.memory_space<vmem>>, %arg6: memref<8x128xi32, #tpu.memory_space<vmem>>, %arg7: memref<512x128xf32, #tpu.memory_space<vmem>>, %arg8: memref<!tpu.dma_semaphore, #tpu.memory_space<semaphore_mem>>) attributes {dimension_semantics = [#tpu.dimension_semantics<core_parallel>, #tpu.dimension_semantics<subcore_parallel>], iteration_bounds = array<i64: 2, 16>, scalar_prefetch = 0 : i64, scratch_operands = 4 : i64, tpu.core_type = #tpu.core_type<sc_vector_subcore>, window_params = [{transform_indices = #map}, {transform_indices = #map1}, {transform_indices = #map1}]} {
    %mul3A = arith.constant 2 : i32
    %mul3A_0 = arith.muli %arg1, %mul3A : i32
    %add3A = arith.addi %mul3A_0, %arg0 : i32
    %mul3A_1 = arith.constant 1024 : i32
    %mul3A_2 = arith.muli %add3A, %mul3A_1 : i32
    %and3A = arith.constant 8191 : i32
    %and3A_3 = arith.andi %mul3A_2, %and3A : i32
    %gt3A = arith.constant 0 : i32
    %gt3A_4 = arith.cmpi sgt, %and3A_3, %gt3A : i32
    %jit3A = arith.constant 16 : i32
    %jit3A_5 = arith.constant 0 : i32
    %select_n3A = arith.select %gt3A_4, %jit3A, %jit3A_5 : i32
    %sub3A = arith.subi %mul3A_2, %select_n3A : i32
    %multiple_of3A = tpu.assume_multiple %sub3A, 16 : i32
    %multiple_of3A_6 = tpu.assume_multiple %mul3A_2, 1024 : i32
    "tpu.region"() ({
      %run_scoped3A = tpu.sem_alloc : memref<!tpu.dma_semaphore, #tpu.memory_space<semaphore_mem>>
      %dma_start3A_3883 = arith.constant 0 : i32
      %dma_start3A_3884 = tpu.memref_slice %arg5[%dma_start3A_3883] : memref<1040xi32, #tpu.memory_space<vmem>> -> memref<16xi32, #tpu.memory_space<vmem>>
      %dma_start3A_3885 = tpu.memref_slice %arg2[%multiple_of3A] : memref<32768xi32, #tpu.memory_space<hbm>> -> memref<16xi32, #tpu.memory_space<hbm>>
      %dma_start3A_3886 = arith.constant 0 : i32
      %dma_start3A_3887 = tpu.memref_slice %arg5[%dma_start3A_3886] : memref<1040xi32, #tpu.memory_space<vmem>> -> memref<16xi32, #tpu.memory_space<vmem>>
      %dma_start3A_3888 = tpu.memref_slice %arg2[%multiple_of3A] : memref<32768xi32, #tpu.memory_space<hbm>> -> memref<16xi32, #tpu.memory_space<hbm>>
      tpu.enqueue_dma source(%dma_start3A_3888 : memref<16xi32, #tpu.memory_space<hbm>>) target(%dma_start3A_3887 : memref<16xi32, #tpu.memory_space<vmem>>) target_semaphore(%run_scoped3A : memref<!tpu.dma_semaphore, #tpu.memory_space<semaphore_mem>>)
      %dma_wait3A_3889 = arith.constant 0 : i32
      %dma_wait3A_3890 = tpu.memref_slice %arg5[%dma_wait3A_3889] : memref<1040xi32, #tpu.memory_space<vmem>> -> memref<16xi32, #tpu.memory_space<vmem>>
      %dma_wait3A_3891 = tpu.memref_slice %arg2[%multiple_of3A] : memref<32768xi32, #tpu.memory_space<hbm>> -> memref<16xi32, #tpu.memory_space<hbm>>
      %dma_wait3A_3892 = arith.constant 0 : i32
      %dma_wait3A_3893 = tpu.memref_slice %arg5[%dma_wait3A_3892] : memref<1040xi32, #tpu.memory_space<vmem>> -> memref<16xi32, #tpu.memory_space<vmem>>
      %dma_wait3A_3894 = tpu.memref_slice %arg2[%multiple_of3A] : memref<32768xi32, #tpu.memory_space<hbm>> -> memref<16xi32, #tpu.memory_space<hbm>>
      tpu.wait_dma2 semaphore(%run_scoped3A : memref<!tpu.dma_semaphore, #tpu.memory_space<semaphore_mem>>) src(%dma_wait3A_3894 : memref<16xi32, #tpu.memory_space<hbm>>) dst(%dma_wait3A_3893 : memref<16xi32, #tpu.memory_space<vmem>>)
      tpu.yield
    }) : () -> ()
    "tpu.region"() ({
      %run_scoped3A = tpu.sem_alloc : memref<!tpu.dma_semaphore, #tpu.memory_space<semaphore_mem>>
      %dma_start3A_3883 = arith.constant 16 : i32
      %dma_start3A_3884 = tpu.memref_slice %arg5[%dma_start3A_3883] : memref<1040xi32, #tpu.memory_space<vmem>> -> memref<1024xi32, #tpu.memory_space<vmem>>
      %dma_start3A_3885 = tpu.memref_slice %arg2[%multiple_of3A_6] : memref<32768xi32, #tpu.memory_space<hbm>> -> memref<1024xi32, #tpu.memory_space<hbm>>
      %dma_start3A_3886 = arith.constant 16 : i32
      %dma_start3A_3887 = tpu.memref_slice %arg5[%dma_start3A_3886] : memref<1040xi32, #tpu.memory_space<vmem>> -> memref<1024xi32, #tpu.memory_space<vmem>>
      %dma_start3A_3888 = tpu.memref_slice %arg2[%multiple_of3A_6] : memref<32768xi32, #tpu.memory_space<hbm>> -> memref<1024xi32, #tpu.memory_space<hbm>>
      tpu.enqueue_dma source(%dma_start3A_3888 : memref<1024xi32, #tpu.memory_space<hbm>>) target(%dma_start3A_3887 : memref<1024xi32, #tpu.memory_space<vmem>>) target_semaphore(%run_scoped3A : memref<!tpu.dma_semaphore, #tpu.memory_space<semaphore_mem>>)
      %dma_wait3A_3889 = arith.constant 16 : i32
      %dma_wait3A_3890 = tpu.memref_slice %arg5[%dma_wait3A_3889] : memref<1040xi32, #tpu.memory_space<vmem>> -> memref<1024xi32, #tpu.memory_space<vmem>>
      %dma_wait3A_3891 = tpu.memref_slice %arg2[%multiple_of3A_6] : memref<32768xi32, #tpu.memory_space<hbm>> -> memref<1024xi32, #tpu.memory_space<hbm>>
      %dma_wait3A_3892 = arith.constant 16 : i32
      %dma_wait3A_3893 = tpu.memref_slice %arg5[%dma_wait3A_3892] : memref<1040xi32, #tpu.memory_space<vmem>> -> memref<1024xi32, #tpu.memory_space<vmem>>
      %dma_wait3A_3894 = tpu.memref_slice %arg2[%multiple_of3A_6] : memref<32768xi32, #tpu.memory_space<hbm>> -> memref<1024xi32, #tpu.memory_space<hbm>>
      tpu.wait_dma2 semaphore(%run_scoped3A : memref<!tpu.dma_semaphore, #tpu.memory_space<semaphore_mem>>) src(%dma_wait3A_3894 : memref<1024xi32, #tpu.memory_space<hbm>>) dst(%dma_wait3A_3893 : memref<1024xi32, #tpu.memory_space<vmem>>)
      tpu.yield
    }) : () -> ()
    %eq3A = arith.constant 0 : i32
    %eq3A_7 = arith.cmpi eq, %and3A_3, %eq3A : i32
    %jit3A_8 = arith.constant 2 : i32
    %jit3A_9 = arith.constant 0 : i32
    %select_n3A_10 = arith.select %eq3A_7, %jit3A_8, %jit3A_9 : i32
    %iota3A = tpu.iota {dimensions = array<i32: 0>} : vector<16xi32>
    %get3A = arith.constant 16 : index
    %get3A_11 = tpu.vector_load %arg5[%get3A] {strides = array<i32>} : memref<1040xi32, #tpu.memory_space<vmem>>, vector<16xi32>,
    %get3A_12 = vector.shape_cast %get3A_11 : vector<16xi32> to vector<16xi32>
    %get3A_13 = arith.constant 15 : index
    %get3A_14 = tpu.vector_load %arg5[%get3A_13] {strides = array<i32>} : memref<1040xi32, #tpu.memory_space<vmem>>, vector<16xi32>,
    %get3A_15 = vector.shape_cast %get3A_14 : vector<16xi32> to vector<16xi32>
    %get3A_16 = arith.constant 14 : index
    %get3A_17 = tpu.vector_load %arg5[%get3A_16] {strides = array<i32>} : memref<1040xi32, #tpu.memory_space<vmem>>, vector<16xi32>,
    %get3A_18 = vector.shape_cast %get3A_17 : vector<16xi32> to vector<16xi32>
    %mul3A_19 = arith.constant 36313 : i32
    %mul3A_20 = vector.broadcast %mul3A_19 : i32 to vector<16xi32>
    %mul3A_21 = arith.muli %get3A_12, %mul3A_20 : vector<16xi32>
    %mul3A_22 = arith.constant 27191 : i32
    %mul3A_23 = vector.broadcast %mul3A_22 : i32 to vector<16xi32>
    %mul3A_24 = arith.muli %get3A_15, %mul3A_23 : vector<16xi32>
    %xor3A = arith.xori %mul3A_21, %mul3A_24 : vector<16xi32>
    %mul3A_25 = arith.constant 51637 : i32
    %mul3A_26 = vector.broadcast %mul3A_25 : i32 to vector<16xi32>
    %mul3A_27 = arith.muli %get3A_18, %mul3A_26 : vector<16xi32>
    %xor3A_28 = arith.xori %xor3A, %mul3A_27 : vector<16xi32>
    %convert_element_type3A = arith.sitofp %xor3A_28 : vector<16xi32> to vector<16xf32>
    %lt3A = arith.constant 0 : i32
    %lt3A_29 = vector.broadcast %lt3A : i32 to vector<16xi32>
    %lt3A_30 = arith.cmpi slt, %xor3A_28, %lt3A_29 : vector<16xi32>
    %jit3A_31 = arith.constant 4.2949673E+9 : f32
    %jit3A_32 = arith.constant 0.000000e+00 : f32
    %broadcast_in_dim3A = vector.broadcast %jit3A_31 : f32 to vector<16xf32>
    %broadcast_in_dim3A_33 = vector.broadcast %jit3A_32 : f32 to vector<16xf32>
    %select_n3A_34 = arith.select %lt3A_30, %broadcast_in_dim3A, %broadcast_in_dim3A_33 : vector<16xi1>, vector<16xf32>
    %add3A_35 = arith.addf %convert_element_type3A, %select_n3A_34 : vector<16xf32>
    %mul3A_36 = arith.constant 1.00000102E-6 : f32
    %mul3A_37 = vector.broadcast %mul3A_36 : f32 to vector<16xf32>
    %mul3A_38 = arith.mulf %add3A_35, %mul3A_37 : vector<16xf32>
    %convert_element_type3A_39 = arith.fptosi %mul3A_38 : vector<16xf32> to vector<16xi32>
    %mul3A_40 = arith.constant 999999 : i32
    %mul3A_41 = vector.broadcast %mul3A_40 : i32 to vector<16xi32>
    %mul3A_42 = arith.muli %convert_element_type3A_39, %mul3A_41 : vector<16xi32>
    %sub3A_43 = arith.subi %xor3A_28, %mul3A_42 : vector<16xi32>
    %lt3A_44 = arith.constant 0 : i32
    %lt3A_45 = vector.broadcast %lt3A_44 : i32 to vector<16xi32>
    %lt3A_46 = arith.cmpi slt, %sub3A_43, %lt3A_45 : vector<16xi32>
    %add3A_47 = arith.constant 999999 : i32
    %add3A_48 = vector.broadcast %add3A_47 : i32 to vector<16xi32>
    %add3A_49 = arith.addi %sub3A_43, %add3A_48 : vector<16xi32>
    %select_n3A_50 = arith.select %lt3A_46, %add3A_49, %sub3A_43 : vector<16xi1>, vector<16xi32>
    %ge3A = arith.constant 999999 : i32
    %ge3A_51 = vector.broadcast %ge3A : i32 to vector<16xi32>
    %ge3A_52 = arith.cmpi sge, %select_n3A_50, %ge3A_51 : vector<16xi32>
    %sub3A_53 = arith.constant 999999 : i32
    %sub3A_54 = vector.broadcast %sub3A_53 : i32 to vector<16xi32>
    %sub3A_55 = arith.subi %select_n3A_50, %sub3A_54 : vector<16xi32>
    %select_n3A_56 = arith.select %ge3A_52, %sub3A_55, %select_n3A_50 : vector<16xi1>, vector<16xi32>
    %lt3A_57 = vector.broadcast %select_n3A_10 : i32 to vector<16xi32>
    %lt3A_58 = arith.cmpi slt, %iota3A, %lt3A_57 : vector<16xi32>
    %jit3A_59 = arith.constant 999999 : i32
    %broadcast_in_dim3A_60 = vector.broadcast %jit3A_59 : i32 to vector<16xi32>
    %select_n3A_61 = arith.select %lt3A_58, %broadcast_in_dim3A_60, %select_n3A_56 : vector<16xi1>, vector<16xi32>
    %swap3A = arith.constant 0 : i64
    %swap3A_62 = arith.index_cast %swap3A : i64 to index
    %swap3A_63 = arith.constant 0 : index
    %swap3A_64 = tpu.vector_load %arg6[%swap3A_62, %swap3A_63] {strides = array<i32>} : memref<8x128xi32, #tpu.memory_space<vmem>>, vector<1x16xi32>,
    %swap3A_65 = vector.shape_cast %swap3A_64 : vector<1x16xi32> to vector<16xi32>
    %swap3A_66 = vector.shape_cast %select_n3A_61 : vector<16xi32> to vector<1x16xi32>
    tpu.vector_store %arg6[%swap3A_62, %swap3A_63], %swap3A_66 {strides = array<i32>} : memref<8x128xi32, #tpu.memory_space<vmem>>, vector<1x16xi32>,
    %get3A_67 = arith.constant 32 : index
    %get3A_68 = tpu.vector_load %arg5[%get3A_67] {strides = array<i32>} : memref<1040xi32, #tpu.memory_space<vmem>>, vector<16xi32>,
    %get3A_69 = vector.shape_cast %get3A_68 : vector<16xi32> to vector<16xi32>
    %get3A_70 = arith.constant 31 : index
    %get3A_71 = tpu.vector_load %arg5[%get3A_70] {strides = array<i32>} : memref<1040xi32, #tpu.memory_space<vmem>>, vector<16xi32>,
    %get3A_72 = vector.shape_cast %get3A_71 : vector<16xi32> to vector<16xi32>
    %get3A_73 = arith.constant 30 : index
    %get3A_74 = tpu.vector_load %arg5[%get3A_73] {strides = array<i32>} : memref<1040xi32, #tpu.memory_space<vmem>>, vector<16xi32>,
    %get3A_75 = vector.shape_cast %get3A_74 : vector<16xi32> to vector<16xi32>
    %mul3A_76 = arith.constant 36313 : i32
    %mul3A_77 = vector.broadcast %mul3A_76 : i32 to vector<16xi32>
    %mul3A_78 = arith.muli %get3A_69, %mul3A_77 : vector<16xi32>
    %mul3A_79 = arith.constant 27191 : i32
    %mul3A_80 = vector.broadcast %mul3A_79 : i32 to vector<16xi32>
    %mul3A_81 = arith.muli %get3A_72, %mul3A_80 : vector<16xi32>
    %xor3A_82 = arith.xori %mul3A_78, %mul3A_81 : vector<16xi32>
    %mul3A_83 = arith.constant 51637 : i32
    %mul3A_84 = vector.broadcast %mul3A_83 : i32 to vector<16xi32>
    %mul3A_85 = arith.muli %get3A_75, %mul3A_84 : vector<16xi32>
    %xor3A_86 = arith.xori %xor3A_82, %mul3A_85 : vector<16xi32>
    %convert_element_type3A_87 = arith.sitofp %xor3A_86 : vector<16xi32> to vector<16xf32>
    %lt3A_88 = arith.constant 0 : i32
    %lt3A_89 = vector.broadcast %lt3A_88 : i32 to vector<16xi32>
    %lt3A_90 = arith.cmpi slt, %xor3A_86, %lt3A_89 : vector<16xi32>
    %jit3A_91 = arith.constant 4.2949673E+9 : f32
    %jit3A_92 = arith.constant 0.000000e+00 : f32
    %broadcast_in_dim3A_93 = vector.broadcast %jit3A_91 : f32 to vector<16xf32>
    %broadcast_in_dim3A_94 = vector.broadcast %jit3A_92 : f32 to vector<16xf32>
    %select_n3A_95 = arith.select %lt3A_90, %broadcast_in_dim3A_93, %broadcast_in_dim3A_94 : vector<16xi1>, vector<16xf32>
    %add3A_96 = arith.addf %convert_element_type3A_87, %select_n3A_95 : vector<16xf32>
    %mul3A_97 = arith.constant 1.00000102E-6 : f32
    %mul3A_98 = vector.broadcast %mul3A_97 : f32 to vector<16xf32>
    %mul3A_99 = arith.mulf %add3A_96, %mul3A_98 : vector<16xf32>
    %convert_element_type3A_100 = arith.fptosi %mul3A_99 : vector<16xf32> to vector<16xi32>
    %mul3A_101 = arith.constant 999999 : i32
    %mul3A_102 = vector.broadcast %mul3A_101 : i32 to vector<16xi32>
    %mul3A_103 = arith.muli %convert_element_type3A_100, %mul3A_102 : vector<16xi32>
    %sub3A_104 = arith.subi %xor3A_86, %mul3A_103 : vector<16xi32>
    %lt3A_105 = arith.constant 0 : i32
    %lt3A_106 = vector.broadcast %lt3A_105 : i32 to vector<16xi32>
    %lt3A_107 = arith.cmpi slt, %sub3A_104, %lt3A_106 : vector<16xi32>
    %add3A_108 = arith.constant 999999 : i32
    %add3A_109 = vector.broadcast %add3A_108 : i32 to vector<16xi32>
    %add3A_110 = arith.addi %sub3A_104, %add3A_109 : vector<16xi32>
    %select_n3A_111 = arith.select %lt3A_107, %add3A_110, %sub3A_104 : vector<16xi1>, vector<16xi32>
    %ge3A_112 = arith.constant 999999 : i32
    %ge3A_113 = vector.broadcast %ge3A_112 : i32 to vector<16xi32>
    %ge3A_114 = arith.cmpi sge, %select_n3A_111, %ge3A_113 : vector<16xi32>
    %sub3A_115 = arith.constant 999999 : i32
    %sub3A_116 = vector.broadcast %sub3A_115 : i32 to vector<16xi32>
    %sub3A_117 = arith.subi %select_n3A_111, %sub3A_116 : vector<16xi32>
    %select_n3A_118 = arith.select %ge3A_114, %sub3A_117, %select_n3A_111 : vector<16xi1>, vector<16xi32>
    %swap3A_119 = arith.constant 0 : i64
    %swap3A_120 = arith.index_cast %swap3A_119 : i64 to index
    %swap3A_121 = arith.constant 16 : index
    %swap3A_122 = tpu.vector_load %arg6[%swap3A_120, %swap3A_121] {strides = array<i32>} : memref<8x128xi32, #tpu.memory_space<vmem>>, vector<1x16xi32>,
    %swap3A_123 = vector.shape_cast %swap3A_122 : vector<1x16xi32> to vector<16xi32>
    %swap3A_124 = vector.shape_cast %select_n3A_118 : vector<16xi32> to vector<1x16xi32>
    tpu.vector_store %arg6[%swap3A_120, %swap3A_121], %swap3A_124 {strides = array<i32>} : memref<8x128xi32, #tpu.memory_space<vmem>>, vector<1x16xi32>,
    %get3A_125 = arith.constant 48 : index
    %get3A_126 = tpu.vector_load %arg5[%get3A_125] {strides = array<i32>} : memref<1040xi32, #tpu.memory_space<vmem>>, vector<16xi32>,
    %get3A_127 = vector.shape_cast %get3A_126 : vector<16xi32> to vector<16xi32>
    %get3A_128 = arith.constant 47 : index
    %get3A_129 = tpu.vector_load %arg5[%get3A_128] {strides = array<i32>} : memref<1040xi32, #tpu.memory_space<vmem>>, vector<16xi32>,
    %get3A_130 = vector.shape_cast %get3A_129 : vector<16xi32> to vector<16xi32>
    %get3A_131 = arith.constant 46 : index
    %get3A_132 = tpu.vector_load %arg5[%get3A_131] {strides = array<i32>} : memref<1040xi32, #tpu.memory_space<vmem>>, vector<16xi32>,
    %get3A_133 = vector.shape_cast %get3A_132 : vector<16xi32> to vector<16xi32>
    %mul3A_134 = arith.constant 36313 : i32
    %mul3A_135 = vector.broadcast %mul3A_134 : i32 to vector<16xi32>
    %mul3A_136 = arith.muli %get3A_127, %mul3A_135 : vector<16xi32>
    %mul3A_137 = arith.constant 27191 : i32
    %mul3A_138 = vector.broadcast %mul3A_137 : i32 to vector<16xi32>
    %mul3A_139 = arith.muli %get3A_130, %mul3A_138 : vector<16xi32>
    %xor3A_140 = arith.xori %mul3A_136, %mul3A_139 : vector<16xi32>
    %mul3A_141 = arith.constant 51637 : i32
    %mul3A_142 = vector.broadcast %mul3A_141 : i32 to vector<16xi32>
    %mul3A_143 = arith.muli %get3A_133, %mul3A_142 : vector<16xi32>
    %xor3A_144 = arith.xori %xor3A_140, %mul3A_143 : vector<16xi32>
    %convert_element_type3A_145 = arith.sitofp %xor3A_144 : vector<16xi32> to vector<16xf32>
    %lt3A_146 = arith.constant 0 : i32
    %lt3A_147 = vector.broadcast %lt3A_146 : i32 to vector<16xi32>
    %lt3A_148 = arith.cmpi slt, %xor3A_144, %lt3A_147 : vector<16xi32>
    %jit3A_149 = arith.constant 4.2949673E+9 : f32
    %jit3A_150 = arith.constant 0.000000e+00 : f32
    %broadcast_in_dim3A_151 = vector.broadcast %jit3A_149 : f32 to vector<16xf32>
    %broadcast_in_dim3A_152 = vector.broadcast %jit3A_150 : f32 to vector<16xf32>
    %select_n3A_153 = arith.select %lt3A_148, %broadcast_in_dim3A_151, %broadcast_in_dim3A_152 : vector<16xi1>, vector<16xf32>
    %add3A_154 = arith.addf %convert_element_type3A_145, %select_n3A_153 : vector<16xf32>
    %mul3A_155 = arith.constant 1.00000102E-6 : f32
    %mul3A_156 = vector.broadcast %mul3A_155 : f32 to vector<16xf32>
    %mul3A_157 = arith.mulf %add3A_154, %mul3A_156 : vector<16xf32>
    %convert_element_type3A_158 = arith.fptosi %mul3A_157 : vector<16xf32> to vector<16xi32>
    %mul3A_159 = arith.constant 999999 : i32
    %mul3A_160 = vector.broadcast %mul3A_159 : i32 to vector<16xi32>
    %mul3A_161 = arith.muli %convert_element_type3A_158, %mul3A_160 : vector<16xi32>
    %sub3A_162 = arith.subi %xor3A_144, %mul3A_161 : vector<16xi32>
    %lt3A_163 = arith.constant 0 : i32
    %lt3A_164 = vector.broadcast %lt3A_163 : i32 to vector<16xi32>
    %lt3A_165 = arith.cmpi slt, %sub3A_162, %lt3A_164 : vector<16xi32>
    %add3A_166 = arith.constant 999999 : i32
    %add3A_167 = vector.broadcast %add3A_166 : i32 to vector<16xi32>
    %add3A_168 = arith.addi %sub3A_162, %add3A_167 : vector<16xi32>
    %select_n3A_169 = arith.select %lt3A_165, %add3A_168, %sub3A_162 : vector<16xi1>, vector<16xi32>
    %ge3A_170 = arith.constant 999999 : i32
    %ge3A_171 = vector.broadcast %ge3A_170 : i32 to vector<16xi32>
    %ge3A_172 = arith.cmpi sge, %select_n3A_169, %ge3A_171 : vector<16xi32>
    %sub3A_173 = arith.constant 999999 : i32
    %sub3A_174 = vector.broadcast %sub3A_173 : i32 to vector<16xi32>
    %sub3A_175 = arith.subi %select_n3A_169, %sub3A_174 : vector<16xi32>
    %select_n3A_176 = arith.select %ge3A_172, %sub3A_175, %select_n3A_169 : vector<16xi1>, vector<16xi32>
    %swap3A_177 = arith.constant 0 : i64
    %swap3A_178 = arith.index_cast %swap3A_177 : i64 to index
    %swap3A_179 = arith.constant 32 : index
    %swap3A_180 = tpu.vector_load %arg6[%swap3A_178, %swap3A_179] {strides = array<i32>} : memref<8x128xi32, #tpu.memory_space<vmem>>, vector<1x16xi32>,
    %swap3A_181 = vector.shape_cast %swap3A_180 : vector<1x16xi32> to vector<16xi32>
    %swap3A_182 = vector.shape_cast %select_n3A_176 : vector<16xi32> to vector<1x16xi32>
    tpu.vector_store %arg6[%swap3A_178, %swap3A_179], %swap3A_182 {strides = array<i32>} : memref<8x128xi32, #tpu.memory_space<vmem>>, vector<1x16xi32>,
    %get3A_183 = arith.constant 64 : index
    %get3A_184 = tpu.vector_load %arg5[%get3A_183] {strides = array<i32>} : memref<1040xi32, #tpu.memory_space<vmem>>, vector<16xi32>,
    %get3A_185 = vector.shape_cast %get3A_184 : vector<16xi32> to vector<16xi32>
    %get3A_186 = arith.constant 63 : index
    %get3A_187 = tpu.vector_load %arg5[%get3A_186] {strides = array<i32>} : memref<1040xi32, #tpu.memory_space<vmem>>, vector<16xi32>,
    %get3A_188 = vector.shape_cast %get3A_187 : vector<16xi32> to vector<16xi32>
    %get3A_189 = arith.constant 62 : index
    %get3A_190 = tpu.vector_load %arg5[%get3A_189] {strides = array<i32>} : memref<1040xi32, #tpu.memory_space<vmem>>, vector<16xi32>,
    %get3A_191 = vector.shape_cast %get3A_190 : vector<16xi32> to vector<16xi32>
    %mul3A_192 = arith.constant 36313 : i32
    %mul3A_193 = vector.broadcast %mul3A_192 : i32 to vector<16xi32>
    %mul3A_194 = arith.muli %get3A_185, %mul3A_193 : vector<16xi32>
    %mul3A_195 = arith.constant 27191 : i32
    %mul3A_196 = vector.broadcast %mul3A_195 : i32 to vector<16xi32>
    %mul3A_197 = arith.muli %get3A_188, %mul3A_196 : vector<16xi32>
    %xor3A_198 = arith.xori %mul3A_194, %mul3A_197 : vector<16xi32>
    %mul3A_199 = arith.constant 51637 : i32
    %mul3A_200 = vector.broadcast %mul3A_199 : i32 to vector<16xi32>
    %mul3A_201 = arith.muli %get3A_191, %mul3A_200 : vector<16xi32>
    %xor3A_202 = arith.xori %xor3A_198, %mul3A_201 : vector<16xi32>
    %convert_element_type3A_203 = arith.sitofp %xor3A_202 : vector<16xi32> to vector<16xf32>
    %lt3A_204 = arith.constant 0 : i32
    %lt3A_205 = vector.broadcast %lt3A_204 : i32 to vector<16xi32>
    %lt3A_206 = arith.cmpi slt, %xor3A_202, %lt3A_205 : vector<16xi32>
    %jit3A_207 = arith.constant 4.2949673E+9 : f32
    %jit3A_208 = arith.constant 0.000000e+00 : f32
    %broadcast_in_dim3A_209 = vector.broadcast %jit3A_207 : f32 to vector<16xf32>
    %broadcast_in_dim3A_210 = vector.broadcast %jit3A_208 : f32 to vector<16xf32>
    %select_n3A_211 = arith.select %lt3A_206, %broadcast_in_dim3A_209, %broadcast_in_dim3A_210 : vector<16xi1>, vector<16xf32>
    %add3A_212 = arith.addf %convert_element_type3A_203, %select_n3A_211 : vector<16xf32>
    %mul3A_213 = arith.constant 1.00000102E-6 : f32
    %mul3A_214 = vector.broadcast %mul3A_213 : f32 to vector<16xf32>
    %mul3A_215 = arith.mulf %add3A_212, %mul3A_214 : vector<16xf32>
    %convert_element_type3A_216 = arith.fptosi %mul3A_215 : vector<16xf32> to vector<16xi32>
    %mul3A_217 = arith.constant 999999 : i32
    %mul3A_218 = vector.broadcast %mul3A_217 : i32 to vector<16xi32>
    %mul3A_219 = arith.muli %convert_element_type3A_216, %mul3A_218 : vector<16xi32>
    %sub3A_220 = arith.subi %xor3A_202, %mul3A_219 : vector<16xi32>
    %lt3A_221 = arith.constant 0 : i32
    %lt3A_222 = vector.broadcast %lt3A_221 : i32 to vector<16xi32>
    %lt3A_223 = arith.cmpi slt, %sub3A_220, %lt3A_222 : vector<16xi32>
    %add3A_224 = arith.constant 999999 : i32
    %add3A_225 = vector.broadcast %add3A_224 : i32 to vector<16xi32>
    %add3A_226 = arith.addi %sub3A_220, %add3A_225 : vector<16xi32>
    %select_n3A_227 = arith.select %lt3A_223, %add3A_226, %sub3A_220 : vector<16xi1>, vector<16xi32>
    %ge3A_228 = arith.constant 999999 : i32
    %ge3A_229 = vector.broadcast %ge3A_228 : i32 to vector<16xi32>
    %ge3A_230 = arith.cmpi sge, %select_n3A_227, %ge3A_229 : vector<16xi32>
    %sub3A_231 = arith.constant 999999 : i32
    %sub3A_232 = vector.broadcast %sub3A_231 : i32 to vector<16xi32>
    %sub3A_233 = arith.subi %select_n3A_227, %sub3A_232 : vector<16xi32>
    %select_n3A_234 = arith.select %ge3A_230, %sub3A_233, %select_n3A_227 : vector<16xi1>, vector<16xi32>
    %swap3A_235 = arith.constant 0 : i64
    %swap3A_236 = arith.index_cast %swap3A_235 : i64 to index
    %swap3A_237 = arith.constant 48 : index
    %swap3A_238 = tpu.vector_load %arg6[%swap3A_236, %swap3A_237] {strides = array<i32>} : memref<8x128xi32, #tpu.memory_space<vmem>>, vector<1x16xi32>,
    %swap3A_239 = vector.shape_cast %swap3A_238 : vector<1x16xi32> to vector<16xi32>
    %swap3A_240 = vector.shape_cast %select_n3A_234 : vector<16xi32> to vector<1x16xi32>
    tpu.vector_store %arg6[%swap3A_236, %swap3A_237], %swap3A_240 {strides = array<i32>} : memref<8x128xi32, #tpu.memory_space<vmem>>, vector<1x16xi32>,
    %get3A_241 = arith.constant 80 : index
    %get3A_242 = tpu.vector_load %arg5[%get3A_241] {strides = array<i32>} : memref<1040xi32, #tpu.memory_space<vmem>>, vector<16xi32>,
    %get3A_243 = vector.shape_cast %get3A_242 : vector<16xi32> to vector<16xi32>
    %get3A_244 = arith.constant 79 : index
    %get3A_245 = tpu.vector_load %arg5[%get3A_244] {strides = array<i32>} : memref<1040xi32, #tpu.memory_space<vmem>>, vector<16xi32>,
    %get3A_246 = vector.shape_cast %get3A_245 : vector<16xi32> to vector<16xi32>
    %get3A_247 = arith.constant 78 : index
    %get3A_248 = tpu.vector_load %arg5[%get3A_247] {strides = array<i32>} : memref<1040xi32, #tpu.memory_space<vmem>>, vector<16xi32>,
    %get3A_249 = vector.shape_cast %get3A_248 : vector<16xi32> to vector<16xi32>
    %mul3A_250 = arith.constant 36313 : i32
    %mul3A_251 = vector.broadcast %mul3A_250 : i32 to vector<16xi32>
    %mul3A_252 = arith.muli %get3A_243, %mul3A_251 : vector<16xi32>
    %mul3A_253 = arith.constant 27191 : i32
    %mul3A_254 = vector.broadcast %mul3A_253 : i32 to vector<16xi32>
    %mul3A_255 = arith.muli %get3A_246, %mul3A_254 : vector<16xi32>
    %xor3A_256 = arith.xori %mul3A_252, %mul3A_255 : vector<16xi32>
    %mul3A_257 = arith.constant 51637 : i32
    %mul3A_258 = vector.broadcast %mul3A_257 : i32 to vector<16xi32>
    %mul3A_259 = arith.muli %get3A_249, %mul3A_258 : vector<16xi32>
    %xor3A_260 = arith.xori %xor3A_256, %mul3A_259 : vector<16xi32>
    %convert_element_type3A_261 = arith.sitofp %xor3A_260 : vector<16xi32> to vector<16xf32>
    %lt3A_262 = arith.constant 0 : i32
    %lt3A_263 = vector.broadcast %lt3A_262 : i32 to vector<16xi32>
    %lt3A_264 = arith.cmpi slt, %xor3A_260, %lt3A_263 : vector<16xi32>
    %jit3A_265 = arith.constant 4.2949673E+9 : f32
    %jit3A_266 = arith.constant 0.000000e+00 : f32
    %broadcast_in_dim3A_267 = vector.broadcast %jit3A_265 : f32 to vector<16xf32>
    %broadcast_in_dim3A_268 = vector.broadcast %jit3A_266 : f32 to vector<16xf32>
    %select_n3A_269 = arith.select %lt3A_264, %broadcast_in_dim3A_267, %broadcast_in_dim3A_268 : vector<16xi1>, vector<16xf32>
    %add3A_270 = arith.addf %convert_element_type3A_261, %select_n3A_269 : vector<16xf32>
    %mul3A_271 = arith.constant 1.00000102E-6 : f32
    %mul3A_272 = vector.broadcast %mul3A_271 : f32 to vector<16xf32>
    %mul3A_273 = arith.mulf %add3A_270, %mul3A_272 : vector<16xf32>
    %convert_element_type3A_274 = arith.fptosi %mul3A_273 : vector<16xf32> to vector<16xi32>
    %mul3A_275 = arith.constant 999999 : i32
    %mul3A_276 = vector.broadcast %mul3A_275 : i32 to vector<16xi32>
    %mul3A_277 = arith.muli %convert_element_type3A_274, %mul3A_276 : vector<16xi32>
    %sub3A_278 = arith.subi %xor3A_260, %mul3A_277 : vector<16xi32>
    %lt3A_279 = arith.constant 0 : i32
    %lt3A_280 = vector.broadcast %lt3A_279 : i32 to vector<16xi32>
    %lt3A_281 = arith.cmpi slt, %sub3A_278, %lt3A_280 : vector<16xi32>
    %add3A_282 = arith.constant 999999 : i32
    %add3A_283 = vector.broadcast %add3A_282 : i32 to vector<16xi32>
    %add3A_284 = arith.addi %sub3A_278, %add3A_283 : vector<16xi32>
    %select_n3A_285 = arith.select %lt3A_281, %add3A_284, %sub3A_278 : vector<16xi1>, vector<16xi32>
    %ge3A_286 = arith.constant 999999 : i32
    %ge3A_287 = vector.broadcast %ge3A_286 : i32 to vector<16xi32>
    %ge3A_288 = arith.cmpi sge, %select_n3A_285, %ge3A_287 : vector<16xi32>
    %sub3A_289 = arith.constant 999999 : i32
    %sub3A_290 = vector.broadcast %sub3A_289 : i32 to vector<16xi32>
    %sub3A_291 = arith.subi %select_n3A_285, %sub3A_290 : vector<16xi32>
    %select_n3A_292 = arith.select %ge3A_288, %sub3A_291, %select_n3A_285 : vector<16xi1>, vector<16xi32>
    %swap3A_293 = arith.constant 0 : i64
    %swap3A_294 = arith.index_cast %swap3A_293 : i64 to index
    %swap3A_295 = arith.constant 64 : index
    %swap3A_296 = tpu.vector_load %arg6[%swap3A_294, %swap3A_295] {strides = array<i32>} : memref<8x128xi32, #tpu.memory_space<vmem>>, vector<1x16xi32>,
    %swap3A_297 = vector.shape_cast %swap3A_296 : vector<1x16xi32> to vector<16xi32>
    %swap3A_298 = vector.shape_cast %select_n3A_292 : vector<16xi32> to vector<1x16xi32>
    tpu.vector_store %arg6[%swap3A_294, %swap3A_295], %swap3A_298 {strides = array<i32>} : memref<8x128xi32, #tpu.memory_space<vmem>>, vector<1x16xi32>,
    %get3A_299 = arith.constant 96 : index
    %get3A_300 = tpu.vector_load %arg5[%get3A_299] {strides = array<i32>} : memref<1040xi32, #tpu.memory_space<vmem>>, vector<16xi32>,
    %get3A_301 = vector.shape_cast %get3A_300 : vector<16xi32> to vector<16xi32>
    %get3A_302 = arith.constant 95 : index
    %get3A_303 = tpu.vector_load %arg5[%get3A_302] {strides = array<i32>} : memref<1040xi32, #tpu.memory_space<vmem>>, vector<16xi32>,
    %get3A_304 = vector.shape_cast %get3A_303 : vector<16xi32> to vector<16xi32>
    %get3A_305 = arith.constant 94 : index
    %get3A_306 = tpu.vector_load %arg5[%get3A_305] {strides = array<i32>} : memref<1040xi32, #tpu.memory_space<vmem>>, vector<16xi32>,
    %get3A_307 = vector.shape_cast %get3A_306 : vector<16xi32> to vector<16xi32>
    %mul3A_308 = arith.constant 36313 : i32
    %mul3A_309 = vector.broadcast %mul3A_308 : i32 to vector<16xi32>
    %mul3A_310 = arith.muli %get3A_301, %mul3A_309 : vector<16xi32>
    %mul3A_311 = arith.constant 27191 : i32
    %mul3A_312 = vector.broadcast %mul3A_311 : i32 to vector<16xi32>
    %mul3A_313 = arith.muli %get3A_304, %mul3A_312 : vector<16xi32>
    %xor3A_314 = arith.xori %mul3A_310, %mul3A_313 : vector<16xi32>
    %mul3A_315 = arith.constant 51637 : i32
    %mul3A_316 = vector.broadcast %mul3A_315 : i32 to vector<16xi32>
    %mul3A_317 = arith.muli %get3A_307, %mul3A_316 : vector<16xi32>
    %xor3A_318 = arith.xori %xor3A_314, %mul3A_317 : vector<16xi32>
    %convert_element_type3A_319 = arith.sitofp %xor3A_318 : vector<16xi32> to vector<16xf32>
    %lt3A_320 = arith.constant 0 : i32
    %lt3A_321 = vector.broadcast %lt3A_320 : i32 to vector<16xi32>
    %lt3A_322 = arith.cmpi slt, %xor3A_318, %lt3A_321 : vector<16xi32>
    %jit3A_323 = arith.constant 4.2949673E+9 : f32
    %jit3A_324 = arith.constant 0.000000e+00 : f32
    %broadcast_in_dim3A_325 = vector.broadcast %jit3A_323 : f32 to vector<16xf32>
    %broadcast_in_dim3A_326 = vector.broadcast %jit3A_324 : f32 to vector<16xf32>
    %select_n3A_327 = arith.select %lt3A_322, %broadcast_in_dim3A_325, %broadcast_in_dim3A_326 : vector<16xi1>, vector<16xf32>
    %add3A_328 = arith.addf %convert_element_type3A_319, %select_n3A_327 : vector<16xf32>
    %mul3A_329 = arith.constant 1.00000102E-6 : f32
    %mul3A_330 = vector.broadcast %mul3A_329 : f32 to vector<16xf32>
    %mul3A_331 = arith.mulf %add3A_328, %mul3A_330 : vector<16xf32>
    %convert_element_type3A_332 = arith.fptosi %mul3A_331 : vector<16xf32> to vector<16xi32>
    %mul3A_333 = arith.constant 999999 : i32
    %mul3A_334 = vector.broadcast %mul3A_333 : i32 to vector<16xi32>
    %mul3A_335 = arith.muli %convert_element_type3A_332, %mul3A_334 : vector<16xi32>
    %sub3A_336 = arith.subi %xor3A_318, %mul3A_335 : vector<16xi32>
    %lt3A_337 = arith.constant 0 : i32
    %lt3A_338 = vector.broadcast %lt3A_337 : i32 to vector<16xi32>
    %lt3A_339 = arith.cmpi slt, %sub3A_336, %lt3A_338 : vector<16xi32>
    %add3A_340 = arith.constant 999999 : i32
    %add3A_341 = vector.broadcast %add3A_340 : i32 to vector<16xi32>
    %add3A_342 = arith.addi %sub3A_336, %add3A_341 : vector<16xi32>
    %select_n3A_343 = arith.select %lt3A_339, %add3A_342, %sub3A_336 : vector<16xi1>, vector<16xi32>
    %ge3A_344 = arith.constant 999999 : i32
    %ge3A_345 = vector.broadcast %ge3A_344 : i32 to vector<16xi32>
    %ge3A_346 = arith.cmpi sge, %select_n3A_343, %ge3A_345 : vector<16xi32>
    %sub3A_347 = arith.constant 999999 : i32
    %sub3A_348 = vector.broadcast %sub3A_347 : i32 to vector<16xi32>
    %sub3A_349 = arith.subi %select_n3A_343, %sub3A_348 : vector<16xi32>
    %select_n3A_350 = arith.select %ge3A_346, %sub3A_349, %select_n3A_343 : vector<16xi1>, vector<16xi32>
    %swap3A_351 = arith.constant 0 : i64
    %swap3A_352 = arith.index_cast %swap3A_351 : i64 to index
    %swap3A_353 = arith.constant 80 : index
    %swap3A_354 = tpu.vector_load %arg6[%swap3A_352, %swap3A_353] {strides = array<i32>} : memref<8x128xi32, #tpu.memory_space<vmem>>, vector<1x16xi32>,
    %swap3A_355 = vector.shape_cast %swap3A_354 : vector<1x16xi32> to vector<16xi32>
    %swap3A_356 = vector.shape_cast %select_n3A_350 : vector<16xi32> to vector<1x16xi32>
    tpu.vector_store %arg6[%swap3A_352, %swap3A_353], %swap3A_356 {strides = array<i32>} : memref<8x128xi32, #tpu.memory_space<vmem>>, vector<1x16xi32>,
    %get3A_357 = arith.constant 112 : index
    %get3A_358 = tpu.vector_load %arg5[%get3A_357] {strides = array<i32>} : memref<1040xi32, #tpu.memory_space<vmem>>, vector<16xi32>,
    %get3A_359 = vector.shape_cast %get3A_358 : vector<16xi32> to vector<16xi32>
    %get3A_360 = arith.constant 111 : index
    %get3A_361 = tpu.vector_load %arg5[%get3A_360] {strides = array<i32>} : memref<1040xi32, #tpu.memory_space<vmem>>, vector<16xi32>,
    %get3A_362 = vector.shape_cast %get3A_361 : vector<16xi32> to vector<16xi32>
    %get3A_363 = arith.constant 110 : index
    %get3A_364 = tpu.vector_load %arg5[%get3A_363] {strides = array<i32>} : memref<1040xi32, #tpu.memory_space<vmem>>, vector<16xi32>,
    %get3A_365 = vector.shape_cast %get3A_364 : vector<16xi32> to vector<16xi32>
    %mul3A_366 = arith.constant 36313 : i32
    %mul3A_367 = vector.broadcast %mul3A_366 : i32 to vector<16xi32>
    %mul3A_368 = arith.muli %get3A_359, %mul3A_367 : vector<16xi32>
    %mul3A_369 = arith.constant 27191 : i32
    %mul3A_370 = vector.broadcast %mul3A_369 : i32 to vector<16xi32>
    %mul3A_371 = arith.muli %get3A_362, %mul3A_370 : vector<16xi32>
    %xor3A_372 = arith.xori %mul3A_368, %mul3A_371 : vector<16xi32>
    %mul3A_373 = arith.constant 51637 : i32
    %mul3A_374 = vector.broadcast %mul3A_373 : i32 to vector<16xi32>
    %mul3A_375 = arith.muli %get3A_365, %mul3A_374 : vector<16xi32>
    %xor3A_376 = arith.xori %xor3A_372, %mul3A_375 : vector<16xi32>
    %convert_element_type3A_377 = arith.sitofp %xor3A_376 : vector<16xi32> to vector<16xf32>
    %lt3A_378 = arith.constant 0 : i32
    %lt3A_379 = vector.broadcast %lt3A_378 : i32 to vector<16xi32>
    %lt3A_380 = arith.cmpi slt, %xor3A_376, %lt3A_379 : vector<16xi32>
    %jit3A_381 = arith.constant 4.2949673E+9 : f32
    %jit3A_382 = arith.constant 0.000000e+00 : f32
    %broadcast_in_dim3A_383 = vector.broadcast %jit3A_381 : f32 to vector<16xf32>
    %broadcast_in_dim3A_384 = vector.broadcast %jit3A_382 : f32 to vector<16xf32>
    %select_n3A_385 = arith.select %lt3A_380, %broadcast_in_dim3A_383, %broadcast_in_dim3A_384 : vector<16xi1>, vector<16xf32>
    %add3A_386 = arith.addf %convert_element_type3A_377, %select_n3A_385 : vector<16xf32>
    %mul3A_387 = arith.constant 1.00000102E-6 : f32
    %mul3A_388 = vector.broadcast %mul3A_387 : f32 to vector<16xf32>
    %mul3A_389 = arith.mulf %add3A_386, %mul3A_388 : vector<16xf32>
    %convert_element_type3A_390 = arith.fptosi %mul3A_389 : vector<16xf32> to vector<16xi32>
    %mul3A_391 = arith.constant 999999 : i32
    %mul3A_392 = vector.broadcast %mul3A_391 : i32 to vector<16xi32>
    %mul3A_393 = arith.muli %convert_element_type3A_390, %mul3A_392 : vector<16xi32>
    %sub3A_394 = arith.subi %xor3A_376, %mul3A_393 : vector<16xi32>
    %lt3A_395 = arith.constant 0 : i32
    %lt3A_396 = vector.broadcast %lt3A_395 : i32 to vector<16xi32>
    %lt3A_397 = arith.cmpi slt, %sub3A_394, %lt3A_396 : vector<16xi32>
    %add3A_398 = arith.constant 999999 : i32
    %add3A_399 = vector.broadcast %add3A_398 : i32 to vector<16xi32>
    %add3A_400 = arith.addi %sub3A_394, %add3A_399 : vector<16xi32>
    %select_n3A_401 = arith.select %lt3A_397, %add3A_400, %sub3A_394 : vector<16xi1>, vector<16xi32>
    %ge3A_402 = arith.constant 999999 : i32
    %ge3A_403 = vector.broadcast %ge3A_402 : i32 to vector<16xi32>
    %ge3A_404 = arith.cmpi sge, %select_n3A_401, %ge3A_403 : vector<16xi32>
    %sub3A_405 = arith.constant 999999 : i32
    %sub3A_406 = vector.broadcast %sub3A_405 : i32 to vector<16xi32>
    %sub3A_407 = arith.subi %select_n3A_401, %sub3A_406 : vector<16xi32>
    %select_n3A_408 = arith.select %ge3A_404, %sub3A_407, %select_n3A_401 : vector<16xi1>, vector<16xi32>
    %swap3A_409 = arith.constant 0 : i64
    %swap3A_410 = arith.index_cast %swap3A_409 : i64 to index
    %swap3A_411 = arith.constant 96 : index
    %swap3A_412 = tpu.vector_load %arg6[%swap3A_410, %swap3A_411] {strides = array<i32>} : memref<8x128xi32, #tpu.memory_space<vmem>>, vector<1x16xi32>,
    %swap3A_413 = vector.shape_cast %swap3A_412 : vector<1x16xi32> to vector<16xi32>
    %swap3A_414 = vector.shape_cast %select_n3A_408 : vector<16xi32> to vector<1x16xi32>
    tpu.vector_store %arg6[%swap3A_410, %swap3A_411], %swap3A_414 {strides = array<i32>} : memref<8x128xi32, #tpu.memory_space<vmem>>, vector<1x16xi32>,
    %get3A_415 = arith.constant 128 : index
    %get3A_416 = tpu.vector_load %arg5[%get3A_415] {strides = array<i32>} : memref<1040xi32, #tpu.memory_space<vmem>>, vector<16xi32>,
    %get3A_417 = vector.shape_cast %get3A_416 : vector<16xi32> to vector<16xi32>
    %get3A_418 = arith.constant 127 : index
    %get3A_419 = tpu.vector_load %arg5[%get3A_418] {strides = array<i32>} : memref<1040xi32, #tpu.memory_space<vmem>>, vector<16xi32>,
    %get3A_420 = vector.shape_cast %get3A_419 : vector<16xi32> to vector<16xi32>
    %get3A_421 = arith.constant 126 : index
    %get3A_422 = tpu.vector_load %arg5[%get3A_421] {strides = array<i32>} : memref<1040xi32, #tpu.memory_space<vmem>>, vector<16xi32>,
    %get3A_423 = vector.shape_cast %get3A_422 : vector<16xi32> to vector<16xi32>
    %mul3A_424 = arith.constant 36313 : i32
    %mul3A_425 = vector.broadcast %mul3A_424 : i32 to vector<16xi32>
    %mul3A_426 = arith.muli %get3A_417, %mul3A_425 : vector<16xi32>
    %mul3A_427 = arith.constant 27191 : i32
    %mul3A_428 = vector.broadcast %mul3A_427 : i32 to vector<16xi32>
    %mul3A_429 = arith.muli %get3A_420, %mul3A_428 : vector<16xi32>
    %xor3A_430 = arith.xori %mul3A_426, %mul3A_429 : vector<16xi32>
    %mul3A_431 = arith.constant 51637 : i32
    %mul3A_432 = vector.broadcast %mul3A_431 : i32 to vector<16xi32>
    %mul3A_433 = arith.muli %get3A_423, %mul3A_432 : vector<16xi32>
    %xor3A_434 = arith.xori %xor3A_430, %mul3A_433 : vector<16xi32>
    %convert_element_type3A_435 = arith.sitofp %xor3A_434 : vector<16xi32> to vector<16xf32>
    %lt3A_436 = arith.constant 0 : i32
    %lt3A_437 = vector.broadcast %lt3A_436 : i32 to vector<16xi32>
    %lt3A_438 = arith.cmpi slt, %xor3A_434, %lt3A_437 : vector<16xi32>
    %jit3A_439 = arith.constant 4.2949673E+9 : f32
    %jit3A_440 = arith.constant 0.000000e+00 : f32
    %broadcast_in_dim3A_441 = vector.broadcast %jit3A_439 : f32 to vector<16xf32>
    %broadcast_in_dim3A_442 = vector.broadcast %jit3A_440 : f32 to vector<16xf32>
    %select_n3A_443 = arith.select %lt3A_438, %broadcast_in_dim3A_441, %broadcast_in_dim3A_442 : vector<16xi1>, vector<16xf32>
    %add3A_444 = arith.addf %convert_element_type3A_435, %select_n3A_443 : vector<16xf32>
    %mul3A_445 = arith.constant 1.00000102E-6 : f32
    %mul3A_446 = vector.broadcast %mul3A_445 : f32 to vector<16xf32>
    %mul3A_447 = arith.mulf %add3A_444, %mul3A_446 : vector<16xf32>
    %convert_element_type3A_448 = arith.fptosi %mul3A_447 : vector<16xf32> to vector<16xi32>
    %mul3A_449 = arith.constant 999999 : i32
    %mul3A_450 = vector.broadcast %mul3A_449 : i32 to vector<16xi32>
    %mul3A_451 = arith.muli %convert_element_type3A_448, %mul3A_450 : vector<16xi32>
    %sub3A_452 = arith.subi %xor3A_434, %mul3A_451 : vector<16xi32>
    %lt3A_453 = arith.constant 0 : i32
    %lt3A_454 = vector.broadcast %lt3A_453 : i32 to vector<16xi32>
    %lt3A_455 = arith.cmpi slt, %sub3A_452, %lt3A_454 : vector<16xi32>
    %add3A_456 = arith.constant 999999 : i32
    %add3A_457 = vector.broadcast %add3A_456 : i32 to vector<16xi32>
    %add3A_458 = arith.addi %sub3A_452, %add3A_457 : vector<16xi32>
    %select_n3A_459 = arith.select %lt3A_455, %add3A_458, %sub3A_452 : vector<16xi1>, vector<16xi32>
    %ge3A_460 = arith.constant 999999 : i32
    %ge3A_461 = vector.broadcast %ge3A_460 : i32 to vector<16xi32>
    %ge3A_462 = arith.cmpi sge, %select_n3A_459, %ge3A_461 : vector<16xi32>
    %sub3A_463 = arith.constant 999999 : i32
    %sub3A_464 = vector.broadcast %sub3A_463 : i32 to vector<16xi32>
    %sub3A_465 = arith.subi %select_n3A_459, %sub3A_464 : vector<16xi32>
    %select_n3A_466 = arith.select %ge3A_462, %sub3A_465, %select_n3A_459 : vector<16xi1>, vector<16xi32>
    %swap3A_467 = arith.constant 0 : i64
    %swap3A_468 = arith.index_cast %swap3A_467 : i64 to index
    %swap3A_469 = arith.constant 112 : index
    %swap3A_470 = tpu.vector_load %arg6[%swap3A_468, %swap3A_469] {strides = array<i32>} : memref<8x128xi32, #tpu.memory_space<vmem>>, vector<1x16xi32>,
    %swap3A_471 = vector.shape_cast %swap3A_470 : vector<1x16xi32> to vector<16xi32>
    %swap3A_472 = vector.shape_cast %select_n3A_466 : vector<16xi32> to vector<1x16xi32>
    tpu.vector_store %arg6[%swap3A_468, %swap3A_469], %swap3A_472 {strides = array<i32>} : memref<8x128xi32, #tpu.memory_space<vmem>>, vector<1x16xi32>,
    %get3A_473 = arith.constant 144 : index
    %get3A_474 = tpu.vector_load %arg5[%get3A_473] {strides = array<i32>} : memref<1040xi32, #tpu.memory_space<vmem>>, vector<16xi32>,
    %get3A_475 = vector.shape_cast %get3A_474 : vector<16xi32> to vector<16xi32>
    %get3A_476 = arith.constant 143 : index
    %get3A_477 = tpu.vector_load %arg5[%get3A_476] {strides = array<i32>} : memref<1040xi32, #tpu.memory_space<vmem>>, vector<16xi32>,
    %get3A_478 = vector.shape_cast %get3A_477 : vector<16xi32> to vector<16xi32>
    %get3A_479 = arith.constant 142 : index
    %get3A_480 = tpu.vector_load %arg5[%get3A_479] {strides = array<i32>} : memref<1040xi32, #tpu.memory_space<vmem>>, vector<16xi32>,
    %get3A_481 = vector.shape_cast %get3A_480 : vector<16xi32> to vector<16xi32>
    %mul3A_482 = arith.constant 36313 : i32
    %mul3A_483 = vector.broadcast %mul3A_482 : i32 to vector<16xi32>
    %mul3A_484 = arith.muli %get3A_475, %mul3A_483 : vector<16xi32>
    %mul3A_485 = arith.constant 27191 : i32
    %mul3A_486 = vector.broadcast %mul3A_485 : i32 to vector<16xi32>
    %mul3A_487 = arith.muli %get3A_478, %mul3A_486 : vector<16xi32>
    %xor3A_488 = arith.xori %mul3A_484, %mul3A_487 : vector<16xi32>
    %mul3A_489 = arith.constant 51637 : i32
    %mul3A_490 = vector.broadcast %mul3A_489 : i32 to vector<16xi32>
    %mul3A_491 = arith.muli %get3A_481, %mul3A_490 : vector<16xi32>
    %xor3A_492 = arith.xori %xor3A_488, %mul3A_491 : vector<16xi32>
    %convert_element_type3A_493 = arith.sitofp %xor3A_492 : vector<16xi32> to vector<16xf32>
    %lt3A_494 = arith.constant 0 : i32
    %lt3A_495 = vector.broadcast %lt3A_494 : i32 to vector<16xi32>
    %lt3A_496 = arith.cmpi slt, %xor3A_492, %lt3A_495 : vector<16xi32>
    %jit3A_497 = arith.constant 4.2949673E+9 : f32
    %jit3A_498 = arith.constant 0.000000e+00 : f32
    %broadcast_in_dim3A_499 = vector.broadcast %jit3A_497 : f32 to vector<16xf32>
    %broadcast_in_dim3A_500 = vector.broadcast %jit3A_498 : f32 to vector<16xf32>
    %select_n3A_501 = arith.select %lt3A_496, %broadcast_in_dim3A_499, %broadcast_in_dim3A_500 : vector<16xi1>, vector<16xf32>
    %add3A_502 = arith.addf %convert_element_type3A_493, %select_n3A_501 : vector<16xf32>
    %mul3A_503 = arith.constant 1.00000102E-6 : f32
    %mul3A_504 = vector.broadcast %mul3A_503 : f32 to vector<16xf32>
    %mul3A_505 = arith.mulf %add3A_502, %mul3A_504 : vector<16xf32>
    %convert_element_type3A_506 = arith.fptosi %mul3A_505 : vector<16xf32> to vector<16xi32>
    %mul3A_507 = arith.constant 999999 : i32
    %mul3A_508 = vector.broadcast %mul3A_507 : i32 to vector<16xi32>
    %mul3A_509 = arith.muli %convert_element_type3A_506, %mul3A_508 : vector<16xi32>
    %sub3A_510 = arith.subi %xor3A_492, %mul3A_509 : vector<16xi32>
    %lt3A_511 = arith.constant 0 : i32
    %lt3A_512 = vector.broadcast %lt3A_511 : i32 to vector<16xi32>
    %lt3A_513 = arith.cmpi slt, %sub3A_510, %lt3A_512 : vector<16xi32>
    %add3A_514 = arith.constant 999999 : i32
    %add3A_515 = vector.broadcast %add3A_514 : i32 to vector<16xi32>
    %add3A_516 = arith.addi %sub3A_510, %add3A_515 : vector<16xi32>
    %select_n3A_517 = arith.select %lt3A_513, %add3A_516, %sub3A_510 : vector<16xi1>, vector<16xi32>
    %ge3A_518 = arith.constant 999999 : i32
    %ge3A_519 = vector.broadcast %ge3A_518 : i32 to vector<16xi32>
    %ge3A_520 = arith.cmpi sge, %select_n3A_517, %ge3A_519 : vector<16xi32>
    %sub3A_521 = arith.constant 999999 : i32
    %sub3A_522 = vector.broadcast %sub3A_521 : i32 to vector<16xi32>
    %sub3A_523 = arith.subi %select_n3A_517, %sub3A_522 : vector<16xi32>
    %select_n3A_524 = arith.select %ge3A_520, %sub3A_523, %select_n3A_517 : vector<16xi1>, vector<16xi32>
    %swap3A_525 = arith.constant 1 : i64
    %swap3A_526 = arith.index_cast %swap3A_525 : i64 to index
    %swap3A_527 = arith.constant 0 : index
    %swap3A_528 = tpu.vector_load %arg6[%swap3A_526, %swap3A_527] {strides = array<i32>} : memref<8x128xi32, #tpu.memory_space<vmem>>, vector<1x16xi32>,
    %swap3A_529 = vector.shape_cast %swap3A_528 : vector<1x16xi32> to vector<16xi32>
    %swap3A_530 = vector.shape_cast %select_n3A_524 : vector<16xi32> to vector<1x16xi32>
    tpu.vector_store %arg6[%swap3A_526, %swap3A_527], %swap3A_530 {strides = array<i32>} : memref<8x128xi32, #tpu.memory_space<vmem>>, vector<1x16xi32>,
    %get3A_531 = arith.constant 160 : index
    %get3A_532 = tpu.vector_load %arg5[%get3A_531] {strides = array<i32>} : memref<1040xi32, #tpu.memory_space<vmem>>, vector<16xi32>,
    %get3A_533 = vector.shape_cast %get3A_532 : vector<16xi32> to vector<16xi32>
    %get3A_534 = arith.constant 159 : index
    %get3A_535 = tpu.vector_load %arg5[%get3A_534] {strides = array<i32>} : memref<1040xi32, #tpu.memory_space<vmem>>, vector<16xi32>,
    %get3A_536 = vector.shape_cast %get3A_535 : vector<16xi32> to vector<16xi32>
    %get3A_537 = arith.constant 158 : index
    %get3A_538 = tpu.vector_load %arg5[%get3A_537] {strides = array<i32>} : memref<1040xi32, #tpu.memory_space<vmem>>, vector<16xi32>,
    %get3A_539 = vector.shape_cast %get3A_538 : vector<16xi32> to vector<16xi32>
    %mul3A_540 = arith.constant 36313 : i32
    %mul3A_541 = vector.broadcast %mul3A_540 : i32 to vector<16xi32>
    %mul3A_542 = arith.muli %get3A_533, %mul3A_541 : vector<16xi32>
    %mul3A_543 = arith.constant 27191 : i32
    %mul3A_544 = vector.broadcast %mul3A_543 : i32 to vector<16xi32>
    %mul3A_545 = arith.muli %get3A_536, %mul3A_544 : vector<16xi32>
    %xor3A_546 = arith.xori %mul3A_542, %mul3A_545 : vector<16xi32>
    %mul3A_547 = arith.constant 51637 : i32
    %mul3A_548 = vector.broadcast %mul3A_547 : i32 to vector<16xi32>
    %mul3A_549 = arith.muli %get3A_539, %mul3A_548 : vector<16xi32>
    %xor3A_550 = arith.xori %xor3A_546, %mul3A_549 : vector<16xi32>
    %convert_element_type3A_551 = arith.sitofp %xor3A_550 : vector<16xi32> to vector<16xf32>
    %lt3A_552 = arith.constant 0 : i32
    %lt3A_553 = vector.broadcast %lt3A_552 : i32 to vector<16xi32>
    %lt3A_554 = arith.cmpi slt, %xor3A_550, %lt3A_553 : vector<16xi32>
    %jit3A_555 = arith.constant 4.2949673E+9 : f32
    %jit3A_556 = arith.constant 0.000000e+00 : f32
    %broadcast_in_dim3A_557 = vector.broadcast %jit3A_555 : f32 to vector<16xf32>
    %broadcast_in_dim3A_558 = vector.broadcast %jit3A_556 : f32 to vector<16xf32>
    %select_n3A_559 = arith.select %lt3A_554, %broadcast_in_dim3A_557, %broadcast_in_dim3A_558 : vector<16xi1>, vector<16xf32>
    %add3A_560 = arith.addf %convert_element_type3A_551, %select_n3A_559 : vector<16xf32>
    %mul3A_561 = arith.constant 1.00000102E-6 : f32
    %mul3A_562 = vector.broadcast %mul3A_561 : f32 to vector<16xf32>
    %mul3A_563 = arith.mulf %add3A_560, %mul3A_562 : vector<16xf32>
    %convert_element_type3A_564 = arith.fptosi %mul3A_563 : vector<16xf32> to vector<16xi32>
    %mul3A_565 = arith.constant 999999 : i32
    %mul3A_566 = vector.broadcast %mul3A_565 : i32 to vector<16xi32>
    %mul3A_567 = arith.muli %convert_element_type3A_564, %mul3A_566 : vector<16xi32>
    %sub3A_568 = arith.subi %xor3A_550, %mul3A_567 : vector<16xi32>
    %lt3A_569 = arith.constant 0 : i32
    %lt3A_570 = vector.broadcast %lt3A_569 : i32 to vector<16xi32>
    %lt3A_571 = arith.cmpi slt, %sub3A_568, %lt3A_570 : vector<16xi32>
    %add3A_572 = arith.constant 999999 : i32
    %add3A_573 = vector.broadcast %add3A_572 : i32 to vector<16xi32>
    %add3A_574 = arith.addi %sub3A_568, %add3A_573 : vector<16xi32>
    %select_n3A_575 = arith.select %lt3A_571, %add3A_574, %sub3A_568 : vector<16xi1>, vector<16xi32>
    %ge3A_576 = arith.constant 999999 : i32
    %ge3A_577 = vector.broadcast %ge3A_576 : i32 to vector<16xi32>
    %ge3A_578 = arith.cmpi sge, %select_n3A_575, %ge3A_577 : vector<16xi32>
    %sub3A_579 = arith.constant 999999 : i32
    %sub3A_580 = vector.broadcast %sub3A_579 : i32 to vector<16xi32>
    %sub3A_581 = arith.subi %select_n3A_575, %sub3A_580 : vector<16xi32>
    %select_n3A_582 = arith.select %ge3A_578, %sub3A_581, %select_n3A_575 : vector<16xi1>, vector<16xi32>
    %swap3A_583 = arith.constant 1 : i64
    %swap3A_584 = arith.index_cast %swap3A_583 : i64 to index
    %swap3A_585 = arith.constant 16 : index
    %swap3A_586 = tpu.vector_load %arg6[%swap3A_584, %swap3A_585] {strides = array<i32>} : memref<8x128xi32, #tpu.memory_space<vmem>>, vector<1x16xi32>,
    %swap3A_587 = vector.shape_cast %swap3A_586 : vector<1x16xi32> to vector<16xi32>
    %swap3A_588 = vector.shape_cast %select_n3A_582 : vector<16xi32> to vector<1x16xi32>
    tpu.vector_store %arg6[%swap3A_584, %swap3A_585], %swap3A_588 {strides = array<i32>} : memref<8x128xi32, #tpu.memory_space<vmem>>, vector<1x16xi32>,
    %get3A_589 = arith.constant 176 : index
    %get3A_590 = tpu.vector_load %arg5[%get3A_589] {strides = array<i32>} : memref<1040xi32, #tpu.memory_space<vmem>>, vector<16xi32>,
    %get3A_591 = vector.shape_cast %get3A_590 : vector<16xi32> to vector<16xi32>
    %get3A_592 = arith.constant 175 : index
    %get3A_593 = tpu.vector_load %arg5[%get3A_592] {strides = array<i32>} : memref<1040xi32, #tpu.memory_space<vmem>>, vector<16xi32>,
    %get3A_594 = vector.shape_cast %get3A_593 : vector<16xi32> to vector<16xi32>
    %get3A_595 = arith.constant 174 : index
    %get3A_596 = tpu.vector_load %arg5[%get3A_595] {strides = array<i32>} : memref<1040xi32, #tpu.memory_space<vmem>>, vector<16xi32>,
    %get3A_597 = vector.shape_cast %get3A_596 : vector<16xi32> to vector<16xi32>
    %mul3A_598 = arith.constant 36313 : i32
    %mul3A_599 = vector.broadcast %mul3A_598 : i32 to vector<16xi32>
    %mul3A_600 = arith.muli %get3A_591, %mul3A_599 : vector<16xi32>
    %mul3A_601 = arith.constant 27191 : i32
    %mul3A_602 = vector.broadcast %mul3A_601 : i32 to vector<16xi32>
    %mul3A_603 = arith.muli %get3A_594, %mul3A_602 : vector<16xi32>
    %xor3A_604 = arith.xori %mul3A_600, %mul3A_603 : vector<16xi32>
    %mul3A_605 = arith.constant 51637 : i32
    %mul3A_606 = vector.broadcast %mul3A_605 : i32 to vector<16xi32>
    %mul3A_607 = arith.muli %get3A_597, %mul3A_606 : vector<16xi32>
    %xor3A_608 = arith.xori %xor3A_604, %mul3A_607 : vector<16xi32>
    %convert_element_type3A_609 = arith.sitofp %xor3A_608 : vector<16xi32> to vector<16xf32>
    %lt3A_610 = arith.constant 0 : i32
    %lt3A_611 = vector.broadcast %lt3A_610 : i32 to vector<16xi32>
    %lt3A_612 = arith.cmpi slt, %xor3A_608, %lt3A_611 : vector<16xi32>
    %jit3A_613 = arith.constant 4.2949673E+9 : f32
    %jit3A_614 = arith.constant 0.000000e+00 : f32
    %broadcast_in_dim3A_615 = vector.broadcast %jit3A_613 : f32 to vector<16xf32>
    %broadcast_in_dim3A_616 = vector.broadcast %jit3A_614 : f32 to vector<16xf32>
    %select_n3A_617 = arith.select %lt3A_612, %broadcast_in_dim3A_615, %broadcast_in_dim3A_616 : vector<16xi1>, vector<16xf32>
    %add3A_618 = arith.addf %convert_element_type3A_609, %select_n3A_617 : vector<16xf32>
    %mul3A_619 = arith.constant 1.00000102E-6 : f32
    %mul3A_620 = vector.broadcast %mul3A_619 : f32 to vector<16xf32>
    %mul3A_621 = arith.mulf %add3A_618, %mul3A_620 : vector<16xf32>
    %convert_element_type3A_622 = arith.fptosi %mul3A_621 : vector<16xf32> to vector<16xi32>
    %mul3A_623 = arith.constant 999999 : i32
    %mul3A_624 = vector.broadcast %mul3A_623 : i32 to vector<16xi32>
    %mul3A_625 = arith.muli %convert_element_type3A_622, %mul3A_624 : vector<16xi32>
    %sub3A_626 = arith.subi %xor3A_608, %mul3A_625 : vector<16xi32>
    %lt3A_627 = arith.constant 0 : i32
    %lt3A_628 = vector.broadcast %lt3A_627 : i32 to vector<16xi32>
    %lt3A_629 = arith.cmpi slt, %sub3A_626, %lt3A_628 : vector<16xi32>
    %add3A_630 = arith.constant 999999 : i32
    %add3A_631 = vector.broadcast %add3A_630 : i32 to vector<16xi32>
    %add3A_632 = arith.addi %sub3A_626, %add3A_631 : vector<16xi32>
    %select_n3A_633 = arith.select %lt3A_629, %add3A_632, %sub3A_626 : vector<16xi1>, vector<16xi32>
    %ge3A_634 = arith.constant 999999 : i32
    %ge3A_635 = vector.broadcast %ge3A_634 : i32 to vector<16xi32>
    %ge3A_636 = arith.cmpi sge, %select_n3A_633, %ge3A_635 : vector<16xi32>
    %sub3A_637 = arith.constant 999999 : i32
    %sub3A_638 = vector.broadcast %sub3A_637 : i32 to vector<16xi32>
    %sub3A_639 = arith.subi %select_n3A_633, %sub3A_638 : vector<16xi32>
    %select_n3A_640 = arith.select %ge3A_636, %sub3A_639, %select_n3A_633 : vector<16xi1>, vector<16xi32>
    %swap3A_641 = arith.constant 1 : i64
    %swap3A_642 = arith.index_cast %swap3A_641 : i64 to index
    %swap3A_643 = arith.constant 32 : index
    %swap3A_644 = tpu.vector_load %arg6[%swap3A_642, %swap3A_643] {strides = array<i32>} : memref<8x128xi32, #tpu.memory_space<vmem>>, vector<1x16xi32>,
    %swap3A_645 = vector.shape_cast %swap3A_644 : vector<1x16xi32> to vector<16xi32>
    %swap3A_646 = vector.shape_cast %select_n3A_640 : vector<16xi32> to vector<1x16xi32>
    tpu.vector_store %arg6[%swap3A_642, %swap3A_643], %swap3A_646 {strides = array<i32>} : memref<8x128xi32, #tpu.memory_space<vmem>>, vector<1x16xi32>,
    %get3A_647 = arith.constant 192 : index
    %get3A_648 = tpu.vector_load %arg5[%get3A_647] {strides = array<i32>} : memref<1040xi32, #tpu.memory_space<vmem>>, vector<16xi32>,
    %get3A_649 = vector.shape_cast %get3A_648 : vector<16xi32> to vector<16xi32>
    %get3A_650 = arith.constant 191 : index
    %get3A_651 = tpu.vector_load %arg5[%get3A_650] {strides = array<i32>} : memref<1040xi32, #tpu.memory_space<vmem>>, vector<16xi32>,
    %get3A_652 = vector.shape_cast %get3A_651 : vector<16xi32> to vector<16xi32>
    %get3A_653 = arith.constant 190 : index
    %get3A_654 = tpu.vector_load %arg5[%get3A_653] {strides = array<i32>} : memref<1040xi32, #tpu.memory_space<vmem>>, vector<16xi32>,
    %get3A_655 = vector.shape_cast %get3A_654 : vector<16xi32> to vector<16xi32>
    %mul3A_656 = arith.constant 36313 : i32
    %mul3A_657 = vector.broadcast %mul3A_656 : i32 to vector<16xi32>
    %mul3A_658 = arith.muli %get3A_649, %mul3A_657 : vector<16xi32>
    %mul3A_659 = arith.constant 27191 : i32
    %mul3A_660 = vector.broadcast %mul3A_659 : i32 to vector<16xi32>
    %mul3A_661 = arith.muli %get3A_652, %mul3A_660 : vector<16xi32>
    %xor3A_662 = arith.xori %mul3A_658, %mul3A_661 : vector<16xi32>
    %mul3A_663 = arith.constant 51637 : i32
    %mul3A_664 = vector.broadcast %mul3A_663 : i32 to vector<16xi32>
    %mul3A_665 = arith.muli %get3A_655, %mul3A_664 : vector<16xi32>
    %xor3A_666 = arith.xori %xor3A_662, %mul3A_665 : vector<16xi32>
    %convert_element_type3A_667 = arith.sitofp %xor3A_666 : vector<16xi32> to vector<16xf32>
    %lt3A_668 = arith.constant 0 : i32
    %lt3A_669 = vector.broadcast %lt3A_668 : i32 to vector<16xi32>
    %lt3A_670 = arith.cmpi slt, %xor3A_666, %lt3A_669 : vector<16xi32>
    %jit3A_671 = arith.constant 4.2949673E+9 : f32
    %jit3A_672 = arith.constant 0.000000e+00 : f32
    %broadcast_in_dim3A_673 = vector.broadcast %jit3A_671 : f32 to vector<16xf32>
    %broadcast_in_dim3A_674 = vector.broadcast %jit3A_672 : f32 to vector<16xf32>
    %select_n3A_675 = arith.select %lt3A_670, %broadcast_in_dim3A_673, %broadcast_in_dim3A_674 : vector<16xi1>, vector<16xf32>
    %add3A_676 = arith.addf %convert_element_type3A_667, %select_n3A_675 : vector<16xf32>
    %mul3A_677 = arith.constant 1.00000102E-6 : f32
    %mul3A_678 = vector.broadcast %mul3A_677 : f32 to vector<16xf32>
    %mul3A_679 = arith.mulf %add3A_676, %mul3A_678 : vector<16xf32>
    %convert_element_type3A_680 = arith.fptosi %mul3A_679 : vector<16xf32> to vector<16xi32>
    %mul3A_681 = arith.constant 999999 : i32
    %mul3A_682 = vector.broadcast %mul3A_681 : i32 to vector<16xi32>
    %mul3A_683 = arith.muli %convert_element_type3A_680, %mul3A_682 : vector<16xi32>
    %sub3A_684 = arith.subi %xor3A_666, %mul3A_683 : vector<16xi32>
    %lt3A_685 = arith.constant 0 : i32
    %lt3A_686 = vector.broadcast %lt3A_685 : i32 to vector<16xi32>
    %lt3A_687 = arith.cmpi slt, %sub3A_684, %lt3A_686 : vector<16xi32>
    %add3A_688 = arith.constant 999999 : i32
    %add3A_689 = vector.broadcast %add3A_688 : i32 to vector<16xi32>
    %add3A_690 = arith.addi %sub3A_684, %add3A_689 : vector<16xi32>
    %select_n3A_691 = arith.select %lt3A_687, %add3A_690, %sub3A_684 : vector<16xi1>, vector<16xi32>
    %ge3A_692 = arith.constant 999999 : i32
    %ge3A_693 = vector.broadcast %ge3A_692 : i32 to vector<16xi32>
    %ge3A_694 = arith.cmpi sge, %select_n3A_691, %ge3A_693 : vector<16xi32>
    %sub3A_695 = arith.constant 999999 : i32
    %sub3A_696 = vector.broadcast %sub3A_695 : i32 to vector<16xi32>
    %sub3A_697 = arith.subi %select_n3A_691, %sub3A_696 : vector<16xi32>
    %select_n3A_698 = arith.select %ge3A_694, %sub3A_697, %select_n3A_691 : vector<16xi1>, vector<16xi32>
    %swap3A_699 = arith.constant 1 : i64
    %swap3A_700 = arith.index_cast %swap3A_699 : i64 to index
    %swap3A_701 = arith.constant 48 : index
    %swap3A_702 = tpu.vector_load %arg6[%swap3A_700, %swap3A_701] {strides = array<i32>} : memref<8x128xi32, #tpu.memory_space<vmem>>, vector<1x16xi32>,
    %swap3A_703 = vector.shape_cast %swap3A_702 : vector<1x16xi32> to vector<16xi32>
    %swap3A_704 = vector.shape_cast %select_n3A_698 : vector<16xi32> to vector<1x16xi32>
    tpu.vector_store %arg6[%swap3A_700, %swap3A_701], %swap3A_704 {strides = array<i32>} : memref<8x128xi32, #tpu.memory_space<vmem>>, vector<1x16xi32>,
    %get3A_705 = arith.constant 208 : index
    %get3A_706 = tpu.vector_load %arg5[%get3A_705] {strides = array<i32>} : memref<1040xi32, #tpu.memory_space<vmem>>, vector<16xi32>,
    %get3A_707 = vector.shape_cast %get3A_706 : vector<16xi32> to vector<16xi32>
    %get3A_708 = arith.constant 207 : index
    %get3A_709 = tpu.vector_load %arg5[%get3A_708] {strides = array<i32>} : memref<1040xi32, #tpu.memory_space<vmem>>, vector<16xi32>,
    %get3A_710 = vector.shape_cast %get3A_709 : vector<16xi32> to vector<16xi32>
    %get3A_711 = arith.constant 206 : index
    %get3A_712 = tpu.vector_load %arg5[%get3A_711] {strides = array<i32>} : memref<1040xi32, #tpu.memory_space<vmem>>, vector<16xi32>,
    %get3A_713 = vector.shape_cast %get3A_712 : vector<16xi32> to vector<16xi32>
    %mul3A_714 = arith.constant 36313 : i32
    %mul3A_715 = vector.broadcast %mul3A_714 : i32 to vector<16xi32>
    %mul3A_716 = arith.muli %get3A_707, %mul3A_715 : vector<16xi32>
    %mul3A_717 = arith.constant 27191 : i32
    %mul3A_718 = vector.broadcast %mul3A_717 : i32 to vector<16xi32>
    %mul3A_719 = arith.muli %get3A_710, %mul3A_718 : vector<16xi32>
    %xor3A_720 = arith.xori %mul3A_716, %mul3A_719 : vector<16xi32>
    %mul3A_721 = arith.constant 51637 : i32
    %mul3A_722 = vector.broadcast %mul3A_721 : i32 to vector<16xi32>
    %mul3A_723 = arith.muli %get3A_713, %mul3A_722 : vector<16xi32>
    %xor3A_724 = arith.xori %xor3A_720, %mul3A_723 : vector<16xi32>
    %convert_element_type3A_725 = arith.sitofp %xor3A_724 : vector<16xi32> to vector<16xf32>
    %lt3A_726 = arith.constant 0 : i32
    %lt3A_727 = vector.broadcast %lt3A_726 : i32 to vector<16xi32>
    %lt3A_728 = arith.cmpi slt, %xor3A_724, %lt3A_727 : vector<16xi32>
    %jit3A_729 = arith.constant 4.2949673E+9 : f32
    %jit3A_730 = arith.constant 0.000000e+00 : f32
    %broadcast_in_dim3A_731 = vector.broadcast %jit3A_729 : f32 to vector<16xf32>
    %broadcast_in_dim3A_732 = vector.broadcast %jit3A_730 : f32 to vector<16xf32>
    %select_n3A_733 = arith.select %lt3A_728, %broadcast_in_dim3A_731, %broadcast_in_dim3A_732 : vector<16xi1>, vector<16xf32>
    %add3A_734 = arith.addf %convert_element_type3A_725, %select_n3A_733 : vector<16xf32>
    %mul3A_735 = arith.constant 1.00000102E-6 : f32
    %mul3A_736 = vector.broadcast %mul3A_735 : f32 to vector<16xf32>
    %mul3A_737 = arith.mulf %add3A_734, %mul3A_736 : vector<16xf32>
    %convert_element_type3A_738 = arith.fptosi %mul3A_737 : vector<16xf32> to vector<16xi32>
    %mul3A_739 = arith.constant 999999 : i32
    %mul3A_740 = vector.broadcast %mul3A_739 : i32 to vector<16xi32>
    %mul3A_741 = arith.muli %convert_element_type3A_738, %mul3A_740 : vector<16xi32>
    %sub3A_742 = arith.subi %xor3A_724, %mul3A_741 : vector<16xi32>
    %lt3A_743 = arith.constant 0 : i32
    %lt3A_744 = vector.broadcast %lt3A_743 : i32 to vector<16xi32>
    %lt3A_745 = arith.cmpi slt, %sub3A_742, %lt3A_744 : vector<16xi32>
    %add3A_746 = arith.constant 999999 : i32
    %add3A_747 = vector.broadcast %add3A_746 : i32 to vector<16xi32>
    %add3A_748 = arith.addi %sub3A_742, %add3A_747 : vector<16xi32>
    %select_n3A_749 = arith.select %lt3A_745, %add3A_748, %sub3A_742 : vector<16xi1>, vector<16xi32>
    %ge3A_750 = arith.constant 999999 : i32
    %ge3A_751 = vector.broadcast %ge3A_750 : i32 to vector<16xi32>
    %ge3A_752 = arith.cmpi sge, %select_n3A_749, %ge3A_751 : vector<16xi32>
    %sub3A_753 = arith.constant 999999 : i32
    %sub3A_754 = vector.broadcast %sub3A_753 : i32 to vector<16xi32>
    %sub3A_755 = arith.subi %select_n3A_749, %sub3A_754 : vector<16xi32>
    %select_n3A_756 = arith.select %ge3A_752, %sub3A_755, %select_n3A_749 : vector<16xi1>, vector<16xi32>
    %swap3A_757 = arith.constant 1 : i64
    %swap3A_758 = arith.index_cast %swap3A_757 : i64 to index
    %swap3A_759 = arith.constant 64 : index
    %swap3A_760 = tpu.vector_load %arg6[%swap3A_758, %swap3A_759] {strides = array<i32>} : memref<8x128xi32, #tpu.memory_space<vmem>>, vector<1x16xi32>,
    %swap3A_761 = vector.shape_cast %swap3A_760 : vector<1x16xi32> to vector<16xi32>
    %swap3A_762 = vector.shape_cast %select_n3A_756 : vector<16xi32> to vector<1x16xi32>
    tpu.vector_store %arg6[%swap3A_758, %swap3A_759], %swap3A_762 {strides = array<i32>} : memref<8x128xi32, #tpu.memory_space<vmem>>, vector<1x16xi32>,
    %get3A_763 = arith.constant 224 : index
    %get3A_764 = tpu.vector_load %arg5[%get3A_763] {strides = array<i32>} : memref<1040xi32, #tpu.memory_space<vmem>>, vector<16xi32>,
    %get3A_765 = vector.shape_cast %get3A_764 : vector<16xi32> to vector<16xi32>
    %get3A_766 = arith.constant 223 : index
    %get3A_767 = tpu.vector_load %arg5[%get3A_766] {strides = array<i32>} : memref<1040xi32, #tpu.memory_space<vmem>>, vector<16xi32>,
    %get3A_768 = vector.shape_cast %get3A_767 : vector<16xi32> to vector<16xi32>
    %get3A_769 = arith.constant 222 : index
    %get3A_770 = tpu.vector_load %arg5[%get3A_769] {strides = array<i32>} : memref<1040xi32, #tpu.memory_space<vmem>>, vector<16xi32>,
    %get3A_771 = vector.shape_cast %get3A_770 : vector<16xi32> to vector<16xi32>
    %mul3A_772 = arith.constant 36313 : i32
    %mul3A_773 = vector.broadcast %mul3A_772 : i32 to vector<16xi32>
    %mul3A_774 = arith.muli %get3A_765, %mul3A_773 : vector<16xi32>
    %mul3A_775 = arith.constant 27191 : i32
    %mul3A_776 = vector.broadcast %mul3A_775 : i32 to vector<16xi32>
    %mul3A_777 = arith.muli %get3A_768, %mul3A_776 : vector<16xi32>
    %xor3A_778 = arith.xori %mul3A_774, %mul3A_777 : vector<16xi32>
    %mul3A_779 = arith.constant 51637 : i32
    %mul3A_780 = vector.broadcast %mul3A_779 : i32 to vector<16xi32>
    %mul3A_781 = arith.muli %get3A_771, %mul3A_780 : vector<16xi32>
    %xor3A_782 = arith.xori %xor3A_778, %mul3A_781 : vector<16xi32>
    %convert_element_type3A_783 = arith.sitofp %xor3A_782 : vector<16xi32> to vector<16xf32>
    %lt3A_784 = arith.constant 0 : i32
    %lt3A_785 = vector.broadcast %lt3A_784 : i32 to vector<16xi32>
    %lt3A_786 = arith.cmpi slt, %xor3A_782, %lt3A_785 : vector<16xi32>
    %jit3A_787 = arith.constant 4.2949673E+9 : f32
    %jit3A_788 = arith.constant 0.000000e+00 : f32
    %broadcast_in_dim3A_789 = vector.broadcast %jit3A_787 : f32 to vector<16xf32>
    %broadcast_in_dim3A_790 = vector.broadcast %jit3A_788 : f32 to vector<16xf32>
    %select_n3A_791 = arith.select %lt3A_786, %broadcast_in_dim3A_789, %broadcast_in_dim3A_790 : vector<16xi1>, vector<16xf32>
    %add3A_792 = arith.addf %convert_element_type3A_783, %select_n3A_791 : vector<16xf32>
    %mul3A_793 = arith.constant 1.00000102E-6 : f32
    %mul3A_794 = vector.broadcast %mul3A_793 : f32 to vector<16xf32>
    %mul3A_795 = arith.mulf %add3A_792, %mul3A_794 : vector<16xf32>
    %convert_element_type3A_796 = arith.fptosi %mul3A_795 : vector<16xf32> to vector<16xi32>
    %mul3A_797 = arith.constant 999999 : i32
    %mul3A_798 = vector.broadcast %mul3A_797 : i32 to vector<16xi32>
    %mul3A_799 = arith.muli %convert_element_type3A_796, %mul3A_798 : vector<16xi32>
    %sub3A_800 = arith.subi %xor3A_782, %mul3A_799 : vector<16xi32>
    %lt3A_801 = arith.constant 0 : i32
    %lt3A_802 = vector.broadcast %lt3A_801 : i32 to vector<16xi32>
    %lt3A_803 = arith.cmpi slt, %sub3A_800, %lt3A_802 : vector<16xi32>
    %add3A_804 = arith.constant 999999 : i32
    %add3A_805 = vector.broadcast %add3A_804 : i32 to vector<16xi32>
    %add3A_806 = arith.addi %sub3A_800, %add3A_805 : vector<16xi32>
    %select_n3A_807 = arith.select %lt3A_803, %add3A_806, %sub3A_800 : vector<16xi1>, vector<16xi32>
    %ge3A_808 = arith.constant 999999 : i32
    %ge3A_809 = vector.broadcast %ge3A_808 : i32 to vector<16xi32>
    %ge3A_810 = arith.cmpi sge, %select_n3A_807, %ge3A_809 : vector<16xi32>
    %sub3A_811 = arith.constant 999999 : i32
    %sub3A_812 = vector.broadcast %sub3A_811 : i32 to vector<16xi32>
    %sub3A_813 = arith.subi %select_n3A_807, %sub3A_812 : vector<16xi32>
    %select_n3A_814 = arith.select %ge3A_810, %sub3A_813, %select_n3A_807 : vector<16xi1>, vector<16xi32>
    %swap3A_815 = arith.constant 1 : i64
    %swap3A_816 = arith.index_cast %swap3A_815 : i64 to index
    %swap3A_817 = arith.constant 80 : index
    %swap3A_818 = tpu.vector_load %arg6[%swap3A_816, %swap3A_817] {strides = array<i32>} : memref<8x128xi32, #tpu.memory_space<vmem>>, vector<1x16xi32>,
    %swap3A_819 = vector.shape_cast %swap3A_818 : vector<1x16xi32> to vector<16xi32>
    %swap3A_820 = vector.shape_cast %select_n3A_814 : vector<16xi32> to vector<1x16xi32>
    tpu.vector_store %arg6[%swap3A_816, %swap3A_817], %swap3A_820 {strides = array<i32>} : memref<8x128xi32, #tpu.memory_space<vmem>>, vector<1x16xi32>,
    %get3A_821 = arith.constant 240 : index
    %get3A_822 = tpu.vector_load %arg5[%get3A_821] {strides = array<i32>} : memref<1040xi32, #tpu.memory_space<vmem>>, vector<16xi32>,
    %get3A_823 = vector.shape_cast %get3A_822 : vector<16xi32> to vector<16xi32>
    %get3A_824 = arith.constant 239 : index
    %get3A_825 = tpu.vector_load %arg5[%get3A_824] {strides = array<i32>} : memref<1040xi32, #tpu.memory_space<vmem>>, vector<16xi32>,
    %get3A_826 = vector.shape_cast %get3A_825 : vector<16xi32> to vector<16xi32>
    %get3A_827 = arith.constant 238 : index
    %get3A_828 = tpu.vector_load %arg5[%get3A_827] {strides = array<i32>} : memref<1040xi32, #tpu.memory_space<vmem>>, vector<16xi32>,
    %get3A_829 = vector.shape_cast %get3A_828 : vector<16xi32> to vector<16xi32>
    %mul3A_830 = arith.constant 36313 : i32
    %mul3A_831 = vector.broadcast %mul3A_830 : i32 to vector<16xi32>
    %mul3A_832 = arith.muli %get3A_823, %mul3A_831 : vector<16xi32>
    %mul3A_833 = arith.constant 27191 : i32
    %mul3A_834 = vector.broadcast %mul3A_833 : i32 to vector<16xi32>
    %mul3A_835 = arith.muli %get3A_826, %mul3A_834 : vector<16xi32>
    %xor3A_836 = arith.xori %mul3A_832, %mul3A_835 : vector<16xi32>
    %mul3A_837 = arith.constant 51637 : i32
    %mul3A_838 = vector.broadcast %mul3A_837 : i32 to vector<16xi32>
    %mul3A_839 = arith.muli %get3A_829, %mul3A_838 : vector<16xi32>
    %xor3A_840 = arith.xori %xor3A_836, %mul3A_839 : vector<16xi32>
    %convert_element_type3A_841 = arith.sitofp %xor3A_840 : vector<16xi32> to vector<16xf32>
    %lt3A_842 = arith.constant 0 : i32
    %lt3A_843 = vector.broadcast %lt3A_842 : i32 to vector<16xi32>
    %lt3A_844 = arith.cmpi slt, %xor3A_840, %lt3A_843 : vector<16xi32>
    %jit3A_845 = arith.constant 4.2949673E+9 : f32
    %jit3A_846 = arith.constant 0.000000e+00 : f32
    %broadcast_in_dim3A_847 = vector.broadcast %jit3A_845 : f32 to vector<16xf32>
    %broadcast_in_dim3A_848 = vector.broadcast %jit3A_846 : f32 to vector<16xf32>
    %select_n3A_849 = arith.select %lt3A_844, %broadcast_in_dim3A_847, %broadcast_in_dim3A_848 : vector<16xi1>, vector<16xf32>
    %add3A_850 = arith.addf %convert_element_type3A_841, %select_n3A_849 : vector<16xf32>
    %mul3A_851 = arith.constant 1.00000102E-6 : f32
    %mul3A_852 = vector.broadcast %mul3A_851 : f32 to vector<16xf32>
    %mul3A_853 = arith.mulf %add3A_850, %mul3A_852 : vector<16xf32>
    %convert_element_type3A_854 = arith.fptosi %mul3A_853 : vector<16xf32> to vector<16xi32>
    %mul3A_855 = arith.constant 999999 : i32
    %mul3A_856 = vector.broadcast %mul3A_855 : i32 to vector<16xi32>
    %mul3A_857 = arith.muli %convert_element_type3A_854, %mul3A_856 : vector<16xi32>
    %sub3A_858 = arith.subi %xor3A_840, %mul3A_857 : vector<16xi32>
    %lt3A_859 = arith.constant 0 : i32
    %lt3A_860 = vector.broadcast %lt3A_859 : i32 to vector<16xi32>
    %lt3A_861 = arith.cmpi slt, %sub3A_858, %lt3A_860 : vector<16xi32>
    %add3A_862 = arith.constant 999999 : i32
    %add3A_863 = vector.broadcast %add3A_862 : i32 to vector<16xi32>
    %add3A_864 = arith.addi %sub3A_858, %add3A_863 : vector<16xi32>
    %select_n3A_865 = arith.select %lt3A_861, %add3A_864, %sub3A_858 : vector<16xi1>, vector<16xi32>
    %ge3A_866 = arith.constant 999999 : i32
    %ge3A_867 = vector.broadcast %ge3A_866 : i32 to vector<16xi32>
    %ge3A_868 = arith.cmpi sge, %select_n3A_865, %ge3A_867 : vector<16xi32>
    %sub3A_869 = arith.constant 999999 : i32
    %sub3A_870 = vector.broadcast %sub3A_869 : i32 to vector<16xi32>
    %sub3A_871 = arith.subi %select_n3A_865, %sub3A_870 : vector<16xi32>
    %select_n3A_872 = arith.select %ge3A_868, %sub3A_871, %select_n3A_865 : vector<16xi1>, vector<16xi32>
    %swap3A_873 = arith.constant 1 : i64
    %swap3A_874 = arith.index_cast %swap3A_873 : i64 to index
    %swap3A_875 = arith.constant 96 : index
    %swap3A_876 = tpu.vector_load %arg6[%swap3A_874, %swap3A_875] {strides = array<i32>} : memref<8x128xi32, #tpu.memory_space<vmem>>, vector<1x16xi32>,
    %swap3A_877 = vector.shape_cast %swap3A_876 : vector<1x16xi32> to vector<16xi32>
    %swap3A_878 = vector.shape_cast %select_n3A_872 : vector<16xi32> to vector<1x16xi32>
    tpu.vector_store %arg6[%swap3A_874, %swap3A_875], %swap3A_878 {strides = array<i32>} : memref<8x128xi32, #tpu.memory_space<vmem>>, vector<1x16xi32>,
    %get3A_879 = arith.constant 256 : index
    %get3A_880 = tpu.vector_load %arg5[%get3A_879] {strides = array<i32>} : memref<1040xi32, #tpu.memory_space<vmem>>, vector<16xi32>,
    %get3A_881 = vector.shape_cast %get3A_880 : vector<16xi32> to vector<16xi32>
    %get3A_882 = arith.constant 255 : index
    %get3A_883 = tpu.vector_load %arg5[%get3A_882] {strides = array<i32>} : memref<1040xi32, #tpu.memory_space<vmem>>, vector<16xi32>,
    %get3A_884 = vector.shape_cast %get3A_883 : vector<16xi32> to vector<16xi32>
    %get3A_885 = arith.constant 254 : index
    %get3A_886 = tpu.vector_load %arg5[%get3A_885] {strides = array<i32>} : memref<1040xi32, #tpu.memory_space<vmem>>, vector<16xi32>,
    %get3A_887 = vector.shape_cast %get3A_886 : vector<16xi32> to vector<16xi32>
    %mul3A_888 = arith.constant 36313 : i32
    %mul3A_889 = vector.broadcast %mul3A_888 : i32 to vector<16xi32>
    %mul3A_890 = arith.muli %get3A_881, %mul3A_889 : vector<16xi32>
    %mul3A_891 = arith.constant 27191 : i32
    %mul3A_892 = vector.broadcast %mul3A_891 : i32 to vector<16xi32>
    %mul3A_893 = arith.muli %get3A_884, %mul3A_892 : vector<16xi32>
    %xor3A_894 = arith.xori %mul3A_890, %mul3A_893 : vector<16xi32>
    %mul3A_895 = arith.constant 51637 : i32
    %mul3A_896 = vector.broadcast %mul3A_895 : i32 to vector<16xi32>
    %mul3A_897 = arith.muli %get3A_887, %mul3A_896 : vector<16xi32>
    %xor3A_898 = arith.xori %xor3A_894, %mul3A_897 : vector<16xi32>
    %convert_element_type3A_899 = arith.sitofp %xor3A_898 : vector<16xi32> to vector<16xf32>
    %lt3A_900 = arith.constant 0 : i32
    %lt3A_901 = vector.broadcast %lt3A_900 : i32 to vector<16xi32>
    %lt3A_902 = arith.cmpi slt, %xor3A_898, %lt3A_901 : vector<16xi32>
    %jit3A_903 = arith.constant 4.2949673E+9 : f32
    %jit3A_904 = arith.constant 0.000000e+00 : f32
    %broadcast_in_dim3A_905 = vector.broadcast %jit3A_903 : f32 to vector<16xf32>
    %broadcast_in_dim3A_906 = vector.broadcast %jit3A_904 : f32 to vector<16xf32>
    %select_n3A_907 = arith.select %lt3A_902, %broadcast_in_dim3A_905, %broadcast_in_dim3A_906 : vector<16xi1>, vector<16xf32>
    %add3A_908 = arith.addf %convert_element_type3A_899, %select_n3A_907 : vector<16xf32>
    %mul3A_909 = arith.constant 1.00000102E-6 : f32
    %mul3A_910 = vector.broadcast %mul3A_909 : f32 to vector<16xf32>
    %mul3A_911 = arith.mulf %add3A_908, %mul3A_910 : vector<16xf32>
    %convert_element_type3A_912 = arith.fptosi %mul3A_911 : vector<16xf32> to vector<16xi32>
    %mul3A_913 = arith.constant 999999 : i32
    %mul3A_914 = vector.broadcast %mul3A_913 : i32 to vector<16xi32>
    %mul3A_915 = arith.muli %convert_element_type3A_912, %mul3A_914 : vector<16xi32>
    %sub3A_916 = arith.subi %xor3A_898, %mul3A_915 : vector<16xi32>
    %lt3A_917 = arith.constant 0 : i32
    %lt3A_918 = vector.broadcast %lt3A_917 : i32 to vector<16xi32>
    %lt3A_919 = arith.cmpi slt, %sub3A_916, %lt3A_918 : vector<16xi32>
    %add3A_920 = arith.constant 999999 : i32
    %add3A_921 = vector.broadcast %add3A_920 : i32 to vector<16xi32>
    %add3A_922 = arith.addi %sub3A_916, %add3A_921 : vector<16xi32>
    %select_n3A_923 = arith.select %lt3A_919, %add3A_922, %sub3A_916 : vector<16xi1>, vector<16xi32>
    %ge3A_924 = arith.constant 999999 : i32
    %ge3A_925 = vector.broadcast %ge3A_924 : i32 to vector<16xi32>
    %ge3A_926 = arith.cmpi sge, %select_n3A_923, %ge3A_925 : vector<16xi32>
    %sub3A_927 = arith.constant 999999 : i32
    %sub3A_928 = vector.broadcast %sub3A_927 : i32 to vector<16xi32>
    %sub3A_929 = arith.subi %select_n3A_923, %sub3A_928 : vector<16xi32>
    %select_n3A_930 = arith.select %ge3A_926, %sub3A_929, %select_n3A_923 : vector<16xi1>, vector<16xi32>
    %swap3A_931 = arith.constant 1 : i64
    %swap3A_932 = arith.index_cast %swap3A_931 : i64 to index
    %swap3A_933 = arith.constant 112 : index
    %swap3A_934 = tpu.vector_load %arg6[%swap3A_932, %swap3A_933] {strides = array<i32>} : memref<8x128xi32, #tpu.memory_space<vmem>>, vector<1x16xi32>,
    %swap3A_935 = vector.shape_cast %swap3A_934 : vector<1x16xi32> to vector<16xi32>
    %swap3A_936 = vector.shape_cast %select_n3A_930 : vector<16xi32> to vector<1x16xi32>
    tpu.vector_store %arg6[%swap3A_932, %swap3A_933], %swap3A_936 {strides = array<i32>} : memref<8x128xi32, #tpu.memory_space<vmem>>, vector<1x16xi32>,
    %get3A_937 = arith.constant 272 : index
    %get3A_938 = tpu.vector_load %arg5[%get3A_937] {strides = array<i32>} : memref<1040xi32, #tpu.memory_space<vmem>>, vector<16xi32>,
    %get3A_939 = vector.shape_cast %get3A_938 : vector<16xi32> to vector<16xi32>
    %get3A_940 = arith.constant 271 : index
    %get3A_941 = tpu.vector_load %arg5[%get3A_940] {strides = array<i32>} : memref<1040xi32, #tpu.memory_space<vmem>>, vector<16xi32>,
    %get3A_942 = vector.shape_cast %get3A_941 : vector<16xi32> to vector<16xi32>
    %get3A_943 = arith.constant 270 : index
    %get3A_944 = tpu.vector_load %arg5[%get3A_943] {strides = array<i32>} : memref<1040xi32, #tpu.memory_space<vmem>>, vector<16xi32>,
    %get3A_945 = vector.shape_cast %get3A_944 : vector<16xi32> to vector<16xi32>
    %mul3A_946 = arith.constant 36313 : i32
    %mul3A_947 = vector.broadcast %mul3A_946 : i32 to vector<16xi32>
    %mul3A_948 = arith.muli %get3A_939, %mul3A_947 : vector<16xi32>
    %mul3A_949 = arith.constant 27191 : i32
    %mul3A_950 = vector.broadcast %mul3A_949 : i32 to vector<16xi32>
    %mul3A_951 = arith.muli %get3A_942, %mul3A_950 : vector<16xi32>
    %xor3A_952 = arith.xori %mul3A_948, %mul3A_951 : vector<16xi32>
    %mul3A_953 = arith.constant 51637 : i32
    %mul3A_954 = vector.broadcast %mul3A_953 : i32 to vector<16xi32>
    %mul3A_955 = arith.muli %get3A_945, %mul3A_954 : vector<16xi32>
    %xor3A_956 = arith.xori %xor3A_952, %mul3A_955 : vector<16xi32>
    %convert_element_type3A_957 = arith.sitofp %xor3A_956 : vector<16xi32> to vector<16xf32>
    %lt3A_958 = arith.constant 0 : i32
    %lt3A_959 = vector.broadcast %lt3A_958 : i32 to vector<16xi32>
    %lt3A_960 = arith.cmpi slt, %xor3A_956, %lt3A_959 : vector<16xi32>
    %jit3A_961 = arith.constant 4.2949673E+9 : f32
    %jit3A_962 = arith.constant 0.000000e+00 : f32
    %broadcast_in_dim3A_963 = vector.broadcast %jit3A_961 : f32 to vector<16xf32>
    %broadcast_in_dim3A_964 = vector.broadcast %jit3A_962 : f32 to vector<16xf32>
    %select_n3A_965 = arith.select %lt3A_960, %broadcast_in_dim3A_963, %broadcast_in_dim3A_964 : vector<16xi1>, vector<16xf32>
    %add3A_966 = arith.addf %convert_element_type3A_957, %select_n3A_965 : vector<16xf32>
    %mul3A_967 = arith.constant 1.00000102E-6 : f32
    %mul3A_968 = vector.broadcast %mul3A_967 : f32 to vector<16xf32>
    %mul3A_969 = arith.mulf %add3A_966, %mul3A_968 : vector<16xf32>
    %convert_element_type3A_970 = arith.fptosi %mul3A_969 : vector<16xf32> to vector<16xi32>
    %mul3A_971 = arith.constant 999999 : i32
    %mul3A_972 = vector.broadcast %mul3A_971 : i32 to vector<16xi32>
    %mul3A_973 = arith.muli %convert_element_type3A_970, %mul3A_972 : vector<16xi32>
    %sub3A_974 = arith.subi %xor3A_956, %mul3A_973 : vector<16xi32>
    %lt3A_975 = arith.constant 0 : i32
    %lt3A_976 = vector.broadcast %lt3A_975 : i32 to vector<16xi32>
    %lt3A_977 = arith.cmpi slt, %sub3A_974, %lt3A_976 : vector<16xi32>
    %add3A_978 = arith.constant 999999 : i32
    %add3A_979 = vector.broadcast %add3A_978 : i32 to vector<16xi32>
    %add3A_980 = arith.addi %sub3A_974, %add3A_979 : vector<16xi32>
    %select_n3A_981 = arith.select %lt3A_977, %add3A_980, %sub3A_974 : vector<16xi1>, vector<16xi32>
    %ge3A_982 = arith.constant 999999 : i32
    %ge3A_983 = vector.broadcast %ge3A_982 : i32 to vector<16xi32>
    %ge3A_984 = arith.cmpi sge, %select_n3A_981, %ge3A_983 : vector<16xi32>
    %sub3A_985 = arith.constant 999999 : i32
    %sub3A_986 = vector.broadcast %sub3A_985 : i32 to vector<16xi32>
    %sub3A_987 = arith.subi %select_n3A_981, %sub3A_986 : vector<16xi32>
    %select_n3A_988 = arith.select %ge3A_984, %sub3A_987, %select_n3A_981 : vector<16xi1>, vector<16xi32>
    %swap3A_989 = arith.constant 2 : i64
    %swap3A_990 = arith.index_cast %swap3A_989 : i64 to index
    %swap3A_991 = arith.constant 0 : index
    %swap3A_992 = tpu.vector_load %arg6[%swap3A_990, %swap3A_991] {strides = array<i32>} : memref<8x128xi32, #tpu.memory_space<vmem>>, vector<1x16xi32>,
    %swap3A_993 = vector.shape_cast %swap3A_992 : vector<1x16xi32> to vector<16xi32>
    %swap3A_994 = vector.shape_cast %select_n3A_988 : vector<16xi32> to vector<1x16xi32>
    tpu.vector_store %arg6[%swap3A_990, %swap3A_991], %swap3A_994 {strides = array<i32>} : memref<8x128xi32, #tpu.memory_space<vmem>>, vector<1x16xi32>,
    %get3A_995 = arith.constant 288 : index
    %get3A_996 = tpu.vector_load %arg5[%get3A_995] {strides = array<i32>} : memref<1040xi32, #tpu.memory_space<vmem>>, vector<16xi32>,
    %get3A_997 = vector.shape_cast %get3A_996 : vector<16xi32> to vector<16xi32>
    %get3A_998 = arith.constant 287 : index
    %get3A_999 = tpu.vector_load %arg5[%get3A_998] {strides = array<i32>} : memref<1040xi32, #tpu.memory_space<vmem>>, vector<16xi32>,
    %get3A_1000 = vector.shape_cast %get3A_999 : vector<16xi32> to vector<16xi32>
    %get3A_1001 = arith.constant 286 : index
    %get3A_1002 = tpu.vector_load %arg5[%get3A_1001] {strides = array<i32>} : memref<1040xi32, #tpu.memory_space<vmem>>, vector<16xi32>,
    %get3A_1003 = vector.shape_cast %get3A_1002 : vector<16xi32> to vector<16xi32>
    %mul3A_1004 = arith.constant 36313 : i32
    %mul3A_1005 = vector.broadcast %mul3A_1004 : i32 to vector<16xi32>
    %mul3A_1006 = arith.muli %get3A_997, %mul3A_1005 : vector<16xi32>
    %mul3A_1007 = arith.constant 27191 : i32
    %mul3A_1008 = vector.broadcast %mul3A_1007 : i32 to vector<16xi32>
    %mul3A_1009 = arith.muli %get3A_1000, %mul3A_1008 : vector<16xi32>
    %xor3A_1010 = arith.xori %mul3A_1006, %mul3A_1009 : vector<16xi32>
    %mul3A_1011 = arith.constant 51637 : i32
    %mul3A_1012 = vector.broadcast %mul3A_1011 : i32 to vector<16xi32>
    %mul3A_1013 = arith.muli %get3A_1003, %mul3A_1012 : vector<16xi32>
    %xor3A_1014 = arith.xori %xor3A_1010, %mul3A_1013 : vector<16xi32>
    %convert_element_type3A_1015 = arith.sitofp %xor3A_1014 : vector<16xi32> to vector<16xf32>
    %lt3A_1016 = arith.constant 0 : i32
    %lt3A_1017 = vector.broadcast %lt3A_1016 : i32 to vector<16xi32>
    %lt3A_1018 = arith.cmpi slt, %xor3A_1014, %lt3A_1017 : vector<16xi32>
    %jit3A_1019 = arith.constant 4.2949673E+9 : f32
    %jit3A_1020 = arith.constant 0.000000e+00 : f32
    %broadcast_in_dim3A_1021 = vector.broadcast %jit3A_1019 : f32 to vector<16xf32>
    %broadcast_in_dim3A_1022 = vector.broadcast %jit3A_1020 : f32 to vector<16xf32>
    %select_n3A_1023 = arith.select %lt3A_1018, %broadcast_in_dim3A_1021, %broadcast_in_dim3A_1022 : vector<16xi1>, vector<16xf32>
    %add3A_1024 = arith.addf %convert_element_type3A_1015, %select_n3A_1023 : vector<16xf32>
    %mul3A_1025 = arith.constant 1.00000102E-6 : f32
    %mul3A_1026 = vector.broadcast %mul3A_1025 : f32 to vector<16xf32>
    %mul3A_1027 = arith.mulf %add3A_1024, %mul3A_1026 : vector<16xf32>
    %convert_element_type3A_1028 = arith.fptosi %mul3A_1027 : vector<16xf32> to vector<16xi32>
    %mul3A_1029 = arith.constant 999999 : i32
    %mul3A_1030 = vector.broadcast %mul3A_1029 : i32 to vector<16xi32>
    %mul3A_1031 = arith.muli %convert_element_type3A_1028, %mul3A_1030 : vector<16xi32>
    %sub3A_1032 = arith.subi %xor3A_1014, %mul3A_1031 : vector<16xi32>
    %lt3A_1033 = arith.constant 0 : i32
    %lt3A_1034 = vector.broadcast %lt3A_1033 : i32 to vector<16xi32>
    %lt3A_1035 = arith.cmpi slt, %sub3A_1032, %lt3A_1034 : vector<16xi32>
    %add3A_1036 = arith.constant 999999 : i32
    %add3A_1037 = vector.broadcast %add3A_1036 : i32 to vector<16xi32>
    %add3A_1038 = arith.addi %sub3A_1032, %add3A_1037 : vector<16xi32>
    %select_n3A_1039 = arith.select %lt3A_1035, %add3A_1038, %sub3A_1032 : vector<16xi1>, vector<16xi32>
    %ge3A_1040 = arith.constant 999999 : i32
    %ge3A_1041 = vector.broadcast %ge3A_1040 : i32 to vector<16xi32>
    %ge3A_1042 = arith.cmpi sge, %select_n3A_1039, %ge3A_1041 : vector<16xi32>
    %sub3A_1043 = arith.constant 999999 : i32
    %sub3A_1044 = vector.broadcast %sub3A_1043 : i32 to vector<16xi32>
    %sub3A_1045 = arith.subi %select_n3A_1039, %sub3A_1044 : vector<16xi32>
    %select_n3A_1046 = arith.select %ge3A_1042, %sub3A_1045, %select_n3A_1039 : vector<16xi1>, vector<16xi32>
    %swap3A_1047 = arith.constant 2 : i64
    %swap3A_1048 = arith.index_cast %swap3A_1047 : i64 to index
    %swap3A_1049 = arith.constant 16 : index
    %swap3A_1050 = tpu.vector_load %arg6[%swap3A_1048, %swap3A_1049] {strides = array<i32>} : memref<8x128xi32, #tpu.memory_space<vmem>>, vector<1x16xi32>,
    %swap3A_1051 = vector.shape_cast %swap3A_1050 : vector<1x16xi32> to vector<16xi32>
    %swap3A_1052 = vector.shape_cast %select_n3A_1046 : vector<16xi32> to vector<1x16xi32>
    tpu.vector_store %arg6[%swap3A_1048, %swap3A_1049], %swap3A_1052 {strides = array<i32>} : memref<8x128xi32, #tpu.memory_space<vmem>>, vector<1x16xi32>,
    %get3A_1053 = arith.constant 304 : index
    %get3A_1054 = tpu.vector_load %arg5[%get3A_1053] {strides = array<i32>} : memref<1040xi32, #tpu.memory_space<vmem>>, vector<16xi32>,
    %get3A_1055 = vector.shape_cast %get3A_1054 : vector<16xi32> to vector<16xi32>
    %get3A_1056 = arith.constant 303 : index
    %get3A_1057 = tpu.vector_load %arg5[%get3A_1056] {strides = array<i32>} : memref<1040xi32, #tpu.memory_space<vmem>>, vector<16xi32>,
    %get3A_1058 = vector.shape_cast %get3A_1057 : vector<16xi32> to vector<16xi32>
    %get3A_1059 = arith.constant 302 : index
    %get3A_1060 = tpu.vector_load %arg5[%get3A_1059] {strides = array<i32>} : memref<1040xi32, #tpu.memory_space<vmem>>, vector<16xi32>,
    %get3A_1061 = vector.shape_cast %get3A_1060 : vector<16xi32> to vector<16xi32>
    %mul3A_1062 = arith.constant 36313 : i32
    %mul3A_1063 = vector.broadcast %mul3A_1062 : i32 to vector<16xi32>
    %mul3A_1064 = arith.muli %get3A_1055, %mul3A_1063 : vector<16xi32>
    %mul3A_1065 = arith.constant 27191 : i32
    %mul3A_1066 = vector.broadcast %mul3A_1065 : i32 to vector<16xi32>
    %mul3A_1067 = arith.muli %get3A_1058, %mul3A_1066 : vector<16xi32>
    %xor3A_1068 = arith.xori %mul3A_1064, %mul3A_1067 : vector<16xi32>
    %mul3A_1069 = arith.constant 51637 : i32
    %mul3A_1070 = vector.broadcast %mul3A_1069 : i32 to vector<16xi32>
    %mul3A_1071 = arith.muli %get3A_1061, %mul3A_1070 : vector<16xi32>
    %xor3A_1072 = arith.xori %xor3A_1068, %mul3A_1071 : vector<16xi32>
    %convert_element_type3A_1073 = arith.sitofp %xor3A_1072 : vector<16xi32> to vector<16xf32>
    %lt3A_1074 = arith.constant 0 : i32
    %lt3A_1075 = vector.broadcast %lt3A_1074 : i32 to vector<16xi32>
    %lt3A_1076 = arith.cmpi slt, %xor3A_1072, %lt3A_1075 : vector<16xi32>
    %jit3A_1077 = arith.constant 4.2949673E+9 : f32
    %jit3A_1078 = arith.constant 0.000000e+00 : f32
    %broadcast_in_dim3A_1079 = vector.broadcast %jit3A_1077 : f32 to vector<16xf32>
    %broadcast_in_dim3A_1080 = vector.broadcast %jit3A_1078 : f32 to vector<16xf32>
    %select_n3A_1081 = arith.select %lt3A_1076, %broadcast_in_dim3A_1079, %broadcast_in_dim3A_1080 : vector<16xi1>, vector<16xf32>
    %add3A_1082 = arith.addf %convert_element_type3A_1073, %select_n3A_1081 : vector<16xf32>
    %mul3A_1083 = arith.constant 1.00000102E-6 : f32
    %mul3A_1084 = vector.broadcast %mul3A_1083 : f32 to vector<16xf32>
    %mul3A_1085 = arith.mulf %add3A_1082, %mul3A_1084 : vector<16xf32>
    %convert_element_type3A_1086 = arith.fptosi %mul3A_1085 : vector<16xf32> to vector<16xi32>
    %mul3A_1087 = arith.constant 999999 : i32
    %mul3A_1088 = vector.broadcast %mul3A_1087 : i32 to vector<16xi32>
    %mul3A_1089 = arith.muli %convert_element_type3A_1086, %mul3A_1088 : vector<16xi32>
    %sub3A_1090 = arith.subi %xor3A_1072, %mul3A_1089 : vector<16xi32>
    %lt3A_1091 = arith.constant 0 : i32
    %lt3A_1092 = vector.broadcast %lt3A_1091 : i32 to vector<16xi32>
    %lt3A_1093 = arith.cmpi slt, %sub3A_1090, %lt3A_1092 : vector<16xi32>
    %add3A_1094 = arith.constant 999999 : i32
    %add3A_1095 = vector.broadcast %add3A_1094 : i32 to vector<16xi32>
    %add3A_1096 = arith.addi %sub3A_1090, %add3A_1095 : vector<16xi32>
    %select_n3A_1097 = arith.select %lt3A_1093, %add3A_1096, %sub3A_1090 : vector<16xi1>, vector<16xi32>
    %ge3A_1098 = arith.constant 999999 : i32
    %ge3A_1099 = vector.broadcast %ge3A_1098 : i32 to vector<16xi32>
    %ge3A_1100 = arith.cmpi sge, %select_n3A_1097, %ge3A_1099 : vector<16xi32>
    %sub3A_1101 = arith.constant 999999 : i32
    %sub3A_1102 = vector.broadcast %sub3A_1101 : i32 to vector<16xi32>
    %sub3A_1103 = arith.subi %select_n3A_1097, %sub3A_1102 : vector<16xi32>
    %select_n3A_1104 = arith.select %ge3A_1100, %sub3A_1103, %select_n3A_1097 : vector<16xi1>, vector<16xi32>
    %swap3A_1105 = arith.constant 2 : i64
    %swap3A_1106 = arith.index_cast %swap3A_1105 : i64 to index
    %swap3A_1107 = arith.constant 32 : index
    %swap3A_1108 = tpu.vector_load %arg6[%swap3A_1106, %swap3A_1107] {strides = array<i32>} : memref<8x128xi32, #tpu.memory_space<vmem>>, vector<1x16xi32>,
    %swap3A_1109 = vector.shape_cast %swap3A_1108 : vector<1x16xi32> to vector<16xi32>
    %swap3A_1110 = vector.shape_cast %select_n3A_1104 : vector<16xi32> to vector<1x16xi32>
    tpu.vector_store %arg6[%swap3A_1106, %swap3A_1107], %swap3A_1110 {strides = array<i32>} : memref<8x128xi32, #tpu.memory_space<vmem>>, vector<1x16xi32>,
    %get3A_1111 = arith.constant 320 : index
    %get3A_1112 = tpu.vector_load %arg5[%get3A_1111] {strides = array<i32>} : memref<1040xi32, #tpu.memory_space<vmem>>, vector<16xi32>,
    %get3A_1113 = vector.shape_cast %get3A_1112 : vector<16xi32> to vector<16xi32>
    %get3A_1114 = arith.constant 319 : index
    %get3A_1115 = tpu.vector_load %arg5[%get3A_1114] {strides = array<i32>} : memref<1040xi32, #tpu.memory_space<vmem>>, vector<16xi32>,
    %get3A_1116 = vector.shape_cast %get3A_1115 : vector<16xi32> to vector<16xi32>
    %get3A_1117 = arith.constant 318 : index
    %get3A_1118 = tpu.vector_load %arg5[%get3A_1117] {strides = array<i32>} : memref<1040xi32, #tpu.memory_space<vmem>>, vector<16xi32>,
    %get3A_1119 = vector.shape_cast %get3A_1118 : vector<16xi32> to vector<16xi32>
    %mul3A_1120 = arith.constant 36313 : i32
    %mul3A_1121 = vector.broadcast %mul3A_1120 : i32 to vector<16xi32>
    %mul3A_1122 = arith.muli %get3A_1113, %mul3A_1121 : vector<16xi32>
    %mul3A_1123 = arith.constant 27191 : i32
    %mul3A_1124 = vector.broadcast %mul3A_1123 : i32 to vector<16xi32>
    %mul3A_1125 = arith.muli %get3A_1116, %mul3A_1124 : vector<16xi32>
    %xor3A_1126 = arith.xori %mul3A_1122, %mul3A_1125 : vector<16xi32>
    %mul3A_1127 = arith.constant 51637 : i32
    %mul3A_1128 = vector.broadcast %mul3A_1127 : i32 to vector<16xi32>
    %mul3A_1129 = arith.muli %get3A_1119, %mul3A_1128 : vector<16xi32>
    %xor3A_1130 = arith.xori %xor3A_1126, %mul3A_1129 : vector<16xi32>
    %convert_element_type3A_1131 = arith.sitofp %xor3A_1130 : vector<16xi32> to vector<16xf32>
    %lt3A_1132 = arith.constant 0 : i32
    %lt3A_1133 = vector.broadcast %lt3A_1132 : i32 to vector<16xi32>
    %lt3A_1134 = arith.cmpi slt, %xor3A_1130, %lt3A_1133 : vector<16xi32>
    %jit3A_1135 = arith.constant 4.2949673E+9 : f32
    %jit3A_1136 = arith.constant 0.000000e+00 : f32
    %broadcast_in_dim3A_1137 = vector.broadcast %jit3A_1135 : f32 to vector<16xf32>
    %broadcast_in_dim3A_1138 = vector.broadcast %jit3A_1136 : f32 to vector<16xf32>
    %select_n3A_1139 = arith.select %lt3A_1134, %broadcast_in_dim3A_1137, %broadcast_in_dim3A_1138 : vector<16xi1>, vector<16xf32>
    %add3A_1140 = arith.addf %convert_element_type3A_1131, %select_n3A_1139 : vector<16xf32>
    %mul3A_1141 = arith.constant 1.00000102E-6 : f32
    %mul3A_1142 = vector.broadcast %mul3A_1141 : f32 to vector<16xf32>
    %mul3A_1143 = arith.mulf %add3A_1140, %mul3A_1142 : vector<16xf32>
    %convert_element_type3A_1144 = arith.fptosi %mul3A_1143 : vector<16xf32> to vector<16xi32>
    %mul3A_1145 = arith.constant 999999 : i32
    %mul3A_1146 = vector.broadcast %mul3A_1145 : i32 to vector<16xi32>
    %mul3A_1147 = arith.muli %convert_element_type3A_1144, %mul3A_1146 : vector<16xi32>
    %sub3A_1148 = arith.subi %xor3A_1130, %mul3A_1147 : vector<16xi32>
    %lt3A_1149 = arith.constant 0 : i32
    %lt3A_1150 = vector.broadcast %lt3A_1149 : i32 to vector<16xi32>
    %lt3A_1151 = arith.cmpi slt, %sub3A_1148, %lt3A_1150 : vector<16xi32>
    %add3A_1152 = arith.constant 999999 : i32
    %add3A_1153 = vector.broadcast %add3A_1152 : i32 to vector<16xi32>
    %add3A_1154 = arith.addi %sub3A_1148, %add3A_1153 : vector<16xi32>
    %select_n3A_1155 = arith.select %lt3A_1151, %add3A_1154, %sub3A_1148 : vector<16xi1>, vector<16xi32>
    %ge3A_1156 = arith.constant 999999 : i32
    %ge3A_1157 = vector.broadcast %ge3A_1156 : i32 to vector<16xi32>
    %ge3A_1158 = arith.cmpi sge, %select_n3A_1155, %ge3A_1157 : vector<16xi32>
    %sub3A_1159 = arith.constant 999999 : i32
    %sub3A_1160 = vector.broadcast %sub3A_1159 : i32 to vector<16xi32>
    %sub3A_1161 = arith.subi %select_n3A_1155, %sub3A_1160 : vector<16xi32>
    %select_n3A_1162 = arith.select %ge3A_1158, %sub3A_1161, %select_n3A_1155 : vector<16xi1>, vector<16xi32>
    %swap3A_1163 = arith.constant 2 : i64
    %swap3A_1164 = arith.index_cast %swap3A_1163 : i64 to index
    %swap3A_1165 = arith.constant 48 : index
    %swap3A_1166 = tpu.vector_load %arg6[%swap3A_1164, %swap3A_1165] {strides = array<i32>} : memref<8x128xi32, #tpu.memory_space<vmem>>, vector<1x16xi32>,
    %swap3A_1167 = vector.shape_cast %swap3A_1166 : vector<1x16xi32> to vector<16xi32>
    %swap3A_1168 = vector.shape_cast %select_n3A_1162 : vector<16xi32> to vector<1x16xi32>
    tpu.vector_store %arg6[%swap3A_1164, %swap3A_1165], %swap3A_1168 {strides = array<i32>} : memref<8x128xi32, #tpu.memory_space<vmem>>, vector<1x16xi32>,
    %get3A_1169 = arith.constant 336 : index
    %get3A_1170 = tpu.vector_load %arg5[%get3A_1169] {strides = array<i32>} : memref<1040xi32, #tpu.memory_space<vmem>>, vector<16xi32>,
    %get3A_1171 = vector.shape_cast %get3A_1170 : vector<16xi32> to vector<16xi32>
    %get3A_1172 = arith.constant 335 : index
    %get3A_1173 = tpu.vector_load %arg5[%get3A_1172] {strides = array<i32>} : memref<1040xi32, #tpu.memory_space<vmem>>, vector<16xi32>,
    %get3A_1174 = vector.shape_cast %get3A_1173 : vector<16xi32> to vector<16xi32>
    %get3A_1175 = arith.constant 334 : index
    %get3A_1176 = tpu.vector_load %arg5[%get3A_1175] {strides = array<i32>} : memref<1040xi32, #tpu.memory_space<vmem>>, vector<16xi32>,
    %get3A_1177 = vector.shape_cast %get3A_1176 : vector<16xi32> to vector<16xi32>
    %mul3A_1178 = arith.constant 36313 : i32
    %mul3A_1179 = vector.broadcast %mul3A_1178 : i32 to vector<16xi32>
    %mul3A_1180 = arith.muli %get3A_1171, %mul3A_1179 : vector<16xi32>
    %mul3A_1181 = arith.constant 27191 : i32
    %mul3A_1182 = vector.broadcast %mul3A_1181 : i32 to vector<16xi32>
    %mul3A_1183 = arith.muli %get3A_1174, %mul3A_1182 : vector<16xi32>
    %xor3A_1184 = arith.xori %mul3A_1180, %mul3A_1183 : vector<16xi32>
    %mul3A_1185 = arith.constant 51637 : i32
    %mul3A_1186 = vector.broadcast %mul3A_1185 : i32 to vector<16xi32>
    %mul3A_1187 = arith.muli %get3A_1177, %mul3A_1186 : vector<16xi32>
    %xor3A_1188 = arith.xori %xor3A_1184, %mul3A_1187 : vector<16xi32>
    %convert_element_type3A_1189 = arith.sitofp %xor3A_1188 : vector<16xi32> to vector<16xf32>
    %lt3A_1190 = arith.constant 0 : i32
    %lt3A_1191 = vector.broadcast %lt3A_1190 : i32 to vector<16xi32>
    %lt3A_1192 = arith.cmpi slt, %xor3A_1188, %lt3A_1191 : vector<16xi32>
    %jit3A_1193 = arith.constant 4.2949673E+9 : f32
    %jit3A_1194 = arith.constant 0.000000e+00 : f32
    %broadcast_in_dim3A_1195 = vector.broadcast %jit3A_1193 : f32 to vector<16xf32>
    %broadcast_in_dim3A_1196 = vector.broadcast %jit3A_1194 : f32 to vector<16xf32>
    %select_n3A_1197 = arith.select %lt3A_1192, %broadcast_in_dim3A_1195, %broadcast_in_dim3A_1196 : vector<16xi1>, vector<16xf32>
    %add3A_1198 = arith.addf %convert_element_type3A_1189, %select_n3A_1197 : vector<16xf32>
    %mul3A_1199 = arith.constant 1.00000102E-6 : f32
    %mul3A_1200 = vector.broadcast %mul3A_1199 : f32 to vector<16xf32>
    %mul3A_1201 = arith.mulf %add3A_1198, %mul3A_1200 : vector<16xf32>
    %convert_element_type3A_1202 = arith.fptosi %mul3A_1201 : vector<16xf32> to vector<16xi32>
    %mul3A_1203 = arith.constant 999999 : i32
    %mul3A_1204 = vector.broadcast %mul3A_1203 : i32 to vector<16xi32>
    %mul3A_1205 = arith.muli %convert_element_type3A_1202, %mul3A_1204 : vector<16xi32>
    %sub3A_1206 = arith.subi %xor3A_1188, %mul3A_1205 : vector<16xi32>
    %lt3A_1207 = arith.constant 0 : i32
    %lt3A_1208 = vector.broadcast %lt3A_1207 : i32 to vector<16xi32>
    %lt3A_1209 = arith.cmpi slt, %sub3A_1206, %lt3A_1208 : vector<16xi32>
    %add3A_1210 = arith.constant 999999 : i32
    %add3A_1211 = vector.broadcast %add3A_1210 : i32 to vector<16xi32>
    %add3A_1212 = arith.addi %sub3A_1206, %add3A_1211 : vector<16xi32>
    %select_n3A_1213 = arith.select %lt3A_1209, %add3A_1212, %sub3A_1206 : vector<16xi1>, vector<16xi32>
    %ge3A_1214 = arith.constant 999999 : i32
    %ge3A_1215 = vector.broadcast %ge3A_1214 : i32 to vector<16xi32>
    %ge3A_1216 = arith.cmpi sge, %select_n3A_1213, %ge3A_1215 : vector<16xi32>
    %sub3A_1217 = arith.constant 999999 : i32
    %sub3A_1218 = vector.broadcast %sub3A_1217 : i32 to vector<16xi32>
    %sub3A_1219 = arith.subi %select_n3A_1213, %sub3A_1218 : vector<16xi32>
    %select_n3A_1220 = arith.select %ge3A_1216, %sub3A_1219, %select_n3A_1213 : vector<16xi1>, vector<16xi32>
    %swap3A_1221 = arith.constant 2 : i64
    %swap3A_1222 = arith.index_cast %swap3A_1221 : i64 to index
    %swap3A_1223 = arith.constant 64 : index
    %swap3A_1224 = tpu.vector_load %arg6[%swap3A_1222, %swap3A_1223] {strides = array<i32>} : memref<8x128xi32, #tpu.memory_space<vmem>>, vector<1x16xi32>,
    %swap3A_1225 = vector.shape_cast %swap3A_1224 : vector<1x16xi32> to vector<16xi32>
    %swap3A_1226 = vector.shape_cast %select_n3A_1220 : vector<16xi32> to vector<1x16xi32>
    tpu.vector_store %arg6[%swap3A_1222, %swap3A_1223], %swap3A_1226 {strides = array<i32>} : memref<8x128xi32, #tpu.memory_space<vmem>>, vector<1x16xi32>,
    %get3A_1227 = arith.constant 352 : index
    %get3A_1228 = tpu.vector_load %arg5[%get3A_1227] {strides = array<i32>} : memref<1040xi32, #tpu.memory_space<vmem>>, vector<16xi32>,
    %get3A_1229 = vector.shape_cast %get3A_1228 : vector<16xi32> to vector<16xi32>
    %get3A_1230 = arith.constant 351 : index
    %get3A_1231 = tpu.vector_load %arg5[%get3A_1230] {strides = array<i32>} : memref<1040xi32, #tpu.memory_space<vmem>>, vector<16xi32>,
    %get3A_1232 = vector.shape_cast %get3A_1231 : vector<16xi32> to vector<16xi32>
    %get3A_1233 = arith.constant 350 : index
    %get3A_1234 = tpu.vector_load %arg5[%get3A_1233] {strides = array<i32>} : memref<1040xi32, #tpu.memory_space<vmem>>, vector<16xi32>,
    %get3A_1235 = vector.shape_cast %get3A_1234 : vector<16xi32> to vector<16xi32>
    %mul3A_1236 = arith.constant 36313 : i32
    %mul3A_1237 = vector.broadcast %mul3A_1236 : i32 to vector<16xi32>
    %mul3A_1238 = arith.muli %get3A_1229, %mul3A_1237 : vector<16xi32>
    %mul3A_1239 = arith.constant 27191 : i32
    %mul3A_1240 = vector.broadcast %mul3A_1239 : i32 to vector<16xi32>
    %mul3A_1241 = arith.muli %get3A_1232, %mul3A_1240 : vector<16xi32>
    %xor3A_1242 = arith.xori %mul3A_1238, %mul3A_1241 : vector<16xi32>
    %mul3A_1243 = arith.constant 51637 : i32
    %mul3A_1244 = vector.broadcast %mul3A_1243 : i32 to vector<16xi32>
    %mul3A_1245 = arith.muli %get3A_1235, %mul3A_1244 : vector<16xi32>
    %xor3A_1246 = arith.xori %xor3A_1242, %mul3A_1245 : vector<16xi32>
    %convert_element_type3A_1247 = arith.sitofp %xor3A_1246 : vector<16xi32> to vector<16xf32>
    %lt3A_1248 = arith.constant 0 : i32
    %lt3A_1249 = vector.broadcast %lt3A_1248 : i32 to vector<16xi32>
    %lt3A_1250 = arith.cmpi slt, %xor3A_1246, %lt3A_1249 : vector<16xi32>
    %jit3A_1251 = arith.constant 4.2949673E+9 : f32
    %jit3A_1252 = arith.constant 0.000000e+00 : f32
    %broadcast_in_dim3A_1253 = vector.broadcast %jit3A_1251 : f32 to vector<16xf32>
    %broadcast_in_dim3A_1254 = vector.broadcast %jit3A_1252 : f32 to vector<16xf32>
    %select_n3A_1255 = arith.select %lt3A_1250, %broadcast_in_dim3A_1253, %broadcast_in_dim3A_1254 : vector<16xi1>, vector<16xf32>
    %add3A_1256 = arith.addf %convert_element_type3A_1247, %select_n3A_1255 : vector<16xf32>
    %mul3A_1257 = arith.constant 1.00000102E-6 : f32
    %mul3A_1258 = vector.broadcast %mul3A_1257 : f32 to vector<16xf32>
    %mul3A_1259 = arith.mulf %add3A_1256, %mul3A_1258 : vector<16xf32>
    %convert_element_type3A_1260 = arith.fptosi %mul3A_1259 : vector<16xf32> to vector<16xi32>
    %mul3A_1261 = arith.constant 999999 : i32
    %mul3A_1262 = vector.broadcast %mul3A_1261 : i32 to vector<16xi32>
    %mul3A_1263 = arith.muli %convert_element_type3A_1260, %mul3A_1262 : vector<16xi32>
    %sub3A_1264 = arith.subi %xor3A_1246, %mul3A_1263 : vector<16xi32>
    %lt3A_1265 = arith.constant 0 : i32
    %lt3A_1266 = vector.broadcast %lt3A_1265 : i32 to vector<16xi32>
    %lt3A_1267 = arith.cmpi slt, %sub3A_1264, %lt3A_1266 : vector<16xi32>
    %add3A_1268 = arith.constant 999999 : i32
    %add3A_1269 = vector.broadcast %add3A_1268 : i32 to vector<16xi32>
    %add3A_1270 = arith.addi %sub3A_1264, %add3A_1269 : vector<16xi32>
    %select_n3A_1271 = arith.select %lt3A_1267, %add3A_1270, %sub3A_1264 : vector<16xi1>, vector<16xi32>
    %ge3A_1272 = arith.constant 999999 : i32
    %ge3A_1273 = vector.broadcast %ge3A_1272 : i32 to vector<16xi32>
    %ge3A_1274 = arith.cmpi sge, %select_n3A_1271, %ge3A_1273 : vector<16xi32>
    %sub3A_1275 = arith.constant 999999 : i32
    %sub3A_1276 = vector.broadcast %sub3A_1275 : i32 to vector<16xi32>
    %sub3A_1277 = arith.subi %select_n3A_1271, %sub3A_1276 : vector<16xi32>
    %select_n3A_1278 = arith.select %ge3A_1274, %sub3A_1277, %select_n3A_1271 : vector<16xi1>, vector<16xi32>
    %swap3A_1279 = arith.constant 2 : i64
    %swap3A_1280 = arith.index_cast %swap3A_1279 : i64 to index
    %swap3A_1281 = arith.constant 80 : index
    %swap3A_1282 = tpu.vector_load %arg6[%swap3A_1280, %swap3A_1281] {strides = array<i32>} : memref<8x128xi32, #tpu.memory_space<vmem>>, vector<1x16xi32>,
    %swap3A_1283 = vector.shape_cast %swap3A_1282 : vector<1x16xi32> to vector<16xi32>
    %swap3A_1284 = vector.shape_cast %select_n3A_1278 : vector<16xi32> to vector<1x16xi32>
    tpu.vector_store %arg6[%swap3A_1280, %swap3A_1281], %swap3A_1284 {strides = array<i32>} : memref<8x128xi32, #tpu.memory_space<vmem>>, vector<1x16xi32>,
    %get3A_1285 = arith.constant 368 : index
    %get3A_1286 = tpu.vector_load %arg5[%get3A_1285] {strides = array<i32>} : memref<1040xi32, #tpu.memory_space<vmem>>, vector<16xi32>,
    %get3A_1287 = vector.shape_cast %get3A_1286 : vector<16xi32> to vector<16xi32>
    %get3A_1288 = arith.constant 367 : index
    %get3A_1289 = tpu.vector_load %arg5[%get3A_1288] {strides = array<i32>} : memref<1040xi32, #tpu.memory_space<vmem>>, vector<16xi32>,
    %get3A_1290 = vector.shape_cast %get3A_1289 : vector<16xi32> to vector<16xi32>
    %get3A_1291 = arith.constant 366 : index
    %get3A_1292 = tpu.vector_load %arg5[%get3A_1291] {strides = array<i32>} : memref<1040xi32, #tpu.memory_space<vmem>>, vector<16xi32>,
    %get3A_1293 = vector.shape_cast %get3A_1292 : vector<16xi32> to vector<16xi32>
    %mul3A_1294 = arith.constant 36313 : i32
    %mul3A_1295 = vector.broadcast %mul3A_1294 : i32 to vector<16xi32>
    %mul3A_1296 = arith.muli %get3A_1287, %mul3A_1295 : vector<16xi32>
    %mul3A_1297 = arith.constant 27191 : i32
    %mul3A_1298 = vector.broadcast %mul3A_1297 : i32 to vector<16xi32>
    %mul3A_1299 = arith.muli %get3A_1290, %mul3A_1298 : vector<16xi32>
    %xor3A_1300 = arith.xori %mul3A_1296, %mul3A_1299 : vector<16xi32>
    %mul3A_1301 = arith.constant 51637 : i32
    %mul3A_1302 = vector.broadcast %mul3A_1301 : i32 to vector<16xi32>
    %mul3A_1303 = arith.muli %get3A_1293, %mul3A_1302 : vector<16xi32>
    %xor3A_1304 = arith.xori %xor3A_1300, %mul3A_1303 : vector<16xi32>
    %convert_element_type3A_1305 = arith.sitofp %xor3A_1304 : vector<16xi32> to vector<16xf32>
    %lt3A_1306 = arith.constant 0 : i32
    %lt3A_1307 = vector.broadcast %lt3A_1306 : i32 to vector<16xi32>
    %lt3A_1308 = arith.cmpi slt, %xor3A_1304, %lt3A_1307 : vector<16xi32>
    %jit3A_1309 = arith.constant 4.2949673E+9 : f32
    %jit3A_1310 = arith.constant 0.000000e+00 : f32
    %broadcast_in_dim3A_1311 = vector.broadcast %jit3A_1309 : f32 to vector<16xf32>
    %broadcast_in_dim3A_1312 = vector.broadcast %jit3A_1310 : f32 to vector<16xf32>
    %select_n3A_1313 = arith.select %lt3A_1308, %broadcast_in_dim3A_1311, %broadcast_in_dim3A_1312 : vector<16xi1>, vector<16xf32>
    %add3A_1314 = arith.addf %convert_element_type3A_1305, %select_n3A_1313 : vector<16xf32>
    %mul3A_1315 = arith.constant 1.00000102E-6 : f32
    %mul3A_1316 = vector.broadcast %mul3A_1315 : f32 to vector<16xf32>
    %mul3A_1317 = arith.mulf %add3A_1314, %mul3A_1316 : vector<16xf32>
    %convert_element_type3A_1318 = arith.fptosi %mul3A_1317 : vector<16xf32> to vector<16xi32>
    %mul3A_1319 = arith.constant 999999 : i32
    %mul3A_1320 = vector.broadcast %mul3A_1319 : i32 to vector<16xi32>
    %mul3A_1321 = arith.muli %convert_element_type3A_1318, %mul3A_1320 : vector<16xi32>
    %sub3A_1322 = arith.subi %xor3A_1304, %mul3A_1321 : vector<16xi32>
    %lt3A_1323 = arith.constant 0 : i32
    %lt3A_1324 = vector.broadcast %lt3A_1323 : i32 to vector<16xi32>
    %lt3A_1325 = arith.cmpi slt, %sub3A_1322, %lt3A_1324 : vector<16xi32>
    %add3A_1326 = arith.constant 999999 : i32
    %add3A_1327 = vector.broadcast %add3A_1326 : i32 to vector<16xi32>
    %add3A_1328 = arith.addi %sub3A_1322, %add3A_1327 : vector<16xi32>
    %select_n3A_1329 = arith.select %lt3A_1325, %add3A_1328, %sub3A_1322 : vector<16xi1>, vector<16xi32>
    %ge3A_1330 = arith.constant 999999 : i32
    %ge3A_1331 = vector.broadcast %ge3A_1330 : i32 to vector<16xi32>
    %ge3A_1332 = arith.cmpi sge, %select_n3A_1329, %ge3A_1331 : vector<16xi32>
    %sub3A_1333 = arith.constant 999999 : i32
    %sub3A_1334 = vector.broadcast %sub3A_1333 : i32 to vector<16xi32>
    %sub3A_1335 = arith.subi %select_n3A_1329, %sub3A_1334 : vector<16xi32>
    %select_n3A_1336 = arith.select %ge3A_1332, %sub3A_1335, %select_n3A_1329 : vector<16xi1>, vector<16xi32>
    %swap3A_1337 = arith.constant 2 : i64
    %swap3A_1338 = arith.index_cast %swap3A_1337 : i64 to index
    %swap3A_1339 = arith.constant 96 : index
    %swap3A_1340 = tpu.vector_load %arg6[%swap3A_1338, %swap3A_1339] {strides = array<i32>} : memref<8x128xi32, #tpu.memory_space<vmem>>, vector<1x16xi32>,
    %swap3A_1341 = vector.shape_cast %swap3A_1340 : vector<1x16xi32> to vector<16xi32>
    %swap3A_1342 = vector.shape_cast %select_n3A_1336 : vector<16xi32> to vector<1x16xi32>
    tpu.vector_store %arg6[%swap3A_1338, %swap3A_1339], %swap3A_1342 {strides = array<i32>} : memref<8x128xi32, #tpu.memory_space<vmem>>, vector<1x16xi32>,
    %get3A_1343 = arith.constant 384 : index
    %get3A_1344 = tpu.vector_load %arg5[%get3A_1343] {strides = array<i32>} : memref<1040xi32, #tpu.memory_space<vmem>>, vector<16xi32>,
    %get3A_1345 = vector.shape_cast %get3A_1344 : vector<16xi32> to vector<16xi32>
    %get3A_1346 = arith.constant 383 : index
    %get3A_1347 = tpu.vector_load %arg5[%get3A_1346] {strides = array<i32>} : memref<1040xi32, #tpu.memory_space<vmem>>, vector<16xi32>,
    %get3A_1348 = vector.shape_cast %get3A_1347 : vector<16xi32> to vector<16xi32>
    %get3A_1349 = arith.constant 382 : index
    %get3A_1350 = tpu.vector_load %arg5[%get3A_1349] {strides = array<i32>} : memref<1040xi32, #tpu.memory_space<vmem>>, vector<16xi32>,
    %get3A_1351 = vector.shape_cast %get3A_1350 : vector<16xi32> to vector<16xi32>
    %mul3A_1352 = arith.constant 36313 : i32
    %mul3A_1353 = vector.broadcast %mul3A_1352 : i32 to vector<16xi32>
    %mul3A_1354 = arith.muli %get3A_1345, %mul3A_1353 : vector<16xi32>
    %mul3A_1355 = arith.constant 27191 : i32
    %mul3A_1356 = vector.broadcast %mul3A_1355 : i32 to vector<16xi32>
    %mul3A_1357 = arith.muli %get3A_1348, %mul3A_1356 : vector<16xi32>
    %xor3A_1358 = arith.xori %mul3A_1354, %mul3A_1357 : vector<16xi32>
    %mul3A_1359 = arith.constant 51637 : i32
    %mul3A_1360 = vector.broadcast %mul3A_1359 : i32 to vector<16xi32>
    %mul3A_1361 = arith.muli %get3A_1351, %mul3A_1360 : vector<16xi32>
    %xor3A_1362 = arith.xori %xor3A_1358, %mul3A_1361 : vector<16xi32>
    %convert_element_type3A_1363 = arith.sitofp %xor3A_1362 : vector<16xi32> to vector<16xf32>
    %lt3A_1364 = arith.constant 0 : i32
    %lt3A_1365 = vector.broadcast %lt3A_1364 : i32 to vector<16xi32>
    %lt3A_1366 = arith.cmpi slt, %xor3A_1362, %lt3A_1365 : vector<16xi32>
    %jit3A_1367 = arith.constant 4.2949673E+9 : f32
    %jit3A_1368 = arith.constant 0.000000e+00 : f32
    %broadcast_in_dim3A_1369 = vector.broadcast %jit3A_1367 : f32 to vector<16xf32>
    %broadcast_in_dim3A_1370 = vector.broadcast %jit3A_1368 : f32 to vector<16xf32>
    %select_n3A_1371 = arith.select %lt3A_1366, %broadcast_in_dim3A_1369, %broadcast_in_dim3A_1370 : vector<16xi1>, vector<16xf32>
    %add3A_1372 = arith.addf %convert_element_type3A_1363, %select_n3A_1371 : vector<16xf32>
    %mul3A_1373 = arith.constant 1.00000102E-6 : f32
    %mul3A_1374 = vector.broadcast %mul3A_1373 : f32 to vector<16xf32>
    %mul3A_1375 = arith.mulf %add3A_1372, %mul3A_1374 : vector<16xf32>
    %convert_element_type3A_1376 = arith.fptosi %mul3A_1375 : vector<16xf32> to vector<16xi32>
    %mul3A_1377 = arith.constant 999999 : i32
    %mul3A_1378 = vector.broadcast %mul3A_1377 : i32 to vector<16xi32>
    %mul3A_1379 = arith.muli %convert_element_type3A_1376, %mul3A_1378 : vector<16xi32>
    %sub3A_1380 = arith.subi %xor3A_1362, %mul3A_1379 : vector<16xi32>
    %lt3A_1381 = arith.constant 0 : i32
    %lt3A_1382 = vector.broadcast %lt3A_1381 : i32 to vector<16xi32>
    %lt3A_1383 = arith.cmpi slt, %sub3A_1380, %lt3A_1382 : vector<16xi32>
    %add3A_1384 = arith.constant 999999 : i32
    %add3A_1385 = vector.broadcast %add3A_1384 : i32 to vector<16xi32>
    %add3A_1386 = arith.addi %sub3A_1380, %add3A_1385 : vector<16xi32>
    %select_n3A_1387 = arith.select %lt3A_1383, %add3A_1386, %sub3A_1380 : vector<16xi1>, vector<16xi32>
    %ge3A_1388 = arith.constant 999999 : i32
    %ge3A_1389 = vector.broadcast %ge3A_1388 : i32 to vector<16xi32>
    %ge3A_1390 = arith.cmpi sge, %select_n3A_1387, %ge3A_1389 : vector<16xi32>
    %sub3A_1391 = arith.constant 999999 : i32
    %sub3A_1392 = vector.broadcast %sub3A_1391 : i32 to vector<16xi32>
    %sub3A_1393 = arith.subi %select_n3A_1387, %sub3A_1392 : vector<16xi32>
    %select_n3A_1394 = arith.select %ge3A_1390, %sub3A_1393, %select_n3A_1387 : vector<16xi1>, vector<16xi32>
    %swap3A_1395 = arith.constant 2 : i64
    %swap3A_1396 = arith.index_cast %swap3A_1395 : i64 to index
    %swap3A_1397 = arith.constant 112 : index
    %swap3A_1398 = tpu.vector_load %arg6[%swap3A_1396, %swap3A_1397] {strides = array<i32>} : memref<8x128xi32, #tpu.memory_space<vmem>>, vector<1x16xi32>,
    %swap3A_1399 = vector.shape_cast %swap3A_1398 : vector<1x16xi32> to vector<16xi32>
    %swap3A_1400 = vector.shape_cast %select_n3A_1394 : vector<16xi32> to vector<1x16xi32>
    tpu.vector_store %arg6[%swap3A_1396, %swap3A_1397], %swap3A_1400 {strides = array<i32>} : memref<8x128xi32, #tpu.memory_space<vmem>>, vector<1x16xi32>,
    %get3A_1401 = arith.constant 400 : index
    %get3A_1402 = tpu.vector_load %arg5[%get3A_1401] {strides = array<i32>} : memref<1040xi32, #tpu.memory_space<vmem>>, vector<16xi32>,
    %get3A_1403 = vector.shape_cast %get3A_1402 : vector<16xi32> to vector<16xi32>
    %get3A_1404 = arith.constant 399 : index
    %get3A_1405 = tpu.vector_load %arg5[%get3A_1404] {strides = array<i32>} : memref<1040xi32, #tpu.memory_space<vmem>>, vector<16xi32>,
    %get3A_1406 = vector.shape_cast %get3A_1405 : vector<16xi32> to vector<16xi32>
    %get3A_1407 = arith.constant 398 : index
    %get3A_1408 = tpu.vector_load %arg5[%get3A_1407] {strides = array<i32>} : memref<1040xi32, #tpu.memory_space<vmem>>, vector<16xi32>,
    %get3A_1409 = vector.shape_cast %get3A_1408 : vector<16xi32> to vector<16xi32>
    %mul3A_1410 = arith.constant 36313 : i32
    %mul3A_1411 = vector.broadcast %mul3A_1410 : i32 to vector<16xi32>
    %mul3A_1412 = arith.muli %get3A_1403, %mul3A_1411 : vector<16xi32>
    %mul3A_1413 = arith.constant 27191 : i32
    %mul3A_1414 = vector.broadcast %mul3A_1413 : i32 to vector<16xi32>
    %mul3A_1415 = arith.muli %get3A_1406, %mul3A_1414 : vector<16xi32>
    %xor3A_1416 = arith.xori %mul3A_1412, %mul3A_1415 : vector<16xi32>
    %mul3A_1417 = arith.constant 51637 : i32
    %mul3A_1418 = vector.broadcast %mul3A_1417 : i32 to vector<16xi32>
    %mul3A_1419 = arith.muli %get3A_1409, %mul3A_1418 : vector<16xi32>
    %xor3A_1420 = arith.xori %xor3A_1416, %mul3A_1419 : vector<16xi32>
    %convert_element_type3A_1421 = arith.sitofp %xor3A_1420 : vector<16xi32> to vector<16xf32>
    %lt3A_1422 = arith.constant 0 : i32
    %lt3A_1423 = vector.broadcast %lt3A_1422 : i32 to vector<16xi32>
    %lt3A_1424 = arith.cmpi slt, %xor3A_1420, %lt3A_1423 : vector<16xi32>
    %jit3A_1425 = arith.constant 4.2949673E+9 : f32
    %jit3A_1426 = arith.constant 0.000000e+00 : f32
    %broadcast_in_dim3A_1427 = vector.broadcast %jit3A_1425 : f32 to vector<16xf32>
    %broadcast_in_dim3A_1428 = vector.broadcast %jit3A_1426 : f32 to vector<16xf32>
    %select_n3A_1429 = arith.select %lt3A_1424, %broadcast_in_dim3A_1427, %broadcast_in_dim3A_1428 : vector<16xi1>, vector<16xf32>
    %add3A_1430 = arith.addf %convert_element_type3A_1421, %select_n3A_1429 : vector<16xf32>
    %mul3A_1431 = arith.constant 1.00000102E-6 : f32
    %mul3A_1432 = vector.broadcast %mul3A_1431 : f32 to vector<16xf32>
    %mul3A_1433 = arith.mulf %add3A_1430, %mul3A_1432 : vector<16xf32>
    %convert_element_type3A_1434 = arith.fptosi %mul3A_1433 : vector<16xf32> to vector<16xi32>
    %mul3A_1435 = arith.constant 999999 : i32
    %mul3A_1436 = vector.broadcast %mul3A_1435 : i32 to vector<16xi32>
    %mul3A_1437 = arith.muli %convert_element_type3A_1434, %mul3A_1436 : vector<16xi32>
    %sub3A_1438 = arith.subi %xor3A_1420, %mul3A_1437 : vector<16xi32>
    %lt3A_1439 = arith.constant 0 : i32
    %lt3A_1440 = vector.broadcast %lt3A_1439 : i32 to vector<16xi32>
    %lt3A_1441 = arith.cmpi slt, %sub3A_1438, %lt3A_1440 : vector<16xi32>
    %add3A_1442 = arith.constant 999999 : i32
    %add3A_1443 = vector.broadcast %add3A_1442 : i32 to vector<16xi32>
    %add3A_1444 = arith.addi %sub3A_1438, %add3A_1443 : vector<16xi32>
    %select_n3A_1445 = arith.select %lt3A_1441, %add3A_1444, %sub3A_1438 : vector<16xi1>, vector<16xi32>
    %ge3A_1446 = arith.constant 999999 : i32
    %ge3A_1447 = vector.broadcast %ge3A_1446 : i32 to vector<16xi32>
    %ge3A_1448 = arith.cmpi sge, %select_n3A_1445, %ge3A_1447 : vector<16xi32>
    %sub3A_1449 = arith.constant 999999 : i32
    %sub3A_1450 = vector.broadcast %sub3A_1449 : i32 to vector<16xi32>
    %sub3A_1451 = arith.subi %select_n3A_1445, %sub3A_1450 : vector<16xi32>
    %select_n3A_1452 = arith.select %ge3A_1448, %sub3A_1451, %select_n3A_1445 : vector<16xi1>, vector<16xi32>
    %swap3A_1453 = arith.constant 3 : i64
    %swap3A_1454 = arith.index_cast %swap3A_1453 : i64 to index
    %swap3A_1455 = arith.constant 0 : index
    %swap3A_1456 = tpu.vector_load %arg6[%swap3A_1454, %swap3A_1455] {strides = array<i32>} : memref<8x128xi32, #tpu.memory_space<vmem>>, vector<1x16xi32>,
    %swap3A_1457 = vector.shape_cast %swap3A_1456 : vector<1x16xi32> to vector<16xi32>
    %swap3A_1458 = vector.shape_cast %select_n3A_1452 : vector<16xi32> to vector<1x16xi32>
    tpu.vector_store %arg6[%swap3A_1454, %swap3A_1455], %swap3A_1458 {strides = array<i32>} : memref<8x128xi32, #tpu.memory_space<vmem>>, vector<1x16xi32>,
    %get3A_1459 = arith.constant 416 : index
    %get3A_1460 = tpu.vector_load %arg5[%get3A_1459] {strides = array<i32>} : memref<1040xi32, #tpu.memory_space<vmem>>, vector<16xi32>,
    %get3A_1461 = vector.shape_cast %get3A_1460 : vector<16xi32> to vector<16xi32>
    %get3A_1462 = arith.constant 415 : index
    %get3A_1463 = tpu.vector_load %arg5[%get3A_1462] {strides = array<i32>} : memref<1040xi32, #tpu.memory_space<vmem>>, vector<16xi32>,
    %get3A_1464 = vector.shape_cast %get3A_1463 : vector<16xi32> to vector<16xi32>
    %get3A_1465 = arith.constant 414 : index
    %get3A_1466 = tpu.vector_load %arg5[%get3A_1465] {strides = array<i32>} : memref<1040xi32, #tpu.memory_space<vmem>>, vector<16xi32>,
    %get3A_1467 = vector.shape_cast %get3A_1466 : vector<16xi32> to vector<16xi32>
    %mul3A_1468 = arith.constant 36313 : i32
    %mul3A_1469 = vector.broadcast %mul3A_1468 : i32 to vector<16xi32>
    %mul3A_1470 = arith.muli %get3A_1461, %mul3A_1469 : vector<16xi32>
    %mul3A_1471 = arith.constant 27191 : i32
    %mul3A_1472 = vector.broadcast %mul3A_1471 : i32 to vector<16xi32>
    %mul3A_1473 = arith.muli %get3A_1464, %mul3A_1472 : vector<16xi32>
    %xor3A_1474 = arith.xori %mul3A_1470, %mul3A_1473 : vector<16xi32>
    %mul3A_1475 = arith.constant 51637 : i32
    %mul3A_1476 = vector.broadcast %mul3A_1475 : i32 to vector<16xi32>
    %mul3A_1477 = arith.muli %get3A_1467, %mul3A_1476 : vector<16xi32>
    %xor3A_1478 = arith.xori %xor3A_1474, %mul3A_1477 : vector<16xi32>
    %convert_element_type3A_1479 = arith.sitofp %xor3A_1478 : vector<16xi32> to vector<16xf32>
    %lt3A_1480 = arith.constant 0 : i32
    %lt3A_1481 = vector.broadcast %lt3A_1480 : i32 to vector<16xi32>
    %lt3A_1482 = arith.cmpi slt, %xor3A_1478, %lt3A_1481 : vector<16xi32>
    %jit3A_1483 = arith.constant 4.2949673E+9 : f32
    %jit3A_1484 = arith.constant 0.000000e+00 : f32
    %broadcast_in_dim3A_1485 = vector.broadcast %jit3A_1483 : f32 to vector<16xf32>
    %broadcast_in_dim3A_1486 = vector.broadcast %jit3A_1484 : f32 to vector<16xf32>
    %select_n3A_1487 = arith.select %lt3A_1482, %broadcast_in_dim3A_1485, %broadcast_in_dim3A_1486 : vector<16xi1>, vector<16xf32>
    %add3A_1488 = arith.addf %convert_element_type3A_1479, %select_n3A_1487 : vector<16xf32>
    %mul3A_1489 = arith.constant 1.00000102E-6 : f32
    %mul3A_1490 = vector.broadcast %mul3A_1489 : f32 to vector<16xf32>
    %mul3A_1491 = arith.mulf %add3A_1488, %mul3A_1490 : vector<16xf32>
    %convert_element_type3A_1492 = arith.fptosi %mul3A_1491 : vector<16xf32> to vector<16xi32>
    %mul3A_1493 = arith.constant 999999 : i32
    %mul3A_1494 = vector.broadcast %mul3A_1493 : i32 to vector<16xi32>
    %mul3A_1495 = arith.muli %convert_element_type3A_1492, %mul3A_1494 : vector<16xi32>
    %sub3A_1496 = arith.subi %xor3A_1478, %mul3A_1495 : vector<16xi32>
    %lt3A_1497 = arith.constant 0 : i32
    %lt3A_1498 = vector.broadcast %lt3A_1497 : i32 to vector<16xi32>
    %lt3A_1499 = arith.cmpi slt, %sub3A_1496, %lt3A_1498 : vector<16xi32>
    %add3A_1500 = arith.constant 999999 : i32
    %add3A_1501 = vector.broadcast %add3A_1500 : i32 to vector<16xi32>
    %add3A_1502 = arith.addi %sub3A_1496, %add3A_1501 : vector<16xi32>
    %select_n3A_1503 = arith.select %lt3A_1499, %add3A_1502, %sub3A_1496 : vector<16xi1>, vector<16xi32>
    %ge3A_1504 = arith.constant 999999 : i32
    %ge3A_1505 = vector.broadcast %ge3A_1504 : i32 to vector<16xi32>
    %ge3A_1506 = arith.cmpi sge, %select_n3A_1503, %ge3A_1505 : vector<16xi32>
    %sub3A_1507 = arith.constant 999999 : i32
    %sub3A_1508 = vector.broadcast %sub3A_1507 : i32 to vector<16xi32>
    %sub3A_1509 = arith.subi %select_n3A_1503, %sub3A_1508 : vector<16xi32>
    %select_n3A_1510 = arith.select %ge3A_1506, %sub3A_1509, %select_n3A_1503 : vector<16xi1>, vector<16xi32>
    %swap3A_1511 = arith.constant 3 : i64
    %swap3A_1512 = arith.index_cast %swap3A_1511 : i64 to index
    %swap3A_1513 = arith.constant 16 : index
    %swap3A_1514 = tpu.vector_load %arg6[%swap3A_1512, %swap3A_1513] {strides = array<i32>} : memref<8x128xi32, #tpu.memory_space<vmem>>, vector<1x16xi32>,
    %swap3A_1515 = vector.shape_cast %swap3A_1514 : vector<1x16xi32> to vector<16xi32>
    %swap3A_1516 = vector.shape_cast %select_n3A_1510 : vector<16xi32> to vector<1x16xi32>
    tpu.vector_store %arg6[%swap3A_1512, %swap3A_1513], %swap3A_1516 {strides = array<i32>} : memref<8x128xi32, #tpu.memory_space<vmem>>, vector<1x16xi32>,
    %get3A_1517 = arith.constant 432 : index
    %get3A_1518 = tpu.vector_load %arg5[%get3A_1517] {strides = array<i32>} : memref<1040xi32, #tpu.memory_space<vmem>>, vector<16xi32>,
    %get3A_1519 = vector.shape_cast %get3A_1518 : vector<16xi32> to vector<16xi32>
    %get3A_1520 = arith.constant 431 : index
    %get3A_1521 = tpu.vector_load %arg5[%get3A_1520] {strides = array<i32>} : memref<1040xi32, #tpu.memory_space<vmem>>, vector<16xi32>,
    %get3A_1522 = vector.shape_cast %get3A_1521 : vector<16xi32> to vector<16xi32>
    %get3A_1523 = arith.constant 430 : index
    %get3A_1524 = tpu.vector_load %arg5[%get3A_1523] {strides = array<i32>} : memref<1040xi32, #tpu.memory_space<vmem>>, vector<16xi32>,
    %get3A_1525 = vector.shape_cast %get3A_1524 : vector<16xi32> to vector<16xi32>
    %mul3A_1526 = arith.constant 36313 : i32
    %mul3A_1527 = vector.broadcast %mul3A_1526 : i32 to vector<16xi32>
    %mul3A_1528 = arith.muli %get3A_1519, %mul3A_1527 : vector<16xi32>
    %mul3A_1529 = arith.constant 27191 : i32
    %mul3A_1530 = vector.broadcast %mul3A_1529 : i32 to vector<16xi32>
    %mul3A_1531 = arith.muli %get3A_1522, %mul3A_1530 : vector<16xi32>
    %xor3A_1532 = arith.xori %mul3A_1528, %mul3A_1531 : vector<16xi32>
    %mul3A_1533 = arith.constant 51637 : i32
    %mul3A_1534 = vector.broadcast %mul3A_1533 : i32 to vector<16xi32>
    %mul3A_1535 = arith.muli %get3A_1525, %mul3A_1534 : vector<16xi32>
    %xor3A_1536 = arith.xori %xor3A_1532, %mul3A_1535 : vector<16xi32>
    %convert_element_type3A_1537 = arith.sitofp %xor3A_1536 : vector<16xi32> to vector<16xf32>
    %lt3A_1538 = arith.constant 0 : i32
    %lt3A_1539 = vector.broadcast %lt3A_1538 : i32 to vector<16xi32>
    %lt3A_1540 = arith.cmpi slt, %xor3A_1536, %lt3A_1539 : vector<16xi32>
    %jit3A_1541 = arith.constant 4.2949673E+9 : f32
    %jit3A_1542 = arith.constant 0.000000e+00 : f32
    %broadcast_in_dim3A_1543 = vector.broadcast %jit3A_1541 : f32 to vector<16xf32>
    %broadcast_in_dim3A_1544 = vector.broadcast %jit3A_1542 : f32 to vector<16xf32>
    %select_n3A_1545 = arith.select %lt3A_1540, %broadcast_in_dim3A_1543, %broadcast_in_dim3A_1544 : vector<16xi1>, vector<16xf32>
    %add3A_1546 = arith.addf %convert_element_type3A_1537, %select_n3A_1545 : vector<16xf32>
    %mul3A_1547 = arith.constant 1.00000102E-6 : f32
    %mul3A_1548 = vector.broadcast %mul3A_1547 : f32 to vector<16xf32>
    %mul3A_1549 = arith.mulf %add3A_1546, %mul3A_1548 : vector<16xf32>
    %convert_element_type3A_1550 = arith.fptosi %mul3A_1549 : vector<16xf32> to vector<16xi32>
    %mul3A_1551 = arith.constant 999999 : i32
    %mul3A_1552 = vector.broadcast %mul3A_1551 : i32 to vector<16xi32>
    %mul3A_1553 = arith.muli %convert_element_type3A_1550, %mul3A_1552 : vector<16xi32>
    %sub3A_1554 = arith.subi %xor3A_1536, %mul3A_1553 : vector<16xi32>
    %lt3A_1555 = arith.constant 0 : i32
    %lt3A_1556 = vector.broadcast %lt3A_1555 : i32 to vector<16xi32>
    %lt3A_1557 = arith.cmpi slt, %sub3A_1554, %lt3A_1556 : vector<16xi32>
    %add3A_1558 = arith.constant 999999 : i32
    %add3A_1559 = vector.broadcast %add3A_1558 : i32 to vector<16xi32>
    %add3A_1560 = arith.addi %sub3A_1554, %add3A_1559 : vector<16xi32>
    %select_n3A_1561 = arith.select %lt3A_1557, %add3A_1560, %sub3A_1554 : vector<16xi1>, vector<16xi32>
    %ge3A_1562 = arith.constant 999999 : i32
    %ge3A_1563 = vector.broadcast %ge3A_1562 : i32 to vector<16xi32>
    %ge3A_1564 = arith.cmpi sge, %select_n3A_1561, %ge3A_1563 : vector<16xi32>
    %sub3A_1565 = arith.constant 999999 : i32
    %sub3A_1566 = vector.broadcast %sub3A_1565 : i32 to vector<16xi32>
    %sub3A_1567 = arith.subi %select_n3A_1561, %sub3A_1566 : vector<16xi32>
    %select_n3A_1568 = arith.select %ge3A_1564, %sub3A_1567, %select_n3A_1561 : vector<16xi1>, vector<16xi32>
    %swap3A_1569 = arith.constant 3 : i64
    %swap3A_1570 = arith.index_cast %swap3A_1569 : i64 to index
    %swap3A_1571 = arith.constant 32 : index
    %swap3A_1572 = tpu.vector_load %arg6[%swap3A_1570, %swap3A_1571] {strides = array<i32>} : memref<8x128xi32, #tpu.memory_space<vmem>>, vector<1x16xi32>,
    %swap3A_1573 = vector.shape_cast %swap3A_1572 : vector<1x16xi32> to vector<16xi32>
    %swap3A_1574 = vector.shape_cast %select_n3A_1568 : vector<16xi32> to vector<1x16xi32>
    tpu.vector_store %arg6[%swap3A_1570, %swap3A_1571], %swap3A_1574 {strides = array<i32>} : memref<8x128xi32, #tpu.memory_space<vmem>>, vector<1x16xi32>,
    %get3A_1575 = arith.constant 448 : index
    %get3A_1576 = tpu.vector_load %arg5[%get3A_1575] {strides = array<i32>} : memref<1040xi32, #tpu.memory_space<vmem>>, vector<16xi32>,
    %get3A_1577 = vector.shape_cast %get3A_1576 : vector<16xi32> to vector<16xi32>
    %get3A_1578 = arith.constant 447 : index
    %get3A_1579 = tpu.vector_load %arg5[%get3A_1578] {strides = array<i32>} : memref<1040xi32, #tpu.memory_space<vmem>>, vector<16xi32>,
    %get3A_1580 = vector.shape_cast %get3A_1579 : vector<16xi32> to vector<16xi32>
    %get3A_1581 = arith.constant 446 : index
    %get3A_1582 = tpu.vector_load %arg5[%get3A_1581] {strides = array<i32>} : memref<1040xi32, #tpu.memory_space<vmem>>, vector<16xi32>,
    %get3A_1583 = vector.shape_cast %get3A_1582 : vector<16xi32> to vector<16xi32>
    %mul3A_1584 = arith.constant 36313 : i32
    %mul3A_1585 = vector.broadcast %mul3A_1584 : i32 to vector<16xi32>
    %mul3A_1586 = arith.muli %get3A_1577, %mul3A_1585 : vector<16xi32>
    %mul3A_1587 = arith.constant 27191 : i32
    %mul3A_1588 = vector.broadcast %mul3A_1587 : i32 to vector<16xi32>
    %mul3A_1589 = arith.muli %get3A_1580, %mul3A_1588 : vector<16xi32>
    %xor3A_1590 = arith.xori %mul3A_1586, %mul3A_1589 : vector<16xi32>
    %mul3A_1591 = arith.constant 51637 : i32
    %mul3A_1592 = vector.broadcast %mul3A_1591 : i32 to vector<16xi32>
    %mul3A_1593 = arith.muli %get3A_1583, %mul3A_1592 : vector<16xi32>
    %xor3A_1594 = arith.xori %xor3A_1590, %mul3A_1593 : vector<16xi32>
    %convert_element_type3A_1595 = arith.sitofp %xor3A_1594 : vector<16xi32> to vector<16xf32>
    %lt3A_1596 = arith.constant 0 : i32
    %lt3A_1597 = vector.broadcast %lt3A_1596 : i32 to vector<16xi32>
    %lt3A_1598 = arith.cmpi slt, %xor3A_1594, %lt3A_1597 : vector<16xi32>
    %jit3A_1599 = arith.constant 4.2949673E+9 : f32
    %jit3A_1600 = arith.constant 0.000000e+00 : f32
    %broadcast_in_dim3A_1601 = vector.broadcast %jit3A_1599 : f32 to vector<16xf32>
    %broadcast_in_dim3A_1602 = vector.broadcast %jit3A_1600 : f32 to vector<16xf32>
    %select_n3A_1603 = arith.select %lt3A_1598, %broadcast_in_dim3A_1601, %broadcast_in_dim3A_1602 : vector<16xi1>, vector<16xf32>
    %add3A_1604 = arith.addf %convert_element_type3A_1595, %select_n3A_1603 : vector<16xf32>
    %mul3A_1605 = arith.constant 1.00000102E-6 : f32
    %mul3A_1606 = vector.broadcast %mul3A_1605 : f32 to vector<16xf32>
    %mul3A_1607 = arith.mulf %add3A_1604, %mul3A_1606 : vector<16xf32>
    %convert_element_type3A_1608 = arith.fptosi %mul3A_1607 : vector<16xf32> to vector<16xi32>
    %mul3A_1609 = arith.constant 999999 : i32
    %mul3A_1610 = vector.broadcast %mul3A_1609 : i32 to vector<16xi32>
    %mul3A_1611 = arith.muli %convert_element_type3A_1608, %mul3A_1610 : vector<16xi32>
    %sub3A_1612 = arith.subi %xor3A_1594, %mul3A_1611 : vector<16xi32>
    %lt3A_1613 = arith.constant 0 : i32
    %lt3A_1614 = vector.broadcast %lt3A_1613 : i32 to vector<16xi32>
    %lt3A_1615 = arith.cmpi slt, %sub3A_1612, %lt3A_1614 : vector<16xi32>
    %add3A_1616 = arith.constant 999999 : i32
    %add3A_1617 = vector.broadcast %add3A_1616 : i32 to vector<16xi32>
    %add3A_1618 = arith.addi %sub3A_1612, %add3A_1617 : vector<16xi32>
    %select_n3A_1619 = arith.select %lt3A_1615, %add3A_1618, %sub3A_1612 : vector<16xi1>, vector<16xi32>
    %ge3A_1620 = arith.constant 999999 : i32
    %ge3A_1621 = vector.broadcast %ge3A_1620 : i32 to vector<16xi32>
    %ge3A_1622 = arith.cmpi sge, %select_n3A_1619, %ge3A_1621 : vector<16xi32>
    %sub3A_1623 = arith.constant 999999 : i32
    %sub3A_1624 = vector.broadcast %sub3A_1623 : i32 to vector<16xi32>
    %sub3A_1625 = arith.subi %select_n3A_1619, %sub3A_1624 : vector<16xi32>
    %select_n3A_1626 = arith.select %ge3A_1622, %sub3A_1625, %select_n3A_1619 : vector<16xi1>, vector<16xi32>
    %swap3A_1627 = arith.constant 3 : i64
    %swap3A_1628 = arith.index_cast %swap3A_1627 : i64 to index
    %swap3A_1629 = arith.constant 48 : index
    %swap3A_1630 = tpu.vector_load %arg6[%swap3A_1628, %swap3A_1629] {strides = array<i32>} : memref<8x128xi32, #tpu.memory_space<vmem>>, vector<1x16xi32>,
    %swap3A_1631 = vector.shape_cast %swap3A_1630 : vector<1x16xi32> to vector<16xi32>
    %swap3A_1632 = vector.shape_cast %select_n3A_1626 : vector<16xi32> to vector<1x16xi32>
    tpu.vector_store %arg6[%swap3A_1628, %swap3A_1629], %swap3A_1632 {strides = array<i32>} : memref<8x128xi32, #tpu.memory_space<vmem>>, vector<1x16xi32>,
    %get3A_1633 = arith.constant 464 : index
    %get3A_1634 = tpu.vector_load %arg5[%get3A_1633] {strides = array<i32>} : memref<1040xi32, #tpu.memory_space<vmem>>, vector<16xi32>,
    %get3A_1635 = vector.shape_cast %get3A_1634 : vector<16xi32> to vector<16xi32>
    %get3A_1636 = arith.constant 463 : index
    %get3A_1637 = tpu.vector_load %arg5[%get3A_1636] {strides = array<i32>} : memref<1040xi32, #tpu.memory_space<vmem>>, vector<16xi32>,
    %get3A_1638 = vector.shape_cast %get3A_1637 : vector<16xi32> to vector<16xi32>
    %get3A_1639 = arith.constant 462 : index
    %get3A_1640 = tpu.vector_load %arg5[%get3A_1639] {strides = array<i32>} : memref<1040xi32, #tpu.memory_space<vmem>>, vector<16xi32>,
    %get3A_1641 = vector.shape_cast %get3A_1640 : vector<16xi32> to vector<16xi32>
    %mul3A_1642 = arith.constant 36313 : i32
    %mul3A_1643 = vector.broadcast %mul3A_1642 : i32 to vector<16xi32>
    %mul3A_1644 = arith.muli %get3A_1635, %mul3A_1643 : vector<16xi32>
    %mul3A_1645 = arith.constant 27191 : i32
    %mul3A_1646 = vector.broadcast %mul3A_1645 : i32 to vector<16xi32>
    %mul3A_1647 = arith.muli %get3A_1638, %mul3A_1646 : vector<16xi32>
    %xor3A_1648 = arith.xori %mul3A_1644, %mul3A_1647 : vector<16xi32>
    %mul3A_1649 = arith.constant 51637 : i32
    %mul3A_1650 = vector.broadcast %mul3A_1649 : i32 to vector<16xi32>
    %mul3A_1651 = arith.muli %get3A_1641, %mul3A_1650 : vector<16xi32>
    %xor3A_1652 = arith.xori %xor3A_1648, %mul3A_1651 : vector<16xi32>
    %convert_element_type3A_1653 = arith.sitofp %xor3A_1652 : vector<16xi32> to vector<16xf32>
    %lt3A_1654 = arith.constant 0 : i32
    %lt3A_1655 = vector.broadcast %lt3A_1654 : i32 to vector<16xi32>
    %lt3A_1656 = arith.cmpi slt, %xor3A_1652, %lt3A_1655 : vector<16xi32>
    %jit3A_1657 = arith.constant 4.2949673E+9 : f32
    %jit3A_1658 = arith.constant 0.000000e+00 : f32
    %broadcast_in_dim3A_1659 = vector.broadcast %jit3A_1657 : f32 to vector<16xf32>
    %broadcast_in_dim3A_1660 = vector.broadcast %jit3A_1658 : f32 to vector<16xf32>
    %select_n3A_1661 = arith.select %lt3A_1656, %broadcast_in_dim3A_1659, %broadcast_in_dim3A_1660 : vector<16xi1>, vector<16xf32>
    %add3A_1662 = arith.addf %convert_element_type3A_1653, %select_n3A_1661 : vector<16xf32>
    %mul3A_1663 = arith.constant 1.00000102E-6 : f32
    %mul3A_1664 = vector.broadcast %mul3A_1663 : f32 to vector<16xf32>
    %mul3A_1665 = arith.mulf %add3A_1662, %mul3A_1664 : vector<16xf32>
    %convert_element_type3A_1666 = arith.fptosi %mul3A_1665 : vector<16xf32> to vector<16xi32>
    %mul3A_1667 = arith.constant 999999 : i32
    %mul3A_1668 = vector.broadcast %mul3A_1667 : i32 to vector<16xi32>
    %mul3A_1669 = arith.muli %convert_element_type3A_1666, %mul3A_1668 : vector<16xi32>
    %sub3A_1670 = arith.subi %xor3A_1652, %mul3A_1669 : vector<16xi32>
    %lt3A_1671 = arith.constant 0 : i32
    %lt3A_1672 = vector.broadcast %lt3A_1671 : i32 to vector<16xi32>
    %lt3A_1673 = arith.cmpi slt, %sub3A_1670, %lt3A_1672 : vector<16xi32>
    %add3A_1674 = arith.constant 999999 : i32
    %add3A_1675 = vector.broadcast %add3A_1674 : i32 to vector<16xi32>
    %add3A_1676 = arith.addi %sub3A_1670, %add3A_1675 : vector<16xi32>
    %select_n3A_1677 = arith.select %lt3A_1673, %add3A_1676, %sub3A_1670 : vector<16xi1>, vector<16xi32>
    %ge3A_1678 = arith.constant 999999 : i32
    %ge3A_1679 = vector.broadcast %ge3A_1678 : i32 to vector<16xi32>
    %ge3A_1680 = arith.cmpi sge, %select_n3A_1677, %ge3A_1679 : vector<16xi32>
    %sub3A_1681 = arith.constant 999999 : i32
    %sub3A_1682 = vector.broadcast %sub3A_1681 : i32 to vector<16xi32>
    %sub3A_1683 = arith.subi %select_n3A_1677, %sub3A_1682 : vector<16xi32>
    %select_n3A_1684 = arith.select %ge3A_1680, %sub3A_1683, %select_n3A_1677 : vector<16xi1>, vector<16xi32>
    %swap3A_1685 = arith.constant 3 : i64
    %swap3A_1686 = arith.index_cast %swap3A_1685 : i64 to index
    %swap3A_1687 = arith.constant 64 : index
    %swap3A_1688 = tpu.vector_load %arg6[%swap3A_1686, %swap3A_1687] {strides = array<i32>} : memref<8x128xi32, #tpu.memory_space<vmem>>, vector<1x16xi32>,
    %swap3A_1689 = vector.shape_cast %swap3A_1688 : vector<1x16xi32> to vector<16xi32>
    %swap3A_1690 = vector.shape_cast %select_n3A_1684 : vector<16xi32> to vector<1x16xi32>
    tpu.vector_store %arg6[%swap3A_1686, %swap3A_1687], %swap3A_1690 {strides = array<i32>} : memref<8x128xi32, #tpu.memory_space<vmem>>, vector<1x16xi32>,
    %get3A_1691 = arith.constant 480 : index
    %get3A_1692 = tpu.vector_load %arg5[%get3A_1691] {strides = array<i32>} : memref<1040xi32, #tpu.memory_space<vmem>>, vector<16xi32>,
    %get3A_1693 = vector.shape_cast %get3A_1692 : vector<16xi32> to vector<16xi32>
    %get3A_1694 = arith.constant 479 : index
    %get3A_1695 = tpu.vector_load %arg5[%get3A_1694] {strides = array<i32>} : memref<1040xi32, #tpu.memory_space<vmem>>, vector<16xi32>,
    %get3A_1696 = vector.shape_cast %get3A_1695 : vector<16xi32> to vector<16xi32>
    %get3A_1697 = arith.constant 478 : index
    %get3A_1698 = tpu.vector_load %arg5[%get3A_1697] {strides = array<i32>} : memref<1040xi32, #tpu.memory_space<vmem>>, vector<16xi32>,
    %get3A_1699 = vector.shape_cast %get3A_1698 : vector<16xi32> to vector<16xi32>
    %mul3A_1700 = arith.constant 36313 : i32
    %mul3A_1701 = vector.broadcast %mul3A_1700 : i32 to vector<16xi32>
    %mul3A_1702 = arith.muli %get3A_1693, %mul3A_1701 : vector<16xi32>
    %mul3A_1703 = arith.constant 27191 : i32
    %mul3A_1704 = vector.broadcast %mul3A_1703 : i32 to vector<16xi32>
    %mul3A_1705 = arith.muli %get3A_1696, %mul3A_1704 : vector<16xi32>
    %xor3A_1706 = arith.xori %mul3A_1702, %mul3A_1705 : vector<16xi32>
    %mul3A_1707 = arith.constant 51637 : i32
    %mul3A_1708 = vector.broadcast %mul3A_1707 : i32 to vector<16xi32>
    %mul3A_1709 = arith.muli %get3A_1699, %mul3A_1708 : vector<16xi32>
    %xor3A_1710 = arith.xori %xor3A_1706, %mul3A_1709 : vector<16xi32>
    %convert_element_type3A_1711 = arith.sitofp %xor3A_1710 : vector<16xi32> to vector<16xf32>
    %lt3A_1712 = arith.constant 0 : i32
    %lt3A_1713 = vector.broadcast %lt3A_1712 : i32 to vector<16xi32>
    %lt3A_1714 = arith.cmpi slt, %xor3A_1710, %lt3A_1713 : vector<16xi32>
    %jit3A_1715 = arith.constant 4.2949673E+9 : f32
    %jit3A_1716 = arith.constant 0.000000e+00 : f32
    %broadcast_in_dim3A_1717 = vector.broadcast %jit3A_1715 : f32 to vector<16xf32>
    %broadcast_in_dim3A_1718 = vector.broadcast %jit3A_1716 : f32 to vector<16xf32>
    %select_n3A_1719 = arith.select %lt3A_1714, %broadcast_in_dim3A_1717, %broadcast_in_dim3A_1718 : vector<16xi1>, vector<16xf32>
    %add3A_1720 = arith.addf %convert_element_type3A_1711, %select_n3A_1719 : vector<16xf32>
    %mul3A_1721 = arith.constant 1.00000102E-6 : f32
    %mul3A_1722 = vector.broadcast %mul3A_1721 : f32 to vector<16xf32>
    %mul3A_1723 = arith.mulf %add3A_1720, %mul3A_1722 : vector<16xf32>
    %convert_element_type3A_1724 = arith.fptosi %mul3A_1723 : vector<16xf32> to vector<16xi32>
    %mul3A_1725 = arith.constant 999999 : i32
    %mul3A_1726 = vector.broadcast %mul3A_1725 : i32 to vector<16xi32>
    %mul3A_1727 = arith.muli %convert_element_type3A_1724, %mul3A_1726 : vector<16xi32>
    %sub3A_1728 = arith.subi %xor3A_1710, %mul3A_1727 : vector<16xi32>
    %lt3A_1729 = arith.constant 0 : i32
    %lt3A_1730 = vector.broadcast %lt3A_1729 : i32 to vector<16xi32>
    %lt3A_1731 = arith.cmpi slt, %sub3A_1728, %lt3A_1730 : vector<16xi32>
    %add3A_1732 = arith.constant 999999 : i32
    %add3A_1733 = vector.broadcast %add3A_1732 : i32 to vector<16xi32>
    %add3A_1734 = arith.addi %sub3A_1728, %add3A_1733 : vector<16xi32>
    %select_n3A_1735 = arith.select %lt3A_1731, %add3A_1734, %sub3A_1728 : vector<16xi1>, vector<16xi32>
    %ge3A_1736 = arith.constant 999999 : i32
    %ge3A_1737 = vector.broadcast %ge3A_1736 : i32 to vector<16xi32>
    %ge3A_1738 = arith.cmpi sge, %select_n3A_1735, %ge3A_1737 : vector<16xi32>
    %sub3A_1739 = arith.constant 999999 : i32
    %sub3A_1740 = vector.broadcast %sub3A_1739 : i32 to vector<16xi32>
    %sub3A_1741 = arith.subi %select_n3A_1735, %sub3A_1740 : vector<16xi32>
    %select_n3A_1742 = arith.select %ge3A_1738, %sub3A_1741, %select_n3A_1735 : vector<16xi1>, vector<16xi32>
    %swap3A_1743 = arith.constant 3 : i64
    %swap3A_1744 = arith.index_cast %swap3A_1743 : i64 to index
    %swap3A_1745 = arith.constant 80 : index
    %swap3A_1746 = tpu.vector_load %arg6[%swap3A_1744, %swap3A_1745] {strides = array<i32>} : memref<8x128xi32, #tpu.memory_space<vmem>>, vector<1x16xi32>,
    %swap3A_1747 = vector.shape_cast %swap3A_1746 : vector<1x16xi32> to vector<16xi32>
    %swap3A_1748 = vector.shape_cast %select_n3A_1742 : vector<16xi32> to vector<1x16xi32>
    tpu.vector_store %arg6[%swap3A_1744, %swap3A_1745], %swap3A_1748 {strides = array<i32>} : memref<8x128xi32, #tpu.memory_space<vmem>>, vector<1x16xi32>,
    %get3A_1749 = arith.constant 496 : index
    %get3A_1750 = tpu.vector_load %arg5[%get3A_1749] {strides = array<i32>} : memref<1040xi32, #tpu.memory_space<vmem>>, vector<16xi32>,
    %get3A_1751 = vector.shape_cast %get3A_1750 : vector<16xi32> to vector<16xi32>
    %get3A_1752 = arith.constant 495 : index
    %get3A_1753 = tpu.vector_load %arg5[%get3A_1752] {strides = array<i32>} : memref<1040xi32, #tpu.memory_space<vmem>>, vector<16xi32>,
    %get3A_1754 = vector.shape_cast %get3A_1753 : vector<16xi32> to vector<16xi32>
    %get3A_1755 = arith.constant 494 : index
    %get3A_1756 = tpu.vector_load %arg5[%get3A_1755] {strides = array<i32>} : memref<1040xi32, #tpu.memory_space<vmem>>, vector<16xi32>,
    %get3A_1757 = vector.shape_cast %get3A_1756 : vector<16xi32> to vector<16xi32>
    %mul3A_1758 = arith.constant 36313 : i32
    %mul3A_1759 = vector.broadcast %mul3A_1758 : i32 to vector<16xi32>
    %mul3A_1760 = arith.muli %get3A_1751, %mul3A_1759 : vector<16xi32>
    %mul3A_1761 = arith.constant 27191 : i32
    %mul3A_1762 = vector.broadcast %mul3A_1761 : i32 to vector<16xi32>
    %mul3A_1763 = arith.muli %get3A_1754, %mul3A_1762 : vector<16xi32>
    %xor3A_1764 = arith.xori %mul3A_1760, %mul3A_1763 : vector<16xi32>
    %mul3A_1765 = arith.constant 51637 : i32
    %mul3A_1766 = vector.broadcast %mul3A_1765 : i32 to vector<16xi32>
    %mul3A_1767 = arith.muli %get3A_1757, %mul3A_1766 : vector<16xi32>
    %xor3A_1768 = arith.xori %xor3A_1764, %mul3A_1767 : vector<16xi32>
    %convert_element_type3A_1769 = arith.sitofp %xor3A_1768 : vector<16xi32> to vector<16xf32>
    %lt3A_1770 = arith.constant 0 : i32
    %lt3A_1771 = vector.broadcast %lt3A_1770 : i32 to vector<16xi32>
    %lt3A_1772 = arith.cmpi slt, %xor3A_1768, %lt3A_1771 : vector<16xi32>
    %jit3A_1773 = arith.constant 4.2949673E+9 : f32
    %jit3A_1774 = arith.constant 0.000000e+00 : f32
    %broadcast_in_dim3A_1775 = vector.broadcast %jit3A_1773 : f32 to vector<16xf32>
    %broadcast_in_dim3A_1776 = vector.broadcast %jit3A_1774 : f32 to vector<16xf32>
    %select_n3A_1777 = arith.select %lt3A_1772, %broadcast_in_dim3A_1775, %broadcast_in_dim3A_1776 : vector<16xi1>, vector<16xf32>
    %add3A_1778 = arith.addf %convert_element_type3A_1769, %select_n3A_1777 : vector<16xf32>
    %mul3A_1779 = arith.constant 1.00000102E-6 : f32
    %mul3A_1780 = vector.broadcast %mul3A_1779 : f32 to vector<16xf32>
    %mul3A_1781 = arith.mulf %add3A_1778, %mul3A_1780 : vector<16xf32>
    %convert_element_type3A_1782 = arith.fptosi %mul3A_1781 : vector<16xf32> to vector<16xi32>
    %mul3A_1783 = arith.constant 999999 : i32
    %mul3A_1784 = vector.broadcast %mul3A_1783 : i32 to vector<16xi32>
    %mul3A_1785 = arith.muli %convert_element_type3A_1782, %mul3A_1784 : vector<16xi32>
    %sub3A_1786 = arith.subi %xor3A_1768, %mul3A_1785 : vector<16xi32>
    %lt3A_1787 = arith.constant 0 : i32
    %lt3A_1788 = vector.broadcast %lt3A_1787 : i32 to vector<16xi32>
    %lt3A_1789 = arith.cmpi slt, %sub3A_1786, %lt3A_1788 : vector<16xi32>
    %add3A_1790 = arith.constant 999999 : i32
    %add3A_1791 = vector.broadcast %add3A_1790 : i32 to vector<16xi32>
    %add3A_1792 = arith.addi %sub3A_1786, %add3A_1791 : vector<16xi32>
    %select_n3A_1793 = arith.select %lt3A_1789, %add3A_1792, %sub3A_1786 : vector<16xi1>, vector<16xi32>
    %ge3A_1794 = arith.constant 999999 : i32
    %ge3A_1795 = vector.broadcast %ge3A_1794 : i32 to vector<16xi32>
    %ge3A_1796 = arith.cmpi sge, %select_n3A_1793, %ge3A_1795 : vector<16xi32>
    %sub3A_1797 = arith.constant 999999 : i32
    %sub3A_1798 = vector.broadcast %sub3A_1797 : i32 to vector<16xi32>
    %sub3A_1799 = arith.subi %select_n3A_1793, %sub3A_1798 : vector<16xi32>
    %select_n3A_1800 = arith.select %ge3A_1796, %sub3A_1799, %select_n3A_1793 : vector<16xi1>, vector<16xi32>
    %swap3A_1801 = arith.constant 3 : i64
    %swap3A_1802 = arith.index_cast %swap3A_1801 : i64 to index
    %swap3A_1803 = arith.constant 96 : index
    %swap3A_1804 = tpu.vector_load %arg6[%swap3A_1802, %swap3A_1803] {strides = array<i32>} : memref<8x128xi32, #tpu.memory_space<vmem>>, vector<1x16xi32>,
    %swap3A_1805 = vector.shape_cast %swap3A_1804 : vector<1x16xi32> to vector<16xi32>
    %swap3A_1806 = vector.shape_cast %select_n3A_1800 : vector<16xi32> to vector<1x16xi32>
    tpu.vector_store %arg6[%swap3A_1802, %swap3A_1803], %swap3A_1806 {strides = array<i32>} : memref<8x128xi32, #tpu.memory_space<vmem>>, vector<1x16xi32>,
    %get3A_1807 = arith.constant 512 : index
    %get3A_1808 = tpu.vector_load %arg5[%get3A_1807] {strides = array<i32>} : memref<1040xi32, #tpu.memory_space<vmem>>, vector<16xi32>,
    %get3A_1809 = vector.shape_cast %get3A_1808 : vector<16xi32> to vector<16xi32>
    %get3A_1810 = arith.constant 511 : index
    %get3A_1811 = tpu.vector_load %arg5[%get3A_1810] {strides = array<i32>} : memref<1040xi32, #tpu.memory_space<vmem>>, vector<16xi32>,
    %get3A_1812 = vector.shape_cast %get3A_1811 : vector<16xi32> to vector<16xi32>
    %get3A_1813 = arith.constant 510 : index
    %get3A_1814 = tpu.vector_load %arg5[%get3A_1813] {strides = array<i32>} : memref<1040xi32, #tpu.memory_space<vmem>>, vector<16xi32>,
    %get3A_1815 = vector.shape_cast %get3A_1814 : vector<16xi32> to vector<16xi32>
    %mul3A_1816 = arith.constant 36313 : i32
    %mul3A_1817 = vector.broadcast %mul3A_1816 : i32 to vector<16xi32>
    %mul3A_1818 = arith.muli %get3A_1809, %mul3A_1817 : vector<16xi32>
    %mul3A_1819 = arith.constant 27191 : i32
    %mul3A_1820 = vector.broadcast %mul3A_1819 : i32 to vector<16xi32>
    %mul3A_1821 = arith.muli %get3A_1812, %mul3A_1820 : vector<16xi32>
    %xor3A_1822 = arith.xori %mul3A_1818, %mul3A_1821 : vector<16xi32>
    %mul3A_1823 = arith.constant 51637 : i32
    %mul3A_1824 = vector.broadcast %mul3A_1823 : i32 to vector<16xi32>
    %mul3A_1825 = arith.muli %get3A_1815, %mul3A_1824 : vector<16xi32>
    %xor3A_1826 = arith.xori %xor3A_1822, %mul3A_1825 : vector<16xi32>
    %convert_element_type3A_1827 = arith.sitofp %xor3A_1826 : vector<16xi32> to vector<16xf32>
    %lt3A_1828 = arith.constant 0 : i32
    %lt3A_1829 = vector.broadcast %lt3A_1828 : i32 to vector<16xi32>
    %lt3A_1830 = arith.cmpi slt, %xor3A_1826, %lt3A_1829 : vector<16xi32>
    %jit3A_1831 = arith.constant 4.2949673E+9 : f32
    %jit3A_1832 = arith.constant 0.000000e+00 : f32
    %broadcast_in_dim3A_1833 = vector.broadcast %jit3A_1831 : f32 to vector<16xf32>
    %broadcast_in_dim3A_1834 = vector.broadcast %jit3A_1832 : f32 to vector<16xf32>
    %select_n3A_1835 = arith.select %lt3A_1830, %broadcast_in_dim3A_1833, %broadcast_in_dim3A_1834 : vector<16xi1>, vector<16xf32>
    %add3A_1836 = arith.addf %convert_element_type3A_1827, %select_n3A_1835 : vector<16xf32>
    %mul3A_1837 = arith.constant 1.00000102E-6 : f32
    %mul3A_1838 = vector.broadcast %mul3A_1837 : f32 to vector<16xf32>
    %mul3A_1839 = arith.mulf %add3A_1836, %mul3A_1838 : vector<16xf32>
    %convert_element_type3A_1840 = arith.fptosi %mul3A_1839 : vector<16xf32> to vector<16xi32>
    %mul3A_1841 = arith.constant 999999 : i32
    %mul3A_1842 = vector.broadcast %mul3A_1841 : i32 to vector<16xi32>
    %mul3A_1843 = arith.muli %convert_element_type3A_1840, %mul3A_1842 : vector<16xi32>
    %sub3A_1844 = arith.subi %xor3A_1826, %mul3A_1843 : vector<16xi32>
    %lt3A_1845 = arith.constant 0 : i32
    %lt3A_1846 = vector.broadcast %lt3A_1845 : i32 to vector<16xi32>
    %lt3A_1847 = arith.cmpi slt, %sub3A_1844, %lt3A_1846 : vector<16xi32>
    %add3A_1848 = arith.constant 999999 : i32
    %add3A_1849 = vector.broadcast %add3A_1848 : i32 to vector<16xi32>
    %add3A_1850 = arith.addi %sub3A_1844, %add3A_1849 : vector<16xi32>
    %select_n3A_1851 = arith.select %lt3A_1847, %add3A_1850, %sub3A_1844 : vector<16xi1>, vector<16xi32>
    %ge3A_1852 = arith.constant 999999 : i32
    %ge3A_1853 = vector.broadcast %ge3A_1852 : i32 to vector<16xi32>
    %ge3A_1854 = arith.cmpi sge, %select_n3A_1851, %ge3A_1853 : vector<16xi32>
    %sub3A_1855 = arith.constant 999999 : i32
    %sub3A_1856 = vector.broadcast %sub3A_1855 : i32 to vector<16xi32>
    %sub3A_1857 = arith.subi %select_n3A_1851, %sub3A_1856 : vector<16xi32>
    %select_n3A_1858 = arith.select %ge3A_1854, %sub3A_1857, %select_n3A_1851 : vector<16xi1>, vector<16xi32>
    %swap3A_1859 = arith.constant 3 : i64
    %swap3A_1860 = arith.index_cast %swap3A_1859 : i64 to index
    %swap3A_1861 = arith.constant 112 : index
    %swap3A_1862 = tpu.vector_load %arg6[%swap3A_1860, %swap3A_1861] {strides = array<i32>} : memref<8x128xi32, #tpu.memory_space<vmem>>, vector<1x16xi32>,
    %swap3A_1863 = vector.shape_cast %swap3A_1862 : vector<1x16xi32> to vector<16xi32>
    %swap3A_1864 = vector.shape_cast %select_n3A_1858 : vector<16xi32> to vector<1x16xi32>
    tpu.vector_store %arg6[%swap3A_1860, %swap3A_1861], %swap3A_1864 {strides = array<i32>} : memref<8x128xi32, #tpu.memory_space<vmem>>, vector<1x16xi32>,
    %get3A_1865 = arith.constant 528 : index
    %get3A_1866 = tpu.vector_load %arg5[%get3A_1865] {strides = array<i32>} : memref<1040xi32, #tpu.memory_space<vmem>>, vector<16xi32>,
    %get3A_1867 = vector.shape_cast %get3A_1866 : vector<16xi32> to vector<16xi32>
    %get3A_1868 = arith.constant 527 : index
    %get3A_1869 = tpu.vector_load %arg5[%get3A_1868] {strides = array<i32>} : memref<1040xi32, #tpu.memory_space<vmem>>, vector<16xi32>,
    %get3A_1870 = vector.shape_cast %get3A_1869 : vector<16xi32> to vector<16xi32>
    %get3A_1871 = arith.constant 526 : index
    %get3A_1872 = tpu.vector_load %arg5[%get3A_1871] {strides = array<i32>} : memref<1040xi32, #tpu.memory_space<vmem>>, vector<16xi32>,
    %get3A_1873 = vector.shape_cast %get3A_1872 : vector<16xi32> to vector<16xi32>
    %mul3A_1874 = arith.constant 36313 : i32
    %mul3A_1875 = vector.broadcast %mul3A_1874 : i32 to vector<16xi32>
    %mul3A_1876 = arith.muli %get3A_1867, %mul3A_1875 : vector<16xi32>
    %mul3A_1877 = arith.constant 27191 : i32
    %mul3A_1878 = vector.broadcast %mul3A_1877 : i32 to vector<16xi32>
    %mul3A_1879 = arith.muli %get3A_1870, %mul3A_1878 : vector<16xi32>
    %xor3A_1880 = arith.xori %mul3A_1876, %mul3A_1879 : vector<16xi32>
    %mul3A_1881 = arith.constant 51637 : i32
    %mul3A_1882 = vector.broadcast %mul3A_1881 : i32 to vector<16xi32>
    %mul3A_1883 = arith.muli %get3A_1873, %mul3A_1882 : vector<16xi32>
    %xor3A_1884 = arith.xori %xor3A_1880, %mul3A_1883 : vector<16xi32>
    %convert_element_type3A_1885 = arith.sitofp %xor3A_1884 : vector<16xi32> to vector<16xf32>
    %lt3A_1886 = arith.constant 0 : i32
    %lt3A_1887 = vector.broadcast %lt3A_1886 : i32 to vector<16xi32>
    %lt3A_1888 = arith.cmpi slt, %xor3A_1884, %lt3A_1887 : vector<16xi32>
    %jit3A_1889 = arith.constant 4.2949673E+9 : f32
    %jit3A_1890 = arith.constant 0.000000e+00 : f32
    %broadcast_in_dim3A_1891 = vector.broadcast %jit3A_1889 : f32 to vector<16xf32>
    %broadcast_in_dim3A_1892 = vector.broadcast %jit3A_1890 : f32 to vector<16xf32>
    %select_n3A_1893 = arith.select %lt3A_1888, %broadcast_in_dim3A_1891, %broadcast_in_dim3A_1892 : vector<16xi1>, vector<16xf32>
    %add3A_1894 = arith.addf %convert_element_type3A_1885, %select_n3A_1893 : vector<16xf32>
    %mul3A_1895 = arith.constant 1.00000102E-6 : f32
    %mul3A_1896 = vector.broadcast %mul3A_1895 : f32 to vector<16xf32>
    %mul3A_1897 = arith.mulf %add3A_1894, %mul3A_1896 : vector<16xf32>
    %convert_element_type3A_1898 = arith.fptosi %mul3A_1897 : vector<16xf32> to vector<16xi32>
    %mul3A_1899 = arith.constant 999999 : i32
    %mul3A_1900 = vector.broadcast %mul3A_1899 : i32 to vector<16xi32>
    %mul3A_1901 = arith.muli %convert_element_type3A_1898, %mul3A_1900 : vector<16xi32>
    %sub3A_1902 = arith.subi %xor3A_1884, %mul3A_1901 : vector<16xi32>
    %lt3A_1903 = arith.constant 0 : i32
    %lt3A_1904 = vector.broadcast %lt3A_1903 : i32 to vector<16xi32>
    %lt3A_1905 = arith.cmpi slt, %sub3A_1902, %lt3A_1904 : vector<16xi32>
    %add3A_1906 = arith.constant 999999 : i32
    %add3A_1907 = vector.broadcast %add3A_1906 : i32 to vector<16xi32>
    %add3A_1908 = arith.addi %sub3A_1902, %add3A_1907 : vector<16xi32>
    %select_n3A_1909 = arith.select %lt3A_1905, %add3A_1908, %sub3A_1902 : vector<16xi1>, vector<16xi32>
    %ge3A_1910 = arith.constant 999999 : i32
    %ge3A_1911 = vector.broadcast %ge3A_1910 : i32 to vector<16xi32>
    %ge3A_1912 = arith.cmpi sge, %select_n3A_1909, %ge3A_1911 : vector<16xi32>
    %sub3A_1913 = arith.constant 999999 : i32
    %sub3A_1914 = vector.broadcast %sub3A_1913 : i32 to vector<16xi32>
    %sub3A_1915 = arith.subi %select_n3A_1909, %sub3A_1914 : vector<16xi32>
    %select_n3A_1916 = arith.select %ge3A_1912, %sub3A_1915, %select_n3A_1909 : vector<16xi1>, vector<16xi32>
    %swap3A_1917 = arith.constant 4 : i64
    %swap3A_1918 = arith.index_cast %swap3A_1917 : i64 to index
    %swap3A_1919 = arith.constant 0 : index
    %swap3A_1920 = tpu.vector_load %arg6[%swap3A_1918, %swap3A_1919] {strides = array<i32>} : memref<8x128xi32, #tpu.memory_space<vmem>>, vector<1x16xi32>,
    %swap3A_1921 = vector.shape_cast %swap3A_1920 : vector<1x16xi32> to vector<16xi32>
    %swap3A_1922 = vector.shape_cast %select_n3A_1916 : vector<16xi32> to vector<1x16xi32>
    tpu.vector_store %arg6[%swap3A_1918, %swap3A_1919], %swap3A_1922 {strides = array<i32>} : memref<8x128xi32, #tpu.memory_space<vmem>>, vector<1x16xi32>,
    %get3A_1923 = arith.constant 544 : index
    %get3A_1924 = tpu.vector_load %arg5[%get3A_1923] {strides = array<i32>} : memref<1040xi32, #tpu.memory_space<vmem>>, vector<16xi32>,
    %get3A_1925 = vector.shape_cast %get3A_1924 : vector<16xi32> to vector<16xi32>
    %get3A_1926 = arith.constant 543 : index
    %get3A_1927 = tpu.vector_load %arg5[%get3A_1926] {strides = array<i32>} : memref<1040xi32, #tpu.memory_space<vmem>>, vector<16xi32>,
    %get3A_1928 = vector.shape_cast %get3A_1927 : vector<16xi32> to vector<16xi32>
    %get3A_1929 = arith.constant 542 : index
    %get3A_1930 = tpu.vector_load %arg5[%get3A_1929] {strides = array<i32>} : memref<1040xi32, #tpu.memory_space<vmem>>, vector<16xi32>,
    %get3A_1931 = vector.shape_cast %get3A_1930 : vector<16xi32> to vector<16xi32>
    %mul3A_1932 = arith.constant 36313 : i32
    %mul3A_1933 = vector.broadcast %mul3A_1932 : i32 to vector<16xi32>
    %mul3A_1934 = arith.muli %get3A_1925, %mul3A_1933 : vector<16xi32>
    %mul3A_1935 = arith.constant 27191 : i32
    %mul3A_1936 = vector.broadcast %mul3A_1935 : i32 to vector<16xi32>
    %mul3A_1937 = arith.muli %get3A_1928, %mul3A_1936 : vector<16xi32>
    %xor3A_1938 = arith.xori %mul3A_1934, %mul3A_1937 : vector<16xi32>
    %mul3A_1939 = arith.constant 51637 : i32
    %mul3A_1940 = vector.broadcast %mul3A_1939 : i32 to vector<16xi32>
    %mul3A_1941 = arith.muli %get3A_1931, %mul3A_1940 : vector<16xi32>
    %xor3A_1942 = arith.xori %xor3A_1938, %mul3A_1941 : vector<16xi32>
    %convert_element_type3A_1943 = arith.sitofp %xor3A_1942 : vector<16xi32> to vector<16xf32>
    %lt3A_1944 = arith.constant 0 : i32
    %lt3A_1945 = vector.broadcast %lt3A_1944 : i32 to vector<16xi32>
    %lt3A_1946 = arith.cmpi slt, %xor3A_1942, %lt3A_1945 : vector<16xi32>
    %jit3A_1947 = arith.constant 4.2949673E+9 : f32
    %jit3A_1948 = arith.constant 0.000000e+00 : f32
    %broadcast_in_dim3A_1949 = vector.broadcast %jit3A_1947 : f32 to vector<16xf32>
    %broadcast_in_dim3A_1950 = vector.broadcast %jit3A_1948 : f32 to vector<16xf32>
    %select_n3A_1951 = arith.select %lt3A_1946, %broadcast_in_dim3A_1949, %broadcast_in_dim3A_1950 : vector<16xi1>, vector<16xf32>
    %add3A_1952 = arith.addf %convert_element_type3A_1943, %select_n3A_1951 : vector<16xf32>
    %mul3A_1953 = arith.constant 1.00000102E-6 : f32
    %mul3A_1954 = vector.broadcast %mul3A_1953 : f32 to vector<16xf32>
    %mul3A_1955 = arith.mulf %add3A_1952, %mul3A_1954 : vector<16xf32>
    %convert_element_type3A_1956 = arith.fptosi %mul3A_1955 : vector<16xf32> to vector<16xi32>
    %mul3A_1957 = arith.constant 999999 : i32
    %mul3A_1958 = vector.broadcast %mul3A_1957 : i32 to vector<16xi32>
    %mul3A_1959 = arith.muli %convert_element_type3A_1956, %mul3A_1958 : vector<16xi32>
    %sub3A_1960 = arith.subi %xor3A_1942, %mul3A_1959 : vector<16xi32>
    %lt3A_1961 = arith.constant 0 : i32
    %lt3A_1962 = vector.broadcast %lt3A_1961 : i32 to vector<16xi32>
    %lt3A_1963 = arith.cmpi slt, %sub3A_1960, %lt3A_1962 : vector<16xi32>
    %add3A_1964 = arith.constant 999999 : i32
    %add3A_1965 = vector.broadcast %add3A_1964 : i32 to vector<16xi32>
    %add3A_1966 = arith.addi %sub3A_1960, %add3A_1965 : vector<16xi32>
    %select_n3A_1967 = arith.select %lt3A_1963, %add3A_1966, %sub3A_1960 : vector<16xi1>, vector<16xi32>
    %ge3A_1968 = arith.constant 999999 : i32
    %ge3A_1969 = vector.broadcast %ge3A_1968 : i32 to vector<16xi32>
    %ge3A_1970 = arith.cmpi sge, %select_n3A_1967, %ge3A_1969 : vector<16xi32>
    %sub3A_1971 = arith.constant 999999 : i32
    %sub3A_1972 = vector.broadcast %sub3A_1971 : i32 to vector<16xi32>
    %sub3A_1973 = arith.subi %select_n3A_1967, %sub3A_1972 : vector<16xi32>
    %select_n3A_1974 = arith.select %ge3A_1970, %sub3A_1973, %select_n3A_1967 : vector<16xi1>, vector<16xi32>
    %swap3A_1975 = arith.constant 4 : i64
    %swap3A_1976 = arith.index_cast %swap3A_1975 : i64 to index
    %swap3A_1977 = arith.constant 16 : index
    %swap3A_1978 = tpu.vector_load %arg6[%swap3A_1976, %swap3A_1977] {strides = array<i32>} : memref<8x128xi32, #tpu.memory_space<vmem>>, vector<1x16xi32>,
    %swap3A_1979 = vector.shape_cast %swap3A_1978 : vector<1x16xi32> to vector<16xi32>
    %swap3A_1980 = vector.shape_cast %select_n3A_1974 : vector<16xi32> to vector<1x16xi32>
    tpu.vector_store %arg6[%swap3A_1976, %swap3A_1977], %swap3A_1980 {strides = array<i32>} : memref<8x128xi32, #tpu.memory_space<vmem>>, vector<1x16xi32>,
    %get3A_1981 = arith.constant 560 : index
    %get3A_1982 = tpu.vector_load %arg5[%get3A_1981] {strides = array<i32>} : memref<1040xi32, #tpu.memory_space<vmem>>, vector<16xi32>,
    %get3A_1983 = vector.shape_cast %get3A_1982 : vector<16xi32> to vector<16xi32>
    %get3A_1984 = arith.constant 559 : index
    %get3A_1985 = tpu.vector_load %arg5[%get3A_1984] {strides = array<i32>} : memref<1040xi32, #tpu.memory_space<vmem>>, vector<16xi32>,
    %get3A_1986 = vector.shape_cast %get3A_1985 : vector<16xi32> to vector<16xi32>
    %get3A_1987 = arith.constant 558 : index
    %get3A_1988 = tpu.vector_load %arg5[%get3A_1987] {strides = array<i32>} : memref<1040xi32, #tpu.memory_space<vmem>>, vector<16xi32>,
    %get3A_1989 = vector.shape_cast %get3A_1988 : vector<16xi32> to vector<16xi32>
    %mul3A_1990 = arith.constant 36313 : i32
    %mul3A_1991 = vector.broadcast %mul3A_1990 : i32 to vector<16xi32>
    %mul3A_1992 = arith.muli %get3A_1983, %mul3A_1991 : vector<16xi32>
    %mul3A_1993 = arith.constant 27191 : i32
    %mul3A_1994 = vector.broadcast %mul3A_1993 : i32 to vector<16xi32>
    %mul3A_1995 = arith.muli %get3A_1986, %mul3A_1994 : vector<16xi32>
    %xor3A_1996 = arith.xori %mul3A_1992, %mul3A_1995 : vector<16xi32>
    %mul3A_1997 = arith.constant 51637 : i32
    %mul3A_1998 = vector.broadcast %mul3A_1997 : i32 to vector<16xi32>
    %mul3A_1999 = arith.muli %get3A_1989, %mul3A_1998 : vector<16xi32>
    %xor3A_2000 = arith.xori %xor3A_1996, %mul3A_1999 : vector<16xi32>
    %convert_element_type3A_2001 = arith.sitofp %xor3A_2000 : vector<16xi32> to vector<16xf32>
    %lt3A_2002 = arith.constant 0 : i32
    %lt3A_2003 = vector.broadcast %lt3A_2002 : i32 to vector<16xi32>
    %lt3A_2004 = arith.cmpi slt, %xor3A_2000, %lt3A_2003 : vector<16xi32>
    %jit3A_2005 = arith.constant 4.2949673E+9 : f32
    %jit3A_2006 = arith.constant 0.000000e+00 : f32
    %broadcast_in_dim3A_2007 = vector.broadcast %jit3A_2005 : f32 to vector<16xf32>
    %broadcast_in_dim3A_2008 = vector.broadcast %jit3A_2006 : f32 to vector<16xf32>
    %select_n3A_2009 = arith.select %lt3A_2004, %broadcast_in_dim3A_2007, %broadcast_in_dim3A_2008 : vector<16xi1>, vector<16xf32>
    %add3A_2010 = arith.addf %convert_element_type3A_2001, %select_n3A_2009 : vector<16xf32>
    %mul3A_2011 = arith.constant 1.00000102E-6 : f32
    %mul3A_2012 = vector.broadcast %mul3A_2011 : f32 to vector<16xf32>
    %mul3A_2013 = arith.mulf %add3A_2010, %mul3A_2012 : vector<16xf32>
    %convert_element_type3A_2014 = arith.fptosi %mul3A_2013 : vector<16xf32> to vector<16xi32>
    %mul3A_2015 = arith.constant 999999 : i32
    %mul3A_2016 = vector.broadcast %mul3A_2015 : i32 to vector<16xi32>
    %mul3A_2017 = arith.muli %convert_element_type3A_2014, %mul3A_2016 : vector<16xi32>
    %sub3A_2018 = arith.subi %xor3A_2000, %mul3A_2017 : vector<16xi32>
    %lt3A_2019 = arith.constant 0 : i32
    %lt3A_2020 = vector.broadcast %lt3A_2019 : i32 to vector<16xi32>
    %lt3A_2021 = arith.cmpi slt, %sub3A_2018, %lt3A_2020 : vector<16xi32>
    %add3A_2022 = arith.constant 999999 : i32
    %add3A_2023 = vector.broadcast %add3A_2022 : i32 to vector<16xi32>
    %add3A_2024 = arith.addi %sub3A_2018, %add3A_2023 : vector<16xi32>
    %select_n3A_2025 = arith.select %lt3A_2021, %add3A_2024, %sub3A_2018 : vector<16xi1>, vector<16xi32>
    %ge3A_2026 = arith.constant 999999 : i32
    %ge3A_2027 = vector.broadcast %ge3A_2026 : i32 to vector<16xi32>
    %ge3A_2028 = arith.cmpi sge, %select_n3A_2025, %ge3A_2027 : vector<16xi32>
    %sub3A_2029 = arith.constant 999999 : i32
    %sub3A_2030 = vector.broadcast %sub3A_2029 : i32 to vector<16xi32>
    %sub3A_2031 = arith.subi %select_n3A_2025, %sub3A_2030 : vector<16xi32>
    %select_n3A_2032 = arith.select %ge3A_2028, %sub3A_2031, %select_n3A_2025 : vector<16xi1>, vector<16xi32>
    %swap3A_2033 = arith.constant 4 : i64
    %swap3A_2034 = arith.index_cast %swap3A_2033 : i64 to index
    %swap3A_2035 = arith.constant 32 : index
    %swap3A_2036 = tpu.vector_load %arg6[%swap3A_2034, %swap3A_2035] {strides = array<i32>} : memref<8x128xi32, #tpu.memory_space<vmem>>, vector<1x16xi32>,
    %swap3A_2037 = vector.shape_cast %swap3A_2036 : vector<1x16xi32> to vector<16xi32>
    %swap3A_2038 = vector.shape_cast %select_n3A_2032 : vector<16xi32> to vector<1x16xi32>
    tpu.vector_store %arg6[%swap3A_2034, %swap3A_2035], %swap3A_2038 {strides = array<i32>} : memref<8x128xi32, #tpu.memory_space<vmem>>, vector<1x16xi32>,
    %get3A_2039 = arith.constant 576 : index
    %get3A_2040 = tpu.vector_load %arg5[%get3A_2039] {strides = array<i32>} : memref<1040xi32, #tpu.memory_space<vmem>>, vector<16xi32>,
    %get3A_2041 = vector.shape_cast %get3A_2040 : vector<16xi32> to vector<16xi32>
    %get3A_2042 = arith.constant 575 : index
    %get3A_2043 = tpu.vector_load %arg5[%get3A_2042] {strides = array<i32>} : memref<1040xi32, #tpu.memory_space<vmem>>, vector<16xi32>,
    %get3A_2044 = vector.shape_cast %get3A_2043 : vector<16xi32> to vector<16xi32>
    %get3A_2045 = arith.constant 574 : index
    %get3A_2046 = tpu.vector_load %arg5[%get3A_2045] {strides = array<i32>} : memref<1040xi32, #tpu.memory_space<vmem>>, vector<16xi32>,
    %get3A_2047 = vector.shape_cast %get3A_2046 : vector<16xi32> to vector<16xi32>
    %mul3A_2048 = arith.constant 36313 : i32
    %mul3A_2049 = vector.broadcast %mul3A_2048 : i32 to vector<16xi32>
    %mul3A_2050 = arith.muli %get3A_2041, %mul3A_2049 : vector<16xi32>
    %mul3A_2051 = arith.constant 27191 : i32
    %mul3A_2052 = vector.broadcast %mul3A_2051 : i32 to vector<16xi32>
    %mul3A_2053 = arith.muli %get3A_2044, %mul3A_2052 : vector<16xi32>
    %xor3A_2054 = arith.xori %mul3A_2050, %mul3A_2053 : vector<16xi32>
    %mul3A_2055 = arith.constant 51637 : i32
    %mul3A_2056 = vector.broadcast %mul3A_2055 : i32 to vector<16xi32>
    %mul3A_2057 = arith.muli %get3A_2047, %mul3A_2056 : vector<16xi32>
    %xor3A_2058 = arith.xori %xor3A_2054, %mul3A_2057 : vector<16xi32>
    %convert_element_type3A_2059 = arith.sitofp %xor3A_2058 : vector<16xi32> to vector<16xf32>
    %lt3A_2060 = arith.constant 0 : i32
    %lt3A_2061 = vector.broadcast %lt3A_2060 : i32 to vector<16xi32>
    %lt3A_2062 = arith.cmpi slt, %xor3A_2058, %lt3A_2061 : vector<16xi32>
    %jit3A_2063 = arith.constant 4.2949673E+9 : f32
    %jit3A_2064 = arith.constant 0.000000e+00 : f32
    %broadcast_in_dim3A_2065 = vector.broadcast %jit3A_2063 : f32 to vector<16xf32>
    %broadcast_in_dim3A_2066 = vector.broadcast %jit3A_2064 : f32 to vector<16xf32>
    %select_n3A_2067 = arith.select %lt3A_2062, %broadcast_in_dim3A_2065, %broadcast_in_dim3A_2066 : vector<16xi1>, vector<16xf32>
    %add3A_2068 = arith.addf %convert_element_type3A_2059, %select_n3A_2067 : vector<16xf32>
    %mul3A_2069 = arith.constant 1.00000102E-6 : f32
    %mul3A_2070 = vector.broadcast %mul3A_2069 : f32 to vector<16xf32>
    %mul3A_2071 = arith.mulf %add3A_2068, %mul3A_2070 : vector<16xf32>
    %convert_element_type3A_2072 = arith.fptosi %mul3A_2071 : vector<16xf32> to vector<16xi32>
    %mul3A_2073 = arith.constant 999999 : i32
    %mul3A_2074 = vector.broadcast %mul3A_2073 : i32 to vector<16xi32>
    %mul3A_2075 = arith.muli %convert_element_type3A_2072, %mul3A_2074 : vector<16xi32>
    %sub3A_2076 = arith.subi %xor3A_2058, %mul3A_2075 : vector<16xi32>
    %lt3A_2077 = arith.constant 0 : i32
    %lt3A_2078 = vector.broadcast %lt3A_2077 : i32 to vector<16xi32>
    %lt3A_2079 = arith.cmpi slt, %sub3A_2076, %lt3A_2078 : vector<16xi32>
    %add3A_2080 = arith.constant 999999 : i32
    %add3A_2081 = vector.broadcast %add3A_2080 : i32 to vector<16xi32>
    %add3A_2082 = arith.addi %sub3A_2076, %add3A_2081 : vector<16xi32>
    %select_n3A_2083 = arith.select %lt3A_2079, %add3A_2082, %sub3A_2076 : vector<16xi1>, vector<16xi32>
    %ge3A_2084 = arith.constant 999999 : i32
    %ge3A_2085 = vector.broadcast %ge3A_2084 : i32 to vector<16xi32>
    %ge3A_2086 = arith.cmpi sge, %select_n3A_2083, %ge3A_2085 : vector<16xi32>
    %sub3A_2087 = arith.constant 999999 : i32
    %sub3A_2088 = vector.broadcast %sub3A_2087 : i32 to vector<16xi32>
    %sub3A_2089 = arith.subi %select_n3A_2083, %sub3A_2088 : vector<16xi32>
    %select_n3A_2090 = arith.select %ge3A_2086, %sub3A_2089, %select_n3A_2083 : vector<16xi1>, vector<16xi32>
    %swap3A_2091 = arith.constant 4 : i64
    %swap3A_2092 = arith.index_cast %swap3A_2091 : i64 to index
    %swap3A_2093 = arith.constant 48 : index
    %swap3A_2094 = tpu.vector_load %arg6[%swap3A_2092, %swap3A_2093] {strides = array<i32>} : memref<8x128xi32, #tpu.memory_space<vmem>>, vector<1x16xi32>,
    %swap3A_2095 = vector.shape_cast %swap3A_2094 : vector<1x16xi32> to vector<16xi32>
    %swap3A_2096 = vector.shape_cast %select_n3A_2090 : vector<16xi32> to vector<1x16xi32>
    tpu.vector_store %arg6[%swap3A_2092, %swap3A_2093], %swap3A_2096 {strides = array<i32>} : memref<8x128xi32, #tpu.memory_space<vmem>>, vector<1x16xi32>,
    %get3A_2097 = arith.constant 592 : index
    %get3A_2098 = tpu.vector_load %arg5[%get3A_2097] {strides = array<i32>} : memref<1040xi32, #tpu.memory_space<vmem>>, vector<16xi32>,
    %get3A_2099 = vector.shape_cast %get3A_2098 : vector<16xi32> to vector<16xi32>
    %get3A_2100 = arith.constant 591 : index
    %get3A_2101 = tpu.vector_load %arg5[%get3A_2100] {strides = array<i32>} : memref<1040xi32, #tpu.memory_space<vmem>>, vector<16xi32>,
    %get3A_2102 = vector.shape_cast %get3A_2101 : vector<16xi32> to vector<16xi32>
    %get3A_2103 = arith.constant 590 : index
    %get3A_2104 = tpu.vector_load %arg5[%get3A_2103] {strides = array<i32>} : memref<1040xi32, #tpu.memory_space<vmem>>, vector<16xi32>,
    %get3A_2105 = vector.shape_cast %get3A_2104 : vector<16xi32> to vector<16xi32>
    %mul3A_2106 = arith.constant 36313 : i32
    %mul3A_2107 = vector.broadcast %mul3A_2106 : i32 to vector<16xi32>
    %mul3A_2108 = arith.muli %get3A_2099, %mul3A_2107 : vector<16xi32>
    %mul3A_2109 = arith.constant 27191 : i32
    %mul3A_2110 = vector.broadcast %mul3A_2109 : i32 to vector<16xi32>
    %mul3A_2111 = arith.muli %get3A_2102, %mul3A_2110 : vector<16xi32>
    %xor3A_2112 = arith.xori %mul3A_2108, %mul3A_2111 : vector<16xi32>
    %mul3A_2113 = arith.constant 51637 : i32
    %mul3A_2114 = vector.broadcast %mul3A_2113 : i32 to vector<16xi32>
    %mul3A_2115 = arith.muli %get3A_2105, %mul3A_2114 : vector<16xi32>
    %xor3A_2116 = arith.xori %xor3A_2112, %mul3A_2115 : vector<16xi32>
    %convert_element_type3A_2117 = arith.sitofp %xor3A_2116 : vector<16xi32> to vector<16xf32>
    %lt3A_2118 = arith.constant 0 : i32
    %lt3A_2119 = vector.broadcast %lt3A_2118 : i32 to vector<16xi32>
    %lt3A_2120 = arith.cmpi slt, %xor3A_2116, %lt3A_2119 : vector<16xi32>
    %jit3A_2121 = arith.constant 4.2949673E+9 : f32
    %jit3A_2122 = arith.constant 0.000000e+00 : f32
    %broadcast_in_dim3A_2123 = vector.broadcast %jit3A_2121 : f32 to vector<16xf32>
    %broadcast_in_dim3A_2124 = vector.broadcast %jit3A_2122 : f32 to vector<16xf32>
    %select_n3A_2125 = arith.select %lt3A_2120, %broadcast_in_dim3A_2123, %broadcast_in_dim3A_2124 : vector<16xi1>, vector<16xf32>
    %add3A_2126 = arith.addf %convert_element_type3A_2117, %select_n3A_2125 : vector<16xf32>
    %mul3A_2127 = arith.constant 1.00000102E-6 : f32
    %mul3A_2128 = vector.broadcast %mul3A_2127 : f32 to vector<16xf32>
    %mul3A_2129 = arith.mulf %add3A_2126, %mul3A_2128 : vector<16xf32>
    %convert_element_type3A_2130 = arith.fptosi %mul3A_2129 : vector<16xf32> to vector<16xi32>
    %mul3A_2131 = arith.constant 999999 : i32
    %mul3A_2132 = vector.broadcast %mul3A_2131 : i32 to vector<16xi32>
    %mul3A_2133 = arith.muli %convert_element_type3A_2130, %mul3A_2132 : vector<16xi32>
    %sub3A_2134 = arith.subi %xor3A_2116, %mul3A_2133 : vector<16xi32>
    %lt3A_2135 = arith.constant 0 : i32
    %lt3A_2136 = vector.broadcast %lt3A_2135 : i32 to vector<16xi32>
    %lt3A_2137 = arith.cmpi slt, %sub3A_2134, %lt3A_2136 : vector<16xi32>
    %add3A_2138 = arith.constant 999999 : i32
    %add3A_2139 = vector.broadcast %add3A_2138 : i32 to vector<16xi32>
    %add3A_2140 = arith.addi %sub3A_2134, %add3A_2139 : vector<16xi32>
    %select_n3A_2141 = arith.select %lt3A_2137, %add3A_2140, %sub3A_2134 : vector<16xi1>, vector<16xi32>
    %ge3A_2142 = arith.constant 999999 : i32
    %ge3A_2143 = vector.broadcast %ge3A_2142 : i32 to vector<16xi32>
    %ge3A_2144 = arith.cmpi sge, %select_n3A_2141, %ge3A_2143 : vector<16xi32>
    %sub3A_2145 = arith.constant 999999 : i32
    %sub3A_2146 = vector.broadcast %sub3A_2145 : i32 to vector<16xi32>
    %sub3A_2147 = arith.subi %select_n3A_2141, %sub3A_2146 : vector<16xi32>
    %select_n3A_2148 = arith.select %ge3A_2144, %sub3A_2147, %select_n3A_2141 : vector<16xi1>, vector<16xi32>
    %swap3A_2149 = arith.constant 4 : i64
    %swap3A_2150 = arith.index_cast %swap3A_2149 : i64 to index
    %swap3A_2151 = arith.constant 64 : index
    %swap3A_2152 = tpu.vector_load %arg6[%swap3A_2150, %swap3A_2151] {strides = array<i32>} : memref<8x128xi32, #tpu.memory_space<vmem>>, vector<1x16xi32>,
    %swap3A_2153 = vector.shape_cast %swap3A_2152 : vector<1x16xi32> to vector<16xi32>
    %swap3A_2154 = vector.shape_cast %select_n3A_2148 : vector<16xi32> to vector<1x16xi32>
    tpu.vector_store %arg6[%swap3A_2150, %swap3A_2151], %swap3A_2154 {strides = array<i32>} : memref<8x128xi32, #tpu.memory_space<vmem>>, vector<1x16xi32>,
    %get3A_2155 = arith.constant 608 : index
    %get3A_2156 = tpu.vector_load %arg5[%get3A_2155] {strides = array<i32>} : memref<1040xi32, #tpu.memory_space<vmem>>, vector<16xi32>,
    %get3A_2157 = vector.shape_cast %get3A_2156 : vector<16xi32> to vector<16xi32>
    %get3A_2158 = arith.constant 607 : index
    %get3A_2159 = tpu.vector_load %arg5[%get3A_2158] {strides = array<i32>} : memref<1040xi32, #tpu.memory_space<vmem>>, vector<16xi32>,
    %get3A_2160 = vector.shape_cast %get3A_2159 : vector<16xi32> to vector<16xi32>
    %get3A_2161 = arith.constant 606 : index
    %get3A_2162 = tpu.vector_load %arg5[%get3A_2161] {strides = array<i32>} : memref<1040xi32, #tpu.memory_space<vmem>>, vector<16xi32>,
    %get3A_2163 = vector.shape_cast %get3A_2162 : vector<16xi32> to vector<16xi32>
    %mul3A_2164 = arith.constant 36313 : i32
    %mul3A_2165 = vector.broadcast %mul3A_2164 : i32 to vector<16xi32>
    %mul3A_2166 = arith.muli %get3A_2157, %mul3A_2165 : vector<16xi32>
    %mul3A_2167 = arith.constant 27191 : i32
    %mul3A_2168 = vector.broadcast %mul3A_2167 : i32 to vector<16xi32>
    %mul3A_2169 = arith.muli %get3A_2160, %mul3A_2168 : vector<16xi32>
    %xor3A_2170 = arith.xori %mul3A_2166, %mul3A_2169 : vector<16xi32>
    %mul3A_2171 = arith.constant 51637 : i32
    %mul3A_2172 = vector.broadcast %mul3A_2171 : i32 to vector<16xi32>
    %mul3A_2173 = arith.muli %get3A_2163, %mul3A_2172 : vector<16xi32>
    %xor3A_2174 = arith.xori %xor3A_2170, %mul3A_2173 : vector<16xi32>
    %convert_element_type3A_2175 = arith.sitofp %xor3A_2174 : vector<16xi32> to vector<16xf32>
    %lt3A_2176 = arith.constant 0 : i32
    %lt3A_2177 = vector.broadcast %lt3A_2176 : i32 to vector<16xi32>
    %lt3A_2178 = arith.cmpi slt, %xor3A_2174, %lt3A_2177 : vector<16xi32>
    %jit3A_2179 = arith.constant 4.2949673E+9 : f32
    %jit3A_2180 = arith.constant 0.000000e+00 : f32
    %broadcast_in_dim3A_2181 = vector.broadcast %jit3A_2179 : f32 to vector<16xf32>
    %broadcast_in_dim3A_2182 = vector.broadcast %jit3A_2180 : f32 to vector<16xf32>
    %select_n3A_2183 = arith.select %lt3A_2178, %broadcast_in_dim3A_2181, %broadcast_in_dim3A_2182 : vector<16xi1>, vector<16xf32>
    %add3A_2184 = arith.addf %convert_element_type3A_2175, %select_n3A_2183 : vector<16xf32>
    %mul3A_2185 = arith.constant 1.00000102E-6 : f32
    %mul3A_2186 = vector.broadcast %mul3A_2185 : f32 to vector<16xf32>
    %mul3A_2187 = arith.mulf %add3A_2184, %mul3A_2186 : vector<16xf32>
    %convert_element_type3A_2188 = arith.fptosi %mul3A_2187 : vector<16xf32> to vector<16xi32>
    %mul3A_2189 = arith.constant 999999 : i32
    %mul3A_2190 = vector.broadcast %mul3A_2189 : i32 to vector<16xi32>
    %mul3A_2191 = arith.muli %convert_element_type3A_2188, %mul3A_2190 : vector<16xi32>
    %sub3A_2192 = arith.subi %xor3A_2174, %mul3A_2191 : vector<16xi32>
    %lt3A_2193 = arith.constant 0 : i32
    %lt3A_2194 = vector.broadcast %lt3A_2193 : i32 to vector<16xi32>
    %lt3A_2195 = arith.cmpi slt, %sub3A_2192, %lt3A_2194 : vector<16xi32>
    %add3A_2196 = arith.constant 999999 : i32
    %add3A_2197 = vector.broadcast %add3A_2196 : i32 to vector<16xi32>
    %add3A_2198 = arith.addi %sub3A_2192, %add3A_2197 : vector<16xi32>
    %select_n3A_2199 = arith.select %lt3A_2195, %add3A_2198, %sub3A_2192 : vector<16xi1>, vector<16xi32>
    %ge3A_2200 = arith.constant 999999 : i32
    %ge3A_2201 = vector.broadcast %ge3A_2200 : i32 to vector<16xi32>
    %ge3A_2202 = arith.cmpi sge, %select_n3A_2199, %ge3A_2201 : vector<16xi32>
    %sub3A_2203 = arith.constant 999999 : i32
    %sub3A_2204 = vector.broadcast %sub3A_2203 : i32 to vector<16xi32>
    %sub3A_2205 = arith.subi %select_n3A_2199, %sub3A_2204 : vector<16xi32>
    %select_n3A_2206 = arith.select %ge3A_2202, %sub3A_2205, %select_n3A_2199 : vector<16xi1>, vector<16xi32>
    %swap3A_2207 = arith.constant 4 : i64
    %swap3A_2208 = arith.index_cast %swap3A_2207 : i64 to index
    %swap3A_2209 = arith.constant 80 : index
    %swap3A_2210 = tpu.vector_load %arg6[%swap3A_2208, %swap3A_2209] {strides = array<i32>} : memref<8x128xi32, #tpu.memory_space<vmem>>, vector<1x16xi32>,
    %swap3A_2211 = vector.shape_cast %swap3A_2210 : vector<1x16xi32> to vector<16xi32>
    %swap3A_2212 = vector.shape_cast %select_n3A_2206 : vector<16xi32> to vector<1x16xi32>
    tpu.vector_store %arg6[%swap3A_2208, %swap3A_2209], %swap3A_2212 {strides = array<i32>} : memref<8x128xi32, #tpu.memory_space<vmem>>, vector<1x16xi32>,
    %get3A_2213 = arith.constant 624 : index
    %get3A_2214 = tpu.vector_load %arg5[%get3A_2213] {strides = array<i32>} : memref<1040xi32, #tpu.memory_space<vmem>>, vector<16xi32>,
    %get3A_2215 = vector.shape_cast %get3A_2214 : vector<16xi32> to vector<16xi32>
    %get3A_2216 = arith.constant 623 : index
    %get3A_2217 = tpu.vector_load %arg5[%get3A_2216] {strides = array<i32>} : memref<1040xi32, #tpu.memory_space<vmem>>, vector<16xi32>,
    %get3A_2218 = vector.shape_cast %get3A_2217 : vector<16xi32> to vector<16xi32>
    %get3A_2219 = arith.constant 622 : index
    %get3A_2220 = tpu.vector_load %arg5[%get3A_2219] {strides = array<i32>} : memref<1040xi32, #tpu.memory_space<vmem>>, vector<16xi32>,
    %get3A_2221 = vector.shape_cast %get3A_2220 : vector<16xi32> to vector<16xi32>
    %mul3A_2222 = arith.constant 36313 : i32
    %mul3A_2223 = vector.broadcast %mul3A_2222 : i32 to vector<16xi32>
    %mul3A_2224 = arith.muli %get3A_2215, %mul3A_2223 : vector<16xi32>
    %mul3A_2225 = arith.constant 27191 : i32
    %mul3A_2226 = vector.broadcast %mul3A_2225 : i32 to vector<16xi32>
    %mul3A_2227 = arith.muli %get3A_2218, %mul3A_2226 : vector<16xi32>
    %xor3A_2228 = arith.xori %mul3A_2224, %mul3A_2227 : vector<16xi32>
    %mul3A_2229 = arith.constant 51637 : i32
    %mul3A_2230 = vector.broadcast %mul3A_2229 : i32 to vector<16xi32>
    %mul3A_2231 = arith.muli %get3A_2221, %mul3A_2230 : vector<16xi32>
    %xor3A_2232 = arith.xori %xor3A_2228, %mul3A_2231 : vector<16xi32>
    %convert_element_type3A_2233 = arith.sitofp %xor3A_2232 : vector<16xi32> to vector<16xf32>
    %lt3A_2234 = arith.constant 0 : i32
    %lt3A_2235 = vector.broadcast %lt3A_2234 : i32 to vector<16xi32>
    %lt3A_2236 = arith.cmpi slt, %xor3A_2232, %lt3A_2235 : vector<16xi32>
    %jit3A_2237 = arith.constant 4.2949673E+9 : f32
    %jit3A_2238 = arith.constant 0.000000e+00 : f32
    %broadcast_in_dim3A_2239 = vector.broadcast %jit3A_2237 : f32 to vector<16xf32>
    %broadcast_in_dim3A_2240 = vector.broadcast %jit3A_2238 : f32 to vector<16xf32>
    %select_n3A_2241 = arith.select %lt3A_2236, %broadcast_in_dim3A_2239, %broadcast_in_dim3A_2240 : vector<16xi1>, vector<16xf32>
    %add3A_2242 = arith.addf %convert_element_type3A_2233, %select_n3A_2241 : vector<16xf32>
    %mul3A_2243 = arith.constant 1.00000102E-6 : f32
    %mul3A_2244 = vector.broadcast %mul3A_2243 : f32 to vector<16xf32>
    %mul3A_2245 = arith.mulf %add3A_2242, %mul3A_2244 : vector<16xf32>
    %convert_element_type3A_2246 = arith.fptosi %mul3A_2245 : vector<16xf32> to vector<16xi32>
    %mul3A_2247 = arith.constant 999999 : i32
    %mul3A_2248 = vector.broadcast %mul3A_2247 : i32 to vector<16xi32>
    %mul3A_2249 = arith.muli %convert_element_type3A_2246, %mul3A_2248 : vector<16xi32>
    %sub3A_2250 = arith.subi %xor3A_2232, %mul3A_2249 : vector<16xi32>
    %lt3A_2251 = arith.constant 0 : i32
    %lt3A_2252 = vector.broadcast %lt3A_2251 : i32 to vector<16xi32>
    %lt3A_2253 = arith.cmpi slt, %sub3A_2250, %lt3A_2252 : vector<16xi32>
    %add3A_2254 = arith.constant 999999 : i32
    %add3A_2255 = vector.broadcast %add3A_2254 : i32 to vector<16xi32>
    %add3A_2256 = arith.addi %sub3A_2250, %add3A_2255 : vector<16xi32>
    %select_n3A_2257 = arith.select %lt3A_2253, %add3A_2256, %sub3A_2250 : vector<16xi1>, vector<16xi32>
    %ge3A_2258 = arith.constant 999999 : i32
    %ge3A_2259 = vector.broadcast %ge3A_2258 : i32 to vector<16xi32>
    %ge3A_2260 = arith.cmpi sge, %select_n3A_2257, %ge3A_2259 : vector<16xi32>
    %sub3A_2261 = arith.constant 999999 : i32
    %sub3A_2262 = vector.broadcast %sub3A_2261 : i32 to vector<16xi32>
    %sub3A_2263 = arith.subi %select_n3A_2257, %sub3A_2262 : vector<16xi32>
    %select_n3A_2264 = arith.select %ge3A_2260, %sub3A_2263, %select_n3A_2257 : vector<16xi1>, vector<16xi32>
    %swap3A_2265 = arith.constant 4 : i64
    %swap3A_2266 = arith.index_cast %swap3A_2265 : i64 to index
    %swap3A_2267 = arith.constant 96 : index
    %swap3A_2268 = tpu.vector_load %arg6[%swap3A_2266, %swap3A_2267] {strides = array<i32>} : memref<8x128xi32, #tpu.memory_space<vmem>>, vector<1x16xi32>,
    %swap3A_2269 = vector.shape_cast %swap3A_2268 : vector<1x16xi32> to vector<16xi32>
    %swap3A_2270 = vector.shape_cast %select_n3A_2264 : vector<16xi32> to vector<1x16xi32>
    tpu.vector_store %arg6[%swap3A_2266, %swap3A_2267], %swap3A_2270 {strides = array<i32>} : memref<8x128xi32, #tpu.memory_space<vmem>>, vector<1x16xi32>,
    %get3A_2271 = arith.constant 640 : index
    %get3A_2272 = tpu.vector_load %arg5[%get3A_2271] {strides = array<i32>} : memref<1040xi32, #tpu.memory_space<vmem>>, vector<16xi32>,
    %get3A_2273 = vector.shape_cast %get3A_2272 : vector<16xi32> to vector<16xi32>
    %get3A_2274 = arith.constant 639 : index
    %get3A_2275 = tpu.vector_load %arg5[%get3A_2274] {strides = array<i32>} : memref<1040xi32, #tpu.memory_space<vmem>>, vector<16xi32>,
    %get3A_2276 = vector.shape_cast %get3A_2275 : vector<16xi32> to vector<16xi32>
    %get3A_2277 = arith.constant 638 : index
    %get3A_2278 = tpu.vector_load %arg5[%get3A_2277] {strides = array<i32>} : memref<1040xi32, #tpu.memory_space<vmem>>, vector<16xi32>,
    %get3A_2279 = vector.shape_cast %get3A_2278 : vector<16xi32> to vector<16xi32>
    %mul3A_2280 = arith.constant 36313 : i32
    %mul3A_2281 = vector.broadcast %mul3A_2280 : i32 to vector<16xi32>
    %mul3A_2282 = arith.muli %get3A_2273, %mul3A_2281 : vector<16xi32>
    %mul3A_2283 = arith.constant 27191 : i32
    %mul3A_2284 = vector.broadcast %mul3A_2283 : i32 to vector<16xi32>
    %mul3A_2285 = arith.muli %get3A_2276, %mul3A_2284 : vector<16xi32>
    %xor3A_2286 = arith.xori %mul3A_2282, %mul3A_2285 : vector<16xi32>
    %mul3A_2287 = arith.constant 51637 : i32
    %mul3A_2288 = vector.broadcast %mul3A_2287 : i32 to vector<16xi32>
    %mul3A_2289 = arith.muli %get3A_2279, %mul3A_2288 : vector<16xi32>
    %xor3A_2290 = arith.xori %xor3A_2286, %mul3A_2289 : vector<16xi32>
    %convert_element_type3A_2291 = arith.sitofp %xor3A_2290 : vector<16xi32> to vector<16xf32>
    %lt3A_2292 = arith.constant 0 : i32
    %lt3A_2293 = vector.broadcast %lt3A_2292 : i32 to vector<16xi32>
    %lt3A_2294 = arith.cmpi slt, %xor3A_2290, %lt3A_2293 : vector<16xi32>
    %jit3A_2295 = arith.constant 4.2949673E+9 : f32
    %jit3A_2296 = arith.constant 0.000000e+00 : f32
    %broadcast_in_dim3A_2297 = vector.broadcast %jit3A_2295 : f32 to vector<16xf32>
    %broadcast_in_dim3A_2298 = vector.broadcast %jit3A_2296 : f32 to vector<16xf32>
    %select_n3A_2299 = arith.select %lt3A_2294, %broadcast_in_dim3A_2297, %broadcast_in_dim3A_2298 : vector<16xi1>, vector<16xf32>
    %add3A_2300 = arith.addf %convert_element_type3A_2291, %select_n3A_2299 : vector<16xf32>
    %mul3A_2301 = arith.constant 1.00000102E-6 : f32
    %mul3A_2302 = vector.broadcast %mul3A_2301 : f32 to vector<16xf32>
    %mul3A_2303 = arith.mulf %add3A_2300, %mul3A_2302 : vector<16xf32>
    %convert_element_type3A_2304 = arith.fptosi %mul3A_2303 : vector<16xf32> to vector<16xi32>
    %mul3A_2305 = arith.constant 999999 : i32
    %mul3A_2306 = vector.broadcast %mul3A_2305 : i32 to vector<16xi32>
    %mul3A_2307 = arith.muli %convert_element_type3A_2304, %mul3A_2306 : vector<16xi32>
    %sub3A_2308 = arith.subi %xor3A_2290, %mul3A_2307 : vector<16xi32>
    %lt3A_2309 = arith.constant 0 : i32
    %lt3A_2310 = vector.broadcast %lt3A_2309 : i32 to vector<16xi32>
    %lt3A_2311 = arith.cmpi slt, %sub3A_2308, %lt3A_2310 : vector<16xi32>
    %add3A_2312 = arith.constant 999999 : i32
    %add3A_2313 = vector.broadcast %add3A_2312 : i32 to vector<16xi32>
    %add3A_2314 = arith.addi %sub3A_2308, %add3A_2313 : vector<16xi32>
    %select_n3A_2315 = arith.select %lt3A_2311, %add3A_2314, %sub3A_2308 : vector<16xi1>, vector<16xi32>
    %ge3A_2316 = arith.constant 999999 : i32
    %ge3A_2317 = vector.broadcast %ge3A_2316 : i32 to vector<16xi32>
    %ge3A_2318 = arith.cmpi sge, %select_n3A_2315, %ge3A_2317 : vector<16xi32>
    %sub3A_2319 = arith.constant 999999 : i32
    %sub3A_2320 = vector.broadcast %sub3A_2319 : i32 to vector<16xi32>
    %sub3A_2321 = arith.subi %select_n3A_2315, %sub3A_2320 : vector<16xi32>
    %select_n3A_2322 = arith.select %ge3A_2318, %sub3A_2321, %select_n3A_2315 : vector<16xi1>, vector<16xi32>
    %swap3A_2323 = arith.constant 4 : i64
    %swap3A_2324 = arith.index_cast %swap3A_2323 : i64 to index
    %swap3A_2325 = arith.constant 112 : index
    %swap3A_2326 = tpu.vector_load %arg6[%swap3A_2324, %swap3A_2325] {strides = array<i32>} : memref<8x128xi32, #tpu.memory_space<vmem>>, vector<1x16xi32>,
    %swap3A_2327 = vector.shape_cast %swap3A_2326 : vector<1x16xi32> to vector<16xi32>
    %swap3A_2328 = vector.shape_cast %select_n3A_2322 : vector<16xi32> to vector<1x16xi32>
    tpu.vector_store %arg6[%swap3A_2324, %swap3A_2325], %swap3A_2328 {strides = array<i32>} : memref<8x128xi32, #tpu.memory_space<vmem>>, vector<1x16xi32>,
    %get3A_2329 = arith.constant 656 : index
    %get3A_2330 = tpu.vector_load %arg5[%get3A_2329] {strides = array<i32>} : memref<1040xi32, #tpu.memory_space<vmem>>, vector<16xi32>,
    %get3A_2331 = vector.shape_cast %get3A_2330 : vector<16xi32> to vector<16xi32>
    %get3A_2332 = arith.constant 655 : index
    %get3A_2333 = tpu.vector_load %arg5[%get3A_2332] {strides = array<i32>} : memref<1040xi32, #tpu.memory_space<vmem>>, vector<16xi32>,
    %get3A_2334 = vector.shape_cast %get3A_2333 : vector<16xi32> to vector<16xi32>
    %get3A_2335 = arith.constant 654 : index
    %get3A_2336 = tpu.vector_load %arg5[%get3A_2335] {strides = array<i32>} : memref<1040xi32, #tpu.memory_space<vmem>>, vector<16xi32>,
    %get3A_2337 = vector.shape_cast %get3A_2336 : vector<16xi32> to vector<16xi32>
    %mul3A_2338 = arith.constant 36313 : i32
    %mul3A_2339 = vector.broadcast %mul3A_2338 : i32 to vector<16xi32>
    %mul3A_2340 = arith.muli %get3A_2331, %mul3A_2339 : vector<16xi32>
    %mul3A_2341 = arith.constant 27191 : i32
    %mul3A_2342 = vector.broadcast %mul3A_2341 : i32 to vector<16xi32>
    %mul3A_2343 = arith.muli %get3A_2334, %mul3A_2342 : vector<16xi32>
    %xor3A_2344 = arith.xori %mul3A_2340, %mul3A_2343 : vector<16xi32>
    %mul3A_2345 = arith.constant 51637 : i32
    %mul3A_2346 = vector.broadcast %mul3A_2345 : i32 to vector<16xi32>
    %mul3A_2347 = arith.muli %get3A_2337, %mul3A_2346 : vector<16xi32>
    %xor3A_2348 = arith.xori %xor3A_2344, %mul3A_2347 : vector<16xi32>
    %convert_element_type3A_2349 = arith.sitofp %xor3A_2348 : vector<16xi32> to vector<16xf32>
    %lt3A_2350 = arith.constant 0 : i32
    %lt3A_2351 = vector.broadcast %lt3A_2350 : i32 to vector<16xi32>
    %lt3A_2352 = arith.cmpi slt, %xor3A_2348, %lt3A_2351 : vector<16xi32>
    %jit3A_2353 = arith.constant 4.2949673E+9 : f32
    %jit3A_2354 = arith.constant 0.000000e+00 : f32
    %broadcast_in_dim3A_2355 = vector.broadcast %jit3A_2353 : f32 to vector<16xf32>
    %broadcast_in_dim3A_2356 = vector.broadcast %jit3A_2354 : f32 to vector<16xf32>
    %select_n3A_2357 = arith.select %lt3A_2352, %broadcast_in_dim3A_2355, %broadcast_in_dim3A_2356 : vector<16xi1>, vector<16xf32>
    %add3A_2358 = arith.addf %convert_element_type3A_2349, %select_n3A_2357 : vector<16xf32>
    %mul3A_2359 = arith.constant 1.00000102E-6 : f32
    %mul3A_2360 = vector.broadcast %mul3A_2359 : f32 to vector<16xf32>
    %mul3A_2361 = arith.mulf %add3A_2358, %mul3A_2360 : vector<16xf32>
    %convert_element_type3A_2362 = arith.fptosi %mul3A_2361 : vector<16xf32> to vector<16xi32>
    %mul3A_2363 = arith.constant 999999 : i32
    %mul3A_2364 = vector.broadcast %mul3A_2363 : i32 to vector<16xi32>
    %mul3A_2365 = arith.muli %convert_element_type3A_2362, %mul3A_2364 : vector<16xi32>
    %sub3A_2366 = arith.subi %xor3A_2348, %mul3A_2365 : vector<16xi32>
    %lt3A_2367 = arith.constant 0 : i32
    %lt3A_2368 = vector.broadcast %lt3A_2367 : i32 to vector<16xi32>
    %lt3A_2369 = arith.cmpi slt, %sub3A_2366, %lt3A_2368 : vector<16xi32>
    %add3A_2370 = arith.constant 999999 : i32
    %add3A_2371 = vector.broadcast %add3A_2370 : i32 to vector<16xi32>
    %add3A_2372 = arith.addi %sub3A_2366, %add3A_2371 : vector<16xi32>
    %select_n3A_2373 = arith.select %lt3A_2369, %add3A_2372, %sub3A_2366 : vector<16xi1>, vector<16xi32>
    %ge3A_2374 = arith.constant 999999 : i32
    %ge3A_2375 = vector.broadcast %ge3A_2374 : i32 to vector<16xi32>
    %ge3A_2376 = arith.cmpi sge, %select_n3A_2373, %ge3A_2375 : vector<16xi32>
    %sub3A_2377 = arith.constant 999999 : i32
    %sub3A_2378 = vector.broadcast %sub3A_2377 : i32 to vector<16xi32>
    %sub3A_2379 = arith.subi %select_n3A_2373, %sub3A_2378 : vector<16xi32>
    %select_n3A_2380 = arith.select %ge3A_2376, %sub3A_2379, %select_n3A_2373 : vector<16xi1>, vector<16xi32>
    %swap3A_2381 = arith.constant 5 : i64
    %swap3A_2382 = arith.index_cast %swap3A_2381 : i64 to index
    %swap3A_2383 = arith.constant 0 : index
    %swap3A_2384 = tpu.vector_load %arg6[%swap3A_2382, %swap3A_2383] {strides = array<i32>} : memref<8x128xi32, #tpu.memory_space<vmem>>, vector<1x16xi32>,
    %swap3A_2385 = vector.shape_cast %swap3A_2384 : vector<1x16xi32> to vector<16xi32>
    %swap3A_2386 = vector.shape_cast %select_n3A_2380 : vector<16xi32> to vector<1x16xi32>
    tpu.vector_store %arg6[%swap3A_2382, %swap3A_2383], %swap3A_2386 {strides = array<i32>} : memref<8x128xi32, #tpu.memory_space<vmem>>, vector<1x16xi32>,
    %get3A_2387 = arith.constant 672 : index
    %get3A_2388 = tpu.vector_load %arg5[%get3A_2387] {strides = array<i32>} : memref<1040xi32, #tpu.memory_space<vmem>>, vector<16xi32>,
    %get3A_2389 = vector.shape_cast %get3A_2388 : vector<16xi32> to vector<16xi32>
    %get3A_2390 = arith.constant 671 : index
    %get3A_2391 = tpu.vector_load %arg5[%get3A_2390] {strides = array<i32>} : memref<1040xi32, #tpu.memory_space<vmem>>, vector<16xi32>,
    %get3A_2392 = vector.shape_cast %get3A_2391 : vector<16xi32> to vector<16xi32>
    %get3A_2393 = arith.constant 670 : index
    %get3A_2394 = tpu.vector_load %arg5[%get3A_2393] {strides = array<i32>} : memref<1040xi32, #tpu.memory_space<vmem>>, vector<16xi32>,
    %get3A_2395 = vector.shape_cast %get3A_2394 : vector<16xi32> to vector<16xi32>
    %mul3A_2396 = arith.constant 36313 : i32
    %mul3A_2397 = vector.broadcast %mul3A_2396 : i32 to vector<16xi32>
    %mul3A_2398 = arith.muli %get3A_2389, %mul3A_2397 : vector<16xi32>
    %mul3A_2399 = arith.constant 27191 : i32
    %mul3A_2400 = vector.broadcast %mul3A_2399 : i32 to vector<16xi32>
    %mul3A_2401 = arith.muli %get3A_2392, %mul3A_2400 : vector<16xi32>
    %xor3A_2402 = arith.xori %mul3A_2398, %mul3A_2401 : vector<16xi32>
    %mul3A_2403 = arith.constant 51637 : i32
    %mul3A_2404 = vector.broadcast %mul3A_2403 : i32 to vector<16xi32>
    %mul3A_2405 = arith.muli %get3A_2395, %mul3A_2404 : vector<16xi32>
    %xor3A_2406 = arith.xori %xor3A_2402, %mul3A_2405 : vector<16xi32>
    %convert_element_type3A_2407 = arith.sitofp %xor3A_2406 : vector<16xi32> to vector<16xf32>
    %lt3A_2408 = arith.constant 0 : i32
    %lt3A_2409 = vector.broadcast %lt3A_2408 : i32 to vector<16xi32>
    %lt3A_2410 = arith.cmpi slt, %xor3A_2406, %lt3A_2409 : vector<16xi32>
    %jit3A_2411 = arith.constant 4.2949673E+9 : f32
    %jit3A_2412 = arith.constant 0.000000e+00 : f32
    %broadcast_in_dim3A_2413 = vector.broadcast %jit3A_2411 : f32 to vector<16xf32>
    %broadcast_in_dim3A_2414 = vector.broadcast %jit3A_2412 : f32 to vector<16xf32>
    %select_n3A_2415 = arith.select %lt3A_2410, %broadcast_in_dim3A_2413, %broadcast_in_dim3A_2414 : vector<16xi1>, vector<16xf32>
    %add3A_2416 = arith.addf %convert_element_type3A_2407, %select_n3A_2415 : vector<16xf32>
    %mul3A_2417 = arith.constant 1.00000102E-6 : f32
    %mul3A_2418 = vector.broadcast %mul3A_2417 : f32 to vector<16xf32>
    %mul3A_2419 = arith.mulf %add3A_2416, %mul3A_2418 : vector<16xf32>
    %convert_element_type3A_2420 = arith.fptosi %mul3A_2419 : vector<16xf32> to vector<16xi32>
    %mul3A_2421 = arith.constant 999999 : i32
    %mul3A_2422 = vector.broadcast %mul3A_2421 : i32 to vector<16xi32>
    %mul3A_2423 = arith.muli %convert_element_type3A_2420, %mul3A_2422 : vector<16xi32>
    %sub3A_2424 = arith.subi %xor3A_2406, %mul3A_2423 : vector<16xi32>
    %lt3A_2425 = arith.constant 0 : i32
    %lt3A_2426 = vector.broadcast %lt3A_2425 : i32 to vector<16xi32>
    %lt3A_2427 = arith.cmpi slt, %sub3A_2424, %lt3A_2426 : vector<16xi32>
    %add3A_2428 = arith.constant 999999 : i32
    %add3A_2429 = vector.broadcast %add3A_2428 : i32 to vector<16xi32>
    %add3A_2430 = arith.addi %sub3A_2424, %add3A_2429 : vector<16xi32>
    %select_n3A_2431 = arith.select %lt3A_2427, %add3A_2430, %sub3A_2424 : vector<16xi1>, vector<16xi32>
    %ge3A_2432 = arith.constant 999999 : i32
    %ge3A_2433 = vector.broadcast %ge3A_2432 : i32 to vector<16xi32>
    %ge3A_2434 = arith.cmpi sge, %select_n3A_2431, %ge3A_2433 : vector<16xi32>
    %sub3A_2435 = arith.constant 999999 : i32
    %sub3A_2436 = vector.broadcast %sub3A_2435 : i32 to vector<16xi32>
    %sub3A_2437 = arith.subi %select_n3A_2431, %sub3A_2436 : vector<16xi32>
    %select_n3A_2438 = arith.select %ge3A_2434, %sub3A_2437, %select_n3A_2431 : vector<16xi1>, vector<16xi32>
    %swap3A_2439 = arith.constant 5 : i64
    %swap3A_2440 = arith.index_cast %swap3A_2439 : i64 to index
    %swap3A_2441 = arith.constant 16 : index
    %swap3A_2442 = tpu.vector_load %arg6[%swap3A_2440, %swap3A_2441] {strides = array<i32>} : memref<8x128xi32, #tpu.memory_space<vmem>>, vector<1x16xi32>,
    %swap3A_2443 = vector.shape_cast %swap3A_2442 : vector<1x16xi32> to vector<16xi32>
    %swap3A_2444 = vector.shape_cast %select_n3A_2438 : vector<16xi32> to vector<1x16xi32>
    tpu.vector_store %arg6[%swap3A_2440, %swap3A_2441], %swap3A_2444 {strides = array<i32>} : memref<8x128xi32, #tpu.memory_space<vmem>>, vector<1x16xi32>,
    %get3A_2445 = arith.constant 688 : index
    %get3A_2446 = tpu.vector_load %arg5[%get3A_2445] {strides = array<i32>} : memref<1040xi32, #tpu.memory_space<vmem>>, vector<16xi32>,
    %get3A_2447 = vector.shape_cast %get3A_2446 : vector<16xi32> to vector<16xi32>
    %get3A_2448 = arith.constant 687 : index
    %get3A_2449 = tpu.vector_load %arg5[%get3A_2448] {strides = array<i32>} : memref<1040xi32, #tpu.memory_space<vmem>>, vector<16xi32>,
    %get3A_2450 = vector.shape_cast %get3A_2449 : vector<16xi32> to vector<16xi32>
    %get3A_2451 = arith.constant 686 : index
    %get3A_2452 = tpu.vector_load %arg5[%get3A_2451] {strides = array<i32>} : memref<1040xi32, #tpu.memory_space<vmem>>, vector<16xi32>,
    %get3A_2453 = vector.shape_cast %get3A_2452 : vector<16xi32> to vector<16xi32>
    %mul3A_2454 = arith.constant 36313 : i32
    %mul3A_2455 = vector.broadcast %mul3A_2454 : i32 to vector<16xi32>
    %mul3A_2456 = arith.muli %get3A_2447, %mul3A_2455 : vector<16xi32>
    %mul3A_2457 = arith.constant 27191 : i32
    %mul3A_2458 = vector.broadcast %mul3A_2457 : i32 to vector<16xi32>
    %mul3A_2459 = arith.muli %get3A_2450, %mul3A_2458 : vector<16xi32>
    %xor3A_2460 = arith.xori %mul3A_2456, %mul3A_2459 : vector<16xi32>
    %mul3A_2461 = arith.constant 51637 : i32
    %mul3A_2462 = vector.broadcast %mul3A_2461 : i32 to vector<16xi32>
    %mul3A_2463 = arith.muli %get3A_2453, %mul3A_2462 : vector<16xi32>
    %xor3A_2464 = arith.xori %xor3A_2460, %mul3A_2463 : vector<16xi32>
    %convert_element_type3A_2465 = arith.sitofp %xor3A_2464 : vector<16xi32> to vector<16xf32>
    %lt3A_2466 = arith.constant 0 : i32
    %lt3A_2467 = vector.broadcast %lt3A_2466 : i32 to vector<16xi32>
    %lt3A_2468 = arith.cmpi slt, %xor3A_2464, %lt3A_2467 : vector<16xi32>
    %jit3A_2469 = arith.constant 4.2949673E+9 : f32
    %jit3A_2470 = arith.constant 0.000000e+00 : f32
    %broadcast_in_dim3A_2471 = vector.broadcast %jit3A_2469 : f32 to vector<16xf32>
    %broadcast_in_dim3A_2472 = vector.broadcast %jit3A_2470 : f32 to vector<16xf32>
    %select_n3A_2473 = arith.select %lt3A_2468, %broadcast_in_dim3A_2471, %broadcast_in_dim3A_2472 : vector<16xi1>, vector<16xf32>
    %add3A_2474 = arith.addf %convert_element_type3A_2465, %select_n3A_2473 : vector<16xf32>
    %mul3A_2475 = arith.constant 1.00000102E-6 : f32
    %mul3A_2476 = vector.broadcast %mul3A_2475 : f32 to vector<16xf32>
    %mul3A_2477 = arith.mulf %add3A_2474, %mul3A_2476 : vector<16xf32>
    %convert_element_type3A_2478 = arith.fptosi %mul3A_2477 : vector<16xf32> to vector<16xi32>
    %mul3A_2479 = arith.constant 999999 : i32
    %mul3A_2480 = vector.broadcast %mul3A_2479 : i32 to vector<16xi32>
    %mul3A_2481 = arith.muli %convert_element_type3A_2478, %mul3A_2480 : vector<16xi32>
    %sub3A_2482 = arith.subi %xor3A_2464, %mul3A_2481 : vector<16xi32>
    %lt3A_2483 = arith.constant 0 : i32
    %lt3A_2484 = vector.broadcast %lt3A_2483 : i32 to vector<16xi32>
    %lt3A_2485 = arith.cmpi slt, %sub3A_2482, %lt3A_2484 : vector<16xi32>
    %add3A_2486 = arith.constant 999999 : i32
    %add3A_2487 = vector.broadcast %add3A_2486 : i32 to vector<16xi32>
    %add3A_2488 = arith.addi %sub3A_2482, %add3A_2487 : vector<16xi32>
    %select_n3A_2489 = arith.select %lt3A_2485, %add3A_2488, %sub3A_2482 : vector<16xi1>, vector<16xi32>
    %ge3A_2490 = arith.constant 999999 : i32
    %ge3A_2491 = vector.broadcast %ge3A_2490 : i32 to vector<16xi32>
    %ge3A_2492 = arith.cmpi sge, %select_n3A_2489, %ge3A_2491 : vector<16xi32>
    %sub3A_2493 = arith.constant 999999 : i32
    %sub3A_2494 = vector.broadcast %sub3A_2493 : i32 to vector<16xi32>
    %sub3A_2495 = arith.subi %select_n3A_2489, %sub3A_2494 : vector<16xi32>
    %select_n3A_2496 = arith.select %ge3A_2492, %sub3A_2495, %select_n3A_2489 : vector<16xi1>, vector<16xi32>
    %swap3A_2497 = arith.constant 5 : i64
    %swap3A_2498 = arith.index_cast %swap3A_2497 : i64 to index
    %swap3A_2499 = arith.constant 32 : index
    %swap3A_2500 = tpu.vector_load %arg6[%swap3A_2498, %swap3A_2499] {strides = array<i32>} : memref<8x128xi32, #tpu.memory_space<vmem>>, vector<1x16xi32>,
    %swap3A_2501 = vector.shape_cast %swap3A_2500 : vector<1x16xi32> to vector<16xi32>
    %swap3A_2502 = vector.shape_cast %select_n3A_2496 : vector<16xi32> to vector<1x16xi32>
    tpu.vector_store %arg6[%swap3A_2498, %swap3A_2499], %swap3A_2502 {strides = array<i32>} : memref<8x128xi32, #tpu.memory_space<vmem>>, vector<1x16xi32>,
    %get3A_2503 = arith.constant 704 : index
    %get3A_2504 = tpu.vector_load %arg5[%get3A_2503] {strides = array<i32>} : memref<1040xi32, #tpu.memory_space<vmem>>, vector<16xi32>,
    %get3A_2505 = vector.shape_cast %get3A_2504 : vector<16xi32> to vector<16xi32>
    %get3A_2506 = arith.constant 703 : index
    %get3A_2507 = tpu.vector_load %arg5[%get3A_2506] {strides = array<i32>} : memref<1040xi32, #tpu.memory_space<vmem>>, vector<16xi32>,
    %get3A_2508 = vector.shape_cast %get3A_2507 : vector<16xi32> to vector<16xi32>
    %get3A_2509 = arith.constant 702 : index
    %get3A_2510 = tpu.vector_load %arg5[%get3A_2509] {strides = array<i32>} : memref<1040xi32, #tpu.memory_space<vmem>>, vector<16xi32>,
    %get3A_2511 = vector.shape_cast %get3A_2510 : vector<16xi32> to vector<16xi32>
    %mul3A_2512 = arith.constant 36313 : i32
    %mul3A_2513 = vector.broadcast %mul3A_2512 : i32 to vector<16xi32>
    %mul3A_2514 = arith.muli %get3A_2505, %mul3A_2513 : vector<16xi32>
    %mul3A_2515 = arith.constant 27191 : i32
    %mul3A_2516 = vector.broadcast %mul3A_2515 : i32 to vector<16xi32>
    %mul3A_2517 = arith.muli %get3A_2508, %mul3A_2516 : vector<16xi32>
    %xor3A_2518 = arith.xori %mul3A_2514, %mul3A_2517 : vector<16xi32>
    %mul3A_2519 = arith.constant 51637 : i32
    %mul3A_2520 = vector.broadcast %mul3A_2519 : i32 to vector<16xi32>
    %mul3A_2521 = arith.muli %get3A_2511, %mul3A_2520 : vector<16xi32>
    %xor3A_2522 = arith.xori %xor3A_2518, %mul3A_2521 : vector<16xi32>
    %convert_element_type3A_2523 = arith.sitofp %xor3A_2522 : vector<16xi32> to vector<16xf32>
    %lt3A_2524 = arith.constant 0 : i32
    %lt3A_2525 = vector.broadcast %lt3A_2524 : i32 to vector<16xi32>
    %lt3A_2526 = arith.cmpi slt, %xor3A_2522, %lt3A_2525 : vector<16xi32>
    %jit3A_2527 = arith.constant 4.2949673E+9 : f32
    %jit3A_2528 = arith.constant 0.000000e+00 : f32
    %broadcast_in_dim3A_2529 = vector.broadcast %jit3A_2527 : f32 to vector<16xf32>
    %broadcast_in_dim3A_2530 = vector.broadcast %jit3A_2528 : f32 to vector<16xf32>
    %select_n3A_2531 = arith.select %lt3A_2526, %broadcast_in_dim3A_2529, %broadcast_in_dim3A_2530 : vector<16xi1>, vector<16xf32>
    %add3A_2532 = arith.addf %convert_element_type3A_2523, %select_n3A_2531 : vector<16xf32>
    %mul3A_2533 = arith.constant 1.00000102E-6 : f32
    %mul3A_2534 = vector.broadcast %mul3A_2533 : f32 to vector<16xf32>
    %mul3A_2535 = arith.mulf %add3A_2532, %mul3A_2534 : vector<16xf32>
    %convert_element_type3A_2536 = arith.fptosi %mul3A_2535 : vector<16xf32> to vector<16xi32>
    %mul3A_2537 = arith.constant 999999 : i32
    %mul3A_2538 = vector.broadcast %mul3A_2537 : i32 to vector<16xi32>
    %mul3A_2539 = arith.muli %convert_element_type3A_2536, %mul3A_2538 : vector<16xi32>
    %sub3A_2540 = arith.subi %xor3A_2522, %mul3A_2539 : vector<16xi32>
    %lt3A_2541 = arith.constant 0 : i32
    %lt3A_2542 = vector.broadcast %lt3A_2541 : i32 to vector<16xi32>
    %lt3A_2543 = arith.cmpi slt, %sub3A_2540, %lt3A_2542 : vector<16xi32>
    %add3A_2544 = arith.constant 999999 : i32
    %add3A_2545 = vector.broadcast %add3A_2544 : i32 to vector<16xi32>
    %add3A_2546 = arith.addi %sub3A_2540, %add3A_2545 : vector<16xi32>
    %select_n3A_2547 = arith.select %lt3A_2543, %add3A_2546, %sub3A_2540 : vector<16xi1>, vector<16xi32>
    %ge3A_2548 = arith.constant 999999 : i32
    %ge3A_2549 = vector.broadcast %ge3A_2548 : i32 to vector<16xi32>
    %ge3A_2550 = arith.cmpi sge, %select_n3A_2547, %ge3A_2549 : vector<16xi32>
    %sub3A_2551 = arith.constant 999999 : i32
    %sub3A_2552 = vector.broadcast %sub3A_2551 : i32 to vector<16xi32>
    %sub3A_2553 = arith.subi %select_n3A_2547, %sub3A_2552 : vector<16xi32>
    %select_n3A_2554 = arith.select %ge3A_2550, %sub3A_2553, %select_n3A_2547 : vector<16xi1>, vector<16xi32>
    %swap3A_2555 = arith.constant 5 : i64
    %swap3A_2556 = arith.index_cast %swap3A_2555 : i64 to index
    %swap3A_2557 = arith.constant 48 : index
    %swap3A_2558 = tpu.vector_load %arg6[%swap3A_2556, %swap3A_2557] {strides = array<i32>} : memref<8x128xi32, #tpu.memory_space<vmem>>, vector<1x16xi32>,
    %swap3A_2559 = vector.shape_cast %swap3A_2558 : vector<1x16xi32> to vector<16xi32>
    %swap3A_2560 = vector.shape_cast %select_n3A_2554 : vector<16xi32> to vector<1x16xi32>
    tpu.vector_store %arg6[%swap3A_2556, %swap3A_2557], %swap3A_2560 {strides = array<i32>} : memref<8x128xi32, #tpu.memory_space<vmem>>, vector<1x16xi32>,
    %get3A_2561 = arith.constant 720 : index
    %get3A_2562 = tpu.vector_load %arg5[%get3A_2561] {strides = array<i32>} : memref<1040xi32, #tpu.memory_space<vmem>>, vector<16xi32>,
    %get3A_2563 = vector.shape_cast %get3A_2562 : vector<16xi32> to vector<16xi32>
    %get3A_2564 = arith.constant 719 : index
    %get3A_2565 = tpu.vector_load %arg5[%get3A_2564] {strides = array<i32>} : memref<1040xi32, #tpu.memory_space<vmem>>, vector<16xi32>,
    %get3A_2566 = vector.shape_cast %get3A_2565 : vector<16xi32> to vector<16xi32>
    %get3A_2567 = arith.constant 718 : index
    %get3A_2568 = tpu.vector_load %arg5[%get3A_2567] {strides = array<i32>} : memref<1040xi32, #tpu.memory_space<vmem>>, vector<16xi32>,
    %get3A_2569 = vector.shape_cast %get3A_2568 : vector<16xi32> to vector<16xi32>
    %mul3A_2570 = arith.constant 36313 : i32
    %mul3A_2571 = vector.broadcast %mul3A_2570 : i32 to vector<16xi32>
    %mul3A_2572 = arith.muli %get3A_2563, %mul3A_2571 : vector<16xi32>
    %mul3A_2573 = arith.constant 27191 : i32
    %mul3A_2574 = vector.broadcast %mul3A_2573 : i32 to vector<16xi32>
    %mul3A_2575 = arith.muli %get3A_2566, %mul3A_2574 : vector<16xi32>
    %xor3A_2576 = arith.xori %mul3A_2572, %mul3A_2575 : vector<16xi32>
    %mul3A_2577 = arith.constant 51637 : i32
    %mul3A_2578 = vector.broadcast %mul3A_2577 : i32 to vector<16xi32>
    %mul3A_2579 = arith.muli %get3A_2569, %mul3A_2578 : vector<16xi32>
    %xor3A_2580 = arith.xori %xor3A_2576, %mul3A_2579 : vector<16xi32>
    %convert_element_type3A_2581 = arith.sitofp %xor3A_2580 : vector<16xi32> to vector<16xf32>
    %lt3A_2582 = arith.constant 0 : i32
    %lt3A_2583 = vector.broadcast %lt3A_2582 : i32 to vector<16xi32>
    %lt3A_2584 = arith.cmpi slt, %xor3A_2580, %lt3A_2583 : vector<16xi32>
    %jit3A_2585 = arith.constant 4.2949673E+9 : f32
    %jit3A_2586 = arith.constant 0.000000e+00 : f32
    %broadcast_in_dim3A_2587 = vector.broadcast %jit3A_2585 : f32 to vector<16xf32>
    %broadcast_in_dim3A_2588 = vector.broadcast %jit3A_2586 : f32 to vector<16xf32>
    %select_n3A_2589 = arith.select %lt3A_2584, %broadcast_in_dim3A_2587, %broadcast_in_dim3A_2588 : vector<16xi1>, vector<16xf32>
    %add3A_2590 = arith.addf %convert_element_type3A_2581, %select_n3A_2589 : vector<16xf32>
    %mul3A_2591 = arith.constant 1.00000102E-6 : f32
    %mul3A_2592 = vector.broadcast %mul3A_2591 : f32 to vector<16xf32>
    %mul3A_2593 = arith.mulf %add3A_2590, %mul3A_2592 : vector<16xf32>
    %convert_element_type3A_2594 = arith.fptosi %mul3A_2593 : vector<16xf32> to vector<16xi32>
    %mul3A_2595 = arith.constant 999999 : i32
    %mul3A_2596 = vector.broadcast %mul3A_2595 : i32 to vector<16xi32>
    %mul3A_2597 = arith.muli %convert_element_type3A_2594, %mul3A_2596 : vector<16xi32>
    %sub3A_2598 = arith.subi %xor3A_2580, %mul3A_2597 : vector<16xi32>
    %lt3A_2599 = arith.constant 0 : i32
    %lt3A_2600 = vector.broadcast %lt3A_2599 : i32 to vector<16xi32>
    %lt3A_2601 = arith.cmpi slt, %sub3A_2598, %lt3A_2600 : vector<16xi32>
    %add3A_2602 = arith.constant 999999 : i32
    %add3A_2603 = vector.broadcast %add3A_2602 : i32 to vector<16xi32>
    %add3A_2604 = arith.addi %sub3A_2598, %add3A_2603 : vector<16xi32>
    %select_n3A_2605 = arith.select %lt3A_2601, %add3A_2604, %sub3A_2598 : vector<16xi1>, vector<16xi32>
    %ge3A_2606 = arith.constant 999999 : i32
    %ge3A_2607 = vector.broadcast %ge3A_2606 : i32 to vector<16xi32>
    %ge3A_2608 = arith.cmpi sge, %select_n3A_2605, %ge3A_2607 : vector<16xi32>
    %sub3A_2609 = arith.constant 999999 : i32
    %sub3A_2610 = vector.broadcast %sub3A_2609 : i32 to vector<16xi32>
    %sub3A_2611 = arith.subi %select_n3A_2605, %sub3A_2610 : vector<16xi32>
    %select_n3A_2612 = arith.select %ge3A_2608, %sub3A_2611, %select_n3A_2605 : vector<16xi1>, vector<16xi32>
    %swap3A_2613 = arith.constant 5 : i64
    %swap3A_2614 = arith.index_cast %swap3A_2613 : i64 to index
    %swap3A_2615 = arith.constant 64 : index
    %swap3A_2616 = tpu.vector_load %arg6[%swap3A_2614, %swap3A_2615] {strides = array<i32>} : memref<8x128xi32, #tpu.memory_space<vmem>>, vector<1x16xi32>,
    %swap3A_2617 = vector.shape_cast %swap3A_2616 : vector<1x16xi32> to vector<16xi32>
    %swap3A_2618 = vector.shape_cast %select_n3A_2612 : vector<16xi32> to vector<1x16xi32>
    tpu.vector_store %arg6[%swap3A_2614, %swap3A_2615], %swap3A_2618 {strides = array<i32>} : memref<8x128xi32, #tpu.memory_space<vmem>>, vector<1x16xi32>,
    %get3A_2619 = arith.constant 736 : index
    %get3A_2620 = tpu.vector_load %arg5[%get3A_2619] {strides = array<i32>} : memref<1040xi32, #tpu.memory_space<vmem>>, vector<16xi32>,
    %get3A_2621 = vector.shape_cast %get3A_2620 : vector<16xi32> to vector<16xi32>
    %get3A_2622 = arith.constant 735 : index
    %get3A_2623 = tpu.vector_load %arg5[%get3A_2622] {strides = array<i32>} : memref<1040xi32, #tpu.memory_space<vmem>>, vector<16xi32>,
    %get3A_2624 = vector.shape_cast %get3A_2623 : vector<16xi32> to vector<16xi32>
    %get3A_2625 = arith.constant 734 : index
    %get3A_2626 = tpu.vector_load %arg5[%get3A_2625] {strides = array<i32>} : memref<1040xi32, #tpu.memory_space<vmem>>, vector<16xi32>,
    %get3A_2627 = vector.shape_cast %get3A_2626 : vector<16xi32> to vector<16xi32>
    %mul3A_2628 = arith.constant 36313 : i32
    %mul3A_2629 = vector.broadcast %mul3A_2628 : i32 to vector<16xi32>
    %mul3A_2630 = arith.muli %get3A_2621, %mul3A_2629 : vector<16xi32>
    %mul3A_2631 = arith.constant 27191 : i32
    %mul3A_2632 = vector.broadcast %mul3A_2631 : i32 to vector<16xi32>
    %mul3A_2633 = arith.muli %get3A_2624, %mul3A_2632 : vector<16xi32>
    %xor3A_2634 = arith.xori %mul3A_2630, %mul3A_2633 : vector<16xi32>
    %mul3A_2635 = arith.constant 51637 : i32
    %mul3A_2636 = vector.broadcast %mul3A_2635 : i32 to vector<16xi32>
    %mul3A_2637 = arith.muli %get3A_2627, %mul3A_2636 : vector<16xi32>
    %xor3A_2638 = arith.xori %xor3A_2634, %mul3A_2637 : vector<16xi32>
    %convert_element_type3A_2639 = arith.sitofp %xor3A_2638 : vector<16xi32> to vector<16xf32>
    %lt3A_2640 = arith.constant 0 : i32
    %lt3A_2641 = vector.broadcast %lt3A_2640 : i32 to vector<16xi32>
    %lt3A_2642 = arith.cmpi slt, %xor3A_2638, %lt3A_2641 : vector<16xi32>
    %jit3A_2643 = arith.constant 4.2949673E+9 : f32
    %jit3A_2644 = arith.constant 0.000000e+00 : f32
    %broadcast_in_dim3A_2645 = vector.broadcast %jit3A_2643 : f32 to vector<16xf32>
    %broadcast_in_dim3A_2646 = vector.broadcast %jit3A_2644 : f32 to vector<16xf32>
    %select_n3A_2647 = arith.select %lt3A_2642, %broadcast_in_dim3A_2645, %broadcast_in_dim3A_2646 : vector<16xi1>, vector<16xf32>
    %add3A_2648 = arith.addf %convert_element_type3A_2639, %select_n3A_2647 : vector<16xf32>
    %mul3A_2649 = arith.constant 1.00000102E-6 : f32
    %mul3A_2650 = vector.broadcast %mul3A_2649 : f32 to vector<16xf32>
    %mul3A_2651 = arith.mulf %add3A_2648, %mul3A_2650 : vector<16xf32>
    %convert_element_type3A_2652 = arith.fptosi %mul3A_2651 : vector<16xf32> to vector<16xi32>
    %mul3A_2653 = arith.constant 999999 : i32
    %mul3A_2654 = vector.broadcast %mul3A_2653 : i32 to vector<16xi32>
    %mul3A_2655 = arith.muli %convert_element_type3A_2652, %mul3A_2654 : vector<16xi32>
    %sub3A_2656 = arith.subi %xor3A_2638, %mul3A_2655 : vector<16xi32>
    %lt3A_2657 = arith.constant 0 : i32
    %lt3A_2658 = vector.broadcast %lt3A_2657 : i32 to vector<16xi32>
    %lt3A_2659 = arith.cmpi slt, %sub3A_2656, %lt3A_2658 : vector<16xi32>
    %add3A_2660 = arith.constant 999999 : i32
    %add3A_2661 = vector.broadcast %add3A_2660 : i32 to vector<16xi32>
    %add3A_2662 = arith.addi %sub3A_2656, %add3A_2661 : vector<16xi32>
    %select_n3A_2663 = arith.select %lt3A_2659, %add3A_2662, %sub3A_2656 : vector<16xi1>, vector<16xi32>
    %ge3A_2664 = arith.constant 999999 : i32
    %ge3A_2665 = vector.broadcast %ge3A_2664 : i32 to vector<16xi32>
    %ge3A_2666 = arith.cmpi sge, %select_n3A_2663, %ge3A_2665 : vector<16xi32>
    %sub3A_2667 = arith.constant 999999 : i32
    %sub3A_2668 = vector.broadcast %sub3A_2667 : i32 to vector<16xi32>
    %sub3A_2669 = arith.subi %select_n3A_2663, %sub3A_2668 : vector<16xi32>
    %select_n3A_2670 = arith.select %ge3A_2666, %sub3A_2669, %select_n3A_2663 : vector<16xi1>, vector<16xi32>
    %swap3A_2671 = arith.constant 5 : i64
    %swap3A_2672 = arith.index_cast %swap3A_2671 : i64 to index
    %swap3A_2673 = arith.constant 80 : index
    %swap3A_2674 = tpu.vector_load %arg6[%swap3A_2672, %swap3A_2673] {strides = array<i32>} : memref<8x128xi32, #tpu.memory_space<vmem>>, vector<1x16xi32>,
    %swap3A_2675 = vector.shape_cast %swap3A_2674 : vector<1x16xi32> to vector<16xi32>
    %swap3A_2676 = vector.shape_cast %select_n3A_2670 : vector<16xi32> to vector<1x16xi32>
    tpu.vector_store %arg6[%swap3A_2672, %swap3A_2673], %swap3A_2676 {strides = array<i32>} : memref<8x128xi32, #tpu.memory_space<vmem>>, vector<1x16xi32>,
    %get3A_2677 = arith.constant 752 : index
    %get3A_2678 = tpu.vector_load %arg5[%get3A_2677] {strides = array<i32>} : memref<1040xi32, #tpu.memory_space<vmem>>, vector<16xi32>,
    %get3A_2679 = vector.shape_cast %get3A_2678 : vector<16xi32> to vector<16xi32>
    %get3A_2680 = arith.constant 751 : index
    %get3A_2681 = tpu.vector_load %arg5[%get3A_2680] {strides = array<i32>} : memref<1040xi32, #tpu.memory_space<vmem>>, vector<16xi32>,
    %get3A_2682 = vector.shape_cast %get3A_2681 : vector<16xi32> to vector<16xi32>
    %get3A_2683 = arith.constant 750 : index
    %get3A_2684 = tpu.vector_load %arg5[%get3A_2683] {strides = array<i32>} : memref<1040xi32, #tpu.memory_space<vmem>>, vector<16xi32>,
    %get3A_2685 = vector.shape_cast %get3A_2684 : vector<16xi32> to vector<16xi32>
    %mul3A_2686 = arith.constant 36313 : i32
    %mul3A_2687 = vector.broadcast %mul3A_2686 : i32 to vector<16xi32>
    %mul3A_2688 = arith.muli %get3A_2679, %mul3A_2687 : vector<16xi32>
    %mul3A_2689 = arith.constant 27191 : i32
    %mul3A_2690 = vector.broadcast %mul3A_2689 : i32 to vector<16xi32>
    %mul3A_2691 = arith.muli %get3A_2682, %mul3A_2690 : vector<16xi32>
    %xor3A_2692 = arith.xori %mul3A_2688, %mul3A_2691 : vector<16xi32>
    %mul3A_2693 = arith.constant 51637 : i32
    %mul3A_2694 = vector.broadcast %mul3A_2693 : i32 to vector<16xi32>
    %mul3A_2695 = arith.muli %get3A_2685, %mul3A_2694 : vector<16xi32>
    %xor3A_2696 = arith.xori %xor3A_2692, %mul3A_2695 : vector<16xi32>
    %convert_element_type3A_2697 = arith.sitofp %xor3A_2696 : vector<16xi32> to vector<16xf32>
    %lt3A_2698 = arith.constant 0 : i32
    %lt3A_2699 = vector.broadcast %lt3A_2698 : i32 to vector<16xi32>
    %lt3A_2700 = arith.cmpi slt, %xor3A_2696, %lt3A_2699 : vector<16xi32>
    %jit3A_2701 = arith.constant 4.2949673E+9 : f32
    %jit3A_2702 = arith.constant 0.000000e+00 : f32
    %broadcast_in_dim3A_2703 = vector.broadcast %jit3A_2701 : f32 to vector<16xf32>
    %broadcast_in_dim3A_2704 = vector.broadcast %jit3A_2702 : f32 to vector<16xf32>
    %select_n3A_2705 = arith.select %lt3A_2700, %broadcast_in_dim3A_2703, %broadcast_in_dim3A_2704 : vector<16xi1>, vector<16xf32>
    %add3A_2706 = arith.addf %convert_element_type3A_2697, %select_n3A_2705 : vector<16xf32>
    %mul3A_2707 = arith.constant 1.00000102E-6 : f32
    %mul3A_2708 = vector.broadcast %mul3A_2707 : f32 to vector<16xf32>
    %mul3A_2709 = arith.mulf %add3A_2706, %mul3A_2708 : vector<16xf32>
    %convert_element_type3A_2710 = arith.fptosi %mul3A_2709 : vector<16xf32> to vector<16xi32>
    %mul3A_2711 = arith.constant 999999 : i32
    %mul3A_2712 = vector.broadcast %mul3A_2711 : i32 to vector<16xi32>
    %mul3A_2713 = arith.muli %convert_element_type3A_2710, %mul3A_2712 : vector<16xi32>
    %sub3A_2714 = arith.subi %xor3A_2696, %mul3A_2713 : vector<16xi32>
    %lt3A_2715 = arith.constant 0 : i32
    %lt3A_2716 = vector.broadcast %lt3A_2715 : i32 to vector<16xi32>
    %lt3A_2717 = arith.cmpi slt, %sub3A_2714, %lt3A_2716 : vector<16xi32>
    %add3A_2718 = arith.constant 999999 : i32
    %add3A_2719 = vector.broadcast %add3A_2718 : i32 to vector<16xi32>
    %add3A_2720 = arith.addi %sub3A_2714, %add3A_2719 : vector<16xi32>
    %select_n3A_2721 = arith.select %lt3A_2717, %add3A_2720, %sub3A_2714 : vector<16xi1>, vector<16xi32>
    %ge3A_2722 = arith.constant 999999 : i32
    %ge3A_2723 = vector.broadcast %ge3A_2722 : i32 to vector<16xi32>
    %ge3A_2724 = arith.cmpi sge, %select_n3A_2721, %ge3A_2723 : vector<16xi32>
    %sub3A_2725 = arith.constant 999999 : i32
    %sub3A_2726 = vector.broadcast %sub3A_2725 : i32 to vector<16xi32>
    %sub3A_2727 = arith.subi %select_n3A_2721, %sub3A_2726 : vector<16xi32>
    %select_n3A_2728 = arith.select %ge3A_2724, %sub3A_2727, %select_n3A_2721 : vector<16xi1>, vector<16xi32>
    %swap3A_2729 = arith.constant 5 : i64
    %swap3A_2730 = arith.index_cast %swap3A_2729 : i64 to index
    %swap3A_2731 = arith.constant 96 : index
    %swap3A_2732 = tpu.vector_load %arg6[%swap3A_2730, %swap3A_2731] {strides = array<i32>} : memref<8x128xi32, #tpu.memory_space<vmem>>, vector<1x16xi32>,
    %swap3A_2733 = vector.shape_cast %swap3A_2732 : vector<1x16xi32> to vector<16xi32>
    %swap3A_2734 = vector.shape_cast %select_n3A_2728 : vector<16xi32> to vector<1x16xi32>
    tpu.vector_store %arg6[%swap3A_2730, %swap3A_2731], %swap3A_2734 {strides = array<i32>} : memref<8x128xi32, #tpu.memory_space<vmem>>, vector<1x16xi32>,
    %get3A_2735 = arith.constant 768 : index
    %get3A_2736 = tpu.vector_load %arg5[%get3A_2735] {strides = array<i32>} : memref<1040xi32, #tpu.memory_space<vmem>>, vector<16xi32>,
    %get3A_2737 = vector.shape_cast %get3A_2736 : vector<16xi32> to vector<16xi32>
    %get3A_2738 = arith.constant 767 : index
    %get3A_2739 = tpu.vector_load %arg5[%get3A_2738] {strides = array<i32>} : memref<1040xi32, #tpu.memory_space<vmem>>, vector<16xi32>,
    %get3A_2740 = vector.shape_cast %get3A_2739 : vector<16xi32> to vector<16xi32>
    %get3A_2741 = arith.constant 766 : index
    %get3A_2742 = tpu.vector_load %arg5[%get3A_2741] {strides = array<i32>} : memref<1040xi32, #tpu.memory_space<vmem>>, vector<16xi32>,
    %get3A_2743 = vector.shape_cast %get3A_2742 : vector<16xi32> to vector<16xi32>
    %mul3A_2744 = arith.constant 36313 : i32
    %mul3A_2745 = vector.broadcast %mul3A_2744 : i32 to vector<16xi32>
    %mul3A_2746 = arith.muli %get3A_2737, %mul3A_2745 : vector<16xi32>
    %mul3A_2747 = arith.constant 27191 : i32
    %mul3A_2748 = vector.broadcast %mul3A_2747 : i32 to vector<16xi32>
    %mul3A_2749 = arith.muli %get3A_2740, %mul3A_2748 : vector<16xi32>
    %xor3A_2750 = arith.xori %mul3A_2746, %mul3A_2749 : vector<16xi32>
    %mul3A_2751 = arith.constant 51637 : i32
    %mul3A_2752 = vector.broadcast %mul3A_2751 : i32 to vector<16xi32>
    %mul3A_2753 = arith.muli %get3A_2743, %mul3A_2752 : vector<16xi32>
    %xor3A_2754 = arith.xori %xor3A_2750, %mul3A_2753 : vector<16xi32>
    %convert_element_type3A_2755 = arith.sitofp %xor3A_2754 : vector<16xi32> to vector<16xf32>
    %lt3A_2756 = arith.constant 0 : i32
    %lt3A_2757 = vector.broadcast %lt3A_2756 : i32 to vector<16xi32>
    %lt3A_2758 = arith.cmpi slt, %xor3A_2754, %lt3A_2757 : vector<16xi32>
    %jit3A_2759 = arith.constant 4.2949673E+9 : f32
    %jit3A_2760 = arith.constant 0.000000e+00 : f32
    %broadcast_in_dim3A_2761 = vector.broadcast %jit3A_2759 : f32 to vector<16xf32>
    %broadcast_in_dim3A_2762 = vector.broadcast %jit3A_2760 : f32 to vector<16xf32>
    %select_n3A_2763 = arith.select %lt3A_2758, %broadcast_in_dim3A_2761, %broadcast_in_dim3A_2762 : vector<16xi1>, vector<16xf32>
    %add3A_2764 = arith.addf %convert_element_type3A_2755, %select_n3A_2763 : vector<16xf32>
    %mul3A_2765 = arith.constant 1.00000102E-6 : f32
    %mul3A_2766 = vector.broadcast %mul3A_2765 : f32 to vector<16xf32>
    %mul3A_2767 = arith.mulf %add3A_2764, %mul3A_2766 : vector<16xf32>
    %convert_element_type3A_2768 = arith.fptosi %mul3A_2767 : vector<16xf32> to vector<16xi32>
    %mul3A_2769 = arith.constant 999999 : i32
    %mul3A_2770 = vector.broadcast %mul3A_2769 : i32 to vector<16xi32>
    %mul3A_2771 = arith.muli %convert_element_type3A_2768, %mul3A_2770 : vector<16xi32>
    %sub3A_2772 = arith.subi %xor3A_2754, %mul3A_2771 : vector<16xi32>
    %lt3A_2773 = arith.constant 0 : i32
    %lt3A_2774 = vector.broadcast %lt3A_2773 : i32 to vector<16xi32>
    %lt3A_2775 = arith.cmpi slt, %sub3A_2772, %lt3A_2774 : vector<16xi32>
    %add3A_2776 = arith.constant 999999 : i32
    %add3A_2777 = vector.broadcast %add3A_2776 : i32 to vector<16xi32>
    %add3A_2778 = arith.addi %sub3A_2772, %add3A_2777 : vector<16xi32>
    %select_n3A_2779 = arith.select %lt3A_2775, %add3A_2778, %sub3A_2772 : vector<16xi1>, vector<16xi32>
    %ge3A_2780 = arith.constant 999999 : i32
    %ge3A_2781 = vector.broadcast %ge3A_2780 : i32 to vector<16xi32>
    %ge3A_2782 = arith.cmpi sge, %select_n3A_2779, %ge3A_2781 : vector<16xi32>
    %sub3A_2783 = arith.constant 999999 : i32
    %sub3A_2784 = vector.broadcast %sub3A_2783 : i32 to vector<16xi32>
    %sub3A_2785 = arith.subi %select_n3A_2779, %sub3A_2784 : vector<16xi32>
    %select_n3A_2786 = arith.select %ge3A_2782, %sub3A_2785, %select_n3A_2779 : vector<16xi1>, vector<16xi32>
    %swap3A_2787 = arith.constant 5 : i64
    %swap3A_2788 = arith.index_cast %swap3A_2787 : i64 to index
    %swap3A_2789 = arith.constant 112 : index
    %swap3A_2790 = tpu.vector_load %arg6[%swap3A_2788, %swap3A_2789] {strides = array<i32>} : memref<8x128xi32, #tpu.memory_space<vmem>>, vector<1x16xi32>,
    %swap3A_2791 = vector.shape_cast %swap3A_2790 : vector<1x16xi32> to vector<16xi32>
    %swap3A_2792 = vector.shape_cast %select_n3A_2786 : vector<16xi32> to vector<1x16xi32>
    tpu.vector_store %arg6[%swap3A_2788, %swap3A_2789], %swap3A_2792 {strides = array<i32>} : memref<8x128xi32, #tpu.memory_space<vmem>>, vector<1x16xi32>,
    %get3A_2793 = arith.constant 784 : index
    %get3A_2794 = tpu.vector_load %arg5[%get3A_2793] {strides = array<i32>} : memref<1040xi32, #tpu.memory_space<vmem>>, vector<16xi32>,
    %get3A_2795 = vector.shape_cast %get3A_2794 : vector<16xi32> to vector<16xi32>
    %get3A_2796 = arith.constant 783 : index
    %get3A_2797 = tpu.vector_load %arg5[%get3A_2796] {strides = array<i32>} : memref<1040xi32, #tpu.memory_space<vmem>>, vector<16xi32>,
    %get3A_2798 = vector.shape_cast %get3A_2797 : vector<16xi32> to vector<16xi32>
    %get3A_2799 = arith.constant 782 : index
    %get3A_2800 = tpu.vector_load %arg5[%get3A_2799] {strides = array<i32>} : memref<1040xi32, #tpu.memory_space<vmem>>, vector<16xi32>,
    %get3A_2801 = vector.shape_cast %get3A_2800 : vector<16xi32> to vector<16xi32>
    %mul3A_2802 = arith.constant 36313 : i32
    %mul3A_2803 = vector.broadcast %mul3A_2802 : i32 to vector<16xi32>
    %mul3A_2804 = arith.muli %get3A_2795, %mul3A_2803 : vector<16xi32>
    %mul3A_2805 = arith.constant 27191 : i32
    %mul3A_2806 = vector.broadcast %mul3A_2805 : i32 to vector<16xi32>
    %mul3A_2807 = arith.muli %get3A_2798, %mul3A_2806 : vector<16xi32>
    %xor3A_2808 = arith.xori %mul3A_2804, %mul3A_2807 : vector<16xi32>
    %mul3A_2809 = arith.constant 51637 : i32
    %mul3A_2810 = vector.broadcast %mul3A_2809 : i32 to vector<16xi32>
    %mul3A_2811 = arith.muli %get3A_2801, %mul3A_2810 : vector<16xi32>
    %xor3A_2812 = arith.xori %xor3A_2808, %mul3A_2811 : vector<16xi32>
    %convert_element_type3A_2813 = arith.sitofp %xor3A_2812 : vector<16xi32> to vector<16xf32>
    %lt3A_2814 = arith.constant 0 : i32
    %lt3A_2815 = vector.broadcast %lt3A_2814 : i32 to vector<16xi32>
    %lt3A_2816 = arith.cmpi slt, %xor3A_2812, %lt3A_2815 : vector<16xi32>
    %jit3A_2817 = arith.constant 4.2949673E+9 : f32
    %jit3A_2818 = arith.constant 0.000000e+00 : f32
    %broadcast_in_dim3A_2819 = vector.broadcast %jit3A_2817 : f32 to vector<16xf32>
    %broadcast_in_dim3A_2820 = vector.broadcast %jit3A_2818 : f32 to vector<16xf32>
    %select_n3A_2821 = arith.select %lt3A_2816, %broadcast_in_dim3A_2819, %broadcast_in_dim3A_2820 : vector<16xi1>, vector<16xf32>
    %add3A_2822 = arith.addf %convert_element_type3A_2813, %select_n3A_2821 : vector<16xf32>
    %mul3A_2823 = arith.constant 1.00000102E-6 : f32
    %mul3A_2824 = vector.broadcast %mul3A_2823 : f32 to vector<16xf32>
    %mul3A_2825 = arith.mulf %add3A_2822, %mul3A_2824 : vector<16xf32>
    %convert_element_type3A_2826 = arith.fptosi %mul3A_2825 : vector<16xf32> to vector<16xi32>
    %mul3A_2827 = arith.constant 999999 : i32
    %mul3A_2828 = vector.broadcast %mul3A_2827 : i32 to vector<16xi32>
    %mul3A_2829 = arith.muli %convert_element_type3A_2826, %mul3A_2828 : vector<16xi32>
    %sub3A_2830 = arith.subi %xor3A_2812, %mul3A_2829 : vector<16xi32>
    %lt3A_2831 = arith.constant 0 : i32
    %lt3A_2832 = vector.broadcast %lt3A_2831 : i32 to vector<16xi32>
    %lt3A_2833 = arith.cmpi slt, %sub3A_2830, %lt3A_2832 : vector<16xi32>
    %add3A_2834 = arith.constant 999999 : i32
    %add3A_2835 = vector.broadcast %add3A_2834 : i32 to vector<16xi32>
    %add3A_2836 = arith.addi %sub3A_2830, %add3A_2835 : vector<16xi32>
    %select_n3A_2837 = arith.select %lt3A_2833, %add3A_2836, %sub3A_2830 : vector<16xi1>, vector<16xi32>
    %ge3A_2838 = arith.constant 999999 : i32
    %ge3A_2839 = vector.broadcast %ge3A_2838 : i32 to vector<16xi32>
    %ge3A_2840 = arith.cmpi sge, %select_n3A_2837, %ge3A_2839 : vector<16xi32>
    %sub3A_2841 = arith.constant 999999 : i32
    %sub3A_2842 = vector.broadcast %sub3A_2841 : i32 to vector<16xi32>
    %sub3A_2843 = arith.subi %select_n3A_2837, %sub3A_2842 : vector<16xi32>
    %select_n3A_2844 = arith.select %ge3A_2840, %sub3A_2843, %select_n3A_2837 : vector<16xi1>, vector<16xi32>
    %swap3A_2845 = arith.constant 6 : i64
    %swap3A_2846 = arith.index_cast %swap3A_2845 : i64 to index
    %swap3A_2847 = arith.constant 0 : index
    %swap3A_2848 = tpu.vector_load %arg6[%swap3A_2846, %swap3A_2847] {strides = array<i32>} : memref<8x128xi32, #tpu.memory_space<vmem>>, vector<1x16xi32>,
    %swap3A_2849 = vector.shape_cast %swap3A_2848 : vector<1x16xi32> to vector<16xi32>
    %swap3A_2850 = vector.shape_cast %select_n3A_2844 : vector<16xi32> to vector<1x16xi32>
    tpu.vector_store %arg6[%swap3A_2846, %swap3A_2847], %swap3A_2850 {strides = array<i32>} : memref<8x128xi32, #tpu.memory_space<vmem>>, vector<1x16xi32>,
    %get3A_2851 = arith.constant 800 : index
    %get3A_2852 = tpu.vector_load %arg5[%get3A_2851] {strides = array<i32>} : memref<1040xi32, #tpu.memory_space<vmem>>, vector<16xi32>,
    %get3A_2853 = vector.shape_cast %get3A_2852 : vector<16xi32> to vector<16xi32>
    %get3A_2854 = arith.constant 799 : index
    %get3A_2855 = tpu.vector_load %arg5[%get3A_2854] {strides = array<i32>} : memref<1040xi32, #tpu.memory_space<vmem>>, vector<16xi32>,
    %get3A_2856 = vector.shape_cast %get3A_2855 : vector<16xi32> to vector<16xi32>
    %get3A_2857 = arith.constant 798 : index
    %get3A_2858 = tpu.vector_load %arg5[%get3A_2857] {strides = array<i32>} : memref<1040xi32, #tpu.memory_space<vmem>>, vector<16xi32>,
    %get3A_2859 = vector.shape_cast %get3A_2858 : vector<16xi32> to vector<16xi32>
    %mul3A_2860 = arith.constant 36313 : i32
    %mul3A_2861 = vector.broadcast %mul3A_2860 : i32 to vector<16xi32>
    %mul3A_2862 = arith.muli %get3A_2853, %mul3A_2861 : vector<16xi32>
    %mul3A_2863 = arith.constant 27191 : i32
    %mul3A_2864 = vector.broadcast %mul3A_2863 : i32 to vector<16xi32>
    %mul3A_2865 = arith.muli %get3A_2856, %mul3A_2864 : vector<16xi32>
    %xor3A_2866 = arith.xori %mul3A_2862, %mul3A_2865 : vector<16xi32>
    %mul3A_2867 = arith.constant 51637 : i32
    %mul3A_2868 = vector.broadcast %mul3A_2867 : i32 to vector<16xi32>
    %mul3A_2869 = arith.muli %get3A_2859, %mul3A_2868 : vector<16xi32>
    %xor3A_2870 = arith.xori %xor3A_2866, %mul3A_2869 : vector<16xi32>
    %convert_element_type3A_2871 = arith.sitofp %xor3A_2870 : vector<16xi32> to vector<16xf32>
    %lt3A_2872 = arith.constant 0 : i32
    %lt3A_2873 = vector.broadcast %lt3A_2872 : i32 to vector<16xi32>
    %lt3A_2874 = arith.cmpi slt, %xor3A_2870, %lt3A_2873 : vector<16xi32>
    %jit3A_2875 = arith.constant 4.2949673E+9 : f32
    %jit3A_2876 = arith.constant 0.000000e+00 : f32
    %broadcast_in_dim3A_2877 = vector.broadcast %jit3A_2875 : f32 to vector<16xf32>
    %broadcast_in_dim3A_2878 = vector.broadcast %jit3A_2876 : f32 to vector<16xf32>
    %select_n3A_2879 = arith.select %lt3A_2874, %broadcast_in_dim3A_2877, %broadcast_in_dim3A_2878 : vector<16xi1>, vector<16xf32>
    %add3A_2880 = arith.addf %convert_element_type3A_2871, %select_n3A_2879 : vector<16xf32>
    %mul3A_2881 = arith.constant 1.00000102E-6 : f32
    %mul3A_2882 = vector.broadcast %mul3A_2881 : f32 to vector<16xf32>
    %mul3A_2883 = arith.mulf %add3A_2880, %mul3A_2882 : vector<16xf32>
    %convert_element_type3A_2884 = arith.fptosi %mul3A_2883 : vector<16xf32> to vector<16xi32>
    %mul3A_2885 = arith.constant 999999 : i32
    %mul3A_2886 = vector.broadcast %mul3A_2885 : i32 to vector<16xi32>
    %mul3A_2887 = arith.muli %convert_element_type3A_2884, %mul3A_2886 : vector<16xi32>
    %sub3A_2888 = arith.subi %xor3A_2870, %mul3A_2887 : vector<16xi32>
    %lt3A_2889 = arith.constant 0 : i32
    %lt3A_2890 = vector.broadcast %lt3A_2889 : i32 to vector<16xi32>
    %lt3A_2891 = arith.cmpi slt, %sub3A_2888, %lt3A_2890 : vector<16xi32>
    %add3A_2892 = arith.constant 999999 : i32
    %add3A_2893 = vector.broadcast %add3A_2892 : i32 to vector<16xi32>
    %add3A_2894 = arith.addi %sub3A_2888, %add3A_2893 : vector<16xi32>
    %select_n3A_2895 = arith.select %lt3A_2891, %add3A_2894, %sub3A_2888 : vector<16xi1>, vector<16xi32>
    %ge3A_2896 = arith.constant 999999 : i32
    %ge3A_2897 = vector.broadcast %ge3A_2896 : i32 to vector<16xi32>
    %ge3A_2898 = arith.cmpi sge, %select_n3A_2895, %ge3A_2897 : vector<16xi32>
    %sub3A_2899 = arith.constant 999999 : i32
    %sub3A_2900 = vector.broadcast %sub3A_2899 : i32 to vector<16xi32>
    %sub3A_2901 = arith.subi %select_n3A_2895, %sub3A_2900 : vector<16xi32>
    %select_n3A_2902 = arith.select %ge3A_2898, %sub3A_2901, %select_n3A_2895 : vector<16xi1>, vector<16xi32>
    %swap3A_2903 = arith.constant 6 : i64
    %swap3A_2904 = arith.index_cast %swap3A_2903 : i64 to index
    %swap3A_2905 = arith.constant 16 : index
    %swap3A_2906 = tpu.vector_load %arg6[%swap3A_2904, %swap3A_2905] {strides = array<i32>} : memref<8x128xi32, #tpu.memory_space<vmem>>, vector<1x16xi32>,
    %swap3A_2907 = vector.shape_cast %swap3A_2906 : vector<1x16xi32> to vector<16xi32>
    %swap3A_2908 = vector.shape_cast %select_n3A_2902 : vector<16xi32> to vector<1x16xi32>
    tpu.vector_store %arg6[%swap3A_2904, %swap3A_2905], %swap3A_2908 {strides = array<i32>} : memref<8x128xi32, #tpu.memory_space<vmem>>, vector<1x16xi32>,
    %get3A_2909 = arith.constant 816 : index
    %get3A_2910 = tpu.vector_load %arg5[%get3A_2909] {strides = array<i32>} : memref<1040xi32, #tpu.memory_space<vmem>>, vector<16xi32>,
    %get3A_2911 = vector.shape_cast %get3A_2910 : vector<16xi32> to vector<16xi32>
    %get3A_2912 = arith.constant 815 : index
    %get3A_2913 = tpu.vector_load %arg5[%get3A_2912] {strides = array<i32>} : memref<1040xi32, #tpu.memory_space<vmem>>, vector<16xi32>,
    %get3A_2914 = vector.shape_cast %get3A_2913 : vector<16xi32> to vector<16xi32>
    %get3A_2915 = arith.constant 814 : index
    %get3A_2916 = tpu.vector_load %arg5[%get3A_2915] {strides = array<i32>} : memref<1040xi32, #tpu.memory_space<vmem>>, vector<16xi32>,
    %get3A_2917 = vector.shape_cast %get3A_2916 : vector<16xi32> to vector<16xi32>
    %mul3A_2918 = arith.constant 36313 : i32
    %mul3A_2919 = vector.broadcast %mul3A_2918 : i32 to vector<16xi32>
    %mul3A_2920 = arith.muli %get3A_2911, %mul3A_2919 : vector<16xi32>
    %mul3A_2921 = arith.constant 27191 : i32
    %mul3A_2922 = vector.broadcast %mul3A_2921 : i32 to vector<16xi32>
    %mul3A_2923 = arith.muli %get3A_2914, %mul3A_2922 : vector<16xi32>
    %xor3A_2924 = arith.xori %mul3A_2920, %mul3A_2923 : vector<16xi32>
    %mul3A_2925 = arith.constant 51637 : i32
    %mul3A_2926 = vector.broadcast %mul3A_2925 : i32 to vector<16xi32>
    %mul3A_2927 = arith.muli %get3A_2917, %mul3A_2926 : vector<16xi32>
    %xor3A_2928 = arith.xori %xor3A_2924, %mul3A_2927 : vector<16xi32>
    %convert_element_type3A_2929 = arith.sitofp %xor3A_2928 : vector<16xi32> to vector<16xf32>
    %lt3A_2930 = arith.constant 0 : i32
    %lt3A_2931 = vector.broadcast %lt3A_2930 : i32 to vector<16xi32>
    %lt3A_2932 = arith.cmpi slt, %xor3A_2928, %lt3A_2931 : vector<16xi32>
    %jit3A_2933 = arith.constant 4.2949673E+9 : f32
    %jit3A_2934 = arith.constant 0.000000e+00 : f32
    %broadcast_in_dim3A_2935 = vector.broadcast %jit3A_2933 : f32 to vector<16xf32>
    %broadcast_in_dim3A_2936 = vector.broadcast %jit3A_2934 : f32 to vector<16xf32>
    %select_n3A_2937 = arith.select %lt3A_2932, %broadcast_in_dim3A_2935, %broadcast_in_dim3A_2936 : vector<16xi1>, vector<16xf32>
    %add3A_2938 = arith.addf %convert_element_type3A_2929, %select_n3A_2937 : vector<16xf32>
    %mul3A_2939 = arith.constant 1.00000102E-6 : f32
    %mul3A_2940 = vector.broadcast %mul3A_2939 : f32 to vector<16xf32>
    %mul3A_2941 = arith.mulf %add3A_2938, %mul3A_2940 : vector<16xf32>
    %convert_element_type3A_2942 = arith.fptosi %mul3A_2941 : vector<16xf32> to vector<16xi32>
    %mul3A_2943 = arith.constant 999999 : i32
    %mul3A_2944 = vector.broadcast %mul3A_2943 : i32 to vector<16xi32>
    %mul3A_2945 = arith.muli %convert_element_type3A_2942, %mul3A_2944 : vector<16xi32>
    %sub3A_2946 = arith.subi %xor3A_2928, %mul3A_2945 : vector<16xi32>
    %lt3A_2947 = arith.constant 0 : i32
    %lt3A_2948 = vector.broadcast %lt3A_2947 : i32 to vector<16xi32>
    %lt3A_2949 = arith.cmpi slt, %sub3A_2946, %lt3A_2948 : vector<16xi32>
    %add3A_2950 = arith.constant 999999 : i32
    %add3A_2951 = vector.broadcast %add3A_2950 : i32 to vector<16xi32>
    %add3A_2952 = arith.addi %sub3A_2946, %add3A_2951 : vector<16xi32>
    %select_n3A_2953 = arith.select %lt3A_2949, %add3A_2952, %sub3A_2946 : vector<16xi1>, vector<16xi32>
    %ge3A_2954 = arith.constant 999999 : i32
    %ge3A_2955 = vector.broadcast %ge3A_2954 : i32 to vector<16xi32>
    %ge3A_2956 = arith.cmpi sge, %select_n3A_2953, %ge3A_2955 : vector<16xi32>
    %sub3A_2957 = arith.constant 999999 : i32
    %sub3A_2958 = vector.broadcast %sub3A_2957 : i32 to vector<16xi32>
    %sub3A_2959 = arith.subi %select_n3A_2953, %sub3A_2958 : vector<16xi32>
    %select_n3A_2960 = arith.select %ge3A_2956, %sub3A_2959, %select_n3A_2953 : vector<16xi1>, vector<16xi32>
    %swap3A_2961 = arith.constant 6 : i64
    %swap3A_2962 = arith.index_cast %swap3A_2961 : i64 to index
    %swap3A_2963 = arith.constant 32 : index
    %swap3A_2964 = tpu.vector_load %arg6[%swap3A_2962, %swap3A_2963] {strides = array<i32>} : memref<8x128xi32, #tpu.memory_space<vmem>>, vector<1x16xi32>,
    %swap3A_2965 = vector.shape_cast %swap3A_2964 : vector<1x16xi32> to vector<16xi32>
    %swap3A_2966 = vector.shape_cast %select_n3A_2960 : vector<16xi32> to vector<1x16xi32>
    tpu.vector_store %arg6[%swap3A_2962, %swap3A_2963], %swap3A_2966 {strides = array<i32>} : memref<8x128xi32, #tpu.memory_space<vmem>>, vector<1x16xi32>,
    %get3A_2967 = arith.constant 832 : index
    %get3A_2968 = tpu.vector_load %arg5[%get3A_2967] {strides = array<i32>} : memref<1040xi32, #tpu.memory_space<vmem>>, vector<16xi32>,
    %get3A_2969 = vector.shape_cast %get3A_2968 : vector<16xi32> to vector<16xi32>
    %get3A_2970 = arith.constant 831 : index
    %get3A_2971 = tpu.vector_load %arg5[%get3A_2970] {strides = array<i32>} : memref<1040xi32, #tpu.memory_space<vmem>>, vector<16xi32>,
    %get3A_2972 = vector.shape_cast %get3A_2971 : vector<16xi32> to vector<16xi32>
    %get3A_2973 = arith.constant 830 : index
    %get3A_2974 = tpu.vector_load %arg5[%get3A_2973] {strides = array<i32>} : memref<1040xi32, #tpu.memory_space<vmem>>, vector<16xi32>,
    %get3A_2975 = vector.shape_cast %get3A_2974 : vector<16xi32> to vector<16xi32>
    %mul3A_2976 = arith.constant 36313 : i32
    %mul3A_2977 = vector.broadcast %mul3A_2976 : i32 to vector<16xi32>
    %mul3A_2978 = arith.muli %get3A_2969, %mul3A_2977 : vector<16xi32>
    %mul3A_2979 = arith.constant 27191 : i32
    %mul3A_2980 = vector.broadcast %mul3A_2979 : i32 to vector<16xi32>
    %mul3A_2981 = arith.muli %get3A_2972, %mul3A_2980 : vector<16xi32>
    %xor3A_2982 = arith.xori %mul3A_2978, %mul3A_2981 : vector<16xi32>
    %mul3A_2983 = arith.constant 51637 : i32
    %mul3A_2984 = vector.broadcast %mul3A_2983 : i32 to vector<16xi32>
    %mul3A_2985 = arith.muli %get3A_2975, %mul3A_2984 : vector<16xi32>
    %xor3A_2986 = arith.xori %xor3A_2982, %mul3A_2985 : vector<16xi32>
    %convert_element_type3A_2987 = arith.sitofp %xor3A_2986 : vector<16xi32> to vector<16xf32>
    %lt3A_2988 = arith.constant 0 : i32
    %lt3A_2989 = vector.broadcast %lt3A_2988 : i32 to vector<16xi32>
    %lt3A_2990 = arith.cmpi slt, %xor3A_2986, %lt3A_2989 : vector<16xi32>
    %jit3A_2991 = arith.constant 4.2949673E+9 : f32
    %jit3A_2992 = arith.constant 0.000000e+00 : f32
    %broadcast_in_dim3A_2993 = vector.broadcast %jit3A_2991 : f32 to vector<16xf32>
    %broadcast_in_dim3A_2994 = vector.broadcast %jit3A_2992 : f32 to vector<16xf32>
    %select_n3A_2995 = arith.select %lt3A_2990, %broadcast_in_dim3A_2993, %broadcast_in_dim3A_2994 : vector<16xi1>, vector<16xf32>
    %add3A_2996 = arith.addf %convert_element_type3A_2987, %select_n3A_2995 : vector<16xf32>
    %mul3A_2997 = arith.constant 1.00000102E-6 : f32
    %mul3A_2998 = vector.broadcast %mul3A_2997 : f32 to vector<16xf32>
    %mul3A_2999 = arith.mulf %add3A_2996, %mul3A_2998 : vector<16xf32>
    %convert_element_type3A_3000 = arith.fptosi %mul3A_2999 : vector<16xf32> to vector<16xi32>
    %mul3A_3001 = arith.constant 999999 : i32
    %mul3A_3002 = vector.broadcast %mul3A_3001 : i32 to vector<16xi32>
    %mul3A_3003 = arith.muli %convert_element_type3A_3000, %mul3A_3002 : vector<16xi32>
    %sub3A_3004 = arith.subi %xor3A_2986, %mul3A_3003 : vector<16xi32>
    %lt3A_3005 = arith.constant 0 : i32
    %lt3A_3006 = vector.broadcast %lt3A_3005 : i32 to vector<16xi32>
    %lt3A_3007 = arith.cmpi slt, %sub3A_3004, %lt3A_3006 : vector<16xi32>
    %add3A_3008 = arith.constant 999999 : i32
    %add3A_3009 = vector.broadcast %add3A_3008 : i32 to vector<16xi32>
    %add3A_3010 = arith.addi %sub3A_3004, %add3A_3009 : vector<16xi32>
    %select_n3A_3011 = arith.select %lt3A_3007, %add3A_3010, %sub3A_3004 : vector<16xi1>, vector<16xi32>
    %ge3A_3012 = arith.constant 999999 : i32
    %ge3A_3013 = vector.broadcast %ge3A_3012 : i32 to vector<16xi32>
    %ge3A_3014 = arith.cmpi sge, %select_n3A_3011, %ge3A_3013 : vector<16xi32>
    %sub3A_3015 = arith.constant 999999 : i32
    %sub3A_3016 = vector.broadcast %sub3A_3015 : i32 to vector<16xi32>
    %sub3A_3017 = arith.subi %select_n3A_3011, %sub3A_3016 : vector<16xi32>
    %select_n3A_3018 = arith.select %ge3A_3014, %sub3A_3017, %select_n3A_3011 : vector<16xi1>, vector<16xi32>
    %swap3A_3019 = arith.constant 6 : i64
    %swap3A_3020 = arith.index_cast %swap3A_3019 : i64 to index
    %swap3A_3021 = arith.constant 48 : index
    %swap3A_3022 = tpu.vector_load %arg6[%swap3A_3020, %swap3A_3021] {strides = array<i32>} : memref<8x128xi32, #tpu.memory_space<vmem>>, vector<1x16xi32>,
    %swap3A_3023 = vector.shape_cast %swap3A_3022 : vector<1x16xi32> to vector<16xi32>
    %swap3A_3024 = vector.shape_cast %select_n3A_3018 : vector<16xi32> to vector<1x16xi32>
    tpu.vector_store %arg6[%swap3A_3020, %swap3A_3021], %swap3A_3024 {strides = array<i32>} : memref<8x128xi32, #tpu.memory_space<vmem>>, vector<1x16xi32>,
    %get3A_3025 = arith.constant 848 : index
    %get3A_3026 = tpu.vector_load %arg5[%get3A_3025] {strides = array<i32>} : memref<1040xi32, #tpu.memory_space<vmem>>, vector<16xi32>,
    %get3A_3027 = vector.shape_cast %get3A_3026 : vector<16xi32> to vector<16xi32>
    %get3A_3028 = arith.constant 847 : index
    %get3A_3029 = tpu.vector_load %arg5[%get3A_3028] {strides = array<i32>} : memref<1040xi32, #tpu.memory_space<vmem>>, vector<16xi32>,
    %get3A_3030 = vector.shape_cast %get3A_3029 : vector<16xi32> to vector<16xi32>
    %get3A_3031 = arith.constant 846 : index
    %get3A_3032 = tpu.vector_load %arg5[%get3A_3031] {strides = array<i32>} : memref<1040xi32, #tpu.memory_space<vmem>>, vector<16xi32>,
    %get3A_3033 = vector.shape_cast %get3A_3032 : vector<16xi32> to vector<16xi32>
    %mul3A_3034 = arith.constant 36313 : i32
    %mul3A_3035 = vector.broadcast %mul3A_3034 : i32 to vector<16xi32>
    %mul3A_3036 = arith.muli %get3A_3027, %mul3A_3035 : vector<16xi32>
    %mul3A_3037 = arith.constant 27191 : i32
    %mul3A_3038 = vector.broadcast %mul3A_3037 : i32 to vector<16xi32>
    %mul3A_3039 = arith.muli %get3A_3030, %mul3A_3038 : vector<16xi32>
    %xor3A_3040 = arith.xori %mul3A_3036, %mul3A_3039 : vector<16xi32>
    %mul3A_3041 = arith.constant 51637 : i32
    %mul3A_3042 = vector.broadcast %mul3A_3041 : i32 to vector<16xi32>
    %mul3A_3043 = arith.muli %get3A_3033, %mul3A_3042 : vector<16xi32>
    %xor3A_3044 = arith.xori %xor3A_3040, %mul3A_3043 : vector<16xi32>
    %convert_element_type3A_3045 = arith.sitofp %xor3A_3044 : vector<16xi32> to vector<16xf32>
    %lt3A_3046 = arith.constant 0 : i32
    %lt3A_3047 = vector.broadcast %lt3A_3046 : i32 to vector<16xi32>
    %lt3A_3048 = arith.cmpi slt, %xor3A_3044, %lt3A_3047 : vector<16xi32>
    %jit3A_3049 = arith.constant 4.2949673E+9 : f32
    %jit3A_3050 = arith.constant 0.000000e+00 : f32
    %broadcast_in_dim3A_3051 = vector.broadcast %jit3A_3049 : f32 to vector<16xf32>
    %broadcast_in_dim3A_3052 = vector.broadcast %jit3A_3050 : f32 to vector<16xf32>
    %select_n3A_3053 = arith.select %lt3A_3048, %broadcast_in_dim3A_3051, %broadcast_in_dim3A_3052 : vector<16xi1>, vector<16xf32>
    %add3A_3054 = arith.addf %convert_element_type3A_3045, %select_n3A_3053 : vector<16xf32>
    %mul3A_3055 = arith.constant 1.00000102E-6 : f32
    %mul3A_3056 = vector.broadcast %mul3A_3055 : f32 to vector<16xf32>
    %mul3A_3057 = arith.mulf %add3A_3054, %mul3A_3056 : vector<16xf32>
    %convert_element_type3A_3058 = arith.fptosi %mul3A_3057 : vector<16xf32> to vector<16xi32>
    %mul3A_3059 = arith.constant 999999 : i32
    %mul3A_3060 = vector.broadcast %mul3A_3059 : i32 to vector<16xi32>
    %mul3A_3061 = arith.muli %convert_element_type3A_3058, %mul3A_3060 : vector<16xi32>
    %sub3A_3062 = arith.subi %xor3A_3044, %mul3A_3061 : vector<16xi32>
    %lt3A_3063 = arith.constant 0 : i32
    %lt3A_3064 = vector.broadcast %lt3A_3063 : i32 to vector<16xi32>
    %lt3A_3065 = arith.cmpi slt, %sub3A_3062, %lt3A_3064 : vector<16xi32>
    %add3A_3066 = arith.constant 999999 : i32
    %add3A_3067 = vector.broadcast %add3A_3066 : i32 to vector<16xi32>
    %add3A_3068 = arith.addi %sub3A_3062, %add3A_3067 : vector<16xi32>
    %select_n3A_3069 = arith.select %lt3A_3065, %add3A_3068, %sub3A_3062 : vector<16xi1>, vector<16xi32>
    %ge3A_3070 = arith.constant 999999 : i32
    %ge3A_3071 = vector.broadcast %ge3A_3070 : i32 to vector<16xi32>
    %ge3A_3072 = arith.cmpi sge, %select_n3A_3069, %ge3A_3071 : vector<16xi32>
    %sub3A_3073 = arith.constant 999999 : i32
    %sub3A_3074 = vector.broadcast %sub3A_3073 : i32 to vector<16xi32>
    %sub3A_3075 = arith.subi %select_n3A_3069, %sub3A_3074 : vector<16xi32>
    %select_n3A_3076 = arith.select %ge3A_3072, %sub3A_3075, %select_n3A_3069 : vector<16xi1>, vector<16xi32>
    %swap3A_3077 = arith.constant 6 : i64
    %swap3A_3078 = arith.index_cast %swap3A_3077 : i64 to index
    %swap3A_3079 = arith.constant 64 : index
    %swap3A_3080 = tpu.vector_load %arg6[%swap3A_3078, %swap3A_3079] {strides = array<i32>} : memref<8x128xi32, #tpu.memory_space<vmem>>, vector<1x16xi32>,
    %swap3A_3081 = vector.shape_cast %swap3A_3080 : vector<1x16xi32> to vector<16xi32>
    %swap3A_3082 = vector.shape_cast %select_n3A_3076 : vector<16xi32> to vector<1x16xi32>
    tpu.vector_store %arg6[%swap3A_3078, %swap3A_3079], %swap3A_3082 {strides = array<i32>} : memref<8x128xi32, #tpu.memory_space<vmem>>, vector<1x16xi32>,
    %get3A_3083 = arith.constant 864 : index
    %get3A_3084 = tpu.vector_load %arg5[%get3A_3083] {strides = array<i32>} : memref<1040xi32, #tpu.memory_space<vmem>>, vector<16xi32>,
    %get3A_3085 = vector.shape_cast %get3A_3084 : vector<16xi32> to vector<16xi32>
    %get3A_3086 = arith.constant 863 : index
    %get3A_3087 = tpu.vector_load %arg5[%get3A_3086] {strides = array<i32>} : memref<1040xi32, #tpu.memory_space<vmem>>, vector<16xi32>,
    %get3A_3088 = vector.shape_cast %get3A_3087 : vector<16xi32> to vector<16xi32>
    %get3A_3089 = arith.constant 862 : index
    %get3A_3090 = tpu.vector_load %arg5[%get3A_3089] {strides = array<i32>} : memref<1040xi32, #tpu.memory_space<vmem>>, vector<16xi32>,
    %get3A_3091 = vector.shape_cast %get3A_3090 : vector<16xi32> to vector<16xi32>
    %mul3A_3092 = arith.constant 36313 : i32
    %mul3A_3093 = vector.broadcast %mul3A_3092 : i32 to vector<16xi32>
    %mul3A_3094 = arith.muli %get3A_3085, %mul3A_3093 : vector<16xi32>
    %mul3A_3095 = arith.constant 27191 : i32
    %mul3A_3096 = vector.broadcast %mul3A_3095 : i32 to vector<16xi32>
    %mul3A_3097 = arith.muli %get3A_3088, %mul3A_3096 : vector<16xi32>
    %xor3A_3098 = arith.xori %mul3A_3094, %mul3A_3097 : vector<16xi32>
    %mul3A_3099 = arith.constant 51637 : i32
    %mul3A_3100 = vector.broadcast %mul3A_3099 : i32 to vector<16xi32>
    %mul3A_3101 = arith.muli %get3A_3091, %mul3A_3100 : vector<16xi32>
    %xor3A_3102 = arith.xori %xor3A_3098, %mul3A_3101 : vector<16xi32>
    %convert_element_type3A_3103 = arith.sitofp %xor3A_3102 : vector<16xi32> to vector<16xf32>
    %lt3A_3104 = arith.constant 0 : i32
    %lt3A_3105 = vector.broadcast %lt3A_3104 : i32 to vector<16xi32>
    %lt3A_3106 = arith.cmpi slt, %xor3A_3102, %lt3A_3105 : vector<16xi32>
    %jit3A_3107 = arith.constant 4.2949673E+9 : f32
    %jit3A_3108 = arith.constant 0.000000e+00 : f32
    %broadcast_in_dim3A_3109 = vector.broadcast %jit3A_3107 : f32 to vector<16xf32>
    %broadcast_in_dim3A_3110 = vector.broadcast %jit3A_3108 : f32 to vector<16xf32>
    %select_n3A_3111 = arith.select %lt3A_3106, %broadcast_in_dim3A_3109, %broadcast_in_dim3A_3110 : vector<16xi1>, vector<16xf32>
    %add3A_3112 = arith.addf %convert_element_type3A_3103, %select_n3A_3111 : vector<16xf32>
    %mul3A_3113 = arith.constant 1.00000102E-6 : f32
    %mul3A_3114 = vector.broadcast %mul3A_3113 : f32 to vector<16xf32>
    %mul3A_3115 = arith.mulf %add3A_3112, %mul3A_3114 : vector<16xf32>
    %convert_element_type3A_3116 = arith.fptosi %mul3A_3115 : vector<16xf32> to vector<16xi32>
    %mul3A_3117 = arith.constant 999999 : i32
    %mul3A_3118 = vector.broadcast %mul3A_3117 : i32 to vector<16xi32>
    %mul3A_3119 = arith.muli %convert_element_type3A_3116, %mul3A_3118 : vector<16xi32>
    %sub3A_3120 = arith.subi %xor3A_3102, %mul3A_3119 : vector<16xi32>
    %lt3A_3121 = arith.constant 0 : i32
    %lt3A_3122 = vector.broadcast %lt3A_3121 : i32 to vector<16xi32>
    %lt3A_3123 = arith.cmpi slt, %sub3A_3120, %lt3A_3122 : vector<16xi32>
    %add3A_3124 = arith.constant 999999 : i32
    %add3A_3125 = vector.broadcast %add3A_3124 : i32 to vector<16xi32>
    %add3A_3126 = arith.addi %sub3A_3120, %add3A_3125 : vector<16xi32>
    %select_n3A_3127 = arith.select %lt3A_3123, %add3A_3126, %sub3A_3120 : vector<16xi1>, vector<16xi32>
    %ge3A_3128 = arith.constant 999999 : i32
    %ge3A_3129 = vector.broadcast %ge3A_3128 : i32 to vector<16xi32>
    %ge3A_3130 = arith.cmpi sge, %select_n3A_3127, %ge3A_3129 : vector<16xi32>
    %sub3A_3131 = arith.constant 999999 : i32
    %sub3A_3132 = vector.broadcast %sub3A_3131 : i32 to vector<16xi32>
    %sub3A_3133 = arith.subi %select_n3A_3127, %sub3A_3132 : vector<16xi32>
    %select_n3A_3134 = arith.select %ge3A_3130, %sub3A_3133, %select_n3A_3127 : vector<16xi1>, vector<16xi32>
    %swap3A_3135 = arith.constant 6 : i64
    %swap3A_3136 = arith.index_cast %swap3A_3135 : i64 to index
    %swap3A_3137 = arith.constant 80 : index
    %swap3A_3138 = tpu.vector_load %arg6[%swap3A_3136, %swap3A_3137] {strides = array<i32>} : memref<8x128xi32, #tpu.memory_space<vmem>>, vector<1x16xi32>,
    %swap3A_3139 = vector.shape_cast %swap3A_3138 : vector<1x16xi32> to vector<16xi32>
    %swap3A_3140 = vector.shape_cast %select_n3A_3134 : vector<16xi32> to vector<1x16xi32>
    tpu.vector_store %arg6[%swap3A_3136, %swap3A_3137], %swap3A_3140 {strides = array<i32>} : memref<8x128xi32, #tpu.memory_space<vmem>>, vector<1x16xi32>,
    %get3A_3141 = arith.constant 880 : index
    %get3A_3142 = tpu.vector_load %arg5[%get3A_3141] {strides = array<i32>} : memref<1040xi32, #tpu.memory_space<vmem>>, vector<16xi32>,
    %get3A_3143 = vector.shape_cast %get3A_3142 : vector<16xi32> to vector<16xi32>
    %get3A_3144 = arith.constant 879 : index
    %get3A_3145 = tpu.vector_load %arg5[%get3A_3144] {strides = array<i32>} : memref<1040xi32, #tpu.memory_space<vmem>>, vector<16xi32>,
    %get3A_3146 = vector.shape_cast %get3A_3145 : vector<16xi32> to vector<16xi32>
    %get3A_3147 = arith.constant 878 : index
    %get3A_3148 = tpu.vector_load %arg5[%get3A_3147] {strides = array<i32>} : memref<1040xi32, #tpu.memory_space<vmem>>, vector<16xi32>,
    %get3A_3149 = vector.shape_cast %get3A_3148 : vector<16xi32> to vector<16xi32>
    %mul3A_3150 = arith.constant 36313 : i32
    %mul3A_3151 = vector.broadcast %mul3A_3150 : i32 to vector<16xi32>
    %mul3A_3152 = arith.muli %get3A_3143, %mul3A_3151 : vector<16xi32>
    %mul3A_3153 = arith.constant 27191 : i32
    %mul3A_3154 = vector.broadcast %mul3A_3153 : i32 to vector<16xi32>
    %mul3A_3155 = arith.muli %get3A_3146, %mul3A_3154 : vector<16xi32>
    %xor3A_3156 = arith.xori %mul3A_3152, %mul3A_3155 : vector<16xi32>
    %mul3A_3157 = arith.constant 51637 : i32
    %mul3A_3158 = vector.broadcast %mul3A_3157 : i32 to vector<16xi32>
    %mul3A_3159 = arith.muli %get3A_3149, %mul3A_3158 : vector<16xi32>
    %xor3A_3160 = arith.xori %xor3A_3156, %mul3A_3159 : vector<16xi32>
    %convert_element_type3A_3161 = arith.sitofp %xor3A_3160 : vector<16xi32> to vector<16xf32>
    %lt3A_3162 = arith.constant 0 : i32
    %lt3A_3163 = vector.broadcast %lt3A_3162 : i32 to vector<16xi32>
    %lt3A_3164 = arith.cmpi slt, %xor3A_3160, %lt3A_3163 : vector<16xi32>
    %jit3A_3165 = arith.constant 4.2949673E+9 : f32
    %jit3A_3166 = arith.constant 0.000000e+00 : f32
    %broadcast_in_dim3A_3167 = vector.broadcast %jit3A_3165 : f32 to vector<16xf32>
    %broadcast_in_dim3A_3168 = vector.broadcast %jit3A_3166 : f32 to vector<16xf32>
    %select_n3A_3169 = arith.select %lt3A_3164, %broadcast_in_dim3A_3167, %broadcast_in_dim3A_3168 : vector<16xi1>, vector<16xf32>
    %add3A_3170 = arith.addf %convert_element_type3A_3161, %select_n3A_3169 : vector<16xf32>
    %mul3A_3171 = arith.constant 1.00000102E-6 : f32
    %mul3A_3172 = vector.broadcast %mul3A_3171 : f32 to vector<16xf32>
    %mul3A_3173 = arith.mulf %add3A_3170, %mul3A_3172 : vector<16xf32>
    %convert_element_type3A_3174 = arith.fptosi %mul3A_3173 : vector<16xf32> to vector<16xi32>
    %mul3A_3175 = arith.constant 999999 : i32
    %mul3A_3176 = vector.broadcast %mul3A_3175 : i32 to vector<16xi32>
    %mul3A_3177 = arith.muli %convert_element_type3A_3174, %mul3A_3176 : vector<16xi32>
    %sub3A_3178 = arith.subi %xor3A_3160, %mul3A_3177 : vector<16xi32>
    %lt3A_3179 = arith.constant 0 : i32
    %lt3A_3180 = vector.broadcast %lt3A_3179 : i32 to vector<16xi32>
    %lt3A_3181 = arith.cmpi slt, %sub3A_3178, %lt3A_3180 : vector<16xi32>
    %add3A_3182 = arith.constant 999999 : i32
    %add3A_3183 = vector.broadcast %add3A_3182 : i32 to vector<16xi32>
    %add3A_3184 = arith.addi %sub3A_3178, %add3A_3183 : vector<16xi32>
    %select_n3A_3185 = arith.select %lt3A_3181, %add3A_3184, %sub3A_3178 : vector<16xi1>, vector<16xi32>
    %ge3A_3186 = arith.constant 999999 : i32
    %ge3A_3187 = vector.broadcast %ge3A_3186 : i32 to vector<16xi32>
    %ge3A_3188 = arith.cmpi sge, %select_n3A_3185, %ge3A_3187 : vector<16xi32>
    %sub3A_3189 = arith.constant 999999 : i32
    %sub3A_3190 = vector.broadcast %sub3A_3189 : i32 to vector<16xi32>
    %sub3A_3191 = arith.subi %select_n3A_3185, %sub3A_3190 : vector<16xi32>
    %select_n3A_3192 = arith.select %ge3A_3188, %sub3A_3191, %select_n3A_3185 : vector<16xi1>, vector<16xi32>
    %swap3A_3193 = arith.constant 6 : i64
    %swap3A_3194 = arith.index_cast %swap3A_3193 : i64 to index
    %swap3A_3195 = arith.constant 96 : index
    %swap3A_3196 = tpu.vector_load %arg6[%swap3A_3194, %swap3A_3195] {strides = array<i32>} : memref<8x128xi32, #tpu.memory_space<vmem>>, vector<1x16xi32>,
    %swap3A_3197 = vector.shape_cast %swap3A_3196 : vector<1x16xi32> to vector<16xi32>
    %swap3A_3198 = vector.shape_cast %select_n3A_3192 : vector<16xi32> to vector<1x16xi32>
    tpu.vector_store %arg6[%swap3A_3194, %swap3A_3195], %swap3A_3198 {strides = array<i32>} : memref<8x128xi32, #tpu.memory_space<vmem>>, vector<1x16xi32>,
    %get3A_3199 = arith.constant 896 : index
    %get3A_3200 = tpu.vector_load %arg5[%get3A_3199] {strides = array<i32>} : memref<1040xi32, #tpu.memory_space<vmem>>, vector<16xi32>,
    %get3A_3201 = vector.shape_cast %get3A_3200 : vector<16xi32> to vector<16xi32>
    %get3A_3202 = arith.constant 895 : index
    %get3A_3203 = tpu.vector_load %arg5[%get3A_3202] {strides = array<i32>} : memref<1040xi32, #tpu.memory_space<vmem>>, vector<16xi32>,
    %get3A_3204 = vector.shape_cast %get3A_3203 : vector<16xi32> to vector<16xi32>
    %get3A_3205 = arith.constant 894 : index
    %get3A_3206 = tpu.vector_load %arg5[%get3A_3205] {strides = array<i32>} : memref<1040xi32, #tpu.memory_space<vmem>>, vector<16xi32>,
    %get3A_3207 = vector.shape_cast %get3A_3206 : vector<16xi32> to vector<16xi32>
    %mul3A_3208 = arith.constant 36313 : i32
    %mul3A_3209 = vector.broadcast %mul3A_3208 : i32 to vector<16xi32>
    %mul3A_3210 = arith.muli %get3A_3201, %mul3A_3209 : vector<16xi32>
    %mul3A_3211 = arith.constant 27191 : i32
    %mul3A_3212 = vector.broadcast %mul3A_3211 : i32 to vector<16xi32>
    %mul3A_3213 = arith.muli %get3A_3204, %mul3A_3212 : vector<16xi32>
    %xor3A_3214 = arith.xori %mul3A_3210, %mul3A_3213 : vector<16xi32>
    %mul3A_3215 = arith.constant 51637 : i32
    %mul3A_3216 = vector.broadcast %mul3A_3215 : i32 to vector<16xi32>
    %mul3A_3217 = arith.muli %get3A_3207, %mul3A_3216 : vector<16xi32>
    %xor3A_3218 = arith.xori %xor3A_3214, %mul3A_3217 : vector<16xi32>
    %convert_element_type3A_3219 = arith.sitofp %xor3A_3218 : vector<16xi32> to vector<16xf32>
    %lt3A_3220 = arith.constant 0 : i32
    %lt3A_3221 = vector.broadcast %lt3A_3220 : i32 to vector<16xi32>
    %lt3A_3222 = arith.cmpi slt, %xor3A_3218, %lt3A_3221 : vector<16xi32>
    %jit3A_3223 = arith.constant 4.2949673E+9 : f32
    %jit3A_3224 = arith.constant 0.000000e+00 : f32
    %broadcast_in_dim3A_3225 = vector.broadcast %jit3A_3223 : f32 to vector<16xf32>
    %broadcast_in_dim3A_3226 = vector.broadcast %jit3A_3224 : f32 to vector<16xf32>
    %select_n3A_3227 = arith.select %lt3A_3222, %broadcast_in_dim3A_3225, %broadcast_in_dim3A_3226 : vector<16xi1>, vector<16xf32>
    %add3A_3228 = arith.addf %convert_element_type3A_3219, %select_n3A_3227 : vector<16xf32>
    %mul3A_3229 = arith.constant 1.00000102E-6 : f32
    %mul3A_3230 = vector.broadcast %mul3A_3229 : f32 to vector<16xf32>
    %mul3A_3231 = arith.mulf %add3A_3228, %mul3A_3230 : vector<16xf32>
    %convert_element_type3A_3232 = arith.fptosi %mul3A_3231 : vector<16xf32> to vector<16xi32>
    %mul3A_3233 = arith.constant 999999 : i32
    %mul3A_3234 = vector.broadcast %mul3A_3233 : i32 to vector<16xi32>
    %mul3A_3235 = arith.muli %convert_element_type3A_3232, %mul3A_3234 : vector<16xi32>
    %sub3A_3236 = arith.subi %xor3A_3218, %mul3A_3235 : vector<16xi32>
    %lt3A_3237 = arith.constant 0 : i32
    %lt3A_3238 = vector.broadcast %lt3A_3237 : i32 to vector<16xi32>
    %lt3A_3239 = arith.cmpi slt, %sub3A_3236, %lt3A_3238 : vector<16xi32>
    %add3A_3240 = arith.constant 999999 : i32
    %add3A_3241 = vector.broadcast %add3A_3240 : i32 to vector<16xi32>
    %add3A_3242 = arith.addi %sub3A_3236, %add3A_3241 : vector<16xi32>
    %select_n3A_3243 = arith.select %lt3A_3239, %add3A_3242, %sub3A_3236 : vector<16xi1>, vector<16xi32>
    %ge3A_3244 = arith.constant 999999 : i32
    %ge3A_3245 = vector.broadcast %ge3A_3244 : i32 to vector<16xi32>
    %ge3A_3246 = arith.cmpi sge, %select_n3A_3243, %ge3A_3245 : vector<16xi32>
    %sub3A_3247 = arith.constant 999999 : i32
    %sub3A_3248 = vector.broadcast %sub3A_3247 : i32 to vector<16xi32>
    %sub3A_3249 = arith.subi %select_n3A_3243, %sub3A_3248 : vector<16xi32>
    %select_n3A_3250 = arith.select %ge3A_3246, %sub3A_3249, %select_n3A_3243 : vector<16xi1>, vector<16xi32>
    %swap3A_3251 = arith.constant 6 : i64
    %swap3A_3252 = arith.index_cast %swap3A_3251 : i64 to index
    %swap3A_3253 = arith.constant 112 : index
    %swap3A_3254 = tpu.vector_load %arg6[%swap3A_3252, %swap3A_3253] {strides = array<i32>} : memref<8x128xi32, #tpu.memory_space<vmem>>, vector<1x16xi32>,
    %swap3A_3255 = vector.shape_cast %swap3A_3254 : vector<1x16xi32> to vector<16xi32>
    %swap3A_3256 = vector.shape_cast %select_n3A_3250 : vector<16xi32> to vector<1x16xi32>
    tpu.vector_store %arg6[%swap3A_3252, %swap3A_3253], %swap3A_3256 {strides = array<i32>} : memref<8x128xi32, #tpu.memory_space<vmem>>, vector<1x16xi32>,
    %get3A_3257 = arith.constant 912 : index
    %get3A_3258 = tpu.vector_load %arg5[%get3A_3257] {strides = array<i32>} : memref<1040xi32, #tpu.memory_space<vmem>>, vector<16xi32>,
    %get3A_3259 = vector.shape_cast %get3A_3258 : vector<16xi32> to vector<16xi32>
    %get3A_3260 = arith.constant 911 : index
    %get3A_3261 = tpu.vector_load %arg5[%get3A_3260] {strides = array<i32>} : memref<1040xi32, #tpu.memory_space<vmem>>, vector<16xi32>,
    %get3A_3262 = vector.shape_cast %get3A_3261 : vector<16xi32> to vector<16xi32>
    %get3A_3263 = arith.constant 910 : index
    %get3A_3264 = tpu.vector_load %arg5[%get3A_3263] {strides = array<i32>} : memref<1040xi32, #tpu.memory_space<vmem>>, vector<16xi32>,
    %get3A_3265 = vector.shape_cast %get3A_3264 : vector<16xi32> to vector<16xi32>
    %mul3A_3266 = arith.constant 36313 : i32
    %mul3A_3267 = vector.broadcast %mul3A_3266 : i32 to vector<16xi32>
    %mul3A_3268 = arith.muli %get3A_3259, %mul3A_3267 : vector<16xi32>
    %mul3A_3269 = arith.constant 27191 : i32
    %mul3A_3270 = vector.broadcast %mul3A_3269 : i32 to vector<16xi32>
    %mul3A_3271 = arith.muli %get3A_3262, %mul3A_3270 : vector<16xi32>
    %xor3A_3272 = arith.xori %mul3A_3268, %mul3A_3271 : vector<16xi32>
    %mul3A_3273 = arith.constant 51637 : i32
    %mul3A_3274 = vector.broadcast %mul3A_3273 : i32 to vector<16xi32>
    %mul3A_3275 = arith.muli %get3A_3265, %mul3A_3274 : vector<16xi32>
    %xor3A_3276 = arith.xori %xor3A_3272, %mul3A_3275 : vector<16xi32>
    %convert_element_type3A_3277 = arith.sitofp %xor3A_3276 : vector<16xi32> to vector<16xf32>
    %lt3A_3278 = arith.constant 0 : i32
    %lt3A_3279 = vector.broadcast %lt3A_3278 : i32 to vector<16xi32>
    %lt3A_3280 = arith.cmpi slt, %xor3A_3276, %lt3A_3279 : vector<16xi32>
    %jit3A_3281 = arith.constant 4.2949673E+9 : f32
    %jit3A_3282 = arith.constant 0.000000e+00 : f32
    %broadcast_in_dim3A_3283 = vector.broadcast %jit3A_3281 : f32 to vector<16xf32>
    %broadcast_in_dim3A_3284 = vector.broadcast %jit3A_3282 : f32 to vector<16xf32>
    %select_n3A_3285 = arith.select %lt3A_3280, %broadcast_in_dim3A_3283, %broadcast_in_dim3A_3284 : vector<16xi1>, vector<16xf32>
    %add3A_3286 = arith.addf %convert_element_type3A_3277, %select_n3A_3285 : vector<16xf32>
    %mul3A_3287 = arith.constant 1.00000102E-6 : f32
    %mul3A_3288 = vector.broadcast %mul3A_3287 : f32 to vector<16xf32>
    %mul3A_3289 = arith.mulf %add3A_3286, %mul3A_3288 : vector<16xf32>
    %convert_element_type3A_3290 = arith.fptosi %mul3A_3289 : vector<16xf32> to vector<16xi32>
    %mul3A_3291 = arith.constant 999999 : i32
    %mul3A_3292 = vector.broadcast %mul3A_3291 : i32 to vector<16xi32>
    %mul3A_3293 = arith.muli %convert_element_type3A_3290, %mul3A_3292 : vector<16xi32>
    %sub3A_3294 = arith.subi %xor3A_3276, %mul3A_3293 : vector<16xi32>
    %lt3A_3295 = arith.constant 0 : i32
    %lt3A_3296 = vector.broadcast %lt3A_3295 : i32 to vector<16xi32>
    %lt3A_3297 = arith.cmpi slt, %sub3A_3294, %lt3A_3296 : vector<16xi32>
    %add3A_3298 = arith.constant 999999 : i32
    %add3A_3299 = vector.broadcast %add3A_3298 : i32 to vector<16xi32>
    %add3A_3300 = arith.addi %sub3A_3294, %add3A_3299 : vector<16xi32>
    %select_n3A_3301 = arith.select %lt3A_3297, %add3A_3300, %sub3A_3294 : vector<16xi1>, vector<16xi32>
    %ge3A_3302 = arith.constant 999999 : i32
    %ge3A_3303 = vector.broadcast %ge3A_3302 : i32 to vector<16xi32>
    %ge3A_3304 = arith.cmpi sge, %select_n3A_3301, %ge3A_3303 : vector<16xi32>
    %sub3A_3305 = arith.constant 999999 : i32
    %sub3A_3306 = vector.broadcast %sub3A_3305 : i32 to vector<16xi32>
    %sub3A_3307 = arith.subi %select_n3A_3301, %sub3A_3306 : vector<16xi32>
    %select_n3A_3308 = arith.select %ge3A_3304, %sub3A_3307, %select_n3A_3301 : vector<16xi1>, vector<16xi32>
    %swap3A_3309 = arith.constant 7 : i64
    %swap3A_3310 = arith.index_cast %swap3A_3309 : i64 to index
    %swap3A_3311 = arith.constant 0 : index
    %swap3A_3312 = tpu.vector_load %arg6[%swap3A_3310, %swap3A_3311] {strides = array<i32>} : memref<8x128xi32, #tpu.memory_space<vmem>>, vector<1x16xi32>,
    %swap3A_3313 = vector.shape_cast %swap3A_3312 : vector<1x16xi32> to vector<16xi32>
    %swap3A_3314 = vector.shape_cast %select_n3A_3308 : vector<16xi32> to vector<1x16xi32>
    tpu.vector_store %arg6[%swap3A_3310, %swap3A_3311], %swap3A_3314 {strides = array<i32>} : memref<8x128xi32, #tpu.memory_space<vmem>>, vector<1x16xi32>,
    %get3A_3315 = arith.constant 928 : index
    %get3A_3316 = tpu.vector_load %arg5[%get3A_3315] {strides = array<i32>} : memref<1040xi32, #tpu.memory_space<vmem>>, vector<16xi32>,
    %get3A_3317 = vector.shape_cast %get3A_3316 : vector<16xi32> to vector<16xi32>
    %get3A_3318 = arith.constant 927 : index
    %get3A_3319 = tpu.vector_load %arg5[%get3A_3318] {strides = array<i32>} : memref<1040xi32, #tpu.memory_space<vmem>>, vector<16xi32>,
    %get3A_3320 = vector.shape_cast %get3A_3319 : vector<16xi32> to vector<16xi32>
    %get3A_3321 = arith.constant 926 : index
    %get3A_3322 = tpu.vector_load %arg5[%get3A_3321] {strides = array<i32>} : memref<1040xi32, #tpu.memory_space<vmem>>, vector<16xi32>,
    %get3A_3323 = vector.shape_cast %get3A_3322 : vector<16xi32> to vector<16xi32>
    %mul3A_3324 = arith.constant 36313 : i32
    %mul3A_3325 = vector.broadcast %mul3A_3324 : i32 to vector<16xi32>
    %mul3A_3326 = arith.muli %get3A_3317, %mul3A_3325 : vector<16xi32>
    %mul3A_3327 = arith.constant 27191 : i32
    %mul3A_3328 = vector.broadcast %mul3A_3327 : i32 to vector<16xi32>
    %mul3A_3329 = arith.muli %get3A_3320, %mul3A_3328 : vector<16xi32>
    %xor3A_3330 = arith.xori %mul3A_3326, %mul3A_3329 : vector<16xi32>
    %mul3A_3331 = arith.constant 51637 : i32
    %mul3A_3332 = vector.broadcast %mul3A_3331 : i32 to vector<16xi32>
    %mul3A_3333 = arith.muli %get3A_3323, %mul3A_3332 : vector<16xi32>
    %xor3A_3334 = arith.xori %xor3A_3330, %mul3A_3333 : vector<16xi32>
    %convert_element_type3A_3335 = arith.sitofp %xor3A_3334 : vector<16xi32> to vector<16xf32>
    %lt3A_3336 = arith.constant 0 : i32
    %lt3A_3337 = vector.broadcast %lt3A_3336 : i32 to vector<16xi32>
    %lt3A_3338 = arith.cmpi slt, %xor3A_3334, %lt3A_3337 : vector<16xi32>
    %jit3A_3339 = arith.constant 4.2949673E+9 : f32
    %jit3A_3340 = arith.constant 0.000000e+00 : f32
    %broadcast_in_dim3A_3341 = vector.broadcast %jit3A_3339 : f32 to vector<16xf32>
    %broadcast_in_dim3A_3342 = vector.broadcast %jit3A_3340 : f32 to vector<16xf32>
    %select_n3A_3343 = arith.select %lt3A_3338, %broadcast_in_dim3A_3341, %broadcast_in_dim3A_3342 : vector<16xi1>, vector<16xf32>
    %add3A_3344 = arith.addf %convert_element_type3A_3335, %select_n3A_3343 : vector<16xf32>
    %mul3A_3345 = arith.constant 1.00000102E-6 : f32
    %mul3A_3346 = vector.broadcast %mul3A_3345 : f32 to vector<16xf32>
    %mul3A_3347 = arith.mulf %add3A_3344, %mul3A_3346 : vector<16xf32>
    %convert_element_type3A_3348 = arith.fptosi %mul3A_3347 : vector<16xf32> to vector<16xi32>
    %mul3A_3349 = arith.constant 999999 : i32
    %mul3A_3350 = vector.broadcast %mul3A_3349 : i32 to vector<16xi32>
    %mul3A_3351 = arith.muli %convert_element_type3A_3348, %mul3A_3350 : vector<16xi32>
    %sub3A_3352 = arith.subi %xor3A_3334, %mul3A_3351 : vector<16xi32>
    %lt3A_3353 = arith.constant 0 : i32
    %lt3A_3354 = vector.broadcast %lt3A_3353 : i32 to vector<16xi32>
    %lt3A_3355 = arith.cmpi slt, %sub3A_3352, %lt3A_3354 : vector<16xi32>
    %add3A_3356 = arith.constant 999999 : i32
    %add3A_3357 = vector.broadcast %add3A_3356 : i32 to vector<16xi32>
    %add3A_3358 = arith.addi %sub3A_3352, %add3A_3357 : vector<16xi32>
    %select_n3A_3359 = arith.select %lt3A_3355, %add3A_3358, %sub3A_3352 : vector<16xi1>, vector<16xi32>
    %ge3A_3360 = arith.constant 999999 : i32
    %ge3A_3361 = vector.broadcast %ge3A_3360 : i32 to vector<16xi32>
    %ge3A_3362 = arith.cmpi sge, %select_n3A_3359, %ge3A_3361 : vector<16xi32>
    %sub3A_3363 = arith.constant 999999 : i32
    %sub3A_3364 = vector.broadcast %sub3A_3363 : i32 to vector<16xi32>
    %sub3A_3365 = arith.subi %select_n3A_3359, %sub3A_3364 : vector<16xi32>
    %select_n3A_3366 = arith.select %ge3A_3362, %sub3A_3365, %select_n3A_3359 : vector<16xi1>, vector<16xi32>
    %swap3A_3367 = arith.constant 7 : i64
    %swap3A_3368 = arith.index_cast %swap3A_3367 : i64 to index
    %swap3A_3369 = arith.constant 16 : index
    %swap3A_3370 = tpu.vector_load %arg6[%swap3A_3368, %swap3A_3369] {strides = array<i32>} : memref<8x128xi32, #tpu.memory_space<vmem>>, vector<1x16xi32>,
    %swap3A_3371 = vector.shape_cast %swap3A_3370 : vector<1x16xi32> to vector<16xi32>
    %swap3A_3372 = vector.shape_cast %select_n3A_3366 : vector<16xi32> to vector<1x16xi32>
    tpu.vector_store %arg6[%swap3A_3368, %swap3A_3369], %swap3A_3372 {strides = array<i32>} : memref<8x128xi32, #tpu.memory_space<vmem>>, vector<1x16xi32>,
    %get3A_3373 = arith.constant 944 : index
    %get3A_3374 = tpu.vector_load %arg5[%get3A_3373] {strides = array<i32>} : memref<1040xi32, #tpu.memory_space<vmem>>, vector<16xi32>,
    %get3A_3375 = vector.shape_cast %get3A_3374 : vector<16xi32> to vector<16xi32>
    %get3A_3376 = arith.constant 943 : index
    %get3A_3377 = tpu.vector_load %arg5[%get3A_3376] {strides = array<i32>} : memref<1040xi32, #tpu.memory_space<vmem>>, vector<16xi32>,
    %get3A_3378 = vector.shape_cast %get3A_3377 : vector<16xi32> to vector<16xi32>
    %get3A_3379 = arith.constant 942 : index
    %get3A_3380 = tpu.vector_load %arg5[%get3A_3379] {strides = array<i32>} : memref<1040xi32, #tpu.memory_space<vmem>>, vector<16xi32>,
    %get3A_3381 = vector.shape_cast %get3A_3380 : vector<16xi32> to vector<16xi32>
    %mul3A_3382 = arith.constant 36313 : i32
    %mul3A_3383 = vector.broadcast %mul3A_3382 : i32 to vector<16xi32>
    %mul3A_3384 = arith.muli %get3A_3375, %mul3A_3383 : vector<16xi32>
    %mul3A_3385 = arith.constant 27191 : i32
    %mul3A_3386 = vector.broadcast %mul3A_3385 : i32 to vector<16xi32>
    %mul3A_3387 = arith.muli %get3A_3378, %mul3A_3386 : vector<16xi32>
    %xor3A_3388 = arith.xori %mul3A_3384, %mul3A_3387 : vector<16xi32>
    %mul3A_3389 = arith.constant 51637 : i32
    %mul3A_3390 = vector.broadcast %mul3A_3389 : i32 to vector<16xi32>
    %mul3A_3391 = arith.muli %get3A_3381, %mul3A_3390 : vector<16xi32>
    %xor3A_3392 = arith.xori %xor3A_3388, %mul3A_3391 : vector<16xi32>
    %convert_element_type3A_3393 = arith.sitofp %xor3A_3392 : vector<16xi32> to vector<16xf32>
    %lt3A_3394 = arith.constant 0 : i32
    %lt3A_3395 = vector.broadcast %lt3A_3394 : i32 to vector<16xi32>
    %lt3A_3396 = arith.cmpi slt, %xor3A_3392, %lt3A_3395 : vector<16xi32>
    %jit3A_3397 = arith.constant 4.2949673E+9 : f32
    %jit3A_3398 = arith.constant 0.000000e+00 : f32
    %broadcast_in_dim3A_3399 = vector.broadcast %jit3A_3397 : f32 to vector<16xf32>
    %broadcast_in_dim3A_3400 = vector.broadcast %jit3A_3398 : f32 to vector<16xf32>
    %select_n3A_3401 = arith.select %lt3A_3396, %broadcast_in_dim3A_3399, %broadcast_in_dim3A_3400 : vector<16xi1>, vector<16xf32>
    %add3A_3402 = arith.addf %convert_element_type3A_3393, %select_n3A_3401 : vector<16xf32>
    %mul3A_3403 = arith.constant 1.00000102E-6 : f32
    %mul3A_3404 = vector.broadcast %mul3A_3403 : f32 to vector<16xf32>
    %mul3A_3405 = arith.mulf %add3A_3402, %mul3A_3404 : vector<16xf32>
    %convert_element_type3A_3406 = arith.fptosi %mul3A_3405 : vector<16xf32> to vector<16xi32>
    %mul3A_3407 = arith.constant 999999 : i32
    %mul3A_3408 = vector.broadcast %mul3A_3407 : i32 to vector<16xi32>
    %mul3A_3409 = arith.muli %convert_element_type3A_3406, %mul3A_3408 : vector<16xi32>
    %sub3A_3410 = arith.subi %xor3A_3392, %mul3A_3409 : vector<16xi32>
    %lt3A_3411 = arith.constant 0 : i32
    %lt3A_3412 = vector.broadcast %lt3A_3411 : i32 to vector<16xi32>
    %lt3A_3413 = arith.cmpi slt, %sub3A_3410, %lt3A_3412 : vector<16xi32>
    %add3A_3414 = arith.constant 999999 : i32
    %add3A_3415 = vector.broadcast %add3A_3414 : i32 to vector<16xi32>
    %add3A_3416 = arith.addi %sub3A_3410, %add3A_3415 : vector<16xi32>
    %select_n3A_3417 = arith.select %lt3A_3413, %add3A_3416, %sub3A_3410 : vector<16xi1>, vector<16xi32>
    %ge3A_3418 = arith.constant 999999 : i32
    %ge3A_3419 = vector.broadcast %ge3A_3418 : i32 to vector<16xi32>
    %ge3A_3420 = arith.cmpi sge, %select_n3A_3417, %ge3A_3419 : vector<16xi32>
    %sub3A_3421 = arith.constant 999999 : i32
    %sub3A_3422 = vector.broadcast %sub3A_3421 : i32 to vector<16xi32>
    %sub3A_3423 = arith.subi %select_n3A_3417, %sub3A_3422 : vector<16xi32>
    %select_n3A_3424 = arith.select %ge3A_3420, %sub3A_3423, %select_n3A_3417 : vector<16xi1>, vector<16xi32>
    %swap3A_3425 = arith.constant 7 : i64
    %swap3A_3426 = arith.index_cast %swap3A_3425 : i64 to index
    %swap3A_3427 = arith.constant 32 : index
    %swap3A_3428 = tpu.vector_load %arg6[%swap3A_3426, %swap3A_3427] {strides = array<i32>} : memref<8x128xi32, #tpu.memory_space<vmem>>, vector<1x16xi32>,
    %swap3A_3429 = vector.shape_cast %swap3A_3428 : vector<1x16xi32> to vector<16xi32>
    %swap3A_3430 = vector.shape_cast %select_n3A_3424 : vector<16xi32> to vector<1x16xi32>
    tpu.vector_store %arg6[%swap3A_3426, %swap3A_3427], %swap3A_3430 {strides = array<i32>} : memref<8x128xi32, #tpu.memory_space<vmem>>, vector<1x16xi32>,
    %get3A_3431 = arith.constant 960 : index
    %get3A_3432 = tpu.vector_load %arg5[%get3A_3431] {strides = array<i32>} : memref<1040xi32, #tpu.memory_space<vmem>>, vector<16xi32>,
    %get3A_3433 = vector.shape_cast %get3A_3432 : vector<16xi32> to vector<16xi32>
    %get3A_3434 = arith.constant 959 : index
    %get3A_3435 = tpu.vector_load %arg5[%get3A_3434] {strides = array<i32>} : memref<1040xi32, #tpu.memory_space<vmem>>, vector<16xi32>,
    %get3A_3436 = vector.shape_cast %get3A_3435 : vector<16xi32> to vector<16xi32>
    %get3A_3437 = arith.constant 958 : index
    %get3A_3438 = tpu.vector_load %arg5[%get3A_3437] {strides = array<i32>} : memref<1040xi32, #tpu.memory_space<vmem>>, vector<16xi32>,
    %get3A_3439 = vector.shape_cast %get3A_3438 : vector<16xi32> to vector<16xi32>
    %mul3A_3440 = arith.constant 36313 : i32
    %mul3A_3441 = vector.broadcast %mul3A_3440 : i32 to vector<16xi32>
    %mul3A_3442 = arith.muli %get3A_3433, %mul3A_3441 : vector<16xi32>
    %mul3A_3443 = arith.constant 27191 : i32
    %mul3A_3444 = vector.broadcast %mul3A_3443 : i32 to vector<16xi32>
    %mul3A_3445 = arith.muli %get3A_3436, %mul3A_3444 : vector<16xi32>
    %xor3A_3446 = arith.xori %mul3A_3442, %mul3A_3445 : vector<16xi32>
    %mul3A_3447 = arith.constant 51637 : i32
    %mul3A_3448 = vector.broadcast %mul3A_3447 : i32 to vector<16xi32>
    %mul3A_3449 = arith.muli %get3A_3439, %mul3A_3448 : vector<16xi32>
    %xor3A_3450 = arith.xori %xor3A_3446, %mul3A_3449 : vector<16xi32>
    %convert_element_type3A_3451 = arith.sitofp %xor3A_3450 : vector<16xi32> to vector<16xf32>
    %lt3A_3452 = arith.constant 0 : i32
    %lt3A_3453 = vector.broadcast %lt3A_3452 : i32 to vector<16xi32>
    %lt3A_3454 = arith.cmpi slt, %xor3A_3450, %lt3A_3453 : vector<16xi32>
    %jit3A_3455 = arith.constant 4.2949673E+9 : f32
    %jit3A_3456 = arith.constant 0.000000e+00 : f32
    %broadcast_in_dim3A_3457 = vector.broadcast %jit3A_3455 : f32 to vector<16xf32>
    %broadcast_in_dim3A_3458 = vector.broadcast %jit3A_3456 : f32 to vector<16xf32>
    %select_n3A_3459 = arith.select %lt3A_3454, %broadcast_in_dim3A_3457, %broadcast_in_dim3A_3458 : vector<16xi1>, vector<16xf32>
    %add3A_3460 = arith.addf %convert_element_type3A_3451, %select_n3A_3459 : vector<16xf32>
    %mul3A_3461 = arith.constant 1.00000102E-6 : f32
    %mul3A_3462 = vector.broadcast %mul3A_3461 : f32 to vector<16xf32>
    %mul3A_3463 = arith.mulf %add3A_3460, %mul3A_3462 : vector<16xf32>
    %convert_element_type3A_3464 = arith.fptosi %mul3A_3463 : vector<16xf32> to vector<16xi32>
    %mul3A_3465 = arith.constant 999999 : i32
    %mul3A_3466 = vector.broadcast %mul3A_3465 : i32 to vector<16xi32>
    %mul3A_3467 = arith.muli %convert_element_type3A_3464, %mul3A_3466 : vector<16xi32>
    %sub3A_3468 = arith.subi %xor3A_3450, %mul3A_3467 : vector<16xi32>
    %lt3A_3469 = arith.constant 0 : i32
    %lt3A_3470 = vector.broadcast %lt3A_3469 : i32 to vector<16xi32>
    %lt3A_3471 = arith.cmpi slt, %sub3A_3468, %lt3A_3470 : vector<16xi32>
    %add3A_3472 = arith.constant 999999 : i32
    %add3A_3473 = vector.broadcast %add3A_3472 : i32 to vector<16xi32>
    %add3A_3474 = arith.addi %sub3A_3468, %add3A_3473 : vector<16xi32>
    %select_n3A_3475 = arith.select %lt3A_3471, %add3A_3474, %sub3A_3468 : vector<16xi1>, vector<16xi32>
    %ge3A_3476 = arith.constant 999999 : i32
    %ge3A_3477 = vector.broadcast %ge3A_3476 : i32 to vector<16xi32>
    %ge3A_3478 = arith.cmpi sge, %select_n3A_3475, %ge3A_3477 : vector<16xi32>
    %sub3A_3479 = arith.constant 999999 : i32
    %sub3A_3480 = vector.broadcast %sub3A_3479 : i32 to vector<16xi32>
    %sub3A_3481 = arith.subi %select_n3A_3475, %sub3A_3480 : vector<16xi32>
    %select_n3A_3482 = arith.select %ge3A_3478, %sub3A_3481, %select_n3A_3475 : vector<16xi1>, vector<16xi32>
    %swap3A_3483 = arith.constant 7 : i64
    %swap3A_3484 = arith.index_cast %swap3A_3483 : i64 to index
    %swap3A_3485 = arith.constant 48 : index
    %swap3A_3486 = tpu.vector_load %arg6[%swap3A_3484, %swap3A_3485] {strides = array<i32>} : memref<8x128xi32, #tpu.memory_space<vmem>>, vector<1x16xi32>,
    %swap3A_3487 = vector.shape_cast %swap3A_3486 : vector<1x16xi32> to vector<16xi32>
    %swap3A_3488 = vector.shape_cast %select_n3A_3482 : vector<16xi32> to vector<1x16xi32>
    tpu.vector_store %arg6[%swap3A_3484, %swap3A_3485], %swap3A_3488 {strides = array<i32>} : memref<8x128xi32, #tpu.memory_space<vmem>>, vector<1x16xi32>,
    %get3A_3489 = arith.constant 976 : index
    %get3A_3490 = tpu.vector_load %arg5[%get3A_3489] {strides = array<i32>} : memref<1040xi32, #tpu.memory_space<vmem>>, vector<16xi32>,
    %get3A_3491 = vector.shape_cast %get3A_3490 : vector<16xi32> to vector<16xi32>
    %get3A_3492 = arith.constant 975 : index
    %get3A_3493 = tpu.vector_load %arg5[%get3A_3492] {strides = array<i32>} : memref<1040xi32, #tpu.memory_space<vmem>>, vector<16xi32>,
    %get3A_3494 = vector.shape_cast %get3A_3493 : vector<16xi32> to vector<16xi32>
    %get3A_3495 = arith.constant 974 : index
    %get3A_3496 = tpu.vector_load %arg5[%get3A_3495] {strides = array<i32>} : memref<1040xi32, #tpu.memory_space<vmem>>, vector<16xi32>,
    %get3A_3497 = vector.shape_cast %get3A_3496 : vector<16xi32> to vector<16xi32>
    %mul3A_3498 = arith.constant 36313 : i32
    %mul3A_3499 = vector.broadcast %mul3A_3498 : i32 to vector<16xi32>
    %mul3A_3500 = arith.muli %get3A_3491, %mul3A_3499 : vector<16xi32>
    %mul3A_3501 = arith.constant 27191 : i32
    %mul3A_3502 = vector.broadcast %mul3A_3501 : i32 to vector<16xi32>
    %mul3A_3503 = arith.muli %get3A_3494, %mul3A_3502 : vector<16xi32>
    %xor3A_3504 = arith.xori %mul3A_3500, %mul3A_3503 : vector<16xi32>
    %mul3A_3505 = arith.constant 51637 : i32
    %mul3A_3506 = vector.broadcast %mul3A_3505 : i32 to vector<16xi32>
    %mul3A_3507 = arith.muli %get3A_3497, %mul3A_3506 : vector<16xi32>
    %xor3A_3508 = arith.xori %xor3A_3504, %mul3A_3507 : vector<16xi32>
    %convert_element_type3A_3509 = arith.sitofp %xor3A_3508 : vector<16xi32> to vector<16xf32>
    %lt3A_3510 = arith.constant 0 : i32
    %lt3A_3511 = vector.broadcast %lt3A_3510 : i32 to vector<16xi32>
    %lt3A_3512 = arith.cmpi slt, %xor3A_3508, %lt3A_3511 : vector<16xi32>
    %jit3A_3513 = arith.constant 4.2949673E+9 : f32
    %jit3A_3514 = arith.constant 0.000000e+00 : f32
    %broadcast_in_dim3A_3515 = vector.broadcast %jit3A_3513 : f32 to vector<16xf32>
    %broadcast_in_dim3A_3516 = vector.broadcast %jit3A_3514 : f32 to vector<16xf32>
    %select_n3A_3517 = arith.select %lt3A_3512, %broadcast_in_dim3A_3515, %broadcast_in_dim3A_3516 : vector<16xi1>, vector<16xf32>
    %add3A_3518 = arith.addf %convert_element_type3A_3509, %select_n3A_3517 : vector<16xf32>
    %mul3A_3519 = arith.constant 1.00000102E-6 : f32
    %mul3A_3520 = vector.broadcast %mul3A_3519 : f32 to vector<16xf32>
    %mul3A_3521 = arith.mulf %add3A_3518, %mul3A_3520 : vector<16xf32>
    %convert_element_type3A_3522 = arith.fptosi %mul3A_3521 : vector<16xf32> to vector<16xi32>
    %mul3A_3523 = arith.constant 999999 : i32
    %mul3A_3524 = vector.broadcast %mul3A_3523 : i32 to vector<16xi32>
    %mul3A_3525 = arith.muli %convert_element_type3A_3522, %mul3A_3524 : vector<16xi32>
    %sub3A_3526 = arith.subi %xor3A_3508, %mul3A_3525 : vector<16xi32>
    %lt3A_3527 = arith.constant 0 : i32
    %lt3A_3528 = vector.broadcast %lt3A_3527 : i32 to vector<16xi32>
    %lt3A_3529 = arith.cmpi slt, %sub3A_3526, %lt3A_3528 : vector<16xi32>
    %add3A_3530 = arith.constant 999999 : i32
    %add3A_3531 = vector.broadcast %add3A_3530 : i32 to vector<16xi32>
    %add3A_3532 = arith.addi %sub3A_3526, %add3A_3531 : vector<16xi32>
    %select_n3A_3533 = arith.select %lt3A_3529, %add3A_3532, %sub3A_3526 : vector<16xi1>, vector<16xi32>
    %ge3A_3534 = arith.constant 999999 : i32
    %ge3A_3535 = vector.broadcast %ge3A_3534 : i32 to vector<16xi32>
    %ge3A_3536 = arith.cmpi sge, %select_n3A_3533, %ge3A_3535 : vector<16xi32>
    %sub3A_3537 = arith.constant 999999 : i32
    %sub3A_3538 = vector.broadcast %sub3A_3537 : i32 to vector<16xi32>
    %sub3A_3539 = arith.subi %select_n3A_3533, %sub3A_3538 : vector<16xi32>
    %select_n3A_3540 = arith.select %ge3A_3536, %sub3A_3539, %select_n3A_3533 : vector<16xi1>, vector<16xi32>
    %swap3A_3541 = arith.constant 7 : i64
    %swap3A_3542 = arith.index_cast %swap3A_3541 : i64 to index
    %swap3A_3543 = arith.constant 64 : index
    %swap3A_3544 = tpu.vector_load %arg6[%swap3A_3542, %swap3A_3543] {strides = array<i32>} : memref<8x128xi32, #tpu.memory_space<vmem>>, vector<1x16xi32>,
    %swap3A_3545 = vector.shape_cast %swap3A_3544 : vector<1x16xi32> to vector<16xi32>
    %swap3A_3546 = vector.shape_cast %select_n3A_3540 : vector<16xi32> to vector<1x16xi32>
    tpu.vector_store %arg6[%swap3A_3542, %swap3A_3543], %swap3A_3546 {strides = array<i32>} : memref<8x128xi32, #tpu.memory_space<vmem>>, vector<1x16xi32>,
    %get3A_3547 = arith.constant 992 : index
    %get3A_3548 = tpu.vector_load %arg5[%get3A_3547] {strides = array<i32>} : memref<1040xi32, #tpu.memory_space<vmem>>, vector<16xi32>,
    %get3A_3549 = vector.shape_cast %get3A_3548 : vector<16xi32> to vector<16xi32>
    %get3A_3550 = arith.constant 991 : index
    %get3A_3551 = tpu.vector_load %arg5[%get3A_3550] {strides = array<i32>} : memref<1040xi32, #tpu.memory_space<vmem>>, vector<16xi32>,
    %get3A_3552 = vector.shape_cast %get3A_3551 : vector<16xi32> to vector<16xi32>
    %get3A_3553 = arith.constant 990 : index
    %get3A_3554 = tpu.vector_load %arg5[%get3A_3553] {strides = array<i32>} : memref<1040xi32, #tpu.memory_space<vmem>>, vector<16xi32>,
    %get3A_3555 = vector.shape_cast %get3A_3554 : vector<16xi32> to vector<16xi32>
    %mul3A_3556 = arith.constant 36313 : i32
    %mul3A_3557 = vector.broadcast %mul3A_3556 : i32 to vector<16xi32>
    %mul3A_3558 = arith.muli %get3A_3549, %mul3A_3557 : vector<16xi32>
    %mul3A_3559 = arith.constant 27191 : i32
    %mul3A_3560 = vector.broadcast %mul3A_3559 : i32 to vector<16xi32>
    %mul3A_3561 = arith.muli %get3A_3552, %mul3A_3560 : vector<16xi32>
    %xor3A_3562 = arith.xori %mul3A_3558, %mul3A_3561 : vector<16xi32>
    %mul3A_3563 = arith.constant 51637 : i32
    %mul3A_3564 = vector.broadcast %mul3A_3563 : i32 to vector<16xi32>
    %mul3A_3565 = arith.muli %get3A_3555, %mul3A_3564 : vector<16xi32>
    %xor3A_3566 = arith.xori %xor3A_3562, %mul3A_3565 : vector<16xi32>
    %convert_element_type3A_3567 = arith.sitofp %xor3A_3566 : vector<16xi32> to vector<16xf32>
    %lt3A_3568 = arith.constant 0 : i32
    %lt3A_3569 = vector.broadcast %lt3A_3568 : i32 to vector<16xi32>
    %lt3A_3570 = arith.cmpi slt, %xor3A_3566, %lt3A_3569 : vector<16xi32>
    %jit3A_3571 = arith.constant 4.2949673E+9 : f32
    %jit3A_3572 = arith.constant 0.000000e+00 : f32
    %broadcast_in_dim3A_3573 = vector.broadcast %jit3A_3571 : f32 to vector<16xf32>
    %broadcast_in_dim3A_3574 = vector.broadcast %jit3A_3572 : f32 to vector<16xf32>
    %select_n3A_3575 = arith.select %lt3A_3570, %broadcast_in_dim3A_3573, %broadcast_in_dim3A_3574 : vector<16xi1>, vector<16xf32>
    %add3A_3576 = arith.addf %convert_element_type3A_3567, %select_n3A_3575 : vector<16xf32>
    %mul3A_3577 = arith.constant 1.00000102E-6 : f32
    %mul3A_3578 = vector.broadcast %mul3A_3577 : f32 to vector<16xf32>
    %mul3A_3579 = arith.mulf %add3A_3576, %mul3A_3578 : vector<16xf32>
    %convert_element_type3A_3580 = arith.fptosi %mul3A_3579 : vector<16xf32> to vector<16xi32>
    %mul3A_3581 = arith.constant 999999 : i32
    %mul3A_3582 = vector.broadcast %mul3A_3581 : i32 to vector<16xi32>
    %mul3A_3583 = arith.muli %convert_element_type3A_3580, %mul3A_3582 : vector<16xi32>
    %sub3A_3584 = arith.subi %xor3A_3566, %mul3A_3583 : vector<16xi32>
    %lt3A_3585 = arith.constant 0 : i32
    %lt3A_3586 = vector.broadcast %lt3A_3585 : i32 to vector<16xi32>
    %lt3A_3587 = arith.cmpi slt, %sub3A_3584, %lt3A_3586 : vector<16xi32>
    %add3A_3588 = arith.constant 999999 : i32
    %add3A_3589 = vector.broadcast %add3A_3588 : i32 to vector<16xi32>
    %add3A_3590 = arith.addi %sub3A_3584, %add3A_3589 : vector<16xi32>
    %select_n3A_3591 = arith.select %lt3A_3587, %add3A_3590, %sub3A_3584 : vector<16xi1>, vector<16xi32>
    %ge3A_3592 = arith.constant 999999 : i32
    %ge3A_3593 = vector.broadcast %ge3A_3592 : i32 to vector<16xi32>
    %ge3A_3594 = arith.cmpi sge, %select_n3A_3591, %ge3A_3593 : vector<16xi32>
    %sub3A_3595 = arith.constant 999999 : i32
    %sub3A_3596 = vector.broadcast %sub3A_3595 : i32 to vector<16xi32>
    %sub3A_3597 = arith.subi %select_n3A_3591, %sub3A_3596 : vector<16xi32>
    %select_n3A_3598 = arith.select %ge3A_3594, %sub3A_3597, %select_n3A_3591 : vector<16xi1>, vector<16xi32>
    %swap3A_3599 = arith.constant 7 : i64
    %swap3A_3600 = arith.index_cast %swap3A_3599 : i64 to index
    %swap3A_3601 = arith.constant 80 : index
    %swap3A_3602 = tpu.vector_load %arg6[%swap3A_3600, %swap3A_3601] {strides = array<i32>} : memref<8x128xi32, #tpu.memory_space<vmem>>, vector<1x16xi32>,
    %swap3A_3603 = vector.shape_cast %swap3A_3602 : vector<1x16xi32> to vector<16xi32>
    %swap3A_3604 = vector.shape_cast %select_n3A_3598 : vector<16xi32> to vector<1x16xi32>
    tpu.vector_store %arg6[%swap3A_3600, %swap3A_3601], %swap3A_3604 {strides = array<i32>} : memref<8x128xi32, #tpu.memory_space<vmem>>, vector<1x16xi32>,
    %get3A_3605 = arith.constant 1008 : index
    %get3A_3606 = tpu.vector_load %arg5[%get3A_3605] {strides = array<i32>} : memref<1040xi32, #tpu.memory_space<vmem>>, vector<16xi32>,
    %get3A_3607 = vector.shape_cast %get3A_3606 : vector<16xi32> to vector<16xi32>
    %get3A_3608 = arith.constant 1007 : index
    %get3A_3609 = tpu.vector_load %arg5[%get3A_3608] {strides = array<i32>} : memref<1040xi32, #tpu.memory_space<vmem>>, vector<16xi32>,
    %get3A_3610 = vector.shape_cast %get3A_3609 : vector<16xi32> to vector<16xi32>
    %get3A_3611 = arith.constant 1006 : index
    %get3A_3612 = tpu.vector_load %arg5[%get3A_3611] {strides = array<i32>} : memref<1040xi32, #tpu.memory_space<vmem>>, vector<16xi32>,
    %get3A_3613 = vector.shape_cast %get3A_3612 : vector<16xi32> to vector<16xi32>
    %mul3A_3614 = arith.constant 36313 : i32
    %mul3A_3615 = vector.broadcast %mul3A_3614 : i32 to vector<16xi32>
    %mul3A_3616 = arith.muli %get3A_3607, %mul3A_3615 : vector<16xi32>
    %mul3A_3617 = arith.constant 27191 : i32
    %mul3A_3618 = vector.broadcast %mul3A_3617 : i32 to vector<16xi32>
    %mul3A_3619 = arith.muli %get3A_3610, %mul3A_3618 : vector<16xi32>
    %xor3A_3620 = arith.xori %mul3A_3616, %mul3A_3619 : vector<16xi32>
    %mul3A_3621 = arith.constant 51637 : i32
    %mul3A_3622 = vector.broadcast %mul3A_3621 : i32 to vector<16xi32>
    %mul3A_3623 = arith.muli %get3A_3613, %mul3A_3622 : vector<16xi32>
    %xor3A_3624 = arith.xori %xor3A_3620, %mul3A_3623 : vector<16xi32>
    %convert_element_type3A_3625 = arith.sitofp %xor3A_3624 : vector<16xi32> to vector<16xf32>
    %lt3A_3626 = arith.constant 0 : i32
    %lt3A_3627 = vector.broadcast %lt3A_3626 : i32 to vector<16xi32>
    %lt3A_3628 = arith.cmpi slt, %xor3A_3624, %lt3A_3627 : vector<16xi32>
    %jit3A_3629 = arith.constant 4.2949673E+9 : f32
    %jit3A_3630 = arith.constant 0.000000e+00 : f32
    %broadcast_in_dim3A_3631 = vector.broadcast %jit3A_3629 : f32 to vector<16xf32>
    %broadcast_in_dim3A_3632 = vector.broadcast %jit3A_3630 : f32 to vector<16xf32>
    %select_n3A_3633 = arith.select %lt3A_3628, %broadcast_in_dim3A_3631, %broadcast_in_dim3A_3632 : vector<16xi1>, vector<16xf32>
    %add3A_3634 = arith.addf %convert_element_type3A_3625, %select_n3A_3633 : vector<16xf32>
    %mul3A_3635 = arith.constant 1.00000102E-6 : f32
    %mul3A_3636 = vector.broadcast %mul3A_3635 : f32 to vector<16xf32>
    %mul3A_3637 = arith.mulf %add3A_3634, %mul3A_3636 : vector<16xf32>
    %convert_element_type3A_3638 = arith.fptosi %mul3A_3637 : vector<16xf32> to vector<16xi32>
    %mul3A_3639 = arith.constant 999999 : i32
    %mul3A_3640 = vector.broadcast %mul3A_3639 : i32 to vector<16xi32>
    %mul3A_3641 = arith.muli %convert_element_type3A_3638, %mul3A_3640 : vector<16xi32>
    %sub3A_3642 = arith.subi %xor3A_3624, %mul3A_3641 : vector<16xi32>
    %lt3A_3643 = arith.constant 0 : i32
    %lt3A_3644 = vector.broadcast %lt3A_3643 : i32 to vector<16xi32>
    %lt3A_3645 = arith.cmpi slt, %sub3A_3642, %lt3A_3644 : vector<16xi32>
    %add3A_3646 = arith.constant 999999 : i32
    %add3A_3647 = vector.broadcast %add3A_3646 : i32 to vector<16xi32>
    %add3A_3648 = arith.addi %sub3A_3642, %add3A_3647 : vector<16xi32>
    %select_n3A_3649 = arith.select %lt3A_3645, %add3A_3648, %sub3A_3642 : vector<16xi1>, vector<16xi32>
    %ge3A_3650 = arith.constant 999999 : i32
    %ge3A_3651 = vector.broadcast %ge3A_3650 : i32 to vector<16xi32>
    %ge3A_3652 = arith.cmpi sge, %select_n3A_3649, %ge3A_3651 : vector<16xi32>
    %sub3A_3653 = arith.constant 999999 : i32
    %sub3A_3654 = vector.broadcast %sub3A_3653 : i32 to vector<16xi32>
    %sub3A_3655 = arith.subi %select_n3A_3649, %sub3A_3654 : vector<16xi32>
    %select_n3A_3656 = arith.select %ge3A_3652, %sub3A_3655, %select_n3A_3649 : vector<16xi1>, vector<16xi32>
    %swap3A_3657 = arith.constant 7 : i64
    %swap3A_3658 = arith.index_cast %swap3A_3657 : i64 to index
    %swap3A_3659 = arith.constant 96 : index
    %swap3A_3660 = tpu.vector_load %arg6[%swap3A_3658, %swap3A_3659] {strides = array<i32>} : memref<8x128xi32, #tpu.memory_space<vmem>>, vector<1x16xi32>,
    %swap3A_3661 = vector.shape_cast %swap3A_3660 : vector<1x16xi32> to vector<16xi32>
    %swap3A_3662 = vector.shape_cast %select_n3A_3656 : vector<16xi32> to vector<1x16xi32>
    tpu.vector_store %arg6[%swap3A_3658, %swap3A_3659], %swap3A_3662 {strides = array<i32>} : memref<8x128xi32, #tpu.memory_space<vmem>>, vector<1x16xi32>,
    %get3A_3663 = arith.constant 1024 : index
    %get3A_3664 = tpu.vector_load %arg5[%get3A_3663] {strides = array<i32>} : memref<1040xi32, #tpu.memory_space<vmem>>, vector<16xi32>,
    %get3A_3665 = vector.shape_cast %get3A_3664 : vector<16xi32> to vector<16xi32>
    %get3A_3666 = arith.constant 1023 : index
    %get3A_3667 = tpu.vector_load %arg5[%get3A_3666] {strides = array<i32>} : memref<1040xi32, #tpu.memory_space<vmem>>, vector<16xi32>,
    %get3A_3668 = vector.shape_cast %get3A_3667 : vector<16xi32> to vector<16xi32>
    %get3A_3669 = arith.constant 1022 : index
    %get3A_3670 = tpu.vector_load %arg5[%get3A_3669] {strides = array<i32>} : memref<1040xi32, #tpu.memory_space<vmem>>, vector<16xi32>,
    %get3A_3671 = vector.shape_cast %get3A_3670 : vector<16xi32> to vector<16xi32>
    %mul3A_3672 = arith.constant 36313 : i32
    %mul3A_3673 = vector.broadcast %mul3A_3672 : i32 to vector<16xi32>
    %mul3A_3674 = arith.muli %get3A_3665, %mul3A_3673 : vector<16xi32>
    %mul3A_3675 = arith.constant 27191 : i32
    %mul3A_3676 = vector.broadcast %mul3A_3675 : i32 to vector<16xi32>
    %mul3A_3677 = arith.muli %get3A_3668, %mul3A_3676 : vector<16xi32>
    %xor3A_3678 = arith.xori %mul3A_3674, %mul3A_3677 : vector<16xi32>
    %mul3A_3679 = arith.constant 51637 : i32
    %mul3A_3680 = vector.broadcast %mul3A_3679 : i32 to vector<16xi32>
    %mul3A_3681 = arith.muli %get3A_3671, %mul3A_3680 : vector<16xi32>
    %xor3A_3682 = arith.xori %xor3A_3678, %mul3A_3681 : vector<16xi32>
    %convert_element_type3A_3683 = arith.sitofp %xor3A_3682 : vector<16xi32> to vector<16xf32>
    %lt3A_3684 = arith.constant 0 : i32
    %lt3A_3685 = vector.broadcast %lt3A_3684 : i32 to vector<16xi32>
    %lt3A_3686 = arith.cmpi slt, %xor3A_3682, %lt3A_3685 : vector<16xi32>
    %jit3A_3687 = arith.constant 4.2949673E+9 : f32
    %jit3A_3688 = arith.constant 0.000000e+00 : f32
    %broadcast_in_dim3A_3689 = vector.broadcast %jit3A_3687 : f32 to vector<16xf32>
    %broadcast_in_dim3A_3690 = vector.broadcast %jit3A_3688 : f32 to vector<16xf32>
    %select_n3A_3691 = arith.select %lt3A_3686, %broadcast_in_dim3A_3689, %broadcast_in_dim3A_3690 : vector<16xi1>, vector<16xf32>
    %add3A_3692 = arith.addf %convert_element_type3A_3683, %select_n3A_3691 : vector<16xf32>
    %mul3A_3693 = arith.constant 1.00000102E-6 : f32
    %mul3A_3694 = vector.broadcast %mul3A_3693 : f32 to vector<16xf32>
    %mul3A_3695 = arith.mulf %add3A_3692, %mul3A_3694 : vector<16xf32>
    %convert_element_type3A_3696 = arith.fptosi %mul3A_3695 : vector<16xf32> to vector<16xi32>
    %mul3A_3697 = arith.constant 999999 : i32
    %mul3A_3698 = vector.broadcast %mul3A_3697 : i32 to vector<16xi32>
    %mul3A_3699 = arith.muli %convert_element_type3A_3696, %mul3A_3698 : vector<16xi32>
    %sub3A_3700 = arith.subi %xor3A_3682, %mul3A_3699 : vector<16xi32>
    %lt3A_3701 = arith.constant 0 : i32
    %lt3A_3702 = vector.broadcast %lt3A_3701 : i32 to vector<16xi32>
    %lt3A_3703 = arith.cmpi slt, %sub3A_3700, %lt3A_3702 : vector<16xi32>
    %add3A_3704 = arith.constant 999999 : i32
    %add3A_3705 = vector.broadcast %add3A_3704 : i32 to vector<16xi32>
    %add3A_3706 = arith.addi %sub3A_3700, %add3A_3705 : vector<16xi32>
    %select_n3A_3707 = arith.select %lt3A_3703, %add3A_3706, %sub3A_3700 : vector<16xi1>, vector<16xi32>
    %ge3A_3708 = arith.constant 999999 : i32
    %ge3A_3709 = vector.broadcast %ge3A_3708 : i32 to vector<16xi32>
    %ge3A_3710 = arith.cmpi sge, %select_n3A_3707, %ge3A_3709 : vector<16xi32>
    %sub3A_3711 = arith.constant 999999 : i32
    %sub3A_3712 = vector.broadcast %sub3A_3711 : i32 to vector<16xi32>
    %sub3A_3713 = arith.subi %select_n3A_3707, %sub3A_3712 : vector<16xi32>
    %select_n3A_3714 = arith.select %ge3A_3710, %sub3A_3713, %select_n3A_3707 : vector<16xi1>, vector<16xi32>
    %swap3A_3715 = arith.constant 7 : i64
    %swap3A_3716 = arith.index_cast %swap3A_3715 : i64 to index
    %swap3A_3717 = arith.constant 112 : index
    %swap3A_3718 = tpu.vector_load %arg6[%swap3A_3716, %swap3A_3717] {strides = array<i32>} : memref<8x128xi32, #tpu.memory_space<vmem>>, vector<1x16xi32>,
    %swap3A_3719 = vector.shape_cast %swap3A_3718 : vector<1x16xi32> to vector<16xi32>
    %swap3A_3720 = vector.shape_cast %select_n3A_3714 : vector<16xi32> to vector<1x16xi32>
    tpu.vector_store %arg6[%swap3A_3716, %swap3A_3717], %swap3A_3720 {strides = array<i32>} : memref<8x128xi32, #tpu.memory_space<vmem>>, vector<1x16xi32>,
    %dma_start3A = arith.constant 0 : i32
    %dma_start3A_3721 = arith.constant 0 : i32
    %dma_start3A_3722 = arith.constant 0 : i32
    %dma_start3A_3723 = tpu.memref_slice %arg7[%dma_start3A_3721, %dma_start3A_3722] : memref<512x128xf32, #tpu.memory_space<vmem>> -> memref<128x128xf32, #tpu.memory_space<vmem>>
    %dma_start3A_3724 = arith.constant 0 : i32
    %dma_start3A_3725 = tpu.memref_slice %arg6[%dma_start3A, %dma_start3A_3724] : memref<8x128xi32, #tpu.memory_space<vmem>> -> memref<1x128xi32, #tpu.memory_space<vmem>>
    %dma_start3A_3726 = tpu.memref_squeeze %dma_start3A_3725 : memref<1x128xi32, #tpu.memory_space<vmem>> -> memref<128xi32, #tpu.memory_space<vmem>>
    %dma_start3A_3727 = arith.constant 0 : i32
    %dma_start3A_3728 = arith.constant 0 : i32
    %dma_start3A_3729 = tpu.memref_slice %arg3[%dma_start3A_3727, %dma_start3A_3728] : memref<1000000x128xf32, #tpu.memory_space<hbm>> -> memref<1000000x128xf32, #tpu.memory_space<hbm>>
    tpu.enqueue_indirect_dma source(%dma_start3A_3729 : memref<1000000x128xf32, #tpu.memory_space<hbm>>) target(%dma_start3A_3723 : memref<128x128xf32, #tpu.memory_space<vmem>>) offsets(%dma_start3A_3726 : memref<128xi32, #tpu.memory_space<vmem>>) semaphore(%arg8 : memref<!tpu.dma_semaphore, #tpu.memory_space<semaphore_mem>>)
    %dma_start3A_3730 = arith.constant 1 : i32
    %dma_start3A_3731 = arith.constant 128 : i32
    %dma_start3A_3732 = arith.constant 0 : i32
    %dma_start3A_3733 = tpu.memref_slice %arg7[%dma_start3A_3731, %dma_start3A_3732] : memref<512x128xf32, #tpu.memory_space<vmem>> -> memref<128x128xf32, #tpu.memory_space<vmem>>
    %dma_start3A_3734 = arith.constant 0 : i32
    %dma_start3A_3735 = tpu.memref_slice %arg6[%dma_start3A_3730, %dma_start3A_3734] : memref<8x128xi32, #tpu.memory_space<vmem>> -> memref<1x128xi32, #tpu.memory_space<vmem>>
    %dma_start3A_3736 = tpu.memref_squeeze %dma_start3A_3735 : memref<1x128xi32, #tpu.memory_space<vmem>> -> memref<128xi32, #tpu.memory_space<vmem>>
    %dma_start3A_3737 = arith.constant 0 : i32
    %dma_start3A_3738 = arith.constant 0 : i32
    %dma_start3A_3739 = tpu.memref_slice %arg3[%dma_start3A_3737, %dma_start3A_3738] : memref<1000000x128xf32, #tpu.memory_space<hbm>> -> memref<1000000x128xf32, #tpu.memory_space<hbm>>
    tpu.enqueue_indirect_dma source(%dma_start3A_3739 : memref<1000000x128xf32, #tpu.memory_space<hbm>>) target(%dma_start3A_3733 : memref<128x128xf32, #tpu.memory_space<vmem>>) offsets(%dma_start3A_3736 : memref<128xi32, #tpu.memory_space<vmem>>) semaphore(%arg8 : memref<!tpu.dma_semaphore, #tpu.memory_space<semaphore_mem>>)
    %dma_start3A_3740 = arith.constant 2 : i32
    %dma_start3A_3741 = arith.constant 256 : i32
    %dma_start3A_3742 = arith.constant 0 : i32
    %dma_start3A_3743 = tpu.memref_slice %arg7[%dma_start3A_3741, %dma_start3A_3742] : memref<512x128xf32, #tpu.memory_space<vmem>> -> memref<128x128xf32, #tpu.memory_space<vmem>>
    %dma_start3A_3744 = arith.constant 0 : i32
    %dma_start3A_3745 = tpu.memref_slice %arg6[%dma_start3A_3740, %dma_start3A_3744] : memref<8x128xi32, #tpu.memory_space<vmem>> -> memref<1x128xi32, #tpu.memory_space<vmem>>
    %dma_start3A_3746 = tpu.memref_squeeze %dma_start3A_3745 : memref<1x128xi32, #tpu.memory_space<vmem>> -> memref<128xi32, #tpu.memory_space<vmem>>
    %dma_start3A_3747 = arith.constant 0 : i32
    %dma_start3A_3748 = arith.constant 0 : i32
    %dma_start3A_3749 = tpu.memref_slice %arg3[%dma_start3A_3747, %dma_start3A_3748] : memref<1000000x128xf32, #tpu.memory_space<hbm>> -> memref<1000000x128xf32, #tpu.memory_space<hbm>>
    tpu.enqueue_indirect_dma source(%dma_start3A_3749 : memref<1000000x128xf32, #tpu.memory_space<hbm>>) target(%dma_start3A_3743 : memref<128x128xf32, #tpu.memory_space<vmem>>) offsets(%dma_start3A_3746 : memref<128xi32, #tpu.memory_space<vmem>>) semaphore(%arg8 : memref<!tpu.dma_semaphore, #tpu.memory_space<semaphore_mem>>)
    %dma_start3A_3750 = arith.constant 3 : i32
    %dma_start3A_3751 = arith.constant 384 : i32
    %dma_start3A_3752 = arith.constant 0 : i32
    %dma_start3A_3753 = tpu.memref_slice %arg7[%dma_start3A_3751, %dma_start3A_3752] : memref<512x128xf32, #tpu.memory_space<vmem>> -> memref<128x128xf32, #tpu.memory_space<vmem>>
    %dma_start3A_3754 = arith.constant 0 : i32
    %dma_start3A_3755 = tpu.memref_slice %arg6[%dma_start3A_3750, %dma_start3A_3754] : memref<8x128xi32, #tpu.memory_space<vmem>> -> memref<1x128xi32, #tpu.memory_space<vmem>>
    %dma_start3A_3756 = tpu.memref_squeeze %dma_start3A_3755 : memref<1x128xi32, #tpu.memory_space<vmem>> -> memref<128xi32, #tpu.memory_space<vmem>>
    %dma_start3A_3757 = arith.constant 0 : i32
    %dma_start3A_3758 = arith.constant 0 : i32
    %dma_start3A_3759 = tpu.memref_slice %arg3[%dma_start3A_3757, %dma_start3A_3758] : memref<1000000x128xf32, #tpu.memory_space<hbm>> -> memref<1000000x128xf32, #tpu.memory_space<hbm>>
    tpu.enqueue_indirect_dma source(%dma_start3A_3759 : memref<1000000x128xf32, #tpu.memory_space<hbm>>) target(%dma_start3A_3753 : memref<128x128xf32, #tpu.memory_space<vmem>>) offsets(%dma_start3A_3756 : memref<128xi32, #tpu.memory_space<vmem>>) semaphore(%arg8 : memref<!tpu.dma_semaphore, #tpu.memory_space<semaphore_mem>>)
    %dma_wait3A = arith.constant 0 : i32
    %dma_wait3A_3760 = arith.constant 0 : i32
    %dma_wait3A_3761 = arith.constant 0 : i32
    %dma_wait3A_3762 = tpu.memref_slice %arg7[%dma_wait3A_3760, %dma_wait3A_3761] : memref<512x128xf32, #tpu.memory_space<vmem>> -> memref<128x128xf32, #tpu.memory_space<vmem>>
    %dma_wait3A_3763 = arith.constant 0 : i32
    %dma_wait3A_3764 = tpu.memref_slice %arg6[%dma_wait3A, %dma_wait3A_3763] : memref<8x128xi32, #tpu.memory_space<vmem>> -> memref<1x128xi32, #tpu.memory_space<vmem>>
    %dma_wait3A_3765 = tpu.memref_squeeze %dma_wait3A_3764 : memref<1x128xi32, #tpu.memory_space<vmem>> -> memref<128xi32, #tpu.memory_space<vmem>>
    %dma_wait3A_3766 = arith.constant 0 : i32
    %dma_wait3A_3767 = arith.constant 0 : i32
    %dma_wait3A_3768 = tpu.memref_slice %arg3[%dma_wait3A_3766, %dma_wait3A_3767] : memref<1000000x128xf32, #tpu.memory_space<hbm>> -> memref<1000000x128xf32, #tpu.memory_space<hbm>>
    tpu.wait_indirect_dma semaphore(%arg8 : memref<!tpu.dma_semaphore, #tpu.memory_space<semaphore_mem>>) src(%dma_wait3A_3768 : memref<1000000x128xf32, #tpu.memory_space<hbm>>) dst(%dma_wait3A_3762 : memref<128x128xf32, #tpu.memory_space<vmem>>)
    %dma_wait3A_3769 = arith.constant 1 : i32
    %dma_wait3A_3770 = arith.constant 128 : i32
    %dma_wait3A_3771 = arith.constant 0 : i32
    %dma_wait3A_3772 = tpu.memref_slice %arg7[%dma_wait3A_3770, %dma_wait3A_3771] : memref<512x128xf32, #tpu.memory_space<vmem>> -> memref<128x128xf32, #tpu.memory_space<vmem>>
    %dma_wait3A_3773 = arith.constant 0 : i32
    %dma_wait3A_3774 = tpu.memref_slice %arg6[%dma_wait3A_3769, %dma_wait3A_3773] : memref<8x128xi32, #tpu.memory_space<vmem>> -> memref<1x128xi32, #tpu.memory_space<vmem>>
    %dma_wait3A_3775 = tpu.memref_squeeze %dma_wait3A_3774 : memref<1x128xi32, #tpu.memory_space<vmem>> -> memref<128xi32, #tpu.memory_space<vmem>>
    %dma_wait3A_3776 = arith.constant 0 : i32
    %dma_wait3A_3777 = arith.constant 0 : i32
    %dma_wait3A_3778 = tpu.memref_slice %arg3[%dma_wait3A_3776, %dma_wait3A_3777] : memref<1000000x128xf32, #tpu.memory_space<hbm>> -> memref<1000000x128xf32, #tpu.memory_space<hbm>>
    tpu.wait_indirect_dma semaphore(%arg8 : memref<!tpu.dma_semaphore, #tpu.memory_space<semaphore_mem>>) src(%dma_wait3A_3778 : memref<1000000x128xf32, #tpu.memory_space<hbm>>) dst(%dma_wait3A_3772 : memref<128x128xf32, #tpu.memory_space<vmem>>)
    %dma_wait3A_3779 = arith.constant 2 : i32
    %dma_wait3A_3780 = arith.constant 256 : i32
    %dma_wait3A_3781 = arith.constant 0 : i32
    %dma_wait3A_3782 = tpu.memref_slice %arg7[%dma_wait3A_3780, %dma_wait3A_3781] : memref<512x128xf32, #tpu.memory_space<vmem>> -> memref<128x128xf32, #tpu.memory_space<vmem>>
    %dma_wait3A_3783 = arith.constant 0 : i32
    %dma_wait3A_3784 = tpu.memref_slice %arg6[%dma_wait3A_3779, %dma_wait3A_3783] : memref<8x128xi32, #tpu.memory_space<vmem>> -> memref<1x128xi32, #tpu.memory_space<vmem>>
    %dma_wait3A_3785 = tpu.memref_squeeze %dma_wait3A_3784 : memref<1x128xi32, #tpu.memory_space<vmem>> -> memref<128xi32, #tpu.memory_space<vmem>>
    %dma_wait3A_3786 = arith.constant 0 : i32
    %dma_wait3A_3787 = arith.constant 0 : i32
    %dma_wait3A_3788 = tpu.memref_slice %arg3[%dma_wait3A_3786, %dma_wait3A_3787] : memref<1000000x128xf32, #tpu.memory_space<hbm>> -> memref<1000000x128xf32, #tpu.memory_space<hbm>>
    tpu.wait_indirect_dma semaphore(%arg8 : memref<!tpu.dma_semaphore, #tpu.memory_space<semaphore_mem>>) src(%dma_wait3A_3788 : memref<1000000x128xf32, #tpu.memory_space<hbm>>) dst(%dma_wait3A_3782 : memref<128x128xf32, #tpu.memory_space<vmem>>)
    %dma_wait3A_3789 = arith.constant 3 : i32
    %dma_wait3A_3790 = arith.constant 384 : i32
    %dma_wait3A_3791 = arith.constant 0 : i32
    %dma_wait3A_3792 = tpu.memref_slice %arg7[%dma_wait3A_3790, %dma_wait3A_3791] : memref<512x128xf32, #tpu.memory_space<vmem>> -> memref<128x128xf32, #tpu.memory_space<vmem>>
    %dma_wait3A_3793 = arith.constant 0 : i32
    %dma_wait3A_3794 = tpu.memref_slice %arg6[%dma_wait3A_3789, %dma_wait3A_3793] : memref<8x128xi32, #tpu.memory_space<vmem>> -> memref<1x128xi32, #tpu.memory_space<vmem>>
    %dma_wait3A_3795 = tpu.memref_squeeze %dma_wait3A_3794 : memref<1x128xi32, #tpu.memory_space<vmem>> -> memref<128xi32, #tpu.memory_space<vmem>>
    %dma_wait3A_3796 = arith.constant 0 : i32
    %dma_wait3A_3797 = arith.constant 0 : i32
    %dma_wait3A_3798 = tpu.memref_slice %arg3[%dma_wait3A_3796, %dma_wait3A_3797] : memref<1000000x128xf32, #tpu.memory_space<hbm>> -> memref<1000000x128xf32, #tpu.memory_space<hbm>>
    tpu.wait_indirect_dma semaphore(%arg8 : memref<!tpu.dma_semaphore, #tpu.memory_space<semaphore_mem>>) src(%dma_wait3A_3798 : memref<1000000x128xf32, #tpu.memory_space<hbm>>) dst(%dma_wait3A_3792 : memref<128x128xf32, #tpu.memory_space<vmem>>)
    %add3A_3799 = arith.constant 0 : i32
    %add3A_3800 = arith.addi %multiple_of3A_6, %add3A_3799 : i32
    "tpu.region"() ({
      %run_scoped3A = tpu.sem_alloc : memref<!tpu.dma_semaphore, #tpu.memory_space<semaphore_mem>>
      %dma_start3A_3883 = arith.constant 0 : i32
      %dma_start3A_3884 = tpu.memref_slice %arg4[%add3A_3800, %dma_start3A_3883] : memref<32768x128xf32, #tpu.memory_space<hbm>> -> memref<512x128xf32, #tpu.memory_space<hbm>>
      %dma_start3A_3885 = arith.constant 0 : i32
      %dma_start3A_3886 = tpu.memref_slice %arg4[%add3A_3800, %dma_start3A_3885] : memref<32768x128xf32, #tpu.memory_space<hbm>> -> memref<512x128xf32, #tpu.memory_space<hbm>>
      tpu.enqueue_dma source(%arg7 : memref<512x128xf32, #tpu.memory_space<vmem>>) target(%dma_start3A_3886 : memref<512x128xf32, #tpu.memory_space<hbm>>) target_semaphore(%run_scoped3A : memref<!tpu.dma_semaphore, #tpu.memory_space<semaphore_mem>>)
      %dma_wait3A_3887 = arith.constant 0 : i32
      %dma_wait3A_3888 = tpu.memref_slice %arg4[%add3A_3800, %dma_wait3A_3887] : memref<32768x128xf32, #tpu.memory_space<hbm>> -> memref<512x128xf32, #tpu.memory_space<hbm>>
      %dma_wait3A_3889 = arith.constant 0 : i32
      %dma_wait3A_3890 = tpu.memref_slice %arg4[%add3A_3800, %dma_wait3A_3889] : memref<32768x128xf32, #tpu.memory_space<hbm>> -> memref<512x128xf32, #tpu.memory_space<hbm>>
      tpu.wait_dma2 semaphore(%run_scoped3A : memref<!tpu.dma_semaphore, #tpu.memory_space<semaphore_mem>>) src(%arg7 : memref<512x128xf32, #tpu.memory_space<vmem>>) dst(%dma_wait3A_3890 : memref<512x128xf32, #tpu.memory_space<hbm>>)
      tpu.yield
    }) : () -> ()
    %dma_start3A_3801 = arith.constant 4 : i32
    %dma_start3A_3802 = arith.constant 0 : i32
    %dma_start3A_3803 = arith.constant 0 : i32
    %dma_start3A_3804 = tpu.memref_slice %arg7[%dma_start3A_3802, %dma_start3A_3803] : memref<512x128xf32, #tpu.memory_space<vmem>> -> memref<128x128xf32, #tpu.memory_space<vmem>>
    %dma_start3A_3805 = arith.constant 0 : i32
    %dma_start3A_3806 = tpu.memref_slice %arg6[%dma_start3A_3801, %dma_start3A_3805] : memref<8x128xi32, #tpu.memory_space<vmem>> -> memref<1x128xi32, #tpu.memory_space<vmem>>
    %dma_start3A_3807 = tpu.memref_squeeze %dma_start3A_3806 : memref<1x128xi32, #tpu.memory_space<vmem>> -> memref<128xi32, #tpu.memory_space<vmem>>
    %dma_start3A_3808 = arith.constant 0 : i32
    %dma_start3A_3809 = arith.constant 0 : i32
    %dma_start3A_3810 = tpu.memref_slice %arg3[%dma_start3A_3808, %dma_start3A_3809] : memref<1000000x128xf32, #tpu.memory_space<hbm>> -> memref<1000000x128xf32, #tpu.memory_space<hbm>>
    tpu.enqueue_indirect_dma source(%dma_start3A_3810 : memref<1000000x128xf32, #tpu.memory_space<hbm>>) target(%dma_start3A_3804 : memref<128x128xf32, #tpu.memory_space<vmem>>) offsets(%dma_start3A_3807 : memref<128xi32, #tpu.memory_space<vmem>>) semaphore(%arg8 : memref<!tpu.dma_semaphore, #tpu.memory_space<semaphore_mem>>)
    %dma_start3A_3811 = arith.constant 5 : i32
    %dma_start3A_3812 = arith.constant 128 : i32
    %dma_start3A_3813 = arith.constant 0 : i32
    %dma_start3A_3814 = tpu.memref_slice %arg7[%dma_start3A_3812, %dma_start3A_3813] : memref<512x128xf32, #tpu.memory_space<vmem>> -> memref<128x128xf32, #tpu.memory_space<vmem>>
    %dma_start3A_3815 = arith.constant 0 : i32
    %dma_start3A_3816 = tpu.memref_slice %arg6[%dma_start3A_3811, %dma_start3A_3815] : memref<8x128xi32, #tpu.memory_space<vmem>> -> memref<1x128xi32, #tpu.memory_space<vmem>>
    %dma_start3A_3817 = tpu.memref_squeeze %dma_start3A_3816 : memref<1x128xi32, #tpu.memory_space<vmem>> -> memref<128xi32, #tpu.memory_space<vmem>>
    %dma_start3A_3818 = arith.constant 0 : i32
    %dma_start3A_3819 = arith.constant 0 : i32
    %dma_start3A_3820 = tpu.memref_slice %arg3[%dma_start3A_3818, %dma_start3A_3819] : memref<1000000x128xf32, #tpu.memory_space<hbm>> -> memref<1000000x128xf32, #tpu.memory_space<hbm>>
    tpu.enqueue_indirect_dma source(%dma_start3A_3820 : memref<1000000x128xf32, #tpu.memory_space<hbm>>) target(%dma_start3A_3814 : memref<128x128xf32, #tpu.memory_space<vmem>>) offsets(%dma_start3A_3817 : memref<128xi32, #tpu.memory_space<vmem>>) semaphore(%arg8 : memref<!tpu.dma_semaphore, #tpu.memory_space<semaphore_mem>>)
    %dma_start3A_3821 = arith.constant 6 : i32
    %dma_start3A_3822 = arith.constant 256 : i32
    %dma_start3A_3823 = arith.constant 0 : i32
    %dma_start3A_3824 = tpu.memref_slice %arg7[%dma_start3A_3822, %dma_start3A_3823] : memref<512x128xf32, #tpu.memory_space<vmem>> -> memref<128x128xf32, #tpu.memory_space<vmem>>
    %dma_start3A_3825 = arith.constant 0 : i32
    %dma_start3A_3826 = tpu.memref_slice %arg6[%dma_start3A_3821, %dma_start3A_3825] : memref<8x128xi32, #tpu.memory_space<vmem>> -> memref<1x128xi32, #tpu.memory_space<vmem>>
    %dma_start3A_3827 = tpu.memref_squeeze %dma_start3A_3826 : memref<1x128xi32, #tpu.memory_space<vmem>> -> memref<128xi32, #tpu.memory_space<vmem>>
    %dma_start3A_3828 = arith.constant 0 : i32
    %dma_start3A_3829 = arith.constant 0 : i32
    %dma_start3A_3830 = tpu.memref_slice %arg3[%dma_start3A_3828, %dma_start3A_3829] : memref<1000000x128xf32, #tpu.memory_space<hbm>> -> memref<1000000x128xf32, #tpu.memory_space<hbm>>
    tpu.enqueue_indirect_dma source(%dma_start3A_3830 : memref<1000000x128xf32, #tpu.memory_space<hbm>>) target(%dma_start3A_3824 : memref<128x128xf32, #tpu.memory_space<vmem>>) offsets(%dma_start3A_3827 : memref<128xi32, #tpu.memory_space<vmem>>) semaphore(%arg8 : memref<!tpu.dma_semaphore, #tpu.memory_space<semaphore_mem>>)
    %dma_start3A_3831 = arith.constant 7 : i32
    %dma_start3A_3832 = arith.constant 384 : i32
    %dma_start3A_3833 = arith.constant 0 : i32
    %dma_start3A_3834 = tpu.memref_slice %arg7[%dma_start3A_3832, %dma_start3A_3833] : memref<512x128xf32, #tpu.memory_space<vmem>> -> memref<128x128xf32, #tpu.memory_space<vmem>>
    %dma_start3A_3835 = arith.constant 0 : i32
    %dma_start3A_3836 = tpu.memref_slice %arg6[%dma_start3A_3831, %dma_start3A_3835] : memref<8x128xi32, #tpu.memory_space<vmem>> -> memref<1x128xi32, #tpu.memory_space<vmem>>
    %dma_start3A_3837 = tpu.memref_squeeze %dma_start3A_3836 : memref<1x128xi32, #tpu.memory_space<vmem>> -> memref<128xi32, #tpu.memory_space<vmem>>
    %dma_start3A_3838 = arith.constant 0 : i32
    %dma_start3A_3839 = arith.constant 0 : i32
    %dma_start3A_3840 = tpu.memref_slice %arg3[%dma_start3A_3838, %dma_start3A_3839] : memref<1000000x128xf32, #tpu.memory_space<hbm>> -> memref<1000000x128xf32, #tpu.memory_space<hbm>>
    tpu.enqueue_indirect_dma source(%dma_start3A_3840 : memref<1000000x128xf32, #tpu.memory_space<hbm>>) target(%dma_start3A_3834 : memref<128x128xf32, #tpu.memory_space<vmem>>) offsets(%dma_start3A_3837 : memref<128xi32, #tpu.memory_space<vmem>>) semaphore(%arg8 : memref<!tpu.dma_semaphore, #tpu.memory_space<semaphore_mem>>)
    %dma_wait3A_3841 = arith.constant 4 : i32
    %dma_wait3A_3842 = arith.constant 0 : i32
    %dma_wait3A_3843 = arith.constant 0 : i32
    %dma_wait3A_3844 = tpu.memref_slice %arg7[%dma_wait3A_3842, %dma_wait3A_3843] : memref<512x128xf32, #tpu.memory_space<vmem>> -> memref<128x128xf32, #tpu.memory_space<vmem>>
    %dma_wait3A_3845 = arith.constant 0 : i32
    %dma_wait3A_3846 = tpu.memref_slice %arg6[%dma_wait3A_3841, %dma_wait3A_3845] : memref<8x128xi32, #tpu.memory_space<vmem>> -> memref<1x128xi32, #tpu.memory_space<vmem>>
    %dma_wait3A_3847 = tpu.memref_squeeze %dma_wait3A_3846 : memref<1x128xi32, #tpu.memory_space<vmem>> -> memref<128xi32, #tpu.memory_space<vmem>>
    %dma_wait3A_3848 = arith.constant 0 : i32
    %dma_wait3A_3849 = arith.constant 0 : i32
    %dma_wait3A_3850 = tpu.memref_slice %arg3[%dma_wait3A_3848, %dma_wait3A_3849] : memref<1000000x128xf32, #tpu.memory_space<hbm>> -> memref<1000000x128xf32, #tpu.memory_space<hbm>>
    tpu.wait_indirect_dma semaphore(%arg8 : memref<!tpu.dma_semaphore, #tpu.memory_space<semaphore_mem>>) src(%dma_wait3A_3850 : memref<1000000x128xf32, #tpu.memory_space<hbm>>) dst(%dma_wait3A_3844 : memref<128x128xf32, #tpu.memory_space<vmem>>)
    %dma_wait3A_3851 = arith.constant 5 : i32
    %dma_wait3A_3852 = arith.constant 128 : i32
    %dma_wait3A_3853 = arith.constant 0 : i32
    %dma_wait3A_3854 = tpu.memref_slice %arg7[%dma_wait3A_3852, %dma_wait3A_3853] : memref<512x128xf32, #tpu.memory_space<vmem>> -> memref<128x128xf32, #tpu.memory_space<vmem>>
    %dma_wait3A_3855 = arith.constant 0 : i32
    %dma_wait3A_3856 = tpu.memref_slice %arg6[%dma_wait3A_3851, %dma_wait3A_3855] : memref<8x128xi32, #tpu.memory_space<vmem>> -> memref<1x128xi32, #tpu.memory_space<vmem>>
    %dma_wait3A_3857 = tpu.memref_squeeze %dma_wait3A_3856 : memref<1x128xi32, #tpu.memory_space<vmem>> -> memref<128xi32, #tpu.memory_space<vmem>>
    %dma_wait3A_3858 = arith.constant 0 : i32
    %dma_wait3A_3859 = arith.constant 0 : i32
    %dma_wait3A_3860 = tpu.memref_slice %arg3[%dma_wait3A_3858, %dma_wait3A_3859] : memref<1000000x128xf32, #tpu.memory_space<hbm>> -> memref<1000000x128xf32, #tpu.memory_space<hbm>>
    tpu.wait_indirect_dma semaphore(%arg8 : memref<!tpu.dma_semaphore, #tpu.memory_space<semaphore_mem>>) src(%dma_wait3A_3860 : memref<1000000x128xf32, #tpu.memory_space<hbm>>) dst(%dma_wait3A_3854 : memref<128x128xf32, #tpu.memory_space<vmem>>)
    %dma_wait3A_3861 = arith.constant 6 : i32
    %dma_wait3A_3862 = arith.constant 256 : i32
    %dma_wait3A_3863 = arith.constant 0 : i32
    %dma_wait3A_3864 = tpu.memref_slice %arg7[%dma_wait3A_3862, %dma_wait3A_3863] : memref<512x128xf32, #tpu.memory_space<vmem>> -> memref<128x128xf32, #tpu.memory_space<vmem>>
    %dma_wait3A_3865 = arith.constant 0 : i32
    %dma_wait3A_3866 = tpu.memref_slice %arg6[%dma_wait3A_3861, %dma_wait3A_3865] : memref<8x128xi32, #tpu.memory_space<vmem>> -> memref<1x128xi32, #tpu.memory_space<vmem>>
    %dma_wait3A_3867 = tpu.memref_squeeze %dma_wait3A_3866 : memref<1x128xi32, #tpu.memory_space<vmem>> -> memref<128xi32, #tpu.memory_space<vmem>>
    %dma_wait3A_3868 = arith.constant 0 : i32
    %dma_wait3A_3869 = arith.constant 0 : i32
    %dma_wait3A_3870 = tpu.memref_slice %arg3[%dma_wait3A_3868, %dma_wait3A_3869] : memref<1000000x128xf32, #tpu.memory_space<hbm>> -> memref<1000000x128xf32, #tpu.memory_space<hbm>>
    tpu.wait_indirect_dma semaphore(%arg8 : memref<!tpu.dma_semaphore, #tpu.memory_space<semaphore_mem>>) src(%dma_wait3A_3870 : memref<1000000x128xf32, #tpu.memory_space<hbm>>) dst(%dma_wait3A_3864 : memref<128x128xf32, #tpu.memory_space<vmem>>)
    %dma_wait3A_3871 = arith.constant 7 : i32
    %dma_wait3A_3872 = arith.constant 384 : i32
    %dma_wait3A_3873 = arith.constant 0 : i32
    %dma_wait3A_3874 = tpu.memref_slice %arg7[%dma_wait3A_3872, %dma_wait3A_3873] : memref<512x128xf32, #tpu.memory_space<vmem>> -> memref<128x128xf32, #tpu.memory_space<vmem>>
    %dma_wait3A_3875 = arith.constant 0 : i32
    %dma_wait3A_3876 = tpu.memref_slice %arg6[%dma_wait3A_3871, %dma_wait3A_3875] : memref<8x128xi32, #tpu.memory_space<vmem>> -> memref<1x128xi32, #tpu.memory_space<vmem>>
    %dma_wait3A_3877 = tpu.memref_squeeze %dma_wait3A_3876 : memref<1x128xi32, #tpu.memory_space<vmem>> -> memref<128xi32, #tpu.memory_space<vmem>>
    %dma_wait3A_3878 = arith.constant 0 : i32
    %dma_wait3A_3879 = arith.constant 0 : i32
    %dma_wait3A_3880 = tpu.memref_slice %arg3[%dma_wait3A_3878, %dma_wait3A_3879] : memref<1000000x128xf32, #tpu.memory_space<hbm>> -> memref<1000000x128xf32, #tpu.memory_space<hbm>>
    tpu.wait_indirect_dma semaphore(%arg8 : memref<!tpu.dma_semaphore, #tpu.memory_space<semaphore_mem>>) src(%dma_wait3A_3880 : memref<1000000x128xf32, #tpu.memory_space<hbm>>) dst(%dma_wait3A_3874 : memref<128x128xf32, #tpu.memory_space<vmem>>)
    %add3A_3881 = arith.constant 512 : i32
    %add3A_3882 = arith.addi %multiple_of3A_6, %add3A_3881 : i32
    "tpu.region"() ({
      %run_scoped3A = tpu.sem_alloc : memref<!tpu.dma_semaphore, #tpu.memory_space<semaphore_mem>>
      %dma_start3A_3883 = arith.constant 0 : i32
      %dma_start3A_3884 = tpu.memref_slice %arg4[%add3A_3882, %dma_start3A_3883] : memref<32768x128xf32, #tpu.memory_space<hbm>> -> memref<512x128xf32, #tpu.memory_space<hbm>>
      %dma_start3A_3885 = arith.constant 0 : i32
      %dma_start3A_3886 = tpu.memref_slice %arg4[%add3A_3882, %dma_start3A_3885] : memref<32768x128xf32, #tpu.memory_space<hbm>> -> memref<512x128xf32, #tpu.memory_space<hbm>>
      tpu.enqueue_dma source(%arg7 : memref<512x128xf32, #tpu.memory_space<vmem>>) target(%dma_start3A_3886 : memref<512x128xf32, #tpu.memory_space<hbm>>) target_semaphore(%run_scoped3A : memref<!tpu.dma_semaphore, #tpu.memory_space<semaphore_mem>>)
      %dma_wait3A_3887 = arith.constant 0 : i32
      %dma_wait3A_3888 = tpu.memref_slice %arg4[%add3A_3882, %dma_wait3A_3887] : memref<32768x128xf32, #tpu.memory_space<hbm>> -> memref<512x128xf32, #tpu.memory_space<hbm>>
      %dma_wait3A_3889 = arith.constant 0 : i32
      %dma_wait3A_3890 = tpu.memref_slice %arg4[%add3A_3882, %dma_wait3A_3889] : memref<32768x128xf32, #tpu.memory_space<hbm>> -> memref<512x128xf32, #tpu.memory_space<hbm>>
      tpu.wait_dma2 semaphore(%run_scoped3A : memref<!tpu.dma_semaphore, #tpu.memory_space<semaphore_mem>>) src(%arg7 : memref<512x128xf32, #tpu.memory_space<vmem>>) dst(%dma_wait3A_3890 : memref<512x128xf32, #tpu.memory_space<hbm>>)
      tpu.yield
    }) : () -> ()
    return
  }
}

module attributes {stable_mosaic.version = 14 : i64} {
  func.func @_mm_body(%arg0: i32, %arg1: memref<2048x128xf32, #tpu.memory_space<vmem>>, %arg2: memref<1024x64xf32, #tpu.memory_space<vmem>>, %arg3: memref<2048x1024xf32, #tpu.memory_space<vmem>>) attributes {dimension_semantics = [#tpu.dimension_semantics<arbitrary>], iteration_bounds = array<i64: 16>, scalar_prefetch = 0 : i64, scratch_operands = 0 : i64, tpu.core_type = #tpu.core_type<tc>, window_params = [{transform_indices = @transform_0, window_bounds = array<i64: 2048, 128>}, {pipeline_mode = #tpu.pipeline_mode<synchronous>, transform_indices = @transform_1, window_bounds = array<i64: 1024, 64>}, {transform_indices = @transform_2, window_bounds = array<i64: 2048, 1024>}]} {
    %get3A = arith.constant 0 : index
    %get3A_0 = arith.constant 0 : index
    %get3A_1 = vector.load %arg1[%get3A, %get3A_0] : memref<2048x128xf32, #tpu.memory_space<vmem>>, vector<2048x128xf32>
    %slice3A = vector.extract_strided_slice %get3A_1 {offsets = [0, 0], sizes = [2048, 64], strides = [1, 1]} : vector<2048x128xf32> to vector<2048x64xf32>
    %get3A_2 = arith.constant 0 : index
    %get3A_3 = arith.constant 0 : index
    %get3A_4 = vector.load %arg2[%get3A_2, %get3A_3] : memref<1024x64xf32, #tpu.memory_space<vmem>>, vector<1024x64xf32>
    %dot_general3A = arith.constant dense<0.000000e+00> : vector<2048x1024xf32>
    %dot_general3A_5 = tpu.matmul %slice3A, %get3A_4, %dot_general3A {dimension_numbers = #tpu.dot_dimension_numbers<[1], [1], [0], [0], [0, 0, 1, 0], [], []>, transpose_lhs_hint = false} : vector<2048x64xf32>, vector<1024x64xf32>, vector<2048x1024xf32> -> vector<2048x1024xf32>
    %swap3A = arith.constant 0 : index
    %swap3A_6 = arith.constant 0 : index
    %swap3A_7 = vector.load %arg3[%swap3A, %swap3A_6] : memref<2048x1024xf32, #tpu.memory_space<vmem>>, vector<2048x1024xf32>
    tpu.vector_store %arg3[%swap3A, %swap3A_6], %dot_general3A_5 {strides = array<i32>} : memref<2048x1024xf32, #tpu.memory_space<vmem>>, vector<2048x1024xf32>,
    return
  }
  func.func @transform_0(%arg0: i32) -> (i32, i32) {
    %c0_i32 = arith.constant 0 : i32
    %c0_i32_0 = arith.constant 0 : i32
    return %arg0, %c0_i32 : i32, i32
  }
  func.func @transform_1(%arg0: i32) -> (i32, i32) {
    %c0_i32 = arith.constant 0 : i32
    %c0_i32_0 = arith.constant 0 : i32
    %c0_i32_1 = arith.constant 0 : i32
    return %c0_i32, %c0_i32_0 : i32, i32
  }
  func.func @transform_2(%arg0: i32) -> (i32, i32) {
    %c0_i32 = arith.constant 0 : i32
    %c0_i32_0 = arith.constant 0 : i32
    return %arg0, %c0_i32 : i32, i32
  }
}

</mosaic_0001>

<sc_bundles>
// kernel: kernel.4.cloned.1.call-start
scs
__scs_entry_jumppad:
0x0: {  	(pc) =	sbr.rel $0x88, $3  }
0x1: {  	(tag) =	ssettag $0x0;
	lr =	simm.s32 $0x1  }
0x2: {  	[smem:$0x3F9D] =	sst lr;
	_ =	strace $0xD0000000  }
0x3: {  	_ = 	snop  }
0x4: {  	_ = 	snop  }
0x5: {  	_ = 	snop  }
0x6: {  	_ = 	snop  }
0x7: {  	_ = 	snop  }
__scs_overlays_trampoline_lowered:
0x8: {  	[smem:$0x3FAC] =	sst s0  }
0x9: {  	[smem:$0x3FAD] =	sst s1  }
0xa: {  	[smem:$0x3FAE] =	sst s2  }
0xb: {  	[smem:$0x3FAF] =	sst s3  }
0xc: {  	[smem:$0x3FB0] =	sst s4  }
0xd: {  	[smem:$0x3FB1] =	sst s5  }
0xe: {  	[smem:$0x3FB2] =	sst s6  }
0xf: {  	[smem:$0x3FB3] =	sst s7  }
0x10: {  	[smem:$0x3FB4] =	sst s8  }
0x11: {  	[smem:$0x3FB5] =	sst s9;
	s0 =	simm.s32 @!p0 $0x0  }
0x12: {  	s1 =	sld [smem:$0x3F9B];
	s0 =	simm.s32 @p0 $0x1  }
0x13: {  	[smem:$0x3FB6] =	sst s0;
	s0 =	simm.s32 @!p1 $0x0  }
0x14: {  	s2 =	sld [smem:$0x3F9A];
	s0 =	simm.s32 @p1 $0x1  }
0x15: {  	[smem:$0x3FB7] =	sst s0;
	s0 =	simm.s32 @!p2 $0x0  }
0x16: {  	s3 =	sld [smem:$0x3FDB];
	s0 =	simm.s32 @p2 $0x1  }
0x17: {  	s4 =	simm.s32 $0x1BF5;
	[smem:$0x3FB9] =	sst s0  }
0x18: {  	s0 =	sld [smem:$0x3F9C];
	_ =	swait.ge [sflag:s4], $0x0  }
0x19: {  	s7 =	sld [smem:$0x3F9D]  }
0x1a: {  	s8 =	sadd.s32 $0xFFFFE003, lr  }
0x1b: {  	s9 =	sadd.s32 $0xFFFFFEF7, lr;
	s5 =	simm.s32 $0xFFFFFFFF;
	p2 =	slt.u32 s8, $0xFFFFF086  }
0x1c: {  	p1 =	slt.u32 s9, $0xF7A;
	s5 =	simm.s32 @!p2 $0x0  }
0x1d: {  	s5 =	simm.s32 @p1 $0x1;
	p0 =	seq.s32 s7, s2  }
0x1e: {  	s7 =	smul.u32 @!p0 $0xF7A, s2;
	p2 =	seq.s32 @!p0 s5, $0x0  }
0x1f: {  	s9 =	smul.u32 $0xF7A, s1;
	s8 =	simm.s32 @!p0 $0x1BF5;
	p2 =	por !p2, p0  }
0x20: {  	[sflag:s8] =	ssyncset.s32 @!p0 $0xFFFFF086;
	s6 =	sadd.s32 @!p0 s3, s7;
	s7 =	simm.s32 @!p0 $0x108  }
0x21: {  	s3 =	sadd.s32 s3, s9;
	s6 =	sadd.s32 @!p0 $0x88, s6;
	s7 =	simm.s32 @p2 $0x1082  }
0x22: {  	[simem:s7], [sflag:s8] =	dma.local @!p0 [hbm:s6], $0xF7A  }
0x23: {  	s9 =	sor.u32 $0xD0000000, s2;
	s6 =	simm.s32 $0x108;
	_ =	swait.ge @!p0 [sflag:s8], $0x0  }
0x24: {  	s3 =	sadd.s32 $0x88, s3;
	s6 =	simm.s32 @!p1 $0x1082;
	[sflag:s4] =	ssyncset.s32 $0xFFFFF086  }
0x25: {  	[simem:s6], [sflag:s4] =	dma.local [hbm:s3], $0xF7A  }
0x26: {  	[smem:$0x3F9D] =	sst s1;
	(tag) =	ssettag s2;
	_ =	strace s9  }
0x27: {  	s1 =	sld [smem:$0x3FAD]  }
0x28: {  	s2 =	sld [smem:$0x3FAE]  }
0x29: {  	s4 =	sld [smem:$0x3FB0]  }
0x2a: {  	p0 =	seq.s32 s5, $0x0;
	s5 =	sld [smem:$0x3FB1]  }
0x2b: {  	s6 =	sld [smem:$0x3FB2]  }
0x2c: {  	s7 =	sld [smem:$0x3FB3]  }
0x2d: {  	s3 =	simm.s32 $0x108;
	s8 =	sld [smem:$0x3FB4]  }
0x2e: {  	s3 =	simm.s32 @!p0 $0x1082;
	s9 =	sld [smem:$0x3FB5]  }
0x2f: {  	lr =	sadd.s32 s0, s3;
	s0 =	sld [smem:$0x3FAC]  }
0x30: {  	s3 =	sld [smem:$0x3FAF]  }
0x31: {  	[smem:$0x3FB8] =	sst s10  }
0x32: {  	s10 =	sld [smem:$0x3FB6];
	_ =	sdelay $0x3  }
0x33: {  	p0 =	seq.s32 s10, $0x1;
	s10 =	sld [smem:$0x3FB8];
	_ =	sdelay $0x3  }
0x34: {  	[smem:$0x3FB8] =	sst s10  }
0x35: {  	s10 =	sld [smem:$0x3FB7];
	_ =	sdelay $0x3  }
0x36: {  	p1 =	seq.s32 s10, $0x1;
	s10 =	sld [smem:$0x3FB8];
	_ =	sdelay $0x3  }
0x37: {  	[smem:$0x3FB8] =	sst s10  }
0x38: {  	s10 =	sld [smem:$0x3FB9]  }
0x39: {  	_ = 	snop;
	(pc) =	sbr.ind lr, $3  }
0x3a: {  	_ = 	snop  }
0x3b: {  	_ = 	snop  }
0x3c: {  	p2 =	seq.s32 s10, $0x1;
	s10 =	sld [smem:$0x3FB8]  }
0x3d: {  	_ =	shalt  }
0x3e: {  	_ =	shalt  }
0x3f: {  	_ =	shalt  }
0x40: {  	_ =	shalt  }
0x41: {  	_ =	shalt  }
0x42: {  	_ =	shalt  }
0x43: {  	_ =	shalt  }
0x44: {  	_ =	shalt  }
0x45: {  	_ =	shalt  }
0x46: {  	_ =	shalt  }
0x47: {  	_ =	shalt  }
0x48: {  	_ =	shalt  }
0x49: {  	_ =	shalt  }
0x4a: {  	_ =	shalt  }
0x4b: {  	_ =	shalt  }
0x4c: {  	_ =	shalt  }
0x4d: {  	_ =	shalt  }
0x4e: {  	_ =	shalt  }
0x4f: {  	_ =	shalt  }
0x50: {  	_ =	shalt  }
0x51: {  	_ =	shalt  }
0x52: {  	_ =	shalt  }
0x53: {  	_ =	shalt  }
0x54: {  	_ =	shalt  }
0x55: {  	_ =	shalt  }
0x56: {  	_ =	shalt  }
0x57: {  	_ =	shalt  }
0x58: {  	_ =	shalt  }
0x59: {  	_ =	shalt  }
0x5a: {  	_ =	shalt  }
0x5b: {  	_ =	shalt  }
0x5c: {  	_ =	shalt  }
0x5d: {  	_ =	shalt  }
0x5e: {  	_ =	shalt  }
0x5f: {  	_ =	shalt  }
0x60: {  	_ =	shalt  }
0x61: {  	_ =	shalt  }
0x62: {  	_ =	shalt  }
0x63: {  	_ =	shalt  }
0x64: {  	_ =	shalt  }
0x65: {  	_ =	shalt  }
0x66: {  	_ =	shalt  }
0x67: {  	_ =	shalt  }
0x68: {  	_ =	shalt  }
0x69: {  	_ =	shalt  }
0x6a: {  	_ =	shalt  }
0x6b: {  	_ =	shalt  }
0x6c: {  	_ =	shalt  }
0x6d: {  	_ =	shalt  }
0x6e: {  	_ =	shalt  }
0x6f: {  	_ =	shalt  }
0x70: {  	_ =	shalt  }
0x71: {  	_ =	shalt  }
0x72: {  	_ =	shalt  }
0x73: {  	_ =	shalt  }
0x74: {  	_ =	shalt  }
0x75: {  	_ =	shalt  }
0x76: {  	_ =	shalt  }
0x77: {  	_ =	shalt  }
0x78: {  	_ =	shalt  }
0x79: {  	_ =	shalt  }
0x7a: {  	_ =	shalt  }
0x7b: {  	_ =	shalt  }
0x7c: {  	_ =	shalt  }
0x7d: {  	_ =	shalt  }
0x7e: {  	_ =	shalt  }
0x7f: {  	_ =	shalt  }
0x80: {  	_ =	shalt  }
0x81: {  	_ =	shalt  }
0x82: {  	_ =	shalt  }
0x83: {  	_ =	shalt  }
0x84: {  	_ =	shalt  }
0x85: {  	_ =	shalt  }
0x86: {  	_ =	shalt  }
0x87: {  	_ =	shalt  }
.Lfunc_end0:
.L_simem_size_0:
called_computation_lowered:
.L_overlay_start_0:
0x88: {  	s2 =	sld [smem:$0x3FD9]  }
0x89: {  	s3 =	sld [smem:$0x3FFE];
	_ =	sdelay $0x1  }
0x8a: {  	s1 =	srdreg.scid  }
0x8b: {  	s0 =	sand.u32 $0x1, s1  }
0x8c: {  	s17 =	sshll.u32 s0, $0xA;
	s2 =	sadd.s32 s3, s2  }
0x8d: {  	s2 =	sadd.s32 s2, s17  }
0x8e: {  	[smem:$0x3FC4] =	sst s2  }
0x8f: {  	_ = 	snop  }
0x90: {  	s2 =	sld [smem:$0x3FD0];
	(tm) =	ssettm $0x1  }
0x91: {  	s18 =	sld [smem:$0x3FFB];
	_ =	sdelay $0x3  }
0x92: {  	_ =	strace s18  }
0x93: {  	s3 =	sld [smem:$0x3FFC];
	_ =	sdelay $0x3  }
0x94: {  	_ =	strace s3  }
0x95: {  	s3 =	sld [smem:$0x3FFD];
	_ =	sdelay $0x3  }
0x96: {  	_ =	strace s3  }
0x97: {  	_ =	strace $0x8FFFFFFF  }
0x98: {  	s19 =	sld [smem:$0x3FDB];
	_ =	sdelay $0x1  }
0x99: {  	s4 =	simm.s32 $_scs_section_size  }
0x9a: {  	s5 =	simm.s32 $_size__tile_overlayer_lowered;
	s6 =	simm.s32 $_tile_overlayer_lowered  }
0x9b: {  	s22 =	simm.s32 $0x1BFF;
	s21 =	sshll.u32 s6, $0x1;
	s3 =	sadd.s32 s4, s19  }
0x9c: {  	s7 =	simm.s32 $0x0;
	s20 =	sshll.u32 s5, $0x1;
	s5 =	sadd.s32 s21, s3  }
0x9d: {  	[timem:s7], [sflag:s22] =	dma.local [hbm:s5], s20  }
0x9e: {  	_ =	swait.ge [sflag:s22], s20  }
0x9f: {  	s4 =	ssub.s32 $0x0, s20;
	[sflag:s22] =	ssyncset.done $0x0  }
0xa0: {  	[sflag:s22] =	ssyncadd.s32 s4;
	_ =	sdelay $0x1  }
0xa1: {  	s23 =	simm.s32 $0x1B8B  }
0xa2: {  	_ =	swait.ge [sflag:s23], $0x1  }
0xa3: {  	[sflag:s23] =	ssyncset.done $0x0  }
0xa4: {  	s25 =	simm.s32 $0x1B8E;
	s24 =	sld [smem:$0x3FFE];
	[sflag:s23] =	ssyncadd.s32 $0xFFFFFFFF  }
0xa5: {  	s26 =	simm.s32 $execute0_lowered;
	[smem:$0x3FD2] =	sst s25  }
0xa6: {  	s5 =	sshll.u32 s26, $0x1;
	_ =	strace $0x80000046;
	[dreg:$0x1] =	wrdreg $0xFFFFFFFF  }
0xa7: {  	s28 =	simm.s32 $_size_execute0_lowered;
	s3 =	sadd.s32 s3, s5;
	[dreg:$0x0] =	wrdreg $0x0  }
0xa8: {  	s5 =	sshll.u32 s28, $0x1;
	[dreg:$0x2] =	wrdreg s3  }
0xa9: {  	[dreg:$0x3] =	wrdreg s5  }
0xaa: {  	[dreg:$0x4] =	wrdreg $0xC0  }
0xab: {  	_ =	task [dreg:s7], $0x5FFFF  }
0xac: {  	[dreg:$0x1] =	wrdreg $0xFFFFFFFF  }
0xad: {  	[dreg:$0x0] =	wrdreg $0x60  }
0xae: {  	[dreg:$0x2] =	wrdreg s24  }
0xaf: {  	[dreg:$0x3] =	wrdreg s2  }
0xb0: {  	[dreg:$0x4] =	wrdreg $0x9  }
0xb1: {  	_ =	task.clear_ibuf [dreg:s7], $0x5FFFF;
	_ =	strace $0x90000046  }
0xb2: {  	s29 =	simm.s32 $0x9;
	_ =	strace $0x80000048  }
0xb3: {  	_ =	swait.ge [sflag:s29], $0x1  }
0xb4: {  	[sflag:s29] =	ssyncadd.s32 $0xFFFFFFFF  }
0xb5: {  	_ =	strace $0x90000048  }
0xb6: {  	_ =	sfence  }
0xb7: {  	s30 =	sld [smem:$0x0];
	_ =	sdelay $0x2  }
0xb8: {  	s31 =	sshll.u32 s1, $0xD;
	s1 =	sshrl.u32 s1, $0x2  }
0xb9: {  	s3 =	sand.u32 $0x4000, s31;
	s1 =	sadd.s32 s1, s30  }
0xba: {  	s0 =	sor.u32 s3, s0;
	s1 =	sshll.u32 s1, $0x11  }
0xbb: {  	s0 =	sor.u32 s1, s0  }
0xbc: {  	s0 =	sadd.s32 $0x8F2B, s0  }
0xbd: {  	[sflag:s0] =	ssyncadd.remote.s32 $0x1  }
0xbe: {  	_ =	sfence.sel $0xFFFF  }
0xbf: {  	[dreg:$0x0] =	wrdreg $0xFFFFFFFF;
	(pc) =	sbr.abs _section_cstart, $3  }
0xc0: {  	[dreg:$0x1] =	wrdreg $0xFFFFFFFF  }
0xc1: {  	_ =	task.clear_ibuf [dreg:s7], $0x2FFFF;
	_ =	strace $0x9FFFFFFF  }
0xc2: {  	(tm) =	ssettm $0x7FFFFFFF  }
0xc3: {  	_ =	shalt  }
tec
execute0_lowered:
.L_overlay_start_1:
0x0: {  	(tag) =	ssettag $0x1  }
0x1: {  	s1 =	srdreg.scid  }
0x2: {  	s3 =	rddreg [dreg:$0x0];
	s0 =	stileid.u32  }
0x3: {  	s7 =	rddreg [dreg:$0x1];
	s2 =	simm.s32 $0x0;
	s19 =	simm.s32 $0x2  }
0x4: {  	s10 =	simm.s32 $0x10;
	s11 =	simm.s32 $0x80;
	s12 =	simm.s32 $0x480  }
0x5: {  	s13 =	simm.s32 $0x880;
	s14 =	simm.s32 $0x500;
	s15 =	simm.s32 $0x4880  }
0x6: {  	s16 =	simm.s32 $0x580;
	s17 =	simm.s32 $0x8880;
	s18 =	simm.s32 $0x600  }
0x7: {  	s20 =	simm.s32 $0x1;
	s21 =	simm.s32 $0x680;
	s22 =	simm.s32 $0x700  }
0x8: {  	s23 =	simm.s32 $0x780;
	s4 =	sand.u32 $0x1, s1;
	s1 =	rddreg [dreg:$0x2]  }
0x9: {  	s24 =	simm.s32 $0x800;
	s5 =	sshll.u32 s0, $0xB;
	[smem:$0x7FF] =	sst s2  }
0xa: {  	s8 =	sadd.s32 $0x800, s3;
	s6 =	sshll.u32 s4, $0xA;
	s4 =	ssub.s32 $0x2, s4  }
0xb: {  	s3 =	sadd.s32 $0xF43C00, s3;
	s6 =	sor.u32 s6, s5;
	s9 =	sshrl.u32 s4, $0x1  }
0xc: {  	_ =	strace $0x80000047;
	s5 =	sand.u32 $0x1C00, s6;
	s9 =	ssub.s32 s4, s9  }
0xd: {  	s31 =	sshll.u32 s6, $0x4;
	p0 =	seq.s32 s5, $0x0;
	s5 =	simm.s32 $0x0  }
0xe: {  	s30 =	sshrl.u32 s6, $0x3;
	s7 =	sadd.s32 s7, s31;
	s5 =	simm.s32 @!p0 $0xFFFFFFF0  }
0xf: {  	s9 =	smax.u32 s9, $0x1;
	s19 =	simm.s32 @!p0 $0x0;
	s5 =	sadd.s32 s6, s5  }
0x10: {  	v1 =	vlaneseq.u32;
	s6 =	simm.s32 $0x2;
	v0 =	vmov s19;
	s19 =	simm.s32 $0xC880;
	s29 =	sshrl.u32 s5, $0x3  }
0x11: {  	s5 =	sadd.s32 s8, s30;
	vm0 =	vgt.u32 v0, v1;
	v0 =	vimm.f32 $0.0e+00;
	s4 =	sadd.s32 s8, s29;
	s8 =	sadd.s32 $0x2000, s7  }
.LBB2_1:
0x12: {  	[tilespmem:s2], [sflag:$0x2] =	stream.linear.gather [hbm4b:s4+s2], $0x10, $0x38;
	[tilespmem:$0x10880] =	vst v63  }
0x13: {  	_ =	swait.ge [sflag:s6], $0x10  }
0x14: {  	[sflag:s6] =	ssyncset.done $0x0  }
0x15: {  	[sflag:s6] =	ssyncadd.s32 $0xFFFFFFF0  }
0x16: {  	[tilespmem:s10], [sflag:$0x2] =	stream.linear.gather [hbm4b:s5+s2], $0x400, $0x38;
	[tilespmem:$0x10880] =	vst v63  }
0x17: {  	_ =	swait.ge [sflag:s6], $0x400  }
0x18: {  	[sflag:s6] =	ssyncset.done $0x0  }
0x19: {  	[sflag:s6] =	ssyncadd.s32 $0xFFFFFC00  }
0x1a: {  	v1 =	vld [tilespmem:$0x10]  }
0x1b: {  	v2 =	vld [tilespmem:$0xF]  }
0x1c: {  	v3 =	vld [tilespmem:$0xE]  }
0x1d: {  	v4 =	vld [tilespmem:$0x20]  }
0x1e: {  	v5 =	vld [tilespmem:$0x1F]  }
0x1f: {  	v28 =	vld [tilespmem:$0x30]  }
0x20: {  	v7 =	vld [tilespmem:$0x2E]  }
0x21: {  	v31 =	vld [tilespmem:$0x40]  }
0x22: {  	v9 =	vld [tilespmem:$0x3F]  }
0x23: {  	v10 =	vld [tilespmem:$0x50]  }
0x24: {  	v42 =	vld [tilespmem:$0x60]  }
0x25: {  	v43 =	vld [tilespmem:$0x5F]  }
0x26: {  	v14 =	vld [tilespmem:$0x5E];
	v1 =	vmul.u32 $0x8DD9, v1;
	v2 =	vmul.u32 $0x6A37, v2  }
0x27: {  	v18 =	vld [tilespmem:$0x7E]  }
0x28: {  	v3 =	vmul.u32 $0xC9B5, v3;
	v4 =	vmul.u32 $0x8DD9, v4;
	v1 =	vxor.u32 v1, v2;
	v2 =	vld [tilespmem:$0x1E]  }
0x29: {  	v17 =	vld [tilespmem:$0xA0];
	v5 =	vmul.u32 $0x6A37, v5;
	v7 =	vmul.u32 $0xC9B5, v7;
	v35 =	vmul.u32 $0x8DD9, v31  }
0x2a: {  	v36 =	vmul.u32 $0x6A37, v9;
	v10 =	vmul.u32 $0x8DD9, v10;
	v1 =	vxor.u32 v3, v1  }
0x2b: {  	v9 =	vmul.u32 $0x8DD9, v42;
	v3 =	vcvt.s32.f32 v1;
	vm1 =	vlt.s32 v1, $0x0  }
0x2c: {  	v29 =	vld [tilespmem:$0x2F];
	v49 =	vmul.u32 $0x6A37, v43;
	v51 =	vmul.u32 $0xC9B5, v14;
	v6 =	vsel vm1, $0x4F800000, v0  }
0x2d: {  	v54 =	vld [tilespmem:$0x70];
	v24 =	vmul.u32 $0xC9B5, v18;
	v3 =	vadd.f32 v3, v6;
	v2 =	vmul.u32 $0xC9B5, v2  }
0x2e: {  	v32 =	vld [tilespmem:$0x3E];
	v42 =	vmul.u32 $0x8DD9, v17;
	v4 =	vxor.u32 v4, v5;
	v5 =	vmul.u32 $0x8DD9, v28  }
0x2f: {  	v38 =	vxor.u32 v35, v36;
	v3 =	vmul.f32 $1.000001020e-06, v3;
	v2 =	vxor.u32 v2, v4  }
0x30: {  	v53 =	vxor.u32 v9, v49;
	v30 =	vcvt.s32.f32 v2;
	vm1 =	vlt.s32 v2, $0x0  }
0x31: {  	v4 =	vmul.u32 $0x6A37, v29;
	v3 =	vtrunc.f32 v3;
	v8 =	vsel vm1, $0x4F800000, v0  }
0x32: {  	v9 =	vmul.u32 $0x8DD9, v54;
	v3 =	vcvt.f32.s32 v3;
	v6 =	vadd.f32 v30, v8  }
0x33: {  	v55 =	vxor.u32 v51, v53;
	v4 =	vxor.u32 v5, v4;
	v5 =	vmul.u32 $0xC9B5, v32  }
0x34: {  	v39 =	vld [tilespmem:$0x4F];
	v4 =	vxor.u32 v7, v4;
	v3 =	vmul.u32 $0xFFF0BDC1, v3;
	v6 =	vmul.f32 $1.000001020e-06, v6  }
0x35: {  	v28 =	vld [tilespmem:$0x8F];
	v57 =	vcvt.s32.f32 v55;
	v7 =	vcvt.s32.f32 v4;
	vm2 =	vlt.s32 v4, $0x0  }
0x36: {  	v30 =	vld [tilespmem:$0x8E];
	v5 =	vxor.u32 v5, v38;
	v1 =	vadd.s32 v1, v3;
	v3 =	vtrunc.f32 v6  }
0x37: {  	v34 =	vsel vm2, $0x4F800000, v0;
	vm3 =	vlt.s32 v5, $0x0;
	v3 =	vcvt.f32.s32 v3  }
0x38: {  	v11 =	vcvt.s32.f32 v5;
	v12 =	vsel vm3, $0x4F800000, v0;
	vm1 =	vlt.s32 v1, $0x0  }
0x39: {  	v41 =	vld [tilespmem:$0x4E];
	v33 =	vadd.s32 $0xF423F, v1;
	v6 =	vadd.f32 v7, v34;
	v3 =	vmul.u32 $0xFFF0BDC1, v3  }
0x3a: {  	v58 =	vld [tilespmem:$0x6E];
	v7 =	vmul.u32 $0x6A37, v39;
	v1 =	vsel vm1, v33, v1;
	v33 =	vmul.u32 $0x6A37, v28  }
0x3b: {  	v34 =	vmul.u32 $0xC9B5, v30;
	v2 =	vadd.s32 v2, v3;
	v3 =	vmul.f32 $1.000001020e-06, v6  }
0x3c: {  	v56 =	vld [tilespmem:$0x6F];
	vm1 =	vgt.s32 v1, $0xF423E;
	v37 =	vadd.s32 $0xFFF0BDC1, v1;
	v45 =	vxor.u32 v10, v7  }
0x3d: {  	v62 =	vld [tilespmem:$0x80];
	vm2 =	vlt.s32 v2, $0x0;
	v40 =	vadd.s32 $0xF423F, v2;
	v3 =	vtrunc.f32 v3  }
0x3e: {  	v63 =	vld [tilespmem:$0x7F];
	v8 =	vsel vm2, v40, v2;
	v2 =	vsel vm1, v37, v1;
	v1 =	vadd.f32 v11, v12  }
0x3f: {  	v6 =	vmul.u32 $0xC9B5, v41;
	v11 =	vmul.u32 $0xC9B5, v58;
	v3 =	vcvt.f32.s32 v3  }
0x40: {  	v27 =	vld [tilespmem:$0x90];
	vm1 =	vgt.s32 v8, $0xF423E;
	v44 =	vadd.s32 $0xFFF0BDC1, v8;
	v13 =	vmul.f32 $1.000001020e-06, v1  }
0x41: {  	v1 =	vsel vm1, v44, v8;
	v8 =	vmul.u32 $0x6A37, v56;
	v3 =	vmul.u32 $0xFFF0BDC1, v3  }
0x42: {  	v35 =	vld [tilespmem:$0x9F];
	v12 =	vmul.u32 $0x8DD9, v62;
	v2 =	vsel vm0, $0xF423F, v2;
	v46 =	vtrunc.f32 v13  }
0x43: {  	v8 =	vxor.u32 v9, v8;
	v13 =	vmul.u32 $0x6A37, v63;
	v3 =	vadd.s32 v4, v3  }
0x44: {  	v4 =	vxor.u32 v6, v45;
	v7 =	vcvt.f32.s32 v46;
	v8 =	vxor.u32 v11, v8  }
0x45: {  	v11 =	vmul.u32 $0x8DD9, v27;
	vm1 =	vlt.s32 v3, $0x0;
	v47 =	vadd.s32 $0xF423F, v3  }
0x46: {  	v48 =	vcvt.s32.f32 v4;
	vm2 =	vlt.s32 v4, $0x0;
	v20 =	vcvt.s32.f32 v8  }
0x47: {  	v26 =	vxor.u32 v12, v13;
	v13 =	vmul.u32 $0x6A37, v35;
	v7 =	vmul.u32 $0xFFF0BDC1, v7  }
0x48: {  	v50 =	vsel vm2, $0x4F800000, v0;
	v3 =	vsel vm1, v47, v3;
	vm2 =	vlt.s32 v55, $0x0  }
0x49: {  	v11 =	vxor.u32 v11, v33;
	v52 =	vadd.f32 v48, v50;
	vm1 =	vgt.s32 v3, $0xF423E  }
0x4a: {  	v59 =	vadd.s32 $0xFFF0BDC1, v3;
	v60 =	vsel vm2, $0x4F800000, v0;
	v11 =	vxor.u32 v34, v11  }
0x4b: {  	v46 =	vld [tilespmem:$0xAF];
	v45 =	vxor.u32 v42, v13;
	v5 =	vadd.s32 v5, v7;
	v10 =	vadd.f32 v57, v60  }
0x4c: {  	v3 =	vsel vm1, v59, v3;
	v39 =	vcvt.s32.f32 v11;
	v6 =	vmul.f32 $1.000001020e-06, v52  }
0x4d: {  	vm3 =	vlt.s32 v5, $0x0;
	v61 =	vadd.s32 $0xF423F, v5;
	v52 =	vld [tilespmem:$0xBF];
	v10 =	vmul.f32 $1.000001020e-06, v10  }
0x4e: {  	v5 =	vsel vm3, v61, v5;
	vm3 =	vlt.s32 v8, $0x0;
	v6 =	vtrunc.f32 v6  }
0x4f: {  	v22 =	vsel vm3, $0x4F800000, v0;
	v6 =	vcvt.f32.s32 v6;
	v10 =	vtrunc.f32 v10  }
0x50: {  	v13 =	vmul.u32 $0x6A37, v46;
	v19 =	vcvt.f32.s32 v10;
	v10 =	vadd.f32 v20, v22  }
0x51: {  	v51 =	vld [tilespmem:$0xC0];
	vm1 =	vgt.s32 v5, $0xF423E;
	v14 =	vadd.s32 $0xFFF0BDC1, v5;
	v6 =	vmul.u32 $0xFFF0BDC1, v6  }
0x52: {  	v57 =	vmul.u32 $0x6A37, v52;
	v15 =	vmul.u32 $0xFFF0BDC1, v19;
	v25 =	vmul.f32 $1.000001020e-06, v10  }
0x53: {  	v30 =	vld [tilespmem:$0xDF];
	v10 =	vxor.u32 v24, v26;
	v6 =	vadd.s32 v4, v6;
	v4 =	vsel vm1, v14, v5  }
0x54: {  	v62 =	vld [tilespmem:$0xD0];
	v29 =	vcvt.s32.f32 v10;
	vm3 =	vlt.s32 v10, $0x0;
	vm2 =	vlt.s32 v6, $0x0  }
0x55: {  	v44 =	vld [tilespmem:$0xB0];
	v21 =	vadd.s32 $0xF423F, v6;
	v7 =	vadd.s32 v55, v15;
	v9 =	vtrunc.f32 v25  }
0x56: {  	v19 =	vld [tilespmem:$0xBE];
	v32 =	vsel vm3, $0x4F800000, v0;
	v15 =	vmul.u32 $0x8DD9, v51;
	v23 =	vsel vm2, v21, v6  }
0x57: {  	v26 =	vld [tilespmem:$0xCE];
	vm2 =	vlt.s32 v7, $0x0;
	v31 =	vadd.s32 $0xF423F, v7;
	v9 =	vcvt.f32.s32 v9  }
0x58: {  	v12 =	vadd.f32 v29, v32;
	vm1 =	vgt.s32 v23, $0xF423E;
	v16 =	vadd.s32 $0xFFF0BDC1, v23  }
0x59: {  	v37 =	vld [tilespmem:$0x9E];
	v7 =	vsel vm2, v31, v7;
	v61 =	vxor.u32 v15, v57;
	v15 =	vmul.u32 $0x8DD9, v62  }
0x5a: {  	vm2 =	vgt.s32 v7, $0xF423E;
	v14 =	vadd.s32 $0xFFF0BDC1, v7;
	v9 =	vmul.u32 $0xFFF0BDC1, v9  }
0x5b: {  	v12 =	vmul.f32 $1.000001020e-06, v12;
	v6 =	vsel vm1, v16, v23;
	v16 =	vmul.u32 $0x8DD9, v44  }
0x5c: {  	v59 =	vmul.u32 $0xC9B5, v19;
	v17 =	vmul.u32 $0xC9B5, v26;
	v19 =	vmul.u32 $0x6A37, v30  }
0x5d: {  	v23 =	vld [tilespmem:$0x100];
	v5 =	vsel vm2, v14, v7;
	vm2 =	vlt.s32 v11, $0x0;
	v8 =	vadd.s32 v8, v9  }
0x5e: {  	v36 =	vtrunc.f32 v12;
	v41 =	vsel vm2, $0x4F800000, v0;
	v12 =	vmul.u32 $0xC9B5, v37  }
0x5f: {  	v53 =	vxor.u32 v16, v13;
	v63 =	vxor.u32 v59, v61;
	v9 =	vcvt.f32.s32 v36  }
0x60: {  	vm1 =	vlt.s32 v8, $0x0;
	v38 =	vadd.s32 $0xF423F, v8;
	v25 =	vcvt.s32.f32 v63  }
0x61: {  	v7 =	vsel vm1, v38, v8;
	v40 =	vmul.u32 $0xFFF0BDC1, v9;
	v9 =	vadd.f32 v39, v41  }
0x62: {  	v48 =	vld [tilespmem:$0xAE];
	vm1 =	vgt.s32 v7, $0xF423E;
	v43 =	vadd.s32 $0xFFF0BDC1, v7;
	v52 =	vmul.u32 $0x8DD9, v23  }
0x63: {  	v29 =	vld [tilespmem:$0xE0];
	v7 =	vsel vm1, v43, v7;
	v8 =	vadd.s32 v10, v40;
	v9 =	vmul.f32 $1.000001020e-06, v9  }
0x64: {  	v10 =	vxor.u32 v12, v45;
	v40 =	vld [tilespmem:$0xEE];
	vm2 =	vlt.s32 v8, $0x0;
	v47 =	vadd.s32 $0xF423F, v8  }
0x65: {  	v46 =	vld [tilespmem:$0xFF];
	v49 =	vcvt.s32.f32 v10;
	vm3 =	vlt.s32 v10, $0x0;
	v9 =	vtrunc.f32 v9  }
0x66: {  	v24 =	vld [tilespmem:$0xCF];
	v8 =	vsel vm2, v47, v8;
	v50 =	vsel vm3, $0x4F800000, v0;
	v9 =	vcvt.f32.s32 v9  }
0x67: {  	vm1 =	vgt.s32 v8, $0xF423E;
	v14 =	vadd.f32 v49, v50;
	v18 =	vadd.s32 $0xFFF0BDC1, v8  }
0x68: {  	v8 =	vsel vm1, v18, v8;
	v18 =	vmul.u32 $0x8DD9, v29;
	v9 =	vmul.u32 $0xFFF0BDC1, v9  }
0x69: {  	v12 =	vmul.u32 $0xC9B5, v48;
	v14 =	vmul.f32 $1.000001020e-06, v14;
	v45 =	vmul.u32 $0xC9B5, v40  }
0x6a: {  	v31 =	vld [tilespmem:$0xDE];
	v36 =	vxor.u32 v18, v19;
	v19 =	vmul.u32 $0x6A37, v46;
	v9 =	vadd.s32 v11, v9  }
0x6b: {  	v54 =	vtrunc.f32 v14;
	v11 =	vxor.u32 v12, v53;
	v14 =	vmul.u32 $0x6A37, v24  }
0x6c: {  	v37 =	vld [tilespmem:$0xF0];
	vm1 =	vlt.s32 v9, $0x0;
	v55 =	vadd.s32 $0xF423F, v9;
	vm2 =	vlt.s32 v11, $0x0  }
0x6d: {  	v57 =	vld [tilespmem:$0x10F];
	v13 =	vcvt.f32.s32 v54;
	v56 =	vcvt.s32.f32 v11;
	v58 =	vsel vm2, $0x4F800000, v0  }
0x6e: {  	v9 =	vsel vm1, v55, v9;
	vm2 =	vlt.s32 v63, $0x0;
	v14 =	vxor.u32 v15, v14  }
0x6f: {  	v15 =	vmul.u32 $0xC9B5, v31;
	v13 =	vmul.u32 $0xFFF0BDC1, v13;
	v60 =	vadd.f32 v56, v58  }
0x70: {  	vm1 =	vgt.s32 v9, $0xF423E;
	v27 =	vadd.s32 $0xFFF0BDC1, v9;
	v28 =	vsel vm2, $0x4F800000, v0  }
0x71: {  	v14 =	vxor.u32 v17, v14;
	v17 =	vmul.u32 $0x8DD9, v37;
	v56 =	vxor.u32 v52, v19  }
0x72: {  	v19 =	vmul.u32 $0x6A37, v57;
	v16 =	vadd.f32 v25, v28;
	v9 =	vsel vm1, v27, v9  }
0x73: {  	v15 =	vxor.u32 v15, v36;
	v10 =	vadd.s32 v10, v13;
	v12 =	vmul.f32 $1.000001020e-06, v60  }
0x74: {  	v33 =	vcvt.s32.f32 v14;
	v39 =	vcvt.s32.f32 v15;
	vm3 =	vlt.s32 v10, $0x0  }
0x75: {  	v20 =	vadd.s32 $0xF423F, v10;
	v16 =	vmul.f32 $1.000001020e-06, v16;
	v12 =	vtrunc.f32 v12  }
0x76: {  	v38 =	vld [tilespmem:$0xEF];
	v10 =	vsel vm3, v20, v10;
	vm3 =	vlt.s32 v14, $0x0;
	v12 =	vcvt.f32.s32 v12  }
0x77: {  	v25 =	vld [tilespmem:$0x11E];
	vm1 =	vgt.s32 v10, $0xF423E;
	v16 =	vtrunc.f32 v16;
	v21 =	vsel vm3, $0x4F800000, v0  }
0x78: {  	vm3 =	vlt.s32 v15, $0x0;
	v32 =	vcvt.f32.s32 v16;
	v16 =	vadd.f32 v33, v21  }
0x79: {  	v48 =	vld [tilespmem:$0xFE];
	v20 =	vadd.s32 $0xFFF0BDC1, v10;
	v42 =	vsel vm3, $0x4F800000, v0;
	v12 =	vmul.u32 $0xFFF0BDC1, v12  }
0x7a: {  	v10 =	vsel vm1, v20, v10;
	v43 =	vadd.f32 v39, v42;
	v35 =	vmul.f32 $1.000001020e-06, v16  }
0x7b: {  	v62 =	vld [tilespmem:$0x120];
	v16 =	vmul.u32 $0x6A37, v38;
	v11 =	vadd.s32 v11, v12;
	v12 =	vmul.u32 $0xFFF0BDC1, v32  }
0x7c: {  	v21 =	vmul.f32 $1.000001020e-06, v43;
	v32 =	vmul.u32 $0xC9B5, v25;
	vm2 =	vlt.s32 v11, $0x0  }
0x7d: {  	v39 =	vld [tilespmem:$0x12E];
	v34 =	vadd.s32 $0xF423F, v11;
	v13 =	vtrunc.f32 v35;
	v16 =	vxor.u32 v17, v16  }
0x7e: {  	v17 =	vmul.u32 $0xC9B5, v48;
	v11 =	vsel vm2, v34, v11;
	v12 =	vadd.s32 v63, v12  }
0x7f: {  	v54 =	vld [tilespmem:$0x110];
	v13 =	vcvt.f32.s32 v13;
	v47 =	vtrunc.f32 v21;
	v16 =	vxor.u32 v45, v16  }
0x80: {  	v43 =	vld [tilespmem:$0x13F];
	v21 =	vmul.u32 $0x8DD9, v62;
	vm1 =	vgt.s32 v11, $0xF423E;
	vm2 =	vlt.s32 v12, $0x0  }
0x81: {  	v41 =	vadd.s32 $0xF423F, v12;
	v22 =	vadd.s32 $0xFFF0BDC1, v11;
	v50 =	vcvt.s32.f32 v16  }
0x82: {  	v17 =	vxor.u32 v17, v56;
	v23 =	vmul.u32 $0xC9B5, v39;
	v20 =	vsel vm2, v41, v12  }
0x83: {  	v13 =	vmul.u32 $0xFFF0BDC1, v13;
	v12 =	vsel vm1, v22, v11;
	v60 =	vcvt.s32.f32 v17  }
0x84: {  	v63 =	vld [tilespmem:$0x11F];
	vm3 =	vlt.s32 v17, $0x0;
	v22 =	vmul.u32 $0x8DD9, v54;
	vm2 =	vgt.s32 v20, $0xF423E  }
0x85: {  	v56 =	vld [tilespmem:$0x14E];
	v44 =	vadd.s32 $0xFFF0BDC1, v20;
	v61 =	vsel vm3, $0x4F800000, v0;
	v25 =	vmul.u32 $0x6A37, v43  }
0x86: {  	v59 =	vld [tilespmem:$0x10E];
	v11 =	vsel vm2, v44, v20;
	v13 =	vadd.s32 v14, v13;
	v14 =	vcvt.f32.s32 v47  }
0x87: {  	v35 =	vld [tilespmem:$0x130];
	vm2 =	vlt.s32 v16, $0x0;
	v20 =	vadd.f32 v60, v61;
	v26 =	vxor.u32 v22, v19  }
0x88: {  	v37 =	vld [tilespmem:$0x12F];
	vm1 =	vlt.s32 v13, $0x0;
	v49 =	vadd.s32 $0xF423F, v13;
	v51 =	vsel vm2, $0x4F800000, v0  }
0x89: {  	v54 =	vld [tilespmem:$0x14F];
	v30 =	vmul.u32 $0x6A37, v63;
	v13 =	vsel vm1, v49, v13;
	v14 =	vmul.u32 $0xFFF0BDC1, v14  }
0x8a: {  	v18 =	vadd.f32 v50, v51;
	v20 =	vmul.f32 $1.000001020e-06, v20;
	v60 =	vmul.u32 $0xC9B5, v56  }
0x8b: {  	v44 =	vld [tilespmem:$0x13E];
	vm1 =	vgt.s32 v13, $0xF423E;
	v53 =	vadd.s32 $0xFFF0BDC1, v13;
	v34 =	vxor.u32 v21, v30  }
0x8c: {  	v21 =	vmul.u32 $0x8DD9, v35;
	v14 =	vadd.s32 v15, v14;
	v55 =	vmul.f32 $1.000001020e-06, v18  }
0x8d: {  	v13 =	vsel vm1, v53, v13;
	v18 =	vmul.u32 $0xC9B5, v59;
	v27 =	vtrunc.f32 v20  }
0x8e: {  	v42 =	vld [tilespmem:$0x140];
	v36 =	vxor.u32 v32, v34;
	v20 =	vmul.u32 $0x6A37, v37;
	v59 =	vmul.u32 $0x6A37, v54  }
0x8f: {  	vm2 =	vlt.s32 v14, $0x0;
	v58 =	vadd.s32 $0xF423F, v14;
	v19 =	vcvt.f32.s32 v27  }
0x90: {  	v53 =	vld [tilespmem:$0x150];
	v38 =	vcvt.s32.f32 v36;
	v50 =	vmul.u32 $0xC9B5, v44;
	v15 =	vtrunc.f32 v55  }
0x91: {  	v61 =	vld [tilespmem:$0x15F];
	v14 =	vsel vm2, v58, v14;
	v20 =	vxor.u32 v21, v20;
	v15 =	vcvt.f32.s32 v15  }
0x92: {  	vm1 =	vgt.s32 v14, $0xF423E;
	v24 =	vadd.s32 $0xFFF0BDC1, v14;
	v19 =	vmul.u32 $0xFFF0BDC1, v19  }
0x93: {  	v20 =	vxor.u32 v23, v20;
	v14 =	vsel vm1, v24, v14;
	v24 =	vmul.u32 $0x8DD9, v42  }
0x94: {  	v46 =	vcvt.s32.f32 v20;
	v15 =	vmul.u32 $0xFFF0BDC1, v15;
	v17 =	vadd.s32 v17, v19  }
0x95: {  	v23 =	vmul.u32 $0x8DD9, v53;
	vm3 =	vlt.s32 v17, $0x0;
	v52 =	vxor.u32 v24, v25  }
0x96: {  	v25 =	vmul.u32 $0x6A37, v61;
	v15 =	vadd.s32 v16, v15;
	v16 =	vxor.u32 v18, v26  }
0x97: {  	v26 =	vadd.s32 $0xF423F, v17;
	v23 =	vxor.u32 v23, v59;
	vm1 =	vlt.s32 v15, $0x0  }
0x98: {  	v28 =	vadd.s32 $0xF423F, v15;
	v29 =	vcvt.s32.f32 v16;
	vm2 =	vlt.s32 v16, $0x0  }
0x99: {  	v17 =	vsel vm3, v26, v17;
	v31 =	vsel vm2, $0x4F800000, v0;
	vm2 =	vlt.s32 v36, $0x0  }
0x9a: {  	vm3 =	vlt.s32 v20, $0x0;
	v33 =	vadd.f32 v29, v31;
	v41 =	vsel vm2, $0x4F800000, v0;
	v29 =	vld [tilespmem:$0x160]  }
0x9b: {  	v23 =	vxor.u32 v60, v23;
	v15 =	vsel vm1, v28, v15;
	v22 =	vadd.f32 v38, v41  }
0x9c: {  	v26 =	vadd.s32 $0xFFF0BDC1, v17;
	v48 =	vsel vm3, $0x4F800000, v0;
	v38 =	vld [tilespmem:$0x16F];
	v18 =	vmul.f32 $1.000001020e-06, v33  }
0x9d: {  	vm1 =	vgt.s32 v15, $0xF423E;
	v40 =	vadd.s32 $0xFFF0BDC1, v15;
	v22 =	vmul.f32 $1.000001020e-06, v22  }
0x9e: {  	v31 =	vcvt.s32.f32 v23;
	v15 =	vsel vm1, v40, v15;
	v18 =	vtrunc.f32 v18  }
0x9f: {  	v18 =	vcvt.f32.s32 v18;
	v22 =	vtrunc.f32 v22;
	v34 =	vmul.u32 $0x8DD9, v29  }
0xa0: {  	vm1 =	vgt.s32 v17, $0xF423E;
	v45 =	vcvt.f32.s32 v22;
	v22 =	vadd.f32 v46, v48  }
0xa1: {  	v43 =	vld [tilespmem:$0x180];
	v18 =	vmul.u32 $0xFFF0BDC1, v18;
	v37 =	vxor.u32 v34, v25;
	v25 =	vmul.u32 $0x6A37, v38  }
0xa2: {  	v27 =	vmul.u32 $0xFFF0BDC1, v45;
	v51 =	vmul.f32 $1.000001020e-06, v22;
	v22 =	vxor.u32 v50, v52  }
0xa3: {  	v18 =	vadd.s32 v16, v18;
	v16 =	vsel vm1, v26, v17;
	v55 =	vcvt.s32.f32 v22  }
0xa4: {  	vm3 =	vlt.s32 v22, $0x0;
	vm2 =	vlt.s32 v18, $0x0;
	v47 =	vadd.s32 $0xF423F, v18  }
0xa5: {  	v44 =	vld [tilespmem:$0x17F];
	v19 =	vadd.s32 v36, v27;
	v21 =	vtrunc.f32 v51;
	v58 =	vsel vm3, $0x4F800000, v0  }
0xa6: {  	v27 =	vmul.u32 $0x8DD9, v43;
	v49 =	vsel vm2, v47, v18;
	vm2 =	vlt.s32 v19, $0x0  }
0xa7: {  	v63 =	vld [tilespmem:$0x15E];
	v57 =	vadd.s32 $0xF423F, v19;
	v21 =	vcvt.f32.s32 v21;
	v24 =	vadd.f32 v55, v58  }
0xa8: {  	v36 =	vld [tilespmem:$0x170];
	vm1 =	vgt.s32 v49, $0xF423E;
	v28 =	vadd.s32 $0xFFF0BDC1, v49;
	v19 =	vsel vm2, v57, v19  }
0xa9: {  	v54 =	vld [tilespmem:$0x190];
	vm2 =	vgt.s32 v19, $0xF423E;
	v26 =	vadd.s32 $0xFFF0BDC1, v19;
	v21 =	vmul.u32 $0xFFF0BDC1, v21  }
0xaa: {  	v58 =	vld [tilespmem:$0x18E];
	v24 =	vmul.f32 $1.000001020e-06, v24;
	v18 =	vsel vm1, v28, v49;
	v49 =	vmul.u32 $0x6A37, v44  }
0xab: {  	v17 =	vsel vm2, v26, v19;
	vm2 =	vlt.s32 v23, $0x0;
	v20 =	vadd.s32 v20, v21  }
0xac: {  	v62 =	vtrunc.f32 v24;
	v33 =	vsel vm2, $0x4F800000, v0;
	v24 =	vmul.u32 $0xC9B5, v63  }
0xad: {  	v40 =	vld [tilespmem:$0x16E];
	v28 =	vmul.u32 $0x8DD9, v36;
	v53 =	vxor.u32 v27, v49;
	v21 =	vcvt.f32.s32 v62  }
0xae: {  	v27 =	vmul.u32 $0x8DD9, v54;
	vm1 =	vlt.s32 v20, $0x0;
	v30 =	vadd.s32 $0xF423F, v20  }
0xaf: {  	v29 =	vmul.u32 $0xC9B5, v58;
	v19 =	vsel vm1, v30, v20;
	v32 =	vmul.u32 $0xFFF0BDC1, v21  }
0xb0: {  	v61 =	vld [tilespmem:$0x1A0];
	v21 =	vadd.f32 v31, v33;
	vm1 =	vgt.s32 v19, $0xF423E;
	v35 =	vadd.s32 $0xFFF0BDC1, v19  }
0xb1: {  	v45 =	vxor.u32 v28, v25;
	v31 =	vld [tilespmem:$0x17E];
	v19 =	vsel vm1, v35, v19;
	v20 =	vadd.s32 v22, v32  }
0xb2: {  	v62 =	vld [tilespmem:$0x19F];
	v21 =	vmul.f32 $1.000001020e-06, v21;
	v22 =	vxor.u32 v24, v37;
	v24 =	vmul.u32 $0xC9B5, v40  }
0xb3: {  	vm2 =	vlt.s32 v20, $0x0;
	v39 =	vadd.s32 $0xF423F, v20;
	v41 =	vcvt.s32.f32 v22  }
0xb4: {  	v44 =	vld [tilespmem:$0x1AE];
	vm3 =	vlt.s32 v22, $0x0;
	v21 =	vtrunc.f32 v21;
	v20 =	vsel vm2, v39, v20  }
0xb5: {  	v56 =	vld [tilespmem:$0x18F];
	v42 =	vsel vm3, $0x4F800000, v0;
	v21 =	vcvt.f32.s32 v21;
	vm1 =	vgt.s32 v20, $0xF423E  }
0xb6: {  	v35 =	vld [tilespmem:$0x1C0];
	v26 =	vadd.f32 v41, v42;
	v30 =	vadd.s32 $0xFFF0BDC1, v20;
	v51 =	vmul.u32 $0xC9B5, v31  }
0xb7: {  	v31 =	vmul.u32 $0x6A37, v62;
	v20 =	vsel vm1, v30, v20;
	v30 =	vmul.u32 $0x8DD9, v61  }
0xb8: {  	v21 =	vmul.u32 $0xFFF0BDC1, v21;
	v26 =	vmul.f32 $1.000001020e-06, v26;
	v55 =	vxor.u32 v51, v53  }
0xb9: {  	v63 =	vld [tilespmem:$0x19E];
	v49 =	vmul.u32 $0xC9B5, v44;
	v57 =	vcvt.s32.f32 v55;
	v40 =	vxor.u32 v30, v31  }
0xba: {  	v21 =	vadd.s32 v23, v21;
	v46 =	vtrunc.f32 v26;
	v23 =	vxor.u32 v24, v45  }
0xbb: {  	v26 =	vmul.u32 $0x6A37, v56;
	v56 =	vmul.u32 $0x8DD9, v35;
	vm1 =	vlt.s32 v21, $0x0  }
0xbc: {  	v41 =	vld [tilespmem:$0x1B0];
	v47 =	vadd.s32 $0xF423F, v21;
	v25 =	vcvt.f32.s32 v46;
	vm2 =	vlt.s32 v23, $0x0  }
0xbd: {  	v48 =	vcvt.s32.f32 v23;
	v50 =	vsel vm2, $0x4F800000, v0;
	v21 =	vsel vm1, v47, v21  }
0xbe: {  	vm2 =	vlt.s32 v55, $0x0;
	v26 =	vxor.u32 v27, v26;
	v27 =	vmul.u32 $0xC9B5, v63  }
0xbf: {  	v25 =	vmul.u32 $0xFFF0BDC1, v25;
	v52 =	vadd.f32 v48, v50;
	vm1 =	vgt.s32 v21, $0xF423E  }
0xc0: {  	v59 =	vadd.s32 $0xFFF0BDC1, v21;
	v60 =	vsel vm2, $0x4F800000, v0;
	v26 =	vxor.u32 v29, v26  }
0xc1: {  	v29 =	vmul.u32 $0x8DD9, v41;
	v28 =	vadd.f32 v57, v60;
	v21 =	vsel vm1, v59, v21  }
0xc2: {  	v50 =	vld [tilespmem:$0x1BF];
	v27 =	vxor.u32 v27, v40;
	v22 =	vadd.s32 v22, v25;
	v24 =	vmul.f32 $1.000001020e-06, v52  }
0xc3: {  	v37 =	vcvt.s32.f32 v26;
	v43 =	vcvt.s32.f32 v27;
	vm3 =	vlt.s32 v22, $0x0  }
0xc4: {  	v32 =	vadd.s32 $0xF423F, v22;
	v28 =	vmul.f32 $1.000001020e-06, v28;
	v24 =	vtrunc.f32 v24  }
0xc5: {  	v61 =	vld [tilespmem:$0x1CF];
	v22 =	vsel vm3, v32, v22;
	vm3 =	vlt.s32 v26, $0x0;
	v24 =	vcvt.f32.s32 v24  }
0xc6: {  	v42 =	vld [tilespmem:$0x1AF];
	vm1 =	vgt.s32 v22, $0xF423E;
	v32 =	vadd.s32 $0xFFF0BDC1, v22;
	v28 =	vtrunc.f32 v28  }
0xc7: {  	v33 =	vsel vm3, $0x4F800000, v0;
	vm3 =	vlt.s32 v27, $0x0;
	v31 =	vmul.u32 $0x6A37, v50  }
0xc8: {  	v52 =	vld [tilespmem:$0x1BE];
	v36 =	vcvt.f32.s32 v28;
	v28 =	vadd.f32 v37, v33;
	v46 =	vsel vm3, $0x4F800000, v0  }
0xc9: {  	v22 =	vsel vm1, v32, v22;
	v24 =	vmul.u32 $0xFFF0BDC1, v24;
	v47 =	vadd.f32 v43, v46  }
0xca: {  	v41 =	vld [tilespmem:$0x1E0];
	v60 =	vxor.u32 v56, v31;
	v31 =	vmul.u32 $0x6A37, v61;
	v39 =	vmul.f32 $1.000001020e-06, v28  }
0xcb: {  	v37 =	vld [tilespmem:$0x1DE];
	v28 =	vmul.u32 $0x6A37, v42;
	v23 =	vadd.s32 v23, v24;
	v24 =	vmul.u32 $0xFFF0BDC1, v36  }
0xcc: {  	v33 =	vmul.f32 $1.000001020e-06, v47;
	vm2 =	vlt.s32 v23, $0x0;
	v38 =	vadd.s32 $0xF423F, v23  }
0xcd: {  	v56 =	vld [tilespmem:$0x1EE];
	v25 =	vtrunc.f32 v39;
	v28 =	vxor.u32 v29, v28;
	v29 =	vmul.u32 $0xC9B5, v52  }
0xce: {  	v58 =	vld [tilespmem:$0x1D0];
	v23 =	vsel vm2, v38, v23;
	v24 =	vadd.s32 v55, v24;
	v25 =	vcvt.f32.s32 v25  }
0xcf: {  	v42 =	vld [tilespmem:$0x1DF];
	v51 =	vtrunc.f32 v33;
	v28 =	vxor.u32 v49, v28;
	v33 =	vmul.u32 $0x8DD9, v41  }
0xd0: {  	v49 =	vmul.u32 $0xC9B5, v37;
	vm1 =	vgt.s32 v23, $0xF423E;
	vm2 =	vlt.s32 v24, $0x0  }
0xd1: {  	v45 =	vadd.s32 $0xF423F, v24;
	v34 =	vadd.s32 $0xFFF0BDC1, v23;
	v54 =	vcvt.s32.f32 v28  }
0xd2: {  	v29 =	vxor.u32 v29, v60;
	v35 =	vmul.u32 $0xC9B5, v56;
	v32 =	vsel vm2, v45, v24  }
0xd3: {  	v25 =	vmul.u32 $0xFFF0BDC1, v25;
	v24 =	vsel vm1, v34, v23;
	v39 =	vcvt.s32.f32 v29  }
0xd4: {  	v52 =	vld [tilespmem:$0x1F0];
	vm3 =	vlt.s32 v29, $0x0;
	v34 =	vmul.u32 $0x8DD9, v58;
	v47 =	vmul.u32 $0x6A37, v42  }
0xd5: {  	vm2 =	vgt.s32 v32, $0xF423E;
	v48 =	vadd.s32 $0xFFF0BDC1, v32;
	v40 =	vsel vm3, $0x4F800000, v0  }
0xd6: {  	v60 =	vld [tilespmem:$0x1FF];
	v23 =	vsel vm2, v48, v32;
	v25 =	vadd.s32 v26, v25;
	v26 =	vcvt.f32.s32 v51  }
0xd7: {  	vm2 =	vlt.s32 v28, $0x0;
	v32 =	vadd.f32 v39, v40;
	v43 =	vxor.u32 v34, v31  }
0xd8: {  	v51 =	vxor.u32 v33, v47;
	vm1 =	vlt.s32 v25, $0x0;
	v53 =	vadd.s32 $0xF423F, v25  }
0xd9: {  	v33 =	vmul.u32 $0x8DD9, v52;
	v55 =	vsel vm2, $0x4F800000, v0;
	v25 =	vsel vm1, v53, v25  }
0xda: {  	v63 =	vld [tilespmem:$0x1CE];
	v26 =	vmul.u32 $0xFFF0BDC1, v26;
	v30 =	vadd.f32 v54, v55;
	v32 =	vmul.f32 $1.000001020e-06, v32  }
0xdb: {  	v53 =	vxor.u32 v49, v51;
	v54 =	vld [tilespmem:$0x1EF];
	v37 =	vmul.u32 $0x6A37, v60;
	vm1 =	vgt.s32 v25, $0xF423E  }
0xdc: {  	v49 =	vld [tilespmem:$0x20F];
	v57 =	vadd.s32 $0xFFF0BDC1, v25;
	v55 =	vcvt.s32.f32 v53;
	v26 =	vadd.s32 v27, v26  }
0xdd: {  	v59 =	vmul.f32 $1.000001020e-06, v30;
	v25 =	vsel vm1, v57, v25;
	v44 =	vtrunc.f32 v32  }
0xde: {  	vm2 =	vlt.s32 v26, $0x0;
	v62 =	vadd.s32 $0xF423F, v26;
	v31 =	vcvt.f32.s32 v44  }
0xdf: {  	v30 =	vmul.u32 $0xC9B5, v63;
	v27 =	vtrunc.f32 v59;
	v26 =	vsel vm2, v62, v26  }
0xe0: {  	v27 =	vcvt.f32.s32 v27;
	vm1 =	vgt.s32 v26, $0xF423E;
	v31 =	vmul.u32 $0xFFF0BDC1, v31  }
0xe1: {  	v59 =	vld [tilespmem:$0x200];
	v36 =	vadd.s32 $0xFFF0BDC1, v26;
	v32 =	vmul.u32 $0x6A37, v54;
	v54 =	vmul.u32 $0x6A37, v49  }
0xe2: {  	v26 =	vsel vm1, v36, v26;
	v27 =	vmul.u32 $0xFFF0BDC1, v27;
	v29 =	vadd.s32 v29, v31  }
0xe3: {  	v32 =	vxor.u32 v33, v32;
	vm3 =	vlt.s32 v29, $0x0;
	v38 =	vadd.s32 $0xF423F, v29  }
0xe4: {  	v32 =	vxor.u32 v35, v32;
	v27 =	vadd.s32 v28, v27;
	v28 =	vxor.u32 v30, v43  }
0xe5: {  	v29 =	vsel vm3, v38, v29;
	v63 =	vcvt.s32.f32 v32;
	vm3 =	vlt.s32 v32, $0x0  }
0xe6: {  	v61 =	vld [tilespmem:$0x1FE];
	v36 =	vmul.u32 $0x8DD9, v59;
	v46 =	vcvt.s32.f32 v28;
	vm2 =	vlt.s32 v28, $0x0  }
0xe7: {  	v56 =	vld [tilespmem:$0x21F];
	vm1 =	vlt.s32 v27, $0x0;
	v45 =	vadd.s32 $0xF423F, v27;
	v48 =	vsel vm2, $0x4F800000, v0  }
0xe8: {  	v51 =	vld [tilespmem:$0x20E];
	v27 =	vsel vm1, v45, v27;
	vm2 =	vlt.s32 v53, $0x0;
	v50 =	vadd.f32 v46, v48  }
0xe9: {  	vm1 =	vgt.s32 v27, $0xF423E;
	v57 =	vadd.s32 $0xFFF0BDC1, v27;
	v58 =	vsel vm2, $0x4F800000, v0;
	v48 =	vld [tilespmem:$0x210]  }
0xea: {  	v41 =	vld [tilespmem:$0x220];
	v38 =	vadd.s32 $0xFFF0BDC1, v29;
	v34 =	vadd.f32 v55, v58;
	v27 =	vsel vm1, v57, v27  }
0xeb: {  	v43 =	vsel vm3, $0x4F800000, v0;
	v45 =	vmul.u32 $0xC9B5, v61;
	v30 =	vmul.f32 $1.000001020e-06, v50;
	[tilespmem:$0x620] =	vst v27;
	v27 =	vld [tilespmem:$0x3F0]  }
0xec: {  	v47 =	vxor.u32 v36, v37;
	v37 =	vmul.u32 $0x6A37, v56;
	v34 =	vmul.f32 $1.000001020e-06, v34  }
0xed: {  	vm1 =	vgt.s32 v29, $0xF423E;
	v55 =	vmul.u32 $0xC9B5, v51;
	v30 =	vtrunc.f32 v30  }
0xee: {  	v30 =	vcvt.f32.s32 v30;
	v34 =	vtrunc.f32 v34;
	v35 =	vmul.u32 $0x8DD9, v48  }
0xef: {  	v62 =	vcvt.f32.s32 v34;
	v34 =	vadd.f32 v63, v43;
	v63 =	vmul.u32 $0x8DD9, v41  }
0xf0: {  	[tilespmem:$0x560] =	vst v15;
	v30 =	vmul.u32 $0xFFF0BDC1, v30;
	v35 =	vxor.u32 v35, v54;
	v15 =	vmul.u32 $0x8DD9, v27  }
0xf1: {  	v39 =	vmul.u32 $0xFFF0BDC1, v62;
	v46 =	vmul.f32 $1.000001020e-06, v34;
	v34 =	vxor.u32 v45, v47  }
0xf2: {  	v35 =	vxor.u32 v55, v35;
	v30 =	vadd.s32 v28, v30;
	v28 =	vsel vm1, v38, v29  }
0xf3: {  	v50 =	vcvt.s32.f32 v34;
	vm3 =	vlt.s32 v34, $0x0;
	v60 =	vcvt.s32.f32 v35  }
0xf4: {  	v45 =	vld [tilespmem:$0x230];
	vm2 =	vlt.s32 v30, $0x0;
	v42 =	vadd.s32 $0xF423F, v30;
	v31 =	vadd.s32 v53, v39  }
0xf5: {  	v47 =	vld [tilespmem:$0x22F];
	v33 =	vtrunc.f32 v46;
	v53 =	vsel vm3, $0x4F800000, v0;
	v46 =	vxor.u32 v63, v37  }
0xf6: {  	v44 =	vsel vm2, v42, v30;
	vm2 =	vlt.s32 v31, $0x0;
	v52 =	vadd.s32 $0xF423F, v31  }
0xf7: {  	v58 =	vld [tilespmem:$0x21E];
	v33 =	vcvt.f32.s32 v33;
	v36 =	vadd.f32 v50, v53;
	v31 =	vsel vm2, v52, v31  }
0xf8: {  	[tilespmem:$0x630] =	vst v28;
	v28 =	vld [tilespmem:$0x3EF];
	vm1 =	vgt.s32 v44, $0xF423E;
	v40 =	vadd.s32 $0xFFF0BDC1, v44;
	vm2 =	vgt.s32 v31, $0xF423E  }
0xf9: {  	v53 =	vld [tilespmem:$0x23F];
	v38 =	vadd.s32 $0xFFF0BDC1, v31;
	v33 =	vmul.u32 $0xFFF0BDC1, v33;
	v36 =	vmul.f32 $1.000001020e-06, v36  }
0xfa: {  	v52 =	vld [tilespmem:$0x240];
	v30 =	vsel vm1, v40, v44;
	v40 =	vmul.u32 $0x8DD9, v45;
	v37 =	vmul.u32 $0x6A37, v47  }
0xfb: {  	v29 =	vsel vm2, v38, v31;
	vm2 =	vlt.s32 v35, $0x0;
	v32 =	vadd.s32 v32, v33  }
0xfc: {  	v43 =	vld [tilespmem:$0x23E];
	v57 =	vtrunc.f32 v36;
	v62 =	vsel vm2, $0x4F800000, v0;
	v36 =	vmul.u32 $0xC9B5, v58  }
0xfd: {  	[tilespmem:$0x590] =	vst v17;
	v54 =	vxor.u32 v40, v37;
	v17 =	vmul.u32 $0x6A37, v28;
	v33 =	vcvt.f32.s32 v57  }
0xfe: {  	v49 =	vld [tilespmem:$0x22E];
	vm1 =	vlt.s32 v32, $0x0;
	v59 =	vadd.s32 $0xF423F, v32;
	v58 =	vmul.u32 $0x6A37, v53  }
0xff: {  	v31 =	vsel vm1, v59, v32;
	v39 =	vmul.u32 $0x8DD9, v52;
	v61 =	vmul.u32 $0xFFF0BDC1, v33  }
0x100: {  	v33 =	vadd.f32 v60, v62;
	vm1 =	vgt.s32 v31, $0xF423E;
	v44 =	vadd.s32 $0xFFF0BDC1, v31  }
0x101: {  	v63 =	vld [tilespmem:$0x250];
	v15 =	vxor.u32 v15, v17;
	v60 =	vmul.u32 $0xC9B5, v43;
	v31 =	vsel vm1, v44, v31  }
0x102: {  	v32 =	vadd.s32 v34, v61;
	v33 =	vmul.f32 $1.000001020e-06, v33;
	v34 =	vxor.u32 v36, v46  }
0x103: {  	v36 =	vmul.u32 $0xC9B5, v49;
	v50 =	vcvt.s32.f32 v34;
	vm3 =	vlt.s32 v34, $0x0  }
0x104: {  	vm2 =	vlt.s32 v32, $0x0;
	v33 =	vtrunc.f32 v33;
	v51 =	vsel vm3, $0x4F800000, v0  }
0x105: {  	v49 =	vld [tilespmem:$0x24F];
	v48 =	vadd.s32 $0xF423F, v32;
	v33 =	vcvt.f32.s32 v33;
	v38 =	vadd.f32 v50, v51  }
0x106: {  	v62 =	vxor.u32 v39, v58;
	v39 =	vmul.u32 $0x8DD9, v63;
	v32 =	vsel vm2, v48, v32  }
0x107: {  	v48 =	vxor.u32 v60, v62;
	v51 =	vld [tilespmem:$0x24E];
	v33 =	vmul.u32 $0xFFF0BDC1, v33;
	v38 =	vmul.f32 $1.000001020e-06, v38  }
0x108: {  	vm1 =	vgt.s32 v32, $0xF423E;
	v42 =	vadd.s32 $0xFFF0BDC1, v32;
	v50 =	vcvt.s32.f32 v48  }
0x109: {  	v32 =	vsel vm1, v42, v32;
	v33 =	vadd.s32 v35, v33;
	v55 =	vtrunc.f32 v38  }
0x10a: {  	v35 =	vxor.u32 v36, v54;
	v38 =	vmul.u32 $0x6A37, v49;
	vm1 =	vlt.s32 v33, $0x0  }
0x10b: {  	v62 =	vld [tilespmem:$0x270];
	v56 =	vadd.s32 $0xF423F, v33;
	v37 =	vcvt.f32.s32 v55;
	vm2 =	vlt.s32 v35, $0x0  }
0x10c: {  	v54 =	vld [tilespmem:$0x260];
	v57 =	vcvt.s32.f32 v35;
	v41 =	vmul.u32 $0xC9B5, v51;
	v59 =	vsel vm2, $0x4F800000, v0  }
0x10d: {  	v49 =	vld [tilespmem:$0x26E];
	v33 =	vsel vm1, v56, v33;
	vm2 =	vlt.s32 v48, $0x0;
	v38 =	vxor.u32 v39, v38  }
0x10e: {  	v55 =	vld [tilespmem:$0x25F];
	v37 =	vmul.u32 $0xFFF0BDC1, v37;
	v61 =	vadd.f32 v57, v59;
	vm1 =	vgt.s32 v33, $0xF423E  }
0x10f: {  	v52 =	vadd.s32 $0xFFF0BDC1, v33;
	v53 =	vsel vm2, $0x4F800000, v0;
	v38 =	vxor.u32 v41, v38  }
0x110: {  	v56 =	vld [tilespmem:$0x25E];
	v41 =	vmul.u32 $0x8DD9, v62;
	v40 =	vadd.f32 v50, v53;
	v33 =	vsel vm1, v52, v33  }
0x111: {  	v58 =	vcvt.s32.f32 v38;
	v34 =	vadd.s32 v34, v37;
	v36 =	vmul.f32 $1.000001020e-06, v61  }
0x112: {  	v42 =	vmul.u32 $0x8DD9, v54;
	v54 =	vmul.u32 $0xC9B5, v49;
	vm3 =	vlt.s32 v34, $0x0  }
0x113: {  	v44 =	vadd.s32 $0xF423F, v34;
	v40 =	vmul.f32 $1.000001020e-06, v40;
	v43 =	vmul.u32 $0x6A37, v55  }
0x114: {  	v47 =	vld [tilespmem:$0x280];
	v36 =	vtrunc.f32 v36;
	v34 =	vsel vm3, v44, v34;
	vm3 =	vlt.s32 v38, $0x0  }
0x115: {  	v63 =	vld [tilespmem:$0x26F];
	v39 =	vmul.u32 $0xC9B5, v56;
	v36 =	vcvt.f32.s32 v36;
	vm1 =	vgt.s32 v34, $0xF423E  }
0x116: {  	v55 =	vld [tilespmem:$0x27F];
	v44 =	vadd.s32 $0xFFF0BDC1, v34;
	v40 =	vtrunc.f32 v40;
	v45 =	vsel vm3, $0x4F800000, v0  }
0x117: {  	v61 =	vxor.u32 v42, v43;
	v57 =	vcvt.f32.s32 v40;
	v40 =	vadd.f32 v58, v45  }
0x118: {  	v34 =	vsel vm1, v44, v34;
	v39 =	vxor.u32 v39, v61;
	v36 =	vmul.u32 $0xFFF0BDC1, v36  }
0x119: {  	v61 =	vmul.u32 $0x8DD9, v47;
	vm3 =	vlt.s32 v39, $0x0;
	v60 =	vmul.f32 $1.000001020e-06, v40  }
0x11a: {  	v51 =	vsel vm3, $0x4F800000, v0;
	v40 =	vmul.u32 $0x6A37, v63;
	v35 =	vadd.s32 v35, v36  }
0x11b: {  	v43 =	vmul.u32 $0x6A37, v55;
	v36 =	vmul.u32 $0xFFF0BDC1, v57;
	vm2 =	vlt.s32 v35, $0x0  }
0x11c: {  	v59 =	vadd.s32 $0xF423F, v35;
	v37 =	vtrunc.f32 v60;
	v40 =	vxor.u32 v41, v40  }
0x11d: {  	v63 =	vld [tilespmem:$0x290];
	v49 =	vxor.u32 v61, v43;
	v35 =	vsel vm2, v59, v35;
	v36 =	vadd.s32 v48, v36  }
0x11e: {  	v57 =	vld [tilespmem:$0x27E];
	v48 =	vcvt.s32.f32 v39;
	v37 =	vcvt.f32.s32 v37;
	v40 =	vxor.u32 v54, v40  }
0x11f: {  	vm1 =	vgt.s32 v35, $0xF423E;
	vm2 =	vlt.s32 v36, $0x0;
	v50 =	vadd.s32 $0xF423F, v36  }
0x120: {  	v46 =	vadd.s32 $0xFFF0BDC1, v35;
	v59 =	vcvt.s32.f32 v40;
	v44 =	vsel vm2, v50, v36  }
0x121: {  	v52 =	vadd.f32 v48, v51;
	v37 =	vmul.u32 $0xFFF0BDC1, v37;
	v36 =	vsel vm1, v46, v35  }
0x122: {  	v55 =	vld [tilespmem:$0x2A0];
	v46 =	vmul.u32 $0x8DD9, v63;
	vm2 =	vgt.s32 v44, $0xF423E;
	v53 =	vadd.s32 $0xFFF0BDC1, v44  }
0x123: {  	v41 =	vmul.u32 $0xC9B5, v57;
	v45 =	vmul.f32 $1.000001020e-06, v52;
	v37 =	vadd.s32 v38, v37  }
0x124: {  	v50 =	vld [tilespmem:$0x28F];
	v35 =	vsel vm2, v53, v44;
	vm2 =	vlt.s32 v40, $0x0;
	vm1 =	vlt.s32 v37, $0x0  }
0x125: {  	v58 =	vadd.s32 $0xF423F, v37;
	v60 =	vsel vm2, $0x4F800000, v0;
	v41 =	vxor.u32 v41, v49  }
0x126: {  	v52 =	vld [tilespmem:$0x28E];
	v56 =	vtrunc.f32 v45;
	v37 =	vsel vm1, v58, v37;
	v42 =	vadd.f32 v59, v60  }
0x127: {  	v49 =	vld [tilespmem:$0x29E];
	v53 =	vcvt.s32.f32 v41;
	vm3 =	vlt.s32 v41, $0x0;
	v45 =	vmul.u32 $0x8DD9, v55  }
0x128: {  	v55 =	vld [tilespmem:$0x2AE];
	v38 =	vcvt.f32.s32 v56;
	vm1 =	vgt.s32 v37, $0xF423E;
	v54 =	vsel vm3, $0x4F800000, v0  }
0x129: {  	v62 =	vadd.s32 $0xFFF0BDC1, v37;
	v43 =	vmul.u32 $0x6A37, v50;
	v56 =	vld [tilespmem:$0x29F];
	v44 =	vadd.f32 v53, v54  }
0x12a: {  	v48 =	vmul.f32 $1.000001020e-06, v42;
	v37 =	vsel vm1, v62, v37;
	v53 =	vld [tilespmem:$0x2AF];
	v38 =	vmul.u32 $0xFFF0BDC1, v38  }
0x12b: {  	v42 =	vmul.u32 $0xC9B5, v52;
	v57 =	vxor.u32 v46, v43;
	v44 =	vmul.f32 $1.000001020e-06, v44  }
0x12c: {  	v52 =	vld [tilespmem:$0x2B0];
	v63 =	vmul.u32 $0xC9B5, v49;
	v38 =	vadd.s32 v39, v38;
	v39 =	vtrunc.f32 v48  }
0x12d: {  	v47 =	vmul.u32 $0xC9B5, v55;
	vm2 =	vlt.s32 v38, $0x0;
	v51 =	vadd.s32 $0xF423F, v38  }
0x12e: {  	v39 =	vcvt.f32.s32 v39;
	v58 =	vtrunc.f32 v44;
	v61 =	vmul.u32 $0x6A37, v56  }
0x12f: {  	v38 =	vsel vm2, v51, v38;
	v43 =	vcvt.f32.s32 v58;
	v44 =	vmul.u32 $0x6A37, v53  }
0x130: {  	vm1 =	vgt.s32 v38, $0xF423E;
	v39 =	vmul.u32 $0xFFF0BDC1, v39;
	v48 =	vadd.s32 $0xFFF0BDC1, v38  }
0x131: {  	v51 =	vxor.u32 v45, v61;
	v45 =	vmul.u32 $0x8DD9, v52;
	v38 =	vsel vm1, v48, v38  }
0x132: {  	v58 =	vld [tilespmem:$0x2C0];
	v43 =	vmul.u32 $0xFFF0BDC1, v43;
	v39 =	vadd.s32 v40, v39;
	v40 =	vxor.u32 v42, v57  }
0x133: {  	v44 =	vxor.u32 v45, v44;
	vm1 =	vlt.s32 v39, $0x0;
	v59 =	vadd.s32 $0xF423F, v39  }
0x134: {  	v60 =	vcvt.s32.f32 v40;
	vm2 =	vlt.s32 v40, $0x0;
	v41 =	vadd.s32 v41, v43  }
0x135: {  	v43 =	vxor.u32 v63, v51;
	v44 =	vxor.u32 v47, v44;
	v62 =	vsel vm2, $0x4F800000, v0  }
0x136: {  	v39 =	vsel vm1, v59, v39;
	v54 =	vcvt.s32.f32 v43;
	vm2 =	vlt.s32 v43, $0x0  }
0x137: {  	vm3 =	vlt.s32 v41, $0x0;
	v48 =	vmul.u32 $0x8DD9, v58;
	v50 =	vadd.f32 v60, v62  }
0x138: {  	v59 =	vld [tilespmem:$0x2BF];
	vm1 =	vgt.s32 v39, $0xF423E;
	v56 =	vadd.s32 $0xFFF0BDC1, v39;
	v57 =	vsel vm2, $0x4F800000, v0  }
0x139: {  	v60 =	vld [tilespmem:$0x2BE];
	v46 =	vadd.f32 v54, v57;
	v42 =	vmul.f32 $1.000001020e-06, v50;
	v50 =	vadd.s32 $0xF423F, v41  }
0x13a: {  	v62 =	vcvt.s32.f32 v44;
	v39 =	vsel vm1, v56, v39;
	v57 =	vld [tilespmem:$0x2D0];
	v41 =	vsel vm3, v50, v41  }
0x13b: {  	v46 =	vmul.f32 $1.000001020e-06, v46;
	vm3 =	vlt.s32 v44, $0x0;
	v42 =	vtrunc.f32 v42  }
0x13c: {  	vm1 =	vgt.s32 v41, $0xF423E;
	v50 =	vadd.s32 $0xFFF0BDC1, v41;
	v53 =	vsel vm3, $0x4F800000, v0  }
0x13d: {  	v49 =	vmul.u32 $0x6A37, v59;
	v42 =	vcvt.f32.s32 v42;
	v46 =	vtrunc.f32 v46  }
0x13e: {  	v54 =	vmul.u32 $0xC9B5, v60;
	v61 =	vcvt.f32.s32 v46;
	v46 =	vadd.f32 v62, v53  }
0x13f: {  	v56 =	vxor.u32 v48, v49;
	v47 =	vmul.u32 $0x8DD9, v57;
	v42 =	vmul.u32 $0xFFF0BDC1, v42  }
0x140: {  	v58 =	vld [tilespmem:$0x2CF];
	v51 =	vmul.u32 $0xFFF0BDC1, v61;
	v55 =	vmul.f32 $1.000001020e-06, v46;
	v46 =	vxor.u32 v54, v56  }
0x141: {  	v42 =	vadd.s32 v40, v42;
	v40 =	vsel vm1, v50, v41;
	v59 =	vcvt.s32.f32 v46  }
0x142: {  	vm3 =	vlt.s32 v46, $0x0;
	vm2 =	vlt.s32 v42, $0x0;
	v63 =	vadd.s32 $0xF423F, v42  }
0x143: {  	v60 =	vld [tilespmem:$0x2CE];
	v43 =	vadd.s32 v43, v51;
	v45 =	vtrunc.f32 v55;
	v62 =	vsel vm3, $0x4F800000, v0  }
0x144: {  	v54 =	vld [tilespmem:$0x2DF];
	v41 =	vsel vm2, v63, v42;
	vm2 =	vlt.s32 v43, $0x0;
	v61 =	vadd.s32 $0xF423F, v43  }
0x145: {  	v45 =	vcvt.f32.s32 v45;
	v48 =	vadd.f32 v59, v62;
	v63 =	vmul.u32 $0x6A37, v58  }
0x146: {  	v56 =	vld [tilespmem:$0x2DE];
	vm1 =	vgt.s32 v41, $0xF423E;
	v52 =	vadd.s32 $0xFFF0BDC1, v41;
	v43 =	vsel vm2, v61, v43  }
0x147: {  	vm2 =	vgt.s32 v43, $0xF423E;
	v50 =	vadd.s32 $0xFFF0BDC1, v43;
	v45 =	vmul.u32 $0xFFF0BDC1, v45  }
0x148: {  	v53 =	vld [tilespmem:$0x2E0];
	v48 =	vmul.f32 $1.000001020e-06, v48;
	v42 =	vsel vm1, v52, v41;
	v52 =	vmul.u32 $0xC9B5, v60  }
0x149: {  	v47 =	vxor.u32 v47, v63;
	v49 =	vmul.u32 $0x6A37, v54;
	v41 =	vsel vm2, v50, v43  }
0x14a: {  	v63 =	vld [tilespmem:$0x2F0];
	v44 =	vadd.s32 v44, v45;
	v55 =	vtrunc.f32 v48;
	v47 =	vxor.u32 v52, v47  }
0x14b: {  	v54 =	vld [tilespmem:$0x300];
	v48 =	vmul.u32 $0xC9B5, v56;
	vm1 =	vlt.s32 v44, $0x0;
	v45 =	vcvt.f32.s32 v55  }
0x14c: {  	v56 =	vld [tilespmem:$0x2FF];
	v58 =	vadd.s32 $0xF423F, v44;
	v59 =	vcvt.s32.f32 v47;
	vm2 =	vlt.s32 v47, $0x0  }
0x14d: {  	v62 =	vmul.u32 $0x8DD9, v53;
	v43 =	vsel vm1, v58, v44;
	v61 =	vsel vm2, $0x4F800000, v0  }
0x14e: {  	v60 =	vmul.u32 $0xFFF0BDC1, v45;
	v45 =	vadd.f32 v59, v61;
	vm1 =	vgt.s32 v43, $0xF423E  }
0x14f: {  	v57 =	vadd.s32 $0xFFF0BDC1, v43;
	v59 =	vxor.u32 v62, v49;
	v51 =	vmul.u32 $0x8DD9, v63  }
0x150: {  	v58 =	vld [tilespmem:$0x2EF];
	v43 =	vsel vm1, v57, v43;
	v44 =	vadd.s32 v46, v60;
	v45 =	vmul.f32 $1.000001020e-06, v45  }
0x151: {  	v60 =	vld [tilespmem:$0x2EE];
	v46 =	vxor.u32 v48, v59;
	v59 =	vmul.u32 $0x8DD9, v54;
	v53 =	vmul.u32 $0x6A37, v56  }
0x152: {  	v57 =	vld [tilespmem:$0x2FE];
	vm1 =	vlt.s32 v44, $0x0;
	v48 =	vcvt.s32.f32 v46;
	vm2 =	vlt.s32 v46, $0x0  }
0x153: {  	v61 =	vadd.s32 $0xF423F, v44;
	v45 =	vtrunc.f32 v45;
	v62 =	vsel vm2, $0x4F800000, v0  }
0x154: {  	v44 =	vsel vm1, v61, v44;
	v61 =	vld [tilespmem:$0x310];
	v45 =	vcvt.f32.s32 v45;
	v48 =	vadd.f32 v48, v62  }
0x155: {  	v63 =	vmul.u32 $0x6A37, v58;
	vm1 =	vgt.s32 v44, $0xF423E;
	v58 =	vadd.s32 $0xFFF0BDC1, v44  }
0x156: {  	v45 =	vmul.u32 $0xFFF0BDC1, v45;
	v49 =	vmul.u32 $0xC9B5, v60;
	v48 =	vmul.f32 $1.000001020e-06, v48  }
0x157: {  	v51 =	vxor.u32 v51, v63;
	v50 =	vmul.u32 $0xC9B5, v57;
	v44 =	vsel vm1, v58, v44  }
0x158: {  	v45 =	vadd.s32 v47, v45;
	v47 =	vxor.u32 v49, v51;
	v48 =	vtrunc.f32 v48  }
0x159: {  	v51 =	vxor.u32 v59, v53;
	v61 =	vmul.u32 $0x8DD9, v61;
	vm2 =	vlt.s32 v45, $0x0  }
0x15a: {  	v49 =	vcvt.s32.f32 v47;
	vm3 =	vlt.s32 v47, $0x0;
	v48 =	vcvt.f32.s32 v48  }
0x15b: {  	v55 =	vadd.s32 $0xF423F, v45;
	v50 =	vxor.u32 v50, v51;
	v60 =	vsel vm3, $0x4F800000, v0  }
0x15c: {  	v63 =	vld [tilespmem:$0x30F];
	v45 =	vsel vm2, v55, v45;
	v51 =	vcvt.s32.f32 v50;
	v49 =	vadd.f32 v49, v60  }
0x15d: {  	v59 =	vld [tilespmem:$0x30E];
	vm2 =	vlt.s32 v50, $0x0;
	v48 =	vmul.u32 $0xFFF0BDC1, v48;
	vm1 =	vgt.s32 v45, $0xF423E  }
0x15e: {  	v62 =	vsel vm2, $0x4F800000, v0;
	v55 =	vadd.s32 $0xFFF0BDC1, v45;
	v49 =	vmul.f32 $1.000001020e-06, v49  }
0x15f: {  	v58 =	vadd.f32 v51, v62;
	v45 =	vsel vm1, v55, v45;
	v46 =	vadd.s32 v46, v48  }
0x160: {  	v56 =	vld [tilespmem:$0x32F];
	vm2 =	vlt.s32 v46, $0x0;
	v60 =	vadd.s32 $0xF423F, v46;
	v57 =	vtrunc.f32 v49  }
0x161: {  	v54 =	vld [tilespmem:$0x32E];
	v46 =	vsel vm2, v60, v46;
	v49 =	vmul.f32 $1.000001020e-06, v58;
	v48 =	vcvt.f32.s32 v57  }
0x162: {  	v62 =	vmul.u32 $0x6A37, v63;
	v51 =	vmul.u32 $0xC9B5, v59;
	v59 =	vld [tilespmem:$0x31F];
	vm1 =	vgt.s32 v46, $0xF423E  }
0x163: {  	v63 =	vadd.s32 $0xFFF0BDC1, v46;
	v57 =	vld [tilespmem:$0x320];
	v49 =	vtrunc.f32 v49;
	v48 =	vmul.u32 $0xFFF0BDC1, v48  }
0x164: {  	v58 =	vxor.u32 v61, v62;
	v46 =	vsel vm1, v63, v46;
	v63 =	vld [tilespmem:$0x330];
	v49 =	vcvt.f32.s32 v49  }
0x165: {  	v56 =	vmul.u32 $0x6A37, v56;
	v51 =	vxor.u32 v51, v58;
	v47 =	vadd.s32 v47, v48;
	v48 =	vld [tilespmem:$0x31E]  }
0x166: {  	v61 =	vcvt.s32.f32 v51;
	vm2 =	vlt.s32 v51, $0x0;
	v49 =	vmul.u32 $0xFFF0BDC1, v49  }
0x167: {  	v54 =	vmul.u32 $0xC9B5, v54;
	v62 =	vsel vm2, $0x4F800000, v0;
	vm1 =	vlt.s32 v47, $0x0  }
0x168: {  	v60 =	vadd.s32 $0xF423F, v47;
	v49 =	vadd.s32 v50, v49;
	v50 =	vadd.f32 v61, v62  }
0x169: {  	v52 =	vmul.u32 $0x6A37, v59;
	v55 =	vmul.u32 $0x8DD9, v57;
	v47 =	vsel vm1, v60, v47  }
0x16a: {  	v53 =	vmul.u32 $0x8DD9, v63;
	v50 =	vmul.f32 $1.000001020e-06, v50;
	v48 =	vmul.u32 $0xC9B5, v48  }
0x16b: {  	vm1 =	vgt.s32 v47, $0xF423E;
	vm2 =	vlt.s32 v49, $0x0;
	v52 =	vxor.u32 v55, v52  }
0x16c: {  	v60 =	vadd.s32 $0xF423F, v49;
	v50 =	vtrunc.f32 v50;
	v52 =	vxor.u32 v48, v52  }
0x16d: {  	v59 =	vld [tilespmem:$0x340];
	v61 =	vcvt.f32.s32 v50;
	v50 =	vcvt.s32.f32 v52;
	vm3 =	vlt.s32 v52, $0x0  }
0x16e: {  	v49 =	vsel vm2, v60, v49;
	v62 =	vxor.u32 v53, v56;
	v53 =	vld [tilespmem:$0x33E];
	v58 =	vsel vm3, $0x4F800000, v0  }
0x16f: {  	v57 =	vadd.s32 $0xFFF0BDC1, v47;
	vm2 =	vgt.s32 v49, $0xF423E;
	v50 =	vadd.f32 v50, v58;
	v58 =	vld [tilespmem:$0x33F]  }
0x170: {  	v55 =	vadd.s32 $0xFFF0BDC1, v49;
	v54 =	vxor.u32 v54, v62;
	v48 =	vsel vm1, v57, v47  }
0x171: {  	v47 =	vsel vm2, v55, v49;
	v49 =	vcvt.s32.f32 v54;
	v60 =	vmul.u32 $0xFFF0BDC1, v61  }
0x172: {  	vm2 =	vlt.s32 v54, $0x0;
	v61 =	vmul.u32 $0x8DD9, v59;
	v50 =	vmul.f32 $1.000001020e-06, v50  }
0x173: {  	v53 =	vmul.u32 $0xC9B5, v53;
	v51 =	vadd.s32 v51, v60;
	v60 =	vsel vm2, $0x4F800000, v0  }
0x174: {  	v49 =	vadd.f32 v49, v60;
	v50 =	vtrunc.f32 v50;
	v62 =	vmul.u32 $0x6A37, v58  }
0x175: {  	vm1 =	vlt.s32 v51, $0x0;
	v63 =	vadd.s32 $0xF423F, v51;
	v50 =	vcvt.f32.s32 v50  }
0x176: {  	v55 =	vld [tilespmem:$0x350];
	v51 =	vsel vm1, v63, v51;
	v49 =	vmul.f32 $1.000001020e-06, v49;
	v63 =	vxor.u32 v61, v62  }
0x177: {  	v59 =	vld [tilespmem:$0x34E];
	vm1 =	vgt.s32 v51, $0xF423E;
	v50 =	vmul.u32 $0xFFF0BDC1, v50;
	v53 =	vxor.u32 v53, v63  }
0x178: {  	v58 =	vld [tilespmem:$0x34F];
	v49 =	vtrunc.f32 v49;
	v57 =	vcvt.s32.f32 v53;
	vm2 =	vlt.s32 v53, $0x0  }
0x179: {  	v50 =	vadd.s32 v52, v50;
	v52 =	vcvt.f32.s32 v49;
	v49 =	vsel vm2, $0x4F800000, v0  }
0x17a: {  	vm2 =	vlt.s32 v50, $0x0;
	v60 =	vadd.s32 $0xF423F, v50;
	v57 =	vadd.f32 v57, v49  }
0x17b: {  	v56 =	vadd.s32 $0xFFF0BDC1, v51;
	v50 =	vsel vm2, v60, v50;
	v60 =	vmul.u32 $0xFFF0BDC1, v52  }
0x17c: {  	v59 =	vmul.u32 $0xC9B5, v59;
	v49 =	vsel vm1, v56, v51;
	v61 =	vmul.f32 $1.000001020e-06, v57  }
0x17d: {  	v57 =	vld [tilespmem:$0x360];
	v51 =	vadd.s32 v54, v60;
	v54 =	vmul.u32 $0x8DD9, v55;
	v55 =	vmul.u32 $0x6A37, v58  }
0x17e: {  	vm1 =	vgt.s32 v50, $0xF423E;
	v52 =	vadd.s32 $0xFFF0BDC1, v50;
	v58 =	vld [tilespmem:$0x35F];
	vm2 =	vlt.s32 v51, $0x0  }
0x17f: {  	v60 =	vld [tilespmem:$0x35E];
	v56 =	vtrunc.f32 v61;
	v61 =	vadd.s32 $0xF423F, v51;
	v54 =	vxor.u32 v54, v55  }
0x180: {  	v56 =	vcvt.f32.s32 v56;
	v51 =	vsel vm2, v61, v51;
	v54 =	vxor.u32 v59, v54  }
0x181: {  	v50 =	vsel vm1, v52, v50;
	vm1 =	vgt.s32 v51, $0xF423E;
	v55 =	vcvt.s32.f32 v54  }
0x182: {  	v59 =	vld [tilespmem:$0x36F];
	vm2 =	vlt.s32 v54, $0x0;
	v61 =	vadd.s32 $0xFFF0BDC1, v51;
	v52 =	vmul.u32 $0xFFF0BDC1, v56  }
0x183: {  	v56 =	vld [tilespmem:$0x370];
	v57 =	vmul.u32 $0x8DD9, v57;
	v58 =	vmul.u32 $0x6A37, v58;
	v62 =	vsel vm2, $0x4F800000, v0  }
0x184: {  	v63 =	vld [tilespmem:$0x36E];
	v60 =	vmul.u32 $0xC9B5, v60;
	v62 =	vadd.f32 v55, v62;
	v52 =	vadd.s32 v53, v52  }
0x185: {  	v51 =	vsel vm1, v61, v51;
	v58 =	vxor.u32 v57, v58;
	vm1 =	vlt.s32 v52, $0x0  }
0x186: {  	v55 =	vxor.u32 v60, v58;
	v60 =	vadd.s32 $0xF423F, v52;
	v53 =	vmul.f32 $1.000001020e-06, v62  }
0x187: {  	v59 =	vmul.u32 $0x6A37, v59;
	v58 =	vcvt.s32.f32 v55;
	vm2 =	vlt.s32 v55, $0x0  }
0x188: {  	[tilespmem:$0x6D0] =	vst v38;
	v38 =	vld [tilespmem:$0x3FE];
	v52 =	vsel vm1, v60, v52;
	v56 =	vmul.u32 $0x8DD9, v56;
	v57 =	vsel vm2, $0x4F800000, v0  }
0x189: {  	v60 =	vmul.u32 $0xC9B5, v63;
	v53 =	vtrunc.f32 v53;
	v57 =	vadd.f32 v58, v57  }
0x18a: {  	vm1 =	vgt.s32 v52, $0xF423E;
	v53 =	vcvt.f32.s32 v53;
	v58 =	vld [tilespmem:$0x380];
	v56 =	vxor.u32 v56, v59  }
0x18b: {  	v61 =	vadd.s32 $0xFFF0BDC1, v52;
	v56 =	vxor.u32 v60, v56;
	v57 =	vmul.f32 $1.000001020e-06, v57;
	v60 =	vld [tilespmem:$0x37F]  }
0x18c: {  	v63 =	vld [tilespmem:$0x37E];
	v53 =	vmul.u32 $0xFFF0BDC1, v53;
	v59 =	vcvt.s32.f32 v56;
	vm2 =	vlt.s32 v56, $0x0  }
0x18d: {  	[tilespmem:$0x700] =	vst v42;
	v42 =	vmul.u32 $0xC9B5, v38;
	v52 =	vsel vm1, v61, v52;
	v62 =	vsel vm2, $0x4F800000, v0  }
0x18e: {  	v57 =	vtrunc.f32 v57;
	v53 =	vadd.s32 v54, v53;
	v59 =	vadd.f32 v59, v62  }
0x18f: {  	v61 =	vcvt.f32.s32 v57;
	vm1 =	vlt.s32 v53, $0x0;
	v57 =	vadd.s32 $0xF423F, v53  }
0x190: {  	v58 =	vmul.u32 $0x8DD9, v58;
	v59 =	vmul.f32 $1.000001020e-06, v59;
	v60 =	vmul.u32 $0x6A37, v60  }
0x191: {  	v53 =	vsel vm1, v57, v53;
	v54 =	vmul.u32 $0xFFF0BDC1, v61;
	v61 =	vmul.u32 $0xC9B5, v63  }
0x192: {  	vm3 =	vgt.s32 v53, $0xF423E;
	v62 =	vtrunc.f32 v59;
	v63 =	vxor.u32 v58, v60  }
0x193: {  	v54 =	vadd.s32 v55, v54;
	v59 =	vld [tilespmem:$0x390];
	v62 =	vcvt.f32.s32 v62;
	v57 =	vxor.u32 v61, v63  }
0x194: {  	[tilespmem:$0x480] =	vst v2;
	vm1 =	vlt.s32 v54, $0x0;
	v58 =	vadd.s32 $0xF423F, v54;
	v61 =	vld [tilespmem:$0x38F];
	v60 =	vcvt.s32.f32 v57  }
0x195: {  	[tilespmem:$0x490] =	vst v1;
	vm2 =	vlt.s32 v57, $0x0;
	v54 =	vsel vm1, v58, v54;
	v58 =	vld [tilespmem:$0x38E];
	v55 =	vmul.u32 $0xFFF0BDC1, v62  }
0x196: {  	[tilespmem:$0x4A0] =	vst v3;
	v1 =	vadd.s32 $0xFFF0BDC1, v53;
	v2 =	vsel vm2, $0x4F800000, v0;
	vm1 =	vgt.s32 v54, $0xF423E;
	v62 =	vld [tilespmem:$0x39E]  }
0x197: {  	[tilespmem:$0x4B0] =	vst v4;
	v4 =	vadd.s32 $0xFFF0BDC1, v54;
	v2 =	vadd.f32 v60, v2;
	v60 =	vld [tilespmem:$0x39F];
	v55 =	vadd.s32 v56, v55  }
0x198: {  	[tilespmem:$0x4D0] =	vst v5;
	v56 =	vld [tilespmem:$0x3A0];
	v5 =	vmul.u32 $0x8DD9, v59;
	vm2 =	vlt.s32 v55, $0x0;
	v3 =	vadd.s32 $0xF423F, v55  }
0x199: {  	v63 =	vmul.u32 $0x6A37, v61;
	v3 =	vsel vm2, v3, v55;
	v55 =	vmul.f32 $1.000001020e-06, v2  }
0x19a: {  	v2 =	vsel vm3, v1, v53;
	v1 =	vsel vm1, v4, v54;
	v59 =	vmul.u32 $0xC9B5, v58  }
0x19b: {  	[tilespmem:$0x4E0] =	vst v7;
	v54 =	vld [tilespmem:$0x3B0];
	vm1 =	vgt.s32 v3, $0xF423E;
	v7 =	vadd.s32 $0xFFF0BDC1, v3;
	v55 =	vtrunc.f32 v55  }
0x19c: {  	v58 =	vld [tilespmem:$0x3AF];
	v5 =	vxor.u32 v5, v63;
	v63 =	vmul.u32 $0x6A37, v60;
	v4 =	vcvt.f32.s32 v55  }
0x19d: {  	v5 =	vxor.u32 v59, v5;
	v59 =	vmul.u32 $0xC9B5, v62;
	v60 =	vld [tilespmem:$0x3AE];
	v61 =	vmul.u32 $0x8DD9, v56  }
0x19e: {  	v3 =	vsel vm1, v7, v3;
	vm2 =	vlt.s32 v5, $0x0;
	v4 =	vmul.u32 $0xFFF0BDC1, v4  }
0x19f: {  	[tilespmem:$0x4C0] =	vst v6;
	v62 =	vsel vm2, $0x4F800000, v0;
	v6 =	vxor.u32 v61, v63;
	v61 =	vcvt.s32.f32 v5  }
0x1a0: {  	v56 =	vmul.u32 $0x8DD9, v54;
	v6 =	vxor.u32 v59, v6;
	v4 =	vadd.s32 v57, v4  }
0x1a1: {  	[tilespmem:$0x4F0] =	vst v8;
	v7 =	vadd.f32 v61, v62;
	v63 =	vcvt.s32.f32 v6;
	vm1 =	vlt.s32 v6, $0x0  }
0x1a2: {  	[tilespmem:$0x500] =	vst v9;
	v57 =	vmul.u32 $0x6A37, v58;
	v59 =	vmul.u32 $0xC9B5, v60;
	v60 =	vld [tilespmem:$0x3C0];
	v58 =	vsel vm1, $0x4F800000, v0  }
0x1a3: {  	[tilespmem:$0x510] =	vst v10;
	v61 =	vld [tilespmem:$0x3BF];
	vm1 =	vlt.s32 v4, $0x0;
	v62 =	vadd.s32 $0xF423F, v4;
	v7 =	vmul.f32 $1.000001020e-06, v7  }
0x1a4: {  	[tilespmem:$0x5D0] =	vst v22;
	v22 =	vld [tilespmem:$0x3DF];
	v8 =	vadd.f32 v63, v58;
	v9 =	vxor.u32 v56, v57;
	v4 =	vsel vm1, v62, v4  }
0x1a5: {  	[tilespmem:$0x5C0] =	vst v21;
	v63 =	vld [tilespmem:$0x3BE];
	v9 =	vxor.u32 v59, v9;
	vm1 =	vgt.s32 v4, $0xF423E;
	v21 =	vadd.s32 $0xFFF0BDC1, v4  }
0x1a6: {  	[tilespmem:$0x570] =	vst v16;
	v62 =	vld [tilespmem:$0x3CE];
	v7 =	vtrunc.f32 v7;
	v16 =	vcvt.s32.f32 v9;
	vm2 =	vlt.s32 v9, $0x0  }
0x1a7: {  	[tilespmem:$0x540] =	vst v13;
	v8 =	vmul.f32 $1.000001020e-06, v8;
	v4 =	vsel vm1, v21, v4;
	v7 =	vcvt.f32.s32 v7  }
0x1a8: {  	[tilespmem:$0x580] =	vst v18;
	v58 =	vld [tilespmem:$0x3D0];
	v18 =	vsel vm2, $0x4F800000, v0;
	v13 =	vmul.u32 $0x8DD9, v60;
	v10 =	vmul.u32 $0x6A37, v61  }
0x1a9: {  	[tilespmem:$0x530] =	vst v11;
	v11 =	vadd.f32 v16, v18;
	v8 =	vtrunc.f32 v8;
	v16 =	vmul.u32 $0x6A37, v22  }
0x1aa: {  	[tilespmem:$0x520] =	vst v12;
	v60 =	vld [tilespmem:$0x3CF];
	v7 =	vmul.u32 $0xFFF0BDC1, v7;
	v8 =	vcvt.f32.s32 v8;
	v12 =	vmul.u32 $0xC9B5, v63  }
0x1ab: {  	[tilespmem:$0x550] =	vst v14;
	v53 =	vxor.u32 v13, v10;
	v14 =	vmul.u32 $0xC9B5, v62;
	v54 =	vmul.f32 $1.000001020e-06, v11  }
0x1ac: {  	[tilespmem:$0x640] =	vst v30;
	v30 =	vld [tilespmem:$0x3EE];
	v5 =	vadd.s32 v5, v7;
	v7 =	vxor.u32 v12, v53;
	v8 =	vmul.u32 $0xFFF0BDC1, v8  }
0x1ad: {  	[tilespmem:$0x5A0] =	vst v19;
	v63 =	vld [tilespmem:$0x3E0];
	v12 =	vmul.u32 $0x8DD9, v58;
	vm1 =	vlt.s32 v5, $0x0;
	v55 =	vcvt.s32.f32 v7  }
0x1ae: {  	[tilespmem:$0x690] =	vst v34;
	v34 =	vld [tilespmem:$0x3FF];
	vm2 =	vlt.s32 v7, $0x0;
	v56 =	vtrunc.f32 v54;
	v59 =	vadd.s32 $0xF423F, v5  }
0x1af: {  	[tilespmem:$0x5B0] =	vst v20;
	v11 =	vmul.u32 $0x6A37, v60;
	v6 =	vadd.s32 v6, v8;
	v57 =	vsel vm2, $0x4F800000, v0  }
0x1b0: {  	[tilespmem:$0x5E0] =	vst v24;
	v8 =	vcvt.f32.s32 v56;
	v5 =	vsel vm1, v59, v5;
	v10 =	vadd.f32 v55, v57  }
0x1b1: {  	[tilespmem:$0x670] =	vst v32;
	v32 =	vld [tilespmem:$0x400];
	vm1 =	vlt.s32 v6, $0x0;
	v61 =	vadd.s32 $0xF423F, v6;
	v21 =	vadd.s32 $0xFFF0BDC1, v5  }
0x1b2: {  	[tilespmem:$0x650] =	vst v29;
	v13 =	vmul.u32 $0x8DD9, v63;
	v29 =	vxor.u32 v12, v11;
	v11 =	vmul.u32 $0xC9B5, v30  }
0x1b3: {  	[tilespmem:$0x600] =	vst v25;
	v25 =	vld [tilespmem:$0x3DE];
	v12 =	vmul.u32 $0x6A37, v34;
	v6 =	vsel vm1, v61, v6;
	v8 =	vmul.u32 $0xFFF0BDC1, v8  }
0x1b4: {  	[tilespmem:$0x5F0] =	vst v23;
	vm1 =	vgt.s32 v5, $0xF423E;
	v10 =	vmul.f32 $1.000001020e-06, v10;
	vm2 =	vgt.s32 v6, $0xF423E  }
0x1b5: {  	[tilespmem:$0x660] =	vst v31;
	v23 =	vadd.s32 $0xFFF0BDC1, v6;
	v5 =	vsel vm1, v21, v5;
	v31 =	vxor.u32 v13, v16  }
0x1b6: {  	[tilespmem:$0x610] =	vst v26;
	v13 =	vmul.u32 $0x8DD9, v32;
	v11 =	vxor.u32 v11, v15;
	v24 =	vtrunc.f32 v10  }
0x1b7: {  	[tilespmem:$0x680] =	vst v33;
	v8 =	vadd.s32 v9, v8;
	v6 =	vsel vm2, v23, v6;
	v9 =	vcvt.f32.s32 v24  }
0x1b8: {  	[tilespmem:$0x730] =	vst v44;
	v44 =	vcvt.s32.f32 v11;
	vm3 =	vlt.s32 v8, $0x0;
	v10 =	vmul.u32 $0xC9B5, v25  }
0x1b9: {  	[tilespmem:$0x6A0] =	vst v36;
	v26 =	vadd.s32 $0xF423F, v8;
	v12 =	vxor.u32 v13, v12;
	v9 =	vmul.u32 $0xFFF0BDC1, v9  }
0x1ba: {  	[tilespmem:$0x6B0] =	vst v35;
	v8 =	vsel vm3, v26, v8;
	v12 =	vxor.u32 v42, v12;
	v10 =	vxor.u32 v10, v31  }
0x1bb: {  	[tilespmem:$0x720] =	vst v43;
	v43 =	vadd.s32 $0xFFF0BDC1, v8;
	v7 =	vadd.s32 v7, v9;
	v9 =	vxor.u32 v14, v29  }
0x1bc: {  	[tilespmem:$0x760] =	vst v48;
	v48 =	vcvt.s32.f32 v12;
	vm2 =	vlt.s32 v9, $0x0;
	v35 =	vcvt.s32.f32 v9  }
0x1bd: {  	[tilespmem:$0x6C0] =	vst v37;
	v37 =	vcvt.s32.f32 v10;
	vm1 =	vlt.s32 v7, $0x0;
	v36 =	vsel vm2, $0x4F800000, v0  }
0x1be: {  	[tilespmem:$0x6E0] =	vst v39;
	v33 =	vadd.s32 $0xF423F, v7;
	vm2 =	vlt.s32 v10, $0x0;
	v39 =	vadd.f32 v35, v36  }
0x1bf: {  	[tilespmem:$0x6F0] =	vst v40;
	v7 =	vsel vm1, v33, v7;
	v40 =	vsel vm2, $0x4F800000, v0;
	vm2 =	vlt.s32 v11, $0x0  }
0x1c0: {  	[tilespmem:$0x740] =	vst v45;
	v16 =	vadd.f32 v37, v40;
	v45 =	vsel vm2, $0x4F800000, v0;
	v14 =	vmul.f32 $1.000001020e-06, v39  }
0x1c1: {  	[tilespmem:$0x780] =	vst v49;
	vm1 =	vgt.s32 v8, $0xF423E;
	v49 =	vadd.s32 $0xFFF0BDC1, v7;
	v15 =	vadd.f32 v44, v45  }
0x1c2: {  	[tilespmem:$0x710] =	vst v41;
	vm2 =	vlt.s32 v12, $0x0;
	v16 =	vmul.f32 $1.000001020e-06, v16;
	v14 =	vtrunc.f32 v14  }
0x1c3: {  	[tilespmem:$0x750] =	vst v46;
	v46 =	vsel vm2, $0x4F800000, v0;
	v15 =	vmul.f32 $1.000001020e-06, v15;
	v14 =	vcvt.f32.s32 v14  }
0x1c4: {  	[tilespmem:$0x790] =	vst v50;
	v8 =	vsel vm1, v43, v8;
	v50 =	vadd.f32 v48, v46;
	v16 =	vtrunc.f32 v16  }
0x1c5: {  	[tilespmem:$0x770] =	vst v47;
	v16 =	vcvt.f32.s32 v16;
	v55 =	vtrunc.f32 v15;
	v14 =	vmul.u32 $0xFFF0BDC1, v14  }
0x1c6: {  	[tilespmem:$0x7D0] =	vst v1;
	vm2 =	vgt.s32 v7, $0xF423E;
	v13 =	vmul.f32 $1.000001020e-06, v50;
	v1 =	vcvt.f32.s32 v55  }
0x1c7: {  	[tilespmem:$0x7A0] =	vst v51;
	v7 =	vsel vm2, v49, v7;
	v51 =	vmul.u32 $0xFFF0BDC1, v16;
	v9 =	vadd.s32 v9, v14  }
0x1c8: {  	[tilespmem:$0x7B0] =	vst v52;
	v56 =	vtrunc.f32 v13;
	v1 =	vmul.u32 $0xFFF0BDC1, v1;
	vm1 =	vlt.s32 v9, $0x0  }
0x1c9: {  	[tilespmem:$0x7C0] =	vst v2;
	v53 =	vadd.s32 $0xF423F, v9;
	v54 =	vadd.s32 v10, v51;
	v10 =	vcvt.f32.s32 v56  }
0x1ca: {  	[tilespmem:$0x7E0] =	vst v3;
	v2 =	vsel vm1, v53, v9;
	vm2 =	vlt.s32 v54, $0x0;
	v3 =	vadd.s32 $0xF423F, v54  }
0x1cb: {  	[tilespmem:$0x7F0] =	vst v4;
	v1 =	vadd.s32 v11, v1;
	vm1 =	vgt.s32 v2, $0xF423E;
	v3 =	vsel vm2, v3, v54  }
0x1cc: {  	[tilespmem:$0x800] =	vst v5;
	v57 =	vadd.s32 $0xFFF0BDC1, v2;
	v59 =	vmul.u32 $0xFFF0BDC1, v10;
	v61 =	vadd.s32 $0xF423F, v1  }
0x1cd: {  	[tilespmem:$0x810] =	vst v6;
	vm2 =	vgt.s32 v3, $0xF423E;
	v58 =	vadd.s32 $0xFFF0BDC1, v3;
	v2 =	vsel vm1, v57, v2  }
0x1ce: {  	[tilespmem:$0x820] =	vst v8;
	vm1 =	vlt.s32 v1, $0x0;
	v3 =	vsel vm2, v58, v3;
	v60 =	vadd.s32 v12, v59  }
0x1cf: {  	[tilespmem:$0x830] =	vst v7;
	v1 =	vsel vm1, v61, v1;
	vm1 =	vlt.s32 v60, $0x0;
	v62 =	vadd.s32 $0xF423F, v60  }
0x1d0: {  	[tilespmem:$0x840] =	vst v2;
	v63 =	vadd.s32 $0xFFF0BDC1, v1;
	v2 =	vsel vm1, v62, v60;
	vm1 =	vgt.s32 v1, $0xF423E  }
0x1d1: {  	[tilespmem:$0x850] =	vst v3;
	v1 =	vsel vm1, v63, v1;
	vm1 =	vgt.s32 v2, $0xF423E;
	v3 =	vadd.s32 $0xFFF0BDC1, v2  }
0x1d2: {  	[tilespmem:$0x860] =	vst v1;
	v1 =	vsel vm1, v3, v2  }
0x1d3: {  	[tilespmem:$0x870] =	vst v1  }
0x1d4: {  	[tilespmem:s13], [sflag:$0x1] =	stream.indirect.gather [hbm4b:s3+s11], $0x80, s12, s11, $0xb8;
	[tilespmem:$0x10880] =	vst v63  }
0x1d5: {  	_ = 	snop  }
0x1d6: {  	[tilespmem:s15], [sflag:$0x1] =	stream.indirect.gather [hbm4b:s3+s11], $0x80, s14, s11, $0xb8;
	[tilespmem:$0x10880] =	vst v63  }
0x1d7: {  	_ = 	snop  }
0x1d8: {  	[tilespmem:s17], [sflag:$0x1] =	stream.indirect.gather [hbm4b:s3+s11], $0x80, s16, s11, $0xb8;
	[tilespmem:$0x10880] =	vst v63  }
0x1d9: {  	_ = 	snop  }
0x1da: {  	[tilespmem:s19], [sflag:$0x1] =	stream.indirect.gather [hbm4b:s3+s11], $0x80, s18, s11, $0xb8;
	[tilespmem:$0x10880] =	vst v63  }
0x1db: {  	_ =	swait.ge [sflag:s20], $0x4000  }
0x1dc: {  	[sflag:s20] =	ssyncset.done $0x0  }
0x1dd: {  	[sflag:s20] =	ssyncadd.s32 $0xFFFFC000  }
0x1de: {  	_ =	swait.ge [sflag:s20], $0x4000  }
0x1df: {  	[sflag:s20] =	ssyncset.done $0x0  }
0x1e0: {  	[sflag:s20] =	ssyncadd.s32 $0xFFFFC000  }
0x1e1: {  	_ =	swait.ge [sflag:s20], $0x4000  }
0x1e2: {  	[sflag:s20] =	ssyncset.done $0x0  }
0x1e3: {  	[sflag:s20] =	ssyncadd.s32 $0xFFFFC000  }
0x1e4: {  	_ =	swait.ge [sflag:s20], $0x4000  }
0x1e5: {  	[sflag:s20] =	ssyncset.done $0x0  }
0x1e6: {  	[sflag:s20] =	ssyncadd.s32 $0xFFFFC000  }
0x1e7: {  	[hbm4b:s7+s2] =	stream.linear.scatter [tilespmem:s13], [sflag:$0x2], $0x10000, $0x38;
	[tilespmem:$0x10880] =	vst v63  }
0x1e8: {  	_ =	swait.ge [sflag:s6], $0x10000  }
0x1e9: {  	[sflag:s6] =	ssyncset.done $0x0  }
0x1ea: {  	[sflag:s6] =	ssyncadd.s32 $0xFFFF0000  }
0x1eb: {  	[tilespmem:s13], [sflag:$0x1] =	stream.indirect.gather [hbm4b:s3+s11], $0x80, s21, s11, $0xb8;
	[tilespmem:$0x10880] =	vst v63  }
0x1ec: {  	_ = 	snop  }
0x1ed: {  	[tilespmem:s15], [sflag:$0x1] =	stream.indirect.gather [hbm4b:s3+s11], $0x80, s22, s11, $0xb8;
	[tilespmem:$0x10880] =	vst v63  }
0x1ee: {  	_ = 	snop  }
0x1ef: {  	[tilespmem:s17], [sflag:$0x1] =	stream.indirect.gather [hbm4b:s3+s11], $0x80, s23, s11, $0xb8;
	[tilespmem:$0x10880] =	vst v63  }
0x1f0: {  	_ = 	snop  }
0x1f1: {  	[tilespmem:s19], [sflag:$0x1] =	stream.indirect.gather [hbm4b:s3+s11], $0x80, s24, s11, $0xb8;
	[tilespmem:$0x10880] =	vst v63  }
0x1f2: {  	_ =	swait.ge [sflag:s20], $0x4000  }
0x1f3: {  	[sflag:s20] =	ssyncset.done $0x0  }
0x1f4: {  	[sflag:s20] =	ssyncadd.s32 $0xFFFFC000  }
0x1f5: {  	_ =	swait.ge [sflag:s20], $0x4000  }
0x1f6: {  	[sflag:s20] =	ssyncset.done $0x0  }
0x1f7: {  	[sflag:s20] =	ssyncadd.s32 $0xFFFFC000  }
0x1f8: {  	_ =	swait.ge [sflag:s20], $0x4000  }
0x1f9: {  	[sflag:s20] =	ssyncset.done $0x0  }
0x1fa: {  	[sflag:s20] =	ssyncadd.s32 $0xFFFFC000  }
0x1fb: {  	_ =	swait.ge [sflag:s20], $0x4000  }
0x1fc: {  	p0 =	sne.s32 s9, $0x1;
	[sflag:s20] =	ssyncset.done $0x0  }
.Ltmp0:
0x1fd: {  	[sflag:s20] =	ssyncadd.s32 $0xFFFFC000;
	(pc) =	sbr.rel @p0 .LBB2_1-.Ltmp0, $4  }
0x1fe: {  	[hbm4b:s8+s2] =	stream.linear.scatter [tilespmem:s13], [sflag:$0x2], $0x10000, $0x38;
	[tilespmem:$0x10880] =	vst v63  }
0x1ff: {  	_ =	swait.ge [sflag:s6], $0x10000  }
0x200: {  	[sflag:s6] =	ssyncset.done $0x0  }
0x201: {  	s9 =	sadd.s32 $0xFFFFFFFF, s9;
	[sflag:s6] =	ssyncadd.s32 $0xFFFF0000  }
0x202: {  	_ =	sfence.sel $0x180000  }
0x203: {  	[bflag:$0x0] =	sbarrier.arrive $0xFFFF  }
0x204: {  	p0 =	sne.s32 s0, $0x0;
	_ =	strace $0x90000047  }
0x205: {  	s0 =	sadd.s32 @!p0 $0x100000, s1;
	[bflag:$0x2] =	sbarrier.arrive $0xFFFF  }
0x206: {  	[sflag:s0] =	ssyncadd.tile.s32 @!p0 $0x1;
	_ =	shalt  }
.Lfunc_end2:
_tile_overlayer_lowered:
.L_overlay_start_2:
0x207: {  	(tag) =	ssettag $0x2  }
0x208: {  	s0 =	rddreg [dreg:$0x0];
	s2 =	stileid.u32  }
0x209: {  	s1 =	rddreg [dreg:$0x1];
	p0 =	sne.s32 s2, $0x0  }
0x20a: {  	s3 =	rddreg [dreg:$0x2];
	[bflag:$0x3] =	sbarrier.arrive $0xFFFF;
	s2 =	simm.s32 @!p0 $0x1C02  }
0x20b: {  	[timem:s3], [sflag:s2] =	dma.local @!p0 [hbm:s0], s1  }
0x20c: {  	s0 =	simm.s32 @!p0 $0x2  }
0x20d: {  	_ =	swait.ge @!p0 [sflag:s0], s1  }
0x20e: {  	s1 =	ssub.s32 @!p0 $0x0, s1;
	[sflag:s0] =	ssyncset.done @!p0 $0x0  }
0x20f: {  	[sflag:s0] =	ssyncadd.s32 @!p0 s1  }
0x210: {  	[bflag:$0x3] =	sbarrier.arrive $0xFFFF  }
0x211: {  	_ =	shalt  }

</sc_bundles>
